<compile_context>
chip_gen: v7x
topology: tpu7x:2x2x1
jax: 0.10.2.dev20260603
libtpu: 0.0.44.dev20260713+nightly
codegen_flags: <defaults>
</compile_context>

<pallas_src>
import functools

import jax
import jax.numpy as jnp
from jax import lax
from jax.experimental import pallas as pl
from jax.experimental.pallas import tpu as pltpu
from jax.experimental.pallas import tpu_sc as plsc

_NUM_POS = 10
_GAMMA = 0.9
_EPS = 1e-10
_N_NEG = 1000
_NCOL = _NUM_POS + _N_NEG
_B = 4096
_K = _B * _NUM_POS
_UROWS = 50001
_UCOLS = 1001
_TBL = _UROWS * _UCOLS
_RB = 256
_NBLK = _B // _RB

_NTILES = 32
_KPT = _K // _NTILES
_CH = 128
_NCH = _KPT // _CH
_NV = _KPT // 16


def _tc_body(pred_ref, uid_ref, iid_ref, vpre_ref, numer_ref, fidx_ref,
             c_sc, s_sc, t_sc, pos_sc, mmax_sc):
    i = pl.program_id(0)

    @pl.when(i < _NBLK)
    def _row_stats():
        x = pred_ref[...]
        lane = lax.broadcasted_iota(jnp.int32, x.shape, 1)
        isneg = lane >= _NUM_POS
        c = jnp.max(jnp.where(isneg, x, -jnp.inf), axis=1, keepdims=True)
        e = jnp.where(isneg, jnp.exp(x - c), 0.0)
        s = jnp.sum(e, axis=1, keepdims=True)
        t = jnp.sum(x * e, axis=1, keepdims=True)
        m = jnp.min(jnp.where(isneg, jnp.inf, x), axis=1, keepdims=True)
        r0 = i * _RB
        c_sc[pl.ds(r0, _RB), :] = c
        s_sc[pl.ds(r0, _RB), :] = s
        t_sc[pl.ds(r0, _RB), :] = t
        pos_sc[pl.ds(r0, _RB), :] = x[:, :_NUM_POS]
        bm = jnp.max(c - m)

        @pl.when(i == 0)
        def _():
            mmax_sc[0, 0] = bm

        @pl.when(i > 0)
        def _():
            mmax_sc[0, 0] = jnp.maximum(mmax_sc[0, 0], bm)

    @pl.when(i == _NBLK)
    def _per_slot():
        c = c_sc[...]
        s = s_sc[...]
        t = t_sc[...]
        pos = pos_sc[...]
        big_m = mmax_sc[0, 0]
        e = jnp.exp(c - pos - big_m)
        vpre_ref[...] = (_GAMMA / _N_NEG) * s * e
        numer_ref[...] = e * (t - pos * s)
        fidx_ref[...] = uid_ref[...] * _UCOLS + iid_ref[...]


_tc_call = pl.pallas_call(
    _tc_body,
    grid=(_NBLK + 1,),
    in_specs=[
        pl.BlockSpec((_RB, _NCOL), lambda i: (jnp.minimum(i, _NBLK - 1), 0)),
        pl.BlockSpec((_B, 1), lambda i: (0, 0)),
        pl.BlockSpec((_B, _NUM_POS), lambda i: (0, 0)),
    ],
    out_specs=[
        pl.BlockSpec((_B, _NUM_POS), lambda i: (0, 0)),
        pl.BlockSpec((_B, _NUM_POS), lambda i: (0, 0)),
        pl.BlockSpec((_B, _NUM_POS), lambda i: (0, 0)),
    ],
    out_shape=[
        jax.ShapeDtypeStruct((_B, _NUM_POS), jnp.float32),
        jax.ShapeDtypeStruct((_B, _NUM_POS), jnp.float32),
        jax.ShapeDtypeStruct((_B, _NUM_POS), jnp.int32),
    ],
    scratch_shapes=[
        pltpu.VMEM((_B, 1), jnp.float32),
        pltpu.VMEM((_B, 1), jnp.float32),
        pltpu.VMEM((_B, 1), jnp.float32),
        pltpu.VMEM((_B, _NUM_POS), jnp.float32),
        pltpu.SMEM((1, 1), jnp.float32),
    ],
)


def _sc_scatter_body(fidx_hbm, vpre_hbm, u_hbm, tbl_hbm,
                     idxv, valv, uoldv, sem):
    wid = lax.axis_index("s") * 2 + lax.axis_index("c")
    k0 = wid * _KPT
    cps = [pltpu.async_copy(fidx_hbm.at[pl.ds(k0 + j * _CH, _CH)],
                            idxv.at[j], sem)
           for j in range(_NCH)]
    cps.append(pltpu.async_copy(vpre_hbm.at[pl.ds(k0, _KPT)], valv, sem))
    for cp in cps:
        cp.wait()
    cps = [pltpu.async_copy(u_hbm.at[idxv.at[j]],
                            uoldv.at[pl.ds(j * _CH, _CH)], sem)
           for j in range(_NCH)]
    for cp in cps:
        cp.wait()
    for v in range(_NV):
        sl = pl.ds(v * 16, 16)
        valv[sl] = valv[sl] + (1.0 - _GAMMA) * uoldv[sl]
    cps = [pltpu.async_copy(valv.at[pl.ds(j * _CH, _CH)],
                            tbl_hbm.at[idxv.at[j]], sem)
           for j in range(_NCH)]
    for cp in cps:
        cp.wait()


_sc_scatter = functools.partial(
    pl.kernel,
    mesh=plsc.VectorSubcoreMesh(core_axis_name="c", subcore_axis_name="s"),
    out_type=jax.ShapeDtypeStruct((_TBL,), jnp.float32),
    scratch_types=[
        pltpu.VMEM((_NCH, _CH), jnp.int32),
        pltpu.VMEM((_KPT,), jnp.float32),
        pltpu.VMEM((_KPT,), jnp.float32),
        pltpu.SemaphoreType.DMA,
    ],
)(_sc_scatter_body)


def _sc_reduce_body(fidx_hbm, numer_hbm, tbl_hbm, part_hbm,
                    idxv, numv, denv, accv, sem):
    wid = lax.axis_index("s") * 2 + lax.axis_index("c")
    k0 = wid * _KPT
    cps = [pltpu.async_copy(fidx_hbm.at[pl.ds(k0 + j * _CH, _CH)],
                            idxv.at[j], sem)
           for j in range(_NCH)]
    cps.append(pltpu.async_copy(numer_hbm.at[pl.ds(k0, _KPT)], numv, sem))
    for cp in cps:
        cp.wait()
    cps = [pltpu.async_copy(tbl_hbm.at[idxv.at[j]],
                            denv.at[pl.ds(j * _CH, _CH)], sem)
           for j in range(_NCH)]
    for cp in cps:
        cp.wait()
    acc = jnp.zeros((16,), jnp.float32)
    for v in range(_NV):
        sl = pl.ds(v * 16, 16)
        acc = acc + numv[sl] / (denv[sl] + _EPS)
    accv[...] = acc
    pltpu.sync_copy(accv, part_hbm.at[wid])


_sc_reduce = functools.partial(
    pl.kernel,
    mesh=plsc.VectorSubcoreMesh(core_axis_name="c", subcore_axis_name="s"),
    out_type=jax.ShapeDtypeStruct((_NTILES, 16), jnp.float32),
    scratch_types=[
        pltpu.VMEM((_NCH, _CH), jnp.int32),
        pltpu.VMEM((_KPT,), jnp.float32),
        pltpu.VMEM((_KPT,), jnp.float32),
        pltpu.VMEM((16,), jnp.float32),
        pltpu.SemaphoreType.DMA,
    ],
)(_sc_reduce_body)


def kernel(predictions, user_id, item_id, u):
    vpre, numer, fidx = _tc_call(
        predictions, user_id.reshape(_B, 1), item_id)
    fidx = fidx.reshape(_K)
    tbl = _sc_scatter(fidx, vpre.reshape(_K), u.reshape(_TBL))
    parts = _sc_reduce(fidx, numer.reshape(_K), tbl)
    return jnp.sum(parts) / _B

# --- scband reference (transcript-rebuilt; emitter-appended) ---
"""Pipeline reference for scband-listwise-ce-loss-25357486915679 (READ-ONLY COPY).

The authoritative reference and input builder live on the scoring server;
editing this copy changes nothing except your own understanding.
"""

import jax, jax.numpy as jnp
import numpy as np

NUM_POS = 10
GAMMA0 = 0.9
EPS = 1e-10
USER_NUM = 50000
ITEM_NUM = 1000
BATCH = 4096
N_NEG = 1000


def setup_inputs(seed: int = 0) -> dict:
    key = jax.random.key(seed)
    k1, k2, k3 = jax.random.split(key, 3)
    predictions = jax.random.normal(k1, (BATCH, NUM_POS + N_NEG), dtype=jnp.float32)
    user_id = jax.random.randint(k2, (BATCH,), 0, USER_NUM + 1, dtype=jnp.int32)
    item_id = jax.random.randint(k3, (BATCH, NUM_POS), 0, ITEM_NUM + 1, dtype=jnp.int32)
    # moving-average memory buffer (registered as a plain tensor in __init__)
    u = jnp.zeros((USER_NUM + 1, ITEM_NUM + 1), dtype=jnp.float32)
    return {"predictions": predictions, "user_id": user_id, "item_id": item_id, "u": u}


def reference(predictions, user_id, item_id, u):
    batch_size = predictions.shape[0]
    # einops.rearrange(predictions[:, :num_pos], 'b n -> (b n) 1')
    pos_pred = predictions[:, :NUM_POS].reshape(batch_size * NUM_POS, 1)
    # einops.repeat(predictions[:, num_pos:], 'b n -> (b copy) n', copy=num_pos)
    neg_pred = jnp.repeat(predictions[:, NUM_POS:], NUM_POS, axis=0)
    margin = neg_pred - pos_pred  # [B*num_pos, n_neg]
    # detach_() in torch -> stop_gradient
    exp_margin = jax.lax.stop_gradient(jnp.exp(margin - jnp.max(margin)))
    # einops.repeat(batch['user_id'], 'b -> (b copy)', copy=num_pos)
    user_ids = jnp.repeat(user_id, NUM_POS)
    # einops.rearrange(batch['item_id'][:, :num_pos], 'b n -> (b n)')
    pos_item_ids = item_id[:, :NUM_POS].reshape(-1)
    # moving-average update: u[uids, iids] = (1-g)*u[uids, iids] + g*mean(exp_margin, dim=1)
    u_old = u[user_ids, pos_item_ids]
    u_new_vals = (1.0 - GAMMA0) * u_old + GAMMA0 * jnp.mean(exp_margin, axis=1)
    u_updated = u.at[user_ids, pos_item_ids].set(u_new_vals)
    denom = u_updated[user_ids, pos_item_ids][:, None] + EPS
    exp_margin_softmax = exp_margin / denom
    loss = jnp.sum(margin * exp_margin_softmax) / batch_size
    return loss

if __name__ == "__main__":
    import jax
    _d = setup_inputs()
    print(jax.jit(kernel)(*tuple(_d.values())))

</pallas_src>

<mosaic_0001>
#map = affine_map<(d0, d1) -> (0)>
#map1 = affine_map<(d0, d1) -> (0, 0)>
module attributes {stable_mosaic.version = 14 : i64} {
  func.func @_sc_reduce_body(%arg0: i32, %arg1: i32, %arg2: memref<40960xi32, #tpu.memory_space<hbm>>, %arg3: memref<40960xf32, #tpu.memory_space<hbm>>, %arg4: memref<50051001xf32, #tpu.memory_space<hbm>>, %arg5: memref<32x16xf32, #tpu.memory_space<hbm>>, %arg6: memref<10x128xi32, #tpu.memory_space<vmem>>, %arg7: memref<1280xf32, #tpu.memory_space<vmem>>, %arg8: memref<1280xf32, #tpu.memory_space<vmem>>, %arg9: memref<16xf32, #tpu.memory_space<vmem>>, %arg10: memref<!tpu.dma_semaphore, #tpu.memory_space<semaphore_mem>>) attributes {dimension_semantics = [#tpu.dimension_semantics<core_parallel>, #tpu.dimension_semantics<subcore_parallel>], iteration_bounds = array<i64: 2, 16>, scalar_prefetch = 0 : i64, scratch_operands = 5 : i64, tpu.core_type = #tpu.core_type<sc_vector_subcore>, window_params = [{transform_indices = #map}, {transform_indices = #map}, {transform_indices = #map}, {transform_indices = #map1}]} {
    %mul3A = arith.constant 2 : i32
    %mul3A_0 = arith.muli %arg1, %mul3A : i32
    %add3A = arith.addi %mul3A_0, %arg0 : i32
    %mul3A_1 = arith.constant 1280 : i32
    %mul3A_2 = arith.muli %add3A, %mul3A_1 : i32
    %add3A_3 = arith.constant 0 : i32
    %add3A_4 = arith.addi %mul3A_2, %add3A_3 : i32
    %dma_start3A = arith.constant 0 : i32
    %dma_start3A_5 = arith.constant 0 : i32
    %dma_start3A_6 = tpu.memref_slice %arg6[%dma_start3A, %dma_start3A_5] : memref<10x128xi32, #tpu.memory_space<vmem>> -> memref<1x128xi32, #tpu.memory_space<vmem>>
    %dma_start3A_7 = tpu.memref_squeeze %dma_start3A_6 : memref<1x128xi32, #tpu.memory_space<vmem>> -> memref<128xi32, #tpu.memory_space<vmem>>
    %dma_start3A_8 = tpu.memref_slice %arg2[%add3A_4] : memref<40960xi32, #tpu.memory_space<hbm>> -> memref<128xi32, #tpu.memory_space<hbm>>
    %dma_start3A_9 = arith.constant 0 : i32
    %dma_start3A_10 = tpu.memref_slice %arg6[%dma_start3A, %dma_start3A_9] : memref<10x128xi32, #tpu.memory_space<vmem>> -> memref<1x128xi32, #tpu.memory_space<vmem>>
    %dma_start3A_11 = tpu.memref_squeeze %dma_start3A_10 : memref<1x128xi32, #tpu.memory_space<vmem>> -> memref<128xi32, #tpu.memory_space<vmem>>
    %dma_start3A_12 = tpu.memref_slice %arg2[%add3A_4] : memref<40960xi32, #tpu.memory_space<hbm>> -> memref<128xi32, #tpu.memory_space<hbm>>
    tpu.enqueue_dma source(%dma_start3A_12 : memref<128xi32, #tpu.memory_space<hbm>>) target(%dma_start3A_11 : memref<128xi32, #tpu.memory_space<vmem>>) target_semaphore(%arg10 : memref<!tpu.dma_semaphore, #tpu.memory_space<semaphore_mem>>)
    %add3A_13 = arith.constant 128 : i32
    %add3A_14 = arith.addi %mul3A_2, %add3A_13 : i32
    %dma_start3A_15 = arith.constant 1 : i32
    %dma_start3A_16 = arith.constant 0 : i32
    %dma_start3A_17 = tpu.memref_slice %arg6[%dma_start3A_15, %dma_start3A_16] : memref<10x128xi32, #tpu.memory_space<vmem>> -> memref<1x128xi32, #tpu.memory_space<vmem>>
    %dma_start3A_18 = tpu.memref_squeeze %dma_start3A_17 : memref<1x128xi32, #tpu.memory_space<vmem>> -> memref<128xi32, #tpu.memory_space<vmem>>
    %dma_start3A_19 = tpu.memref_slice %arg2[%add3A_14] : memref<40960xi32, #tpu.memory_space<hbm>> -> memref<128xi32, #tpu.memory_space<hbm>>
    %dma_start3A_20 = arith.constant 0 : i32
    %dma_start3A_21 = tpu.memref_slice %arg6[%dma_start3A_15, %dma_start3A_20] : memref<10x128xi32, #tpu.memory_space<vmem>> -> memref<1x128xi32, #tpu.memory_space<vmem>>
    %dma_start3A_22 = tpu.memref_squeeze %dma_start3A_21 : memref<1x128xi32, #tpu.memory_space<vmem>> -> memref<128xi32, #tpu.memory_space<vmem>>
    %dma_start3A_23 = tpu.memref_slice %arg2[%add3A_14] : memref<40960xi32, #tpu.memory_space<hbm>> -> memref<128xi32, #tpu.memory_space<hbm>>
    tpu.enqueue_dma source(%dma_start3A_23 : memref<128xi32, #tpu.memory_space<hbm>>) target(%dma_start3A_22 : memref<128xi32, #tpu.memory_space<vmem>>) target_semaphore(%arg10 : memref<!tpu.dma_semaphore, #tpu.memory_space<semaphore_mem>>)
    %add3A_24 = arith.constant 256 : i32
    %add3A_25 = arith.addi %mul3A_2, %add3A_24 : i32
    %dma_start3A_26 = arith.constant 2 : i32
    %dma_start3A_27 = arith.constant 0 : i32
    %dma_start3A_28 = tpu.memref_slice %arg6[%dma_start3A_26, %dma_start3A_27] : memref<10x128xi32, #tpu.memory_space<vmem>> -> memref<1x128xi32, #tpu.memory_space<vmem>>
    %dma_start3A_29 = tpu.memref_squeeze %dma_start3A_28 : memref<1x128xi32, #tpu.memory_space<vmem>> -> memref<128xi32, #tpu.memory_space<vmem>>
    %dma_start3A_30 = tpu.memref_slice %arg2[%add3A_25] : memref<40960xi32, #tpu.memory_space<hbm>> -> memref<128xi32, #tpu.memory_space<hbm>>
    %dma_start3A_31 = arith.constant 0 : i32
    %dma_start3A_32 = tpu.memref_slice %arg6[%dma_start3A_26, %dma_start3A_31] : memref<10x128xi32, #tpu.memory_space<vmem>> -> memref<1x128xi32, #tpu.memory_space<vmem>>
    %dma_start3A_33 = tpu.memref_squeeze %dma_start3A_32 : memref<1x128xi32, #tpu.memory_space<vmem>> -> memref<128xi32, #tpu.memory_space<vmem>>
    %dma_start3A_34 = tpu.memref_slice %arg2[%add3A_25] : memref<40960xi32, #tpu.memory_space<hbm>> -> memref<128xi32, #tpu.memory_space<hbm>>
    tpu.enqueue_dma source(%dma_start3A_34 : memref<128xi32, #tpu.memory_space<hbm>>) target(%dma_start3A_33 : memref<128xi32, #tpu.memory_space<vmem>>) target_semaphore(%arg10 : memref<!tpu.dma_semaphore, #tpu.memory_space<semaphore_mem>>)
    %add3A_35 = arith.constant 384 : i32
    %add3A_36 = arith.addi %mul3A_2, %add3A_35 : i32
    %dma_start3A_37 = arith.constant 3 : i32
    %dma_start3A_38 = arith.constant 0 : i32
    %dma_start3A_39 = tpu.memref_slice %arg6[%dma_start3A_37, %dma_start3A_38] : memref<10x128xi32, #tpu.memory_space<vmem>> -> memref<1x128xi32, #tpu.memory_space<vmem>>
    %dma_start3A_40 = tpu.memref_squeeze %dma_start3A_39 : memref<1x128xi32, #tpu.memory_space<vmem>> -> memref<128xi32, #tpu.memory_space<vmem>>
    %dma_start3A_41 = tpu.memref_slice %arg2[%add3A_36] : memref<40960xi32, #tpu.memory_space<hbm>> -> memref<128xi32, #tpu.memory_space<hbm>>
    %dma_start3A_42 = arith.constant 0 : i32
    %dma_start3A_43 = tpu.memref_slice %arg6[%dma_start3A_37, %dma_start3A_42] : memref<10x128xi32, #tpu.memory_space<vmem>> -> memref<1x128xi32, #tpu.memory_space<vmem>>
    %dma_start3A_44 = tpu.memref_squeeze %dma_start3A_43 : memref<1x128xi32, #tpu.memory_space<vmem>> -> memref<128xi32, #tpu.memory_space<vmem>>
    %dma_start3A_45 = tpu.memref_slice %arg2[%add3A_36] : memref<40960xi32, #tpu.memory_space<hbm>> -> memref<128xi32, #tpu.memory_space<hbm>>
    tpu.enqueue_dma source(%dma_start3A_45 : memref<128xi32, #tpu.memory_space<hbm>>) target(%dma_start3A_44 : memref<128xi32, #tpu.memory_space<vmem>>) target_semaphore(%arg10 : memref<!tpu.dma_semaphore, #tpu.memory_space<semaphore_mem>>)
    %add3A_46 = arith.constant 512 : i32
    %add3A_47 = arith.addi %mul3A_2, %add3A_46 : i32
    %dma_start3A_48 = arith.constant 4 : i32
    %dma_start3A_49 = arith.constant 0 : i32
    %dma_start3A_50 = tpu.memref_slice %arg6[%dma_start3A_48, %dma_start3A_49] : memref<10x128xi32, #tpu.memory_space<vmem>> -> memref<1x128xi32, #tpu.memory_space<vmem>>
    %dma_start3A_51 = tpu.memref_squeeze %dma_start3A_50 : memref<1x128xi32, #tpu.memory_space<vmem>> -> memref<128xi32, #tpu.memory_space<vmem>>
    %dma_start3A_52 = tpu.memref_slice %arg2[%add3A_47] : memref<40960xi32, #tpu.memory_space<hbm>> -> memref<128xi32, #tpu.memory_space<hbm>>
    %dma_start3A_53 = arith.constant 0 : i32
    %dma_start3A_54 = tpu.memref_slice %arg6[%dma_start3A_48, %dma_start3A_53] : memref<10x128xi32, #tpu.memory_space<vmem>> -> memref<1x128xi32, #tpu.memory_space<vmem>>
    %dma_start3A_55 = tpu.memref_squeeze %dma_start3A_54 : memref<1x128xi32, #tpu.memory_space<vmem>> -> memref<128xi32, #tpu.memory_space<vmem>>
    %dma_start3A_56 = tpu.memref_slice %arg2[%add3A_47] : memref<40960xi32, #tpu.memory_space<hbm>> -> memref<128xi32, #tpu.memory_space<hbm>>
    tpu.enqueue_dma source(%dma_start3A_56 : memref<128xi32, #tpu.memory_space<hbm>>) target(%dma_start3A_55 : memref<128xi32, #tpu.memory_space<vmem>>) target_semaphore(%arg10 : memref<!tpu.dma_semaphore, #tpu.memory_space<semaphore_mem>>)
    %add3A_57 = arith.constant 640 : i32
    %add3A_58 = arith.addi %mul3A_2, %add3A_57 : i32
    %dma_start3A_59 = arith.constant 5 : i32
    %dma_start3A_60 = arith.constant 0 : i32
    %dma_start3A_61 = tpu.memref_slice %arg6[%dma_start3A_59, %dma_start3A_60] : memref<10x128xi32, #tpu.memory_space<vmem>> -> memref<1x128xi32, #tpu.memory_space<vmem>>
    %dma_start3A_62 = tpu.memref_squeeze %dma_start3A_61 : memref<1x128xi32, #tpu.memory_space<vmem>> -> memref<128xi32, #tpu.memory_space<vmem>>
    %dma_start3A_63 = tpu.memref_slice %arg2[%add3A_58] : memref<40960xi32, #tpu.memory_space<hbm>> -> memref<128xi32, #tpu.memory_space<hbm>>
    %dma_start3A_64 = arith.constant 0 : i32
    %dma_start3A_65 = tpu.memref_slice %arg6[%dma_start3A_59, %dma_start3A_64] : memref<10x128xi32, #tpu.memory_space<vmem>> -> memref<1x128xi32, #tpu.memory_space<vmem>>
    %dma_start3A_66 = tpu.memref_squeeze %dma_start3A_65 : memref<1x128xi32, #tpu.memory_space<vmem>> -> memref<128xi32, #tpu.memory_space<vmem>>
    %dma_start3A_67 = tpu.memref_slice %arg2[%add3A_58] : memref<40960xi32, #tpu.memory_space<hbm>> -> memref<128xi32, #tpu.memory_space<hbm>>
    tpu.enqueue_dma source(%dma_start3A_67 : memref<128xi32, #tpu.memory_space<hbm>>) target(%dma_start3A_66 : memref<128xi32, #tpu.memory_space<vmem>>) target_semaphore(%arg10 : memref<!tpu.dma_semaphore, #tpu.memory_space<semaphore_mem>>)
    %add3A_68 = arith.constant 768 : i32
    %add3A_69 = arith.addi %mul3A_2, %add3A_68 : i32
    %dma_start3A_70 = arith.constant 6 : i32
    %dma_start3A_71 = arith.constant 0 : i32
    %dma_start3A_72 = tpu.memref_slice %arg6[%dma_start3A_70, %dma_start3A_71] : memref<10x128xi32, #tpu.memory_space<vmem>> -> memref<1x128xi32, #tpu.memory_space<vmem>>
    %dma_start3A_73 = tpu.memref_squeeze %dma_start3A_72 : memref<1x128xi32, #tpu.memory_space<vmem>> -> memref<128xi32, #tpu.memory_space<vmem>>
    %dma_start3A_74 = tpu.memref_slice %arg2[%add3A_69] : memref<40960xi32, #tpu.memory_space<hbm>> -> memref<128xi32, #tpu.memory_space<hbm>>
    %dma_start3A_75 = arith.constant 0 : i32
    %dma_start3A_76 = tpu.memref_slice %arg6[%dma_start3A_70, %dma_start3A_75] : memref<10x128xi32, #tpu.memory_space<vmem>> -> memref<1x128xi32, #tpu.memory_space<vmem>>
    %dma_start3A_77 = tpu.memref_squeeze %dma_start3A_76 : memref<1x128xi32, #tpu.memory_space<vmem>> -> memref<128xi32, #tpu.memory_space<vmem>>
    %dma_start3A_78 = tpu.memref_slice %arg2[%add3A_69] : memref<40960xi32, #tpu.memory_space<hbm>> -> memref<128xi32, #tpu.memory_space<hbm>>
    tpu.enqueue_dma source(%dma_start3A_78 : memref<128xi32, #tpu.memory_space<hbm>>) target(%dma_start3A_77 : memref<128xi32, #tpu.memory_space<vmem>>) target_semaphore(%arg10 : memref<!tpu.dma_semaphore, #tpu.memory_space<semaphore_mem>>)
    %add3A_79 = arith.constant 896 : i32
    %add3A_80 = arith.addi %mul3A_2, %add3A_79 : i32
    %dma_start3A_81 = arith.constant 7 : i32
    %dma_start3A_82 = arith.constant 0 : i32
    %dma_start3A_83 = tpu.memref_slice %arg6[%dma_start3A_81, %dma_start3A_82] : memref<10x128xi32, #tpu.memory_space<vmem>> -> memref<1x128xi32, #tpu.memory_space<vmem>>
    %dma_start3A_84 = tpu.memref_squeeze %dma_start3A_83 : memref<1x128xi32, #tpu.memory_space<vmem>> -> memref<128xi32, #tpu.memory_space<vmem>>
    %dma_start3A_85 = tpu.memref_slice %arg2[%add3A_80] : memref<40960xi32, #tpu.memory_space<hbm>> -> memref<128xi32, #tpu.memory_space<hbm>>
    %dma_start3A_86 = arith.constant 0 : i32
    %dma_start3A_87 = tpu.memref_slice %arg6[%dma_start3A_81, %dma_start3A_86] : memref<10x128xi32, #tpu.memory_space<vmem>> -> memref<1x128xi32, #tpu.memory_space<vmem>>
    %dma_start3A_88 = tpu.memref_squeeze %dma_start3A_87 : memref<1x128xi32, #tpu.memory_space<vmem>> -> memref<128xi32, #tpu.memory_space<vmem>>
    %dma_start3A_89 = tpu.memref_slice %arg2[%add3A_80] : memref<40960xi32, #tpu.memory_space<hbm>> -> memref<128xi32, #tpu.memory_space<hbm>>
    tpu.enqueue_dma source(%dma_start3A_89 : memref<128xi32, #tpu.memory_space<hbm>>) target(%dma_start3A_88 : memref<128xi32, #tpu.memory_space<vmem>>) target_semaphore(%arg10 : memref<!tpu.dma_semaphore, #tpu.memory_space<semaphore_mem>>)
    %add3A_90 = arith.constant 1024 : i32
    %add3A_91 = arith.addi %mul3A_2, %add3A_90 : i32
    %dma_start3A_92 = arith.constant 8 : i32
    %dma_start3A_93 = arith.constant 0 : i32
    %dma_start3A_94 = tpu.memref_slice %arg6[%dma_start3A_92, %dma_start3A_93] : memref<10x128xi32, #tpu.memory_space<vmem>> -> memref<1x128xi32, #tpu.memory_space<vmem>>
    %dma_start3A_95 = tpu.memref_squeeze %dma_start3A_94 : memref<1x128xi32, #tpu.memory_space<vmem>> -> memref<128xi32, #tpu.memory_space<vmem>>
    %dma_start3A_96 = tpu.memref_slice %arg2[%add3A_91] : memref<40960xi32, #tpu.memory_space<hbm>> -> memref<128xi32, #tpu.memory_space<hbm>>
    %dma_start3A_97 = arith.constant 0 : i32
    %dma_start3A_98 = tpu.memref_slice %arg6[%dma_start3A_92, %dma_start3A_97] : memref<10x128xi32, #tpu.memory_space<vmem>> -> memref<1x128xi32, #tpu.memory_space<vmem>>
    %dma_start3A_99 = tpu.memref_squeeze %dma_start3A_98 : memref<1x128xi32, #tpu.memory_space<vmem>> -> memref<128xi32, #tpu.memory_space<vmem>>
    %dma_start3A_100 = tpu.memref_slice %arg2[%add3A_91] : memref<40960xi32, #tpu.memory_space<hbm>> -> memref<128xi32, #tpu.memory_space<hbm>>
    tpu.enqueue_dma source(%dma_start3A_100 : memref<128xi32, #tpu.memory_space<hbm>>) target(%dma_start3A_99 : memref<128xi32, #tpu.memory_space<vmem>>) target_semaphore(%arg10 : memref<!tpu.dma_semaphore, #tpu.memory_space<semaphore_mem>>)
    %add3A_101 = arith.constant 1152 : i32
    %add3A_102 = arith.addi %mul3A_2, %add3A_101 : i32
    %dma_start3A_103 = arith.constant 9 : i32
    %dma_start3A_104 = arith.constant 0 : i32
    %dma_start3A_105 = tpu.memref_slice %arg6[%dma_start3A_103, %dma_start3A_104] : memref<10x128xi32, #tpu.memory_space<vmem>> -> memref<1x128xi32, #tpu.memory_space<vmem>>
    %dma_start3A_106 = tpu.memref_squeeze %dma_start3A_105 : memref<1x128xi32, #tpu.memory_space<vmem>> -> memref<128xi32, #tpu.memory_space<vmem>>
    %dma_start3A_107 = tpu.memref_slice %arg2[%add3A_102] : memref<40960xi32, #tpu.memory_space<hbm>> -> memref<128xi32, #tpu.memory_space<hbm>>
    %dma_start3A_108 = arith.constant 0 : i32
    %dma_start3A_109 = tpu.memref_slice %arg6[%dma_start3A_103, %dma_start3A_108] : memref<10x128xi32, #tpu.memory_space<vmem>> -> memref<1x128xi32, #tpu.memory_space<vmem>>
    %dma_start3A_110 = tpu.memref_squeeze %dma_start3A_109 : memref<1x128xi32, #tpu.memory_space<vmem>> -> memref<128xi32, #tpu.memory_space<vmem>>
    %dma_start3A_111 = tpu.memref_slice %arg2[%add3A_102] : memref<40960xi32, #tpu.memory_space<hbm>> -> memref<128xi32, #tpu.memory_space<hbm>>
    tpu.enqueue_dma source(%dma_start3A_111 : memref<128xi32, #tpu.memory_space<hbm>>) target(%dma_start3A_110 : memref<128xi32, #tpu.memory_space<vmem>>) target_semaphore(%arg10 : memref<!tpu.dma_semaphore, #tpu.memory_space<semaphore_mem>>)
    %dma_start3A_112 = tpu.memref_slice %arg3[%mul3A_2] : memref<40960xf32, #tpu.memory_space<hbm>> -> memref<1280xf32, #tpu.memory_space<hbm>>
    %dma_start3A_113 = tpu.memref_slice %arg3[%mul3A_2] : memref<40960xf32, #tpu.memory_space<hbm>> -> memref<1280xf32, #tpu.memory_space<hbm>>
    tpu.enqueue_dma source(%dma_start3A_113 : memref<1280xf32, #tpu.memory_space<hbm>>) target(%arg7 : memref<1280xf32, #tpu.memory_space<vmem>>) target_semaphore(%arg10 : memref<!tpu.dma_semaphore, #tpu.memory_space<semaphore_mem>>)
    %dma_wait3A = arith.constant 0 : i32
    %dma_wait3A_114 = arith.constant 0 : i32
    %dma_wait3A_115 = tpu.memref_slice %arg6[%dma_wait3A, %dma_wait3A_114] : memref<10x128xi32, #tpu.memory_space<vmem>> -> memref<1x128xi32, #tpu.memory_space<vmem>>
    %dma_wait3A_116 = tpu.memref_squeeze %dma_wait3A_115 : memref<1x128xi32, #tpu.memory_space<vmem>> -> memref<128xi32, #tpu.memory_space<vmem>>
    %dma_wait3A_117 = tpu.memref_slice %arg2[%add3A_4] : memref<40960xi32, #tpu.memory_space<hbm>> -> memref<128xi32, #tpu.memory_space<hbm>>
    %dma_wait3A_118 = arith.constant 0 : i32
    %dma_wait3A_119 = tpu.memref_slice %arg6[%dma_wait3A, %dma_wait3A_118] : memref<10x128xi32, #tpu.memory_space<vmem>> -> memref<1x128xi32, #tpu.memory_space<vmem>>
    %dma_wait3A_120 = tpu.memref_squeeze %dma_wait3A_119 : memref<1x128xi32, #tpu.memory_space<vmem>> -> memref<128xi32, #tpu.memory_space<vmem>>
    %dma_wait3A_121 = tpu.memref_slice %arg2[%add3A_4] : memref<40960xi32, #tpu.memory_space<hbm>> -> memref<128xi32, #tpu.memory_space<hbm>>
    tpu.wait_dma2 semaphore(%arg10 : memref<!tpu.dma_semaphore, #tpu.memory_space<semaphore_mem>>) src(%dma_wait3A_121 : memref<128xi32, #tpu.memory_space<hbm>>) dst(%dma_wait3A_120 : memref<128xi32, #tpu.memory_space<vmem>>)
    %dma_wait3A_122 = arith.constant 1 : i32
    %dma_wait3A_123 = arith.constant 0 : i32
    %dma_wait3A_124 = tpu.memref_slice %arg6[%dma_wait3A_122, %dma_wait3A_123] : memref<10x128xi32, #tpu.memory_space<vmem>> -> memref<1x128xi32, #tpu.memory_space<vmem>>
    %dma_wait3A_125 = tpu.memref_squeeze %dma_wait3A_124 : memref<1x128xi32, #tpu.memory_space<vmem>> -> memref<128xi32, #tpu.memory_space<vmem>>
    %dma_wait3A_126 = tpu.memref_slice %arg2[%add3A_14] : memref<40960xi32, #tpu.memory_space<hbm>> -> memref<128xi32, #tpu.memory_space<hbm>>
    %dma_wait3A_127 = arith.constant 0 : i32
    %dma_wait3A_128 = tpu.memref_slice %arg6[%dma_wait3A_122, %dma_wait3A_127] : memref<10x128xi32, #tpu.memory_space<vmem>> -> memref<1x128xi32, #tpu.memory_space<vmem>>
    %dma_wait3A_129 = tpu.memref_squeeze %dma_wait3A_128 : memref<1x128xi32, #tpu.memory_space<vmem>> -> memref<128xi32, #tpu.memory_space<vmem>>
    %dma_wait3A_130 = tpu.memref_slice %arg2[%add3A_14] : memref<40960xi32, #tpu.memory_space<hbm>> -> memref<128xi32, #tpu.memory_space<hbm>>
    tpu.wait_dma2 semaphore(%arg10 : memref<!tpu.dma_semaphore, #tpu.memory_space<semaphore_mem>>) src(%dma_wait3A_130 : memref<128xi32, #tpu.memory_space<hbm>>) dst(%dma_wait3A_129 : memref<128xi32, #tpu.memory_space<vmem>>)
    %dma_wait3A_131 = arith.constant 2 : i32
    %dma_wait3A_132 = arith.constant 0 : i32
    %dma_wait3A_133 = tpu.memref_slice %arg6[%dma_wait3A_131, %dma_wait3A_132] : memref<10x128xi32, #tpu.memory_space<vmem>> -> memref<1x128xi32, #tpu.memory_space<vmem>>
    %dma_wait3A_134 = tpu.memref_squeeze %dma_wait3A_133 : memref<1x128xi32, #tpu.memory_space<vmem>> -> memref<128xi32, #tpu.memory_space<vmem>>
    %dma_wait3A_135 = tpu.memref_slice %arg2[%add3A_25] : memref<40960xi32, #tpu.memory_space<hbm>> -> memref<128xi32, #tpu.memory_space<hbm>>
    %dma_wait3A_136 = arith.constant 0 : i32
    %dma_wait3A_137 = tpu.memref_slice %arg6[%dma_wait3A_131, %dma_wait3A_136] : memref<10x128xi32, #tpu.memory_space<vmem>> -> memref<1x128xi32, #tpu.memory_space<vmem>>
    %dma_wait3A_138 = tpu.memref_squeeze %dma_wait3A_137 : memref<1x128xi32, #tpu.memory_space<vmem>> -> memref<128xi32, #tpu.memory_space<vmem>>
    %dma_wait3A_139 = tpu.memref_slice %arg2[%add3A_25] : memref<40960xi32, #tpu.memory_space<hbm>> -> memref<128xi32, #tpu.memory_space<hbm>>
    tpu.wait_dma2 semaphore(%arg10 : memref<!tpu.dma_semaphore, #tpu.memory_space<semaphore_mem>>) src(%dma_wait3A_139 : memref<128xi32, #tpu.memory_space<hbm>>) dst(%dma_wait3A_138 : memref<128xi32, #tpu.memory_space<vmem>>)
    %dma_wait3A_140 = arith.constant 3 : i32
    %dma_wait3A_141 = arith.constant 0 : i32
    %dma_wait3A_142 = tpu.memref_slice %arg6[%dma_wait3A_140, %dma_wait3A_141] : memref<10x128xi32, #tpu.memory_space<vmem>> -> memref<1x128xi32, #tpu.memory_space<vmem>>
    %dma_wait3A_143 = tpu.memref_squeeze %dma_wait3A_142 : memref<1x128xi32, #tpu.memory_space<vmem>> -> memref<128xi32, #tpu.memory_space<vmem>>
    %dma_wait3A_144 = tpu.memref_slice %arg2[%add3A_36] : memref<40960xi32, #tpu.memory_space<hbm>> -> memref<128xi32, #tpu.memory_space<hbm>>
    %dma_wait3A_145 = arith.constant 0 : i32
    %dma_wait3A_146 = tpu.memref_slice %arg6[%dma_wait3A_140, %dma_wait3A_145] : memref<10x128xi32, #tpu.memory_space<vmem>> -> memref<1x128xi32, #tpu.memory_space<vmem>>
    %dma_wait3A_147 = tpu.memref_squeeze %dma_wait3A_146 : memref<1x128xi32, #tpu.memory_space<vmem>> -> memref<128xi32, #tpu.memory_space<vmem>>
    %dma_wait3A_148 = tpu.memref_slice %arg2[%add3A_36] : memref<40960xi32, #tpu.memory_space<hbm>> -> memref<128xi32, #tpu.memory_space<hbm>>
    tpu.wait_dma2 semaphore(%arg10 : memref<!tpu.dma_semaphore, #tpu.memory_space<semaphore_mem>>) src(%dma_wait3A_148 : memref<128xi32, #tpu.memory_space<hbm>>) dst(%dma_wait3A_147 : memref<128xi32, #tpu.memory_space<vmem>>)
    %dma_wait3A_149 = arith.constant 4 : i32
    %dma_wait3A_150 = arith.constant 0 : i32
    %dma_wait3A_151 = tpu.memref_slice %arg6[%dma_wait3A_149, %dma_wait3A_150] : memref<10x128xi32, #tpu.memory_space<vmem>> -> memref<1x128xi32, #tpu.memory_space<vmem>>
    %dma_wait3A_152 = tpu.memref_squeeze %dma_wait3A_151 : memref<1x128xi32, #tpu.memory_space<vmem>> -> memref<128xi32, #tpu.memory_space<vmem>>
    %dma_wait3A_153 = tpu.memref_slice %arg2[%add3A_47] : memref<40960xi32, #tpu.memory_space<hbm>> -> memref<128xi32, #tpu.memory_space<hbm>>
    %dma_wait3A_154 = arith.constant 0 : i32
    %dma_wait3A_155 = tpu.memref_slice %arg6[%dma_wait3A_149, %dma_wait3A_154] : memref<10x128xi32, #tpu.memory_space<vmem>> -> memref<1x128xi32, #tpu.memory_space<vmem>>
    %dma_wait3A_156 = tpu.memref_squeeze %dma_wait3A_155 : memref<1x128xi32, #tpu.memory_space<vmem>> -> memref<128xi32, #tpu.memory_space<vmem>>
    %dma_wait3A_157 = tpu.memref_slice %arg2[%add3A_47] : memref<40960xi32, #tpu.memory_space<hbm>> -> memref<128xi32, #tpu.memory_space<hbm>>
    tpu.wait_dma2 semaphore(%arg10 : memref<!tpu.dma_semaphore, #tpu.memory_space<semaphore_mem>>) src(%dma_wait3A_157 : memref<128xi32, #tpu.memory_space<hbm>>) dst(%dma_wait3A_156 : memref<128xi32, #tpu.memory_space<vmem>>)
    %dma_wait3A_158 = arith.constant 5 : i32
    %dma_wait3A_159 = arith.constant 0 : i32
    %dma_wait3A_160 = tpu.memref_slice %arg6[%dma_wait3A_158, %dma_wait3A_159] : memref<10x128xi32, #tpu.memory_space<vmem>> -> memref<1x128xi32, #tpu.memory_space<vmem>>
    %dma_wait3A_161 = tpu.memref_squeeze %dma_wait3A_160 : memref<1x128xi32, #tpu.memory_space<vmem>> -> memref<128xi32, #tpu.memory_space<vmem>>
    %dma_wait3A_162 = tpu.memref_slice %arg2[%add3A_58] : memref<40960xi32, #tpu.memory_space<hbm>> -> memref<128xi32, #tpu.memory_space<hbm>>
    %dma_wait3A_163 = arith.constant 0 : i32
    %dma_wait3A_164 = tpu.memref_slice %arg6[%dma_wait3A_158, %dma_wait3A_163] : memref<10x128xi32, #tpu.memory_space<vmem>> -> memref<1x128xi32, #tpu.memory_space<vmem>>
    %dma_wait3A_165 = tpu.memref_squeeze %dma_wait3A_164 : memref<1x128xi32, #tpu.memory_space<vmem>> -> memref<128xi32, #tpu.memory_space<vmem>>
    %dma_wait3A_166 = tpu.memref_slice %arg2[%add3A_58] : memref<40960xi32, #tpu.memory_space<hbm>> -> memref<128xi32, #tpu.memory_space<hbm>>
    tpu.wait_dma2 semaphore(%arg10 : memref<!tpu.dma_semaphore, #tpu.memory_space<semaphore_mem>>) src(%dma_wait3A_166 : memref<128xi32, #tpu.memory_space<hbm>>) dst(%dma_wait3A_165 : memref<128xi32, #tpu.memory_space<vmem>>)
    %dma_wait3A_167 = arith.constant 6 : i32
    %dma_wait3A_168 = arith.constant 0 : i32
    %dma_wait3A_169 = tpu.memref_slice %arg6[%dma_wait3A_167, %dma_wait3A_168] : memref<10x128xi32, #tpu.memory_space<vmem>> -> memref<1x128xi32, #tpu.memory_space<vmem>>
    %dma_wait3A_170 = tpu.memref_squeeze %dma_wait3A_169 : memref<1x128xi32, #tpu.memory_space<vmem>> -> memref<128xi32, #tpu.memory_space<vmem>>
    %dma_wait3A_171 = tpu.memref_slice %arg2[%add3A_69] : memref<40960xi32, #tpu.memory_space<hbm>> -> memref<128xi32, #tpu.memory_space<hbm>>
    %dma_wait3A_172 = arith.constant 0 : i32
    %dma_wait3A_173 = tpu.memref_slice %arg6[%dma_wait3A_167, %dma_wait3A_172] : memref<10x128xi32, #tpu.memory_space<vmem>> -> memref<1x128xi32, #tpu.memory_space<vmem>>
    %dma_wait3A_174 = tpu.memref_squeeze %dma_wait3A_173 : memref<1x128xi32, #tpu.memory_space<vmem>> -> memref<128xi32, #tpu.memory_space<vmem>>
    %dma_wait3A_175 = tpu.memref_slice %arg2[%add3A_69] : memref<40960xi32, #tpu.memory_space<hbm>> -> memref<128xi32, #tpu.memory_space<hbm>>
    tpu.wait_dma2 semaphore(%arg10 : memref<!tpu.dma_semaphore, #tpu.memory_space<semaphore_mem>>) src(%dma_wait3A_175 : memref<128xi32, #tpu.memory_space<hbm>>) dst(%dma_wait3A_174 : memref<128xi32, #tpu.memory_space<vmem>>)
    %dma_wait3A_176 = arith.constant 7 : i32
    %dma_wait3A_177 = arith.constant 0 : i32
    %dma_wait3A_178 = tpu.memref_slice %arg6[%dma_wait3A_176, %dma_wait3A_177] : memref<10x128xi32, #tpu.memory_space<vmem>> -> memref<1x128xi32, #tpu.memory_space<vmem>>
    %dma_wait3A_179 = tpu.memref_squeeze %dma_wait3A_178 : memref<1x128xi32, #tpu.memory_space<vmem>> -> memref<128xi32, #tpu.memory_space<vmem>>
    %dma_wait3A_180 = tpu.memref_slice %arg2[%add3A_80] : memref<40960xi32, #tpu.memory_space<hbm>> -> memref<128xi32, #tpu.memory_space<hbm>>
    %dma_wait3A_181 = arith.constant 0 : i32
    %dma_wait3A_182 = tpu.memref_slice %arg6[%dma_wait3A_176, %dma_wait3A_181] : memref<10x128xi32, #tpu.memory_space<vmem>> -> memref<1x128xi32, #tpu.memory_space<vmem>>
    %dma_wait3A_183 = tpu.memref_squeeze %dma_wait3A_182 : memref<1x128xi32, #tpu.memory_space<vmem>> -> memref<128xi32, #tpu.memory_space<vmem>>
    %dma_wait3A_184 = tpu.memref_slice %arg2[%add3A_80] : memref<40960xi32, #tpu.memory_space<hbm>> -> memref<128xi32, #tpu.memory_space<hbm>>
    tpu.wait_dma2 semaphore(%arg10 : memref<!tpu.dma_semaphore, #tpu.memory_space<semaphore_mem>>) src(%dma_wait3A_184 : memref<128xi32, #tpu.memory_space<hbm>>) dst(%dma_wait3A_183 : memref<128xi32, #tpu.memory_space<vmem>>)
    %dma_wait3A_185 = arith.constant 8 : i32
    %dma_wait3A_186 = arith.constant 0 : i32
    %dma_wait3A_187 = tpu.memref_slice %arg6[%dma_wait3A_185, %dma_wait3A_186] : memref<10x128xi32, #tpu.memory_space<vmem>> -> memref<1x128xi32, #tpu.memory_space<vmem>>
    %dma_wait3A_188 = tpu.memref_squeeze %dma_wait3A_187 : memref<1x128xi32, #tpu.memory_space<vmem>> -> memref<128xi32, #tpu.memory_space<vmem>>
    %dma_wait3A_189 = tpu.memref_slice %arg2[%add3A_91] : memref<40960xi32, #tpu.memory_space<hbm>> -> memref<128xi32, #tpu.memory_space<hbm>>
    %dma_wait3A_190 = arith.constant 0 : i32
    %dma_wait3A_191 = tpu.memref_slice %arg6[%dma_wait3A_185, %dma_wait3A_190] : memref<10x128xi32, #tpu.memory_space<vmem>> -> memref<1x128xi32, #tpu.memory_space<vmem>>
    %dma_wait3A_192 = tpu.memref_squeeze %dma_wait3A_191 : memref<1x128xi32, #tpu.memory_space<vmem>> -> memref<128xi32, #tpu.memory_space<vmem>>
    %dma_wait3A_193 = tpu.memref_slice %arg2[%add3A_91] : memref<40960xi32, #tpu.memory_space<hbm>> -> memref<128xi32, #tpu.memory_space<hbm>>
    tpu.wait_dma2 semaphore(%arg10 : memref<!tpu.dma_semaphore, #tpu.memory_space<semaphore_mem>>) src(%dma_wait3A_193 : memref<128xi32, #tpu.memory_space<hbm>>) dst(%dma_wait3A_192 : memref<128xi32, #tpu.memory_space<vmem>>)
    %dma_wait3A_194 = arith.constant 9 : i32
    %dma_wait3A_195 = arith.constant 0 : i32
    %dma_wait3A_196 = tpu.memref_slice %arg6[%dma_wait3A_194, %dma_wait3A_195] : memref<10x128xi32, #tpu.memory_space<vmem>> -> memref<1x128xi32, #tpu.memory_space<vmem>>
    %dma_wait3A_197 = tpu.memref_squeeze %dma_wait3A_196 : memref<1x128xi32, #tpu.memory_space<vmem>> -> memref<128xi32, #tpu.memory_space<vmem>>
    %dma_wait3A_198 = tpu.memref_slice %arg2[%add3A_102] : memref<40960xi32, #tpu.memory_space<hbm>> -> memref<128xi32, #tpu.memory_space<hbm>>
    %dma_wait3A_199 = arith.constant 0 : i32
    %dma_wait3A_200 = tpu.memref_slice %arg6[%dma_wait3A_194, %dma_wait3A_199] : memref<10x128xi32, #tpu.memory_space<vmem>> -> memref<1x128xi32, #tpu.memory_space<vmem>>
    %dma_wait3A_201 = tpu.memref_squeeze %dma_wait3A_200 : memref<1x128xi32, #tpu.memory_space<vmem>> -> memref<128xi32, #tpu.memory_space<vmem>>
    %dma_wait3A_202 = tpu.memref_slice %arg2[%add3A_102] : memref<40960xi32, #tpu.memory_space<hbm>> -> memref<128xi32, #tpu.memory_space<hbm>>
    tpu.wait_dma2 semaphore(%arg10 : memref<!tpu.dma_semaphore, #tpu.memory_space<semaphore_mem>>) src(%dma_wait3A_202 : memref<128xi32, #tpu.memory_space<hbm>>) dst(%dma_wait3A_201 : memref<128xi32, #tpu.memory_space<vmem>>)
    %dma_wait3A_203 = tpu.memref_slice %arg3[%mul3A_2] : memref<40960xf32, #tpu.memory_space<hbm>> -> memref<1280xf32, #tpu.memory_space<hbm>>
    %dma_wait3A_204 = tpu.memref_slice %arg3[%mul3A_2] : memref<40960xf32, #tpu.memory_space<hbm>> -> memref<1280xf32, #tpu.memory_space<hbm>>
    tpu.wait_dma2 semaphore(%arg10 : memref<!tpu.dma_semaphore, #tpu.memory_space<semaphore_mem>>) src(%dma_wait3A_204 : memref<1280xf32, #tpu.memory_space<hbm>>) dst(%arg7 : memref<1280xf32, #tpu.memory_space<vmem>>)
    %dma_start3A_205 = arith.constant 0 : i32
    %dma_start3A_206 = arith.constant 0 : i32
    %dma_start3A_207 = tpu.memref_slice %arg8[%dma_start3A_206] : memref<1280xf32, #tpu.memory_space<vmem>> -> memref<128xf32, #tpu.memory_space<vmem>>
    %dma_start3A_208 = arith.constant 0 : i32
    %dma_start3A_209 = tpu.memref_slice %arg6[%dma_start3A_205, %dma_start3A_208] : memref<10x128xi32, #tpu.memory_space<vmem>> -> memref<1x128xi32, #tpu.memory_space<vmem>>
    %dma_start3A_210 = tpu.memref_squeeze %dma_start3A_209 : memref<1x128xi32, #tpu.memory_space<vmem>> -> memref<128xi32, #tpu.memory_space<vmem>>
    %dma_start3A_211 = arith.constant 0 : i32
    %dma_start3A_212 = tpu.memref_slice %arg4[%dma_start3A_211] : memref<50051001xf32, #tpu.memory_space<hbm>> -> memref<50051001xf32, #tpu.memory_space<hbm>>
    tpu.enqueue_indirect_dma source(%dma_start3A_212 : memref<50051001xf32, #tpu.memory_space<hbm>>) target(%dma_start3A_207 : memref<128xf32, #tpu.memory_space<vmem>>) offsets(%dma_start3A_210 : memref<128xi32, #tpu.memory_space<vmem>>) semaphore(%arg10 : memref<!tpu.dma_semaphore, #tpu.memory_space<semaphore_mem>>)
    %dma_start3A_213 = arith.constant 1 : i32
    %dma_start3A_214 = arith.constant 128 : i32
    %dma_start3A_215 = tpu.memref_slice %arg8[%dma_start3A_214] : memref<1280xf32, #tpu.memory_space<vmem>> -> memref<128xf32, #tpu.memory_space<vmem>>
    %dma_start3A_216 = arith.constant 0 : i32
    %dma_start3A_217 = tpu.memref_slice %arg6[%dma_start3A_213, %dma_start3A_216] : memref<10x128xi32, #tpu.memory_space<vmem>> -> memref<1x128xi32, #tpu.memory_space<vmem>>
    %dma_start3A_218 = tpu.memref_squeeze %dma_start3A_217 : memref<1x128xi32, #tpu.memory_space<vmem>> -> memref<128xi32, #tpu.memory_space<vmem>>
    %dma_start3A_219 = arith.constant 0 : i32
    %dma_start3A_220 = tpu.memref_slice %arg4[%dma_start3A_219] : memref<50051001xf32, #tpu.memory_space<hbm>> -> memref<50051001xf32, #tpu.memory_space<hbm>>
    tpu.enqueue_indirect_dma source(%dma_start3A_220 : memref<50051001xf32, #tpu.memory_space<hbm>>) target(%dma_start3A_215 : memref<128xf32, #tpu.memory_space<vmem>>) offsets(%dma_start3A_218 : memref<128xi32, #tpu.memory_space<vmem>>) semaphore(%arg10 : memref<!tpu.dma_semaphore, #tpu.memory_space<semaphore_mem>>)
    %dma_start3A_221 = arith.constant 2 : i32
    %dma_start3A_222 = arith.constant 256 : i32
    %dma_start3A_223 = tpu.memref_slice %arg8[%dma_start3A_222] : memref<1280xf32, #tpu.memory_space<vmem>> -> memref<128xf32, #tpu.memory_space<vmem>>
    %dma_start3A_224 = arith.constant 0 : i32
    %dma_start3A_225 = tpu.memref_slice %arg6[%dma_start3A_221, %dma_start3A_224] : memref<10x128xi32, #tpu.memory_space<vmem>> -> memref<1x128xi32, #tpu.memory_space<vmem>>
    %dma_start3A_226 = tpu.memref_squeeze %dma_start3A_225 : memref<1x128xi32, #tpu.memory_space<vmem>> -> memref<128xi32, #tpu.memory_space<vmem>>
    %dma_start3A_227 = arith.constant 0 : i32
    %dma_start3A_228 = tpu.memref_slice %arg4[%dma_start3A_227] : memref<50051001xf32, #tpu.memory_space<hbm>> -> memref<50051001xf32, #tpu.memory_space<hbm>>
    tpu.enqueue_indirect_dma source(%dma_start3A_228 : memref<50051001xf32, #tpu.memory_space<hbm>>) target(%dma_start3A_223 : memref<128xf32, #tpu.memory_space<vmem>>) offsets(%dma_start3A_226 : memref<128xi32, #tpu.memory_space<vmem>>) semaphore(%arg10 : memref<!tpu.dma_semaphore, #tpu.memory_space<semaphore_mem>>)
    %dma_start3A_229 = arith.constant 3 : i32
    %dma_start3A_230 = arith.constant 384 : i32
    %dma_start3A_231 = tpu.memref_slice %arg8[%dma_start3A_230] : memref<1280xf32, #tpu.memory_space<vmem>> -> memref<128xf32, #tpu.memory_space<vmem>>
    %dma_start3A_232 = arith.constant 0 : i32
    %dma_start3A_233 = tpu.memref_slice %arg6[%dma_start3A_229, %dma_start3A_232] : memref<10x128xi32, #tpu.memory_space<vmem>> -> memref<1x128xi32, #tpu.memory_space<vmem>>
    %dma_start3A_234 = tpu.memref_squeeze %dma_start3A_233 : memref<1x128xi32, #tpu.memory_space<vmem>> -> memref<128xi32, #tpu.memory_space<vmem>>
    %dma_start3A_235 = arith.constant 0 : i32
    %dma_start3A_236 = tpu.memref_slice %arg4[%dma_start3A_235] : memref<50051001xf32, #tpu.memory_space<hbm>> -> memref<50051001xf32, #tpu.memory_space<hbm>>
    tpu.enqueue_indirect_dma source(%dma_start3A_236 : memref<50051001xf32, #tpu.memory_space<hbm>>) target(%dma_start3A_231 : memref<128xf32, #tpu.memory_space<vmem>>) offsets(%dma_start3A_234 : memref<128xi32, #tpu.memory_space<vmem>>) semaphore(%arg10 : memref<!tpu.dma_semaphore, #tpu.memory_space<semaphore_mem>>)
    %dma_start3A_237 = arith.constant 4 : i32
    %dma_start3A_238 = arith.constant 512 : i32
    %dma_start3A_239 = tpu.memref_slice %arg8[%dma_start3A_238] : memref<1280xf32, #tpu.memory_space<vmem>> -> memref<128xf32, #tpu.memory_space<vmem>>
    %dma_start3A_240 = arith.constant 0 : i32
    %dma_start3A_241 = tpu.memref_slice %arg6[%dma_start3A_237, %dma_start3A_240] : memref<10x128xi32, #tpu.memory_space<vmem>> -> memref<1x128xi32, #tpu.memory_space<vmem>>
    %dma_start3A_242 = tpu.memref_squeeze %dma_start3A_241 : memref<1x128xi32, #tpu.memory_space<vmem>> -> memref<128xi32, #tpu.memory_space<vmem>>
    %dma_start3A_243 = arith.constant 0 : i32
    %dma_start3A_244 = tpu.memref_slice %arg4[%dma_start3A_243] : memref<50051001xf32, #tpu.memory_space<hbm>> -> memref<50051001xf32, #tpu.memory_space<hbm>>
    tpu.enqueue_indirect_dma source(%dma_start3A_244 : memref<50051001xf32, #tpu.memory_space<hbm>>) target(%dma_start3A_239 : memref<128xf32, #tpu.memory_space<vmem>>) offsets(%dma_start3A_242 : memref<128xi32, #tpu.memory_space<vmem>>) semaphore(%arg10 : memref<!tpu.dma_semaphore, #tpu.memory_space<semaphore_mem>>)
    %dma_start3A_245 = arith.constant 5 : i32
    %dma_start3A_246 = arith.constant 640 : i32
    %dma_start3A_247 = tpu.memref_slice %arg8[%dma_start3A_246] : memref<1280xf32, #tpu.memory_space<vmem>> -> memref<128xf32, #tpu.memory_space<vmem>>
    %dma_start3A_248 = arith.constant 0 : i32
    %dma_start3A_249 = tpu.memref_slice %arg6[%dma_start3A_245, %dma_start3A_248] : memref<10x128xi32, #tpu.memory_space<vmem>> -> memref<1x128xi32, #tpu.memory_space<vmem>>
    %dma_start3A_250 = tpu.memref_squeeze %dma_start3A_249 : memref<1x128xi32, #tpu.memory_space<vmem>> -> memref<128xi32, #tpu.memory_space<vmem>>
    %dma_start3A_251 = arith.constant 0 : i32
    %dma_start3A_252 = tpu.memref_slice %arg4[%dma_start3A_251] : memref<50051001xf32, #tpu.memory_space<hbm>> -> memref<50051001xf32, #tpu.memory_space<hbm>>
    tpu.enqueue_indirect_dma source(%dma_start3A_252 : memref<50051001xf32, #tpu.memory_space<hbm>>) target(%dma_start3A_247 : memref<128xf32, #tpu.memory_space<vmem>>) offsets(%dma_start3A_250 : memref<128xi32, #tpu.memory_space<vmem>>) semaphore(%arg10 : memref<!tpu.dma_semaphore, #tpu.memory_space<semaphore_mem>>)
    %dma_start3A_253 = arith.constant 6 : i32
    %dma_start3A_254 = arith.constant 768 : i32
    %dma_start3A_255 = tpu.memref_slice %arg8[%dma_start3A_254] : memref<1280xf32, #tpu.memory_space<vmem>> -> memref<128xf32, #tpu.memory_space<vmem>>
    %dma_start3A_256 = arith.constant 0 : i32
    %dma_start3A_257 = tpu.memref_slice %arg6[%dma_start3A_253, %dma_start3A_256] : memref<10x128xi32, #tpu.memory_space<vmem>> -> memref<1x128xi32, #tpu.memory_space<vmem>>
    %dma_start3A_258 = tpu.memref_squeeze %dma_start3A_257 : memref<1x128xi32, #tpu.memory_space<vmem>> -> memref<128xi32, #tpu.memory_space<vmem>>
    %dma_start3A_259 = arith.constant 0 : i32
    %dma_start3A_260 = tpu.memref_slice %arg4[%dma_start3A_259] : memref<50051001xf32, #tpu.memory_space<hbm>> -> memref<50051001xf32, #tpu.memory_space<hbm>>
    tpu.enqueue_indirect_dma source(%dma_start3A_260 : memref<50051001xf32, #tpu.memory_space<hbm>>) target(%dma_start3A_255 : memref<128xf32, #tpu.memory_space<vmem>>) offsets(%dma_start3A_258 : memref<128xi32, #tpu.memory_space<vmem>>) semaphore(%arg10 : memref<!tpu.dma_semaphore, #tpu.memory_space<semaphore_mem>>)
    %dma_start3A_261 = arith.constant 7 : i32
    %dma_start3A_262 = arith.constant 896 : i32
    %dma_start3A_263 = tpu.memref_slice %arg8[%dma_start3A_262] : memref<1280xf32, #tpu.memory_space<vmem>> -> memref<128xf32, #tpu.memory_space<vmem>>
    %dma_start3A_264 = arith.constant 0 : i32
    %dma_start3A_265 = tpu.memref_slice %arg6[%dma_start3A_261, %dma_start3A_264] : memref<10x128xi32, #tpu.memory_space<vmem>> -> memref<1x128xi32, #tpu.memory_space<vmem>>
    %dma_start3A_266 = tpu.memref_squeeze %dma_start3A_265 : memref<1x128xi32, #tpu.memory_space<vmem>> -> memref<128xi32, #tpu.memory_space<vmem>>
    %dma_start3A_267 = arith.constant 0 : i32
    %dma_start3A_268 = tpu.memref_slice %arg4[%dma_start3A_267] : memref<50051001xf32, #tpu.memory_space<hbm>> -> memref<50051001xf32, #tpu.memory_space<hbm>>
    tpu.enqueue_indirect_dma source(%dma_start3A_268 : memref<50051001xf32, #tpu.memory_space<hbm>>) target(%dma_start3A_263 : memref<128xf32, #tpu.memory_space<vmem>>) offsets(%dma_start3A_266 : memref<128xi32, #tpu.memory_space<vmem>>) semaphore(%arg10 : memref<!tpu.dma_semaphore, #tpu.memory_space<semaphore_mem>>)
    %dma_start3A_269 = arith.constant 8 : i32
    %dma_start3A_270 = arith.constant 1024 : i32
    %dma_start3A_271 = tpu.memref_slice %arg8[%dma_start3A_270] : memref<1280xf32, #tpu.memory_space<vmem>> -> memref<128xf32, #tpu.memory_space<vmem>>
    %dma_start3A_272 = arith.constant 0 : i32
    %dma_start3A_273 = tpu.memref_slice %arg6[%dma_start3A_269, %dma_start3A_272] : memref<10x128xi32, #tpu.memory_space<vmem>> -> memref<1x128xi32, #tpu.memory_space<vmem>>
    %dma_start3A_274 = tpu.memref_squeeze %dma_start3A_273 : memref<1x128xi32, #tpu.memory_space<vmem>> -> memref<128xi32, #tpu.memory_space<vmem>>
    %dma_start3A_275 = arith.constant 0 : i32
    %dma_start3A_276 = tpu.memref_slice %arg4[%dma_start3A_275] : memref<50051001xf32, #tpu.memory_space<hbm>> -> memref<50051001xf32, #tpu.memory_space<hbm>>
    tpu.enqueue_indirect_dma source(%dma_start3A_276 : memref<50051001xf32, #tpu.memory_space<hbm>>) target(%dma_start3A_271 : memref<128xf32, #tpu.memory_space<vmem>>) offsets(%dma_start3A_274 : memref<128xi32, #tpu.memory_space<vmem>>) semaphore(%arg10 : memref<!tpu.dma_semaphore, #tpu.memory_space<semaphore_mem>>)
    %dma_start3A_277 = arith.constant 9 : i32
    %dma_start3A_278 = arith.constant 1152 : i32
    %dma_start3A_279 = tpu.memref_slice %arg8[%dma_start3A_278] : memref<1280xf32, #tpu.memory_space<vmem>> -> memref<128xf32, #tpu.memory_space<vmem>>
    %dma_start3A_280 = arith.constant 0 : i32
    %dma_start3A_281 = tpu.memref_slice %arg6[%dma_start3A_277, %dma_start3A_280] : memref<10x128xi32, #tpu.memory_space<vmem>> -> memref<1x128xi32, #tpu.memory_space<vmem>>
    %dma_start3A_282 = tpu.memref_squeeze %dma_start3A_281 : memref<1x128xi32, #tpu.memory_space<vmem>> -> memref<128xi32, #tpu.memory_space<vmem>>
    %dma_start3A_283 = arith.constant 0 : i32
    %dma_start3A_284 = tpu.memref_slice %arg4[%dma_start3A_283] : memref<50051001xf32, #tpu.memory_space<hbm>> -> memref<50051001xf32, #tpu.memory_space<hbm>>
    tpu.enqueue_indirect_dma source(%dma_start3A_284 : memref<50051001xf32, #tpu.memory_space<hbm>>) target(%dma_start3A_279 : memref<128xf32, #tpu.memory_space<vmem>>) offsets(%dma_start3A_282 : memref<128xi32, #tpu.memory_space<vmem>>) semaphore(%arg10 : memref<!tpu.dma_semaphore, #tpu.memory_space<semaphore_mem>>)
    %dma_wait3A_285 = arith.constant 0 : i32
    %dma_wait3A_286 = arith.constant 0 : i32
    %dma_wait3A_287 = tpu.memref_slice %arg8[%dma_wait3A_286] : memref<1280xf32, #tpu.memory_space<vmem>> -> memref<128xf32, #tpu.memory_space<vmem>>
    %dma_wait3A_288 = arith.constant 0 : i32
    %dma_wait3A_289 = tpu.memref_slice %arg6[%dma_wait3A_285, %dma_wait3A_288] : memref<10x128xi32, #tpu.memory_space<vmem>> -> memref<1x128xi32, #tpu.memory_space<vmem>>
    %dma_wait3A_290 = tpu.memref_squeeze %dma_wait3A_289 : memref<1x128xi32, #tpu.memory_space<vmem>> -> memref<128xi32, #tpu.memory_space<vmem>>
    %dma_wait3A_291 = arith.constant 0 : i32
    %dma_wait3A_292 = tpu.memref_slice %arg4[%dma_wait3A_291] : memref<50051001xf32, #tpu.memory_space<hbm>> -> memref<50051001xf32, #tpu.memory_space<hbm>>
    tpu.wait_indirect_dma semaphore(%arg10 : memref<!tpu.dma_semaphore, #tpu.memory_space<semaphore_mem>>) src(%dma_wait3A_292 : memref<50051001xf32, #tpu.memory_space<hbm>>) dst(%dma_wait3A_287 : memref<128xf32, #tpu.memory_space<vmem>>)
    %dma_wait3A_293 = arith.constant 1 : i32
    %dma_wait3A_294 = arith.constant 128 : i32
    %dma_wait3A_295 = tpu.memref_slice %arg8[%dma_wait3A_294] : memref<1280xf32, #tpu.memory_space<vmem>> -> memref<128xf32, #tpu.memory_space<vmem>>
    %dma_wait3A_296 = arith.constant 0 : i32
    %dma_wait3A_297 = tpu.memref_slice %arg6[%dma_wait3A_293, %dma_wait3A_296] : memref<10x128xi32, #tpu.memory_space<vmem>> -> memref<1x128xi32, #tpu.memory_space<vmem>>
    %dma_wait3A_298 = tpu.memref_squeeze %dma_wait3A_297 : memref<1x128xi32, #tpu.memory_space<vmem>> -> memref<128xi32, #tpu.memory_space<vmem>>
    %dma_wait3A_299 = arith.constant 0 : i32
    %dma_wait3A_300 = tpu.memref_slice %arg4[%dma_wait3A_299] : memref<50051001xf32, #tpu.memory_space<hbm>> -> memref<50051001xf32, #tpu.memory_space<hbm>>
    tpu.wait_indirect_dma semaphore(%arg10 : memref<!tpu.dma_semaphore, #tpu.memory_space<semaphore_mem>>) src(%dma_wait3A_300 : memref<50051001xf32, #tpu.memory_space<hbm>>) dst(%dma_wait3A_295 : memref<128xf32, #tpu.memory_space<vmem>>)
    %dma_wait3A_301 = arith.constant 2 : i32
    %dma_wait3A_302 = arith.constant 256 : i32
    %dma_wait3A_303 = tpu.memref_slice %arg8[%dma_wait3A_302] : memref<1280xf32, #tpu.memory_space<vmem>> -> memref<128xf32, #tpu.memory_space<vmem>>
    %dma_wait3A_304 = arith.constant 0 : i32
    %dma_wait3A_305 = tpu.memref_slice %arg6[%dma_wait3A_301, %dma_wait3A_304] : memref<10x128xi32, #tpu.memory_space<vmem>> -> memref<1x128xi32, #tpu.memory_space<vmem>>
    %dma_wait3A_306 = tpu.memref_squeeze %dma_wait3A_305 : memref<1x128xi32, #tpu.memory_space<vmem>> -> memref<128xi32, #tpu.memory_space<vmem>>
    %dma_wait3A_307 = arith.constant 0 : i32
    %dma_wait3A_308 = tpu.memref_slice %arg4[%dma_wait3A_307] : memref<50051001xf32, #tpu.memory_space<hbm>> -> memref<50051001xf32, #tpu.memory_space<hbm>>
    tpu.wait_indirect_dma semaphore(%arg10 : memref<!tpu.dma_semaphore, #tpu.memory_space<semaphore_mem>>) src(%dma_wait3A_308 : memref<50051001xf32, #tpu.memory_space<hbm>>) dst(%dma_wait3A_303 : memref<128xf32, #tpu.memory_space<vmem>>)
    %dma_wait3A_309 = arith.constant 3 : i32
    %dma_wait3A_310 = arith.constant 384 : i32
    %dma_wait3A_311 = tpu.memref_slice %arg8[%dma_wait3A_310] : memref<1280xf32, #tpu.memory_space<vmem>> -> memref<128xf32, #tpu.memory_space<vmem>>
    %dma_wait3A_312 = arith.constant 0 : i32
    %dma_wait3A_313 = tpu.memref_slice %arg6[%dma_wait3A_309, %dma_wait3A_312] : memref<10x128xi32, #tpu.memory_space<vmem>> -> memref<1x128xi32, #tpu.memory_space<vmem>>
    %dma_wait3A_314 = tpu.memref_squeeze %dma_wait3A_313 : memref<1x128xi32, #tpu.memory_space<vmem>> -> memref<128xi32, #tpu.memory_space<vmem>>
    %dma_wait3A_315 = arith.constant 0 : i32
    %dma_wait3A_316 = tpu.memref_slice %arg4[%dma_wait3A_315] : memref<50051001xf32, #tpu.memory_space<hbm>> -> memref<50051001xf32, #tpu.memory_space<hbm>>
    tpu.wait_indirect_dma semaphore(%arg10 : memref<!tpu.dma_semaphore, #tpu.memory_space<semaphore_mem>>) src(%dma_wait3A_316 : memref<50051001xf32, #tpu.memory_space<hbm>>) dst(%dma_wait3A_311 : memref<128xf32, #tpu.memory_space<vmem>>)
    %dma_wait3A_317 = arith.constant 4 : i32
    %dma_wait3A_318 = arith.constant 512 : i32
    %dma_wait3A_319 = tpu.memref_slice %arg8[%dma_wait3A_318] : memref<1280xf32, #tpu.memory_space<vmem>> -> memref<128xf32, #tpu.memory_space<vmem>>
    %dma_wait3A_320 = arith.constant 0 : i32
    %dma_wait3A_321 = tpu.memref_slice %arg6[%dma_wait3A_317, %dma_wait3A_320] : memref<10x128xi32, #tpu.memory_space<vmem>> -> memref<1x128xi32, #tpu.memory_space<vmem>>
    %dma_wait3A_322 = tpu.memref_squeeze %dma_wait3A_321 : memref<1x128xi32, #tpu.memory_space<vmem>> -> memref<128xi32, #tpu.memory_space<vmem>>
    %dma_wait3A_323 = arith.constant 0 : i32
    %dma_wait3A_324 = tpu.memref_slice %arg4[%dma_wait3A_323] : memref<50051001xf32, #tpu.memory_space<hbm>> -> memref<50051001xf32, #tpu.memory_space<hbm>>
    tpu.wait_indirect_dma semaphore(%arg10 : memref<!tpu.dma_semaphore, #tpu.memory_space<semaphore_mem>>) src(%dma_wait3A_324 : memref<50051001xf32, #tpu.memory_space<hbm>>) dst(%dma_wait3A_319 : memref<128xf32, #tpu.memory_space<vmem>>)
    %dma_wait3A_325 = arith.constant 5 : i32
    %dma_wait3A_326 = arith.constant 640 : i32
    %dma_wait3A_327 = tpu.memref_slice %arg8[%dma_wait3A_326] : memref<1280xf32, #tpu.memory_space<vmem>> -> memref<128xf32, #tpu.memory_space<vmem>>
    %dma_wait3A_328 = arith.constant 0 : i32
    %dma_wait3A_329 = tpu.memref_slice %arg6[%dma_wait3A_325, %dma_wait3A_328] : memref<10x128xi32, #tpu.memory_space<vmem>> -> memref<1x128xi32, #tpu.memory_space<vmem>>
    %dma_wait3A_330 = tpu.memref_squeeze %dma_wait3A_329 : memref<1x128xi32, #tpu.memory_space<vmem>> -> memref<128xi32, #tpu.memory_space<vmem>>
    %dma_wait3A_331 = arith.constant 0 : i32
    %dma_wait3A_332 = tpu.memref_slice %arg4[%dma_wait3A_331] : memref<50051001xf32, #tpu.memory_space<hbm>> -> memref<50051001xf32, #tpu.memory_space<hbm>>
    tpu.wait_indirect_dma semaphore(%arg10 : memref<!tpu.dma_semaphore, #tpu.memory_space<semaphore_mem>>) src(%dma_wait3A_332 : memref<50051001xf32, #tpu.memory_space<hbm>>) dst(%dma_wait3A_327 : memref<128xf32, #tpu.memory_space<vmem>>)
    %dma_wait3A_333 = arith.constant 6 : i32
    %dma_wait3A_334 = arith.constant 768 : i32
    %dma_wait3A_335 = tpu.memref_slice %arg8[%dma_wait3A_334] : memref<1280xf32, #tpu.memory_space<vmem>> -> memref<128xf32, #tpu.memory_space<vmem>>
    %dma_wait3A_336 = arith.constant 0 : i32
    %dma_wait3A_337 = tpu.memref_slice %arg6[%dma_wait3A_333, %dma_wait3A_336] : memref<10x128xi32, #tpu.memory_space<vmem>> -> memref<1x128xi32, #tpu.memory_space<vmem>>
    %dma_wait3A_338 = tpu.memref_squeeze %dma_wait3A_337 : memref<1x128xi32, #tpu.memory_space<vmem>> -> memref<128xi32, #tpu.memory_space<vmem>>
    %dma_wait3A_339 = arith.constant 0 : i32
    %dma_wait3A_340 = tpu.memref_slice %arg4[%dma_wait3A_339] : memref<50051001xf32, #tpu.memory_space<hbm>> -> memref<50051001xf32, #tpu.memory_space<hbm>>
    tpu.wait_indirect_dma semaphore(%arg10 : memref<!tpu.dma_semaphore, #tpu.memory_space<semaphore_mem>>) src(%dma_wait3A_340 : memref<50051001xf32, #tpu.memory_space<hbm>>) dst(%dma_wait3A_335 : memref<128xf32, #tpu.memory_space<vmem>>)
    %dma_wait3A_341 = arith.constant 7 : i32
    %dma_wait3A_342 = arith.constant 896 : i32
    %dma_wait3A_343 = tpu.memref_slice %arg8[%dma_wait3A_342] : memref<1280xf32, #tpu.memory_space<vmem>> -> memref<128xf32, #tpu.memory_space<vmem>>
    %dma_wait3A_344 = arith.constant 0 : i32
    %dma_wait3A_345 = tpu.memref_slice %arg6[%dma_wait3A_341, %dma_wait3A_344] : memref<10x128xi32, #tpu.memory_space<vmem>> -> memref<1x128xi32, #tpu.memory_space<vmem>>
    %dma_wait3A_346 = tpu.memref_squeeze %dma_wait3A_345 : memref<1x128xi32, #tpu.memory_space<vmem>> -> memref<128xi32, #tpu.memory_space<vmem>>
    %dma_wait3A_347 = arith.constant 0 : i32
    %dma_wait3A_348 = tpu.memref_slice %arg4[%dma_wait3A_347] : memref<50051001xf32, #tpu.memory_space<hbm>> -> memref<50051001xf32, #tpu.memory_space<hbm>>
    tpu.wait_indirect_dma semaphore(%arg10 : memref<!tpu.dma_semaphore, #tpu.memory_space<semaphore_mem>>) src(%dma_wait3A_348 : memref<50051001xf32, #tpu.memory_space<hbm>>) dst(%dma_wait3A_343 : memref<128xf32, #tpu.memory_space<vmem>>)
    %dma_wait3A_349 = arith.constant 8 : i32
    %dma_wait3A_350 = arith.constant 1024 : i32
    %dma_wait3A_351 = tpu.memref_slice %arg8[%dma_wait3A_350] : memref<1280xf32, #tpu.memory_space<vmem>> -> memref<128xf32, #tpu.memory_space<vmem>>
    %dma_wait3A_352 = arith.constant 0 : i32
    %dma_wait3A_353 = tpu.memref_slice %arg6[%dma_wait3A_349, %dma_wait3A_352] : memref<10x128xi32, #tpu.memory_space<vmem>> -> memref<1x128xi32, #tpu.memory_space<vmem>>
    %dma_wait3A_354 = tpu.memref_squeeze %dma_wait3A_353 : memref<1x128xi32, #tpu.memory_space<vmem>> -> memref<128xi32, #tpu.memory_space<vmem>>
    %dma_wait3A_355 = arith.constant 0 : i32
    %dma_wait3A_356 = tpu.memref_slice %arg4[%dma_wait3A_355] : memref<50051001xf32, #tpu.memory_space<hbm>> -> memref<50051001xf32, #tpu.memory_space<hbm>>
    tpu.wait_indirect_dma semaphore(%arg10 : memref<!tpu.dma_semaphore, #tpu.memory_space<semaphore_mem>>) src(%dma_wait3A_356 : memref<50051001xf32, #tpu.memory_space<hbm>>) dst(%dma_wait3A_351 : memref<128xf32, #tpu.memory_space<vmem>>)
    %dma_wait3A_357 = arith.constant 9 : i32
    %dma_wait3A_358 = arith.constant 1152 : i32
    %dma_wait3A_359 = tpu.memref_slice %arg8[%dma_wait3A_358] : memref<1280xf32, #tpu.memory_space<vmem>> -> memref<128xf32, #tpu.memory_space<vmem>>
    %dma_wait3A_360 = arith.constant 0 : i32
    %dma_wait3A_361 = tpu.memref_slice %arg6[%dma_wait3A_357, %dma_wait3A_360] : memref<10x128xi32, #tpu.memory_space<vmem>> -> memref<1x128xi32, #tpu.memory_space<vmem>>
    %dma_wait3A_362 = tpu.memref_squeeze %dma_wait3A_361 : memref<1x128xi32, #tpu.memory_space<vmem>> -> memref<128xi32, #tpu.memory_space<vmem>>
    %dma_wait3A_363 = arith.constant 0 : i32
    %dma_wait3A_364 = tpu.memref_slice %arg4[%dma_wait3A_363] : memref<50051001xf32, #tpu.memory_space<hbm>> -> memref<50051001xf32, #tpu.memory_space<hbm>>
    tpu.wait_indirect_dma semaphore(%arg10 : memref<!tpu.dma_semaphore, #tpu.memory_space<semaphore_mem>>) src(%dma_wait3A_364 : memref<50051001xf32, #tpu.memory_space<hbm>>) dst(%dma_wait3A_359 : memref<128xf32, #tpu.memory_space<vmem>>)
    %broadcast_in_dim3A = arith.constant 0.000000e+00 : f32
    %broadcast_in_dim3A_365 = vector.broadcast %broadcast_in_dim3A : f32 to vector<16xf32>
    %get3A = arith.constant 0 : index
    %get3A_366 = tpu.vector_load %arg7[%get3A] {strides = array<i32>} : memref<1280xf32, #tpu.memory_space<vmem>>, vector<16xf32>,
    %get3A_367 = vector.shape_cast %get3A_366 : vector<16xf32> to vector<16xf32>
    %get3A_368 = arith.constant 0 : index
    %get3A_369 = tpu.vector_load %arg8[%get3A_368] {strides = array<i32>} : memref<1280xf32, #tpu.memory_space<vmem>>, vector<16xf32>,
    %get3A_370 = vector.shape_cast %get3A_369 : vector<16xf32> to vector<16xf32>
    %add3A_371 = arith.constant 1.000000e-10 : f32
    %add3A_372 = vector.broadcast %add3A_371 : f32 to vector<16xf32>
    %add3A_373 = arith.addf %get3A_370, %add3A_372 : vector<16xf32>
    %div3A = arith.divf %get3A_367, %add3A_373 : vector<16xf32>
    %add3A_374 = arith.addf %broadcast_in_dim3A_365, %div3A : vector<16xf32>
    %get3A_375 = arith.constant 16 : index
    %get3A_376 = tpu.vector_load %arg7[%get3A_375] {strides = array<i32>} : memref<1280xf32, #tpu.memory_space<vmem>>, vector<16xf32>,
    %get3A_377 = vector.shape_cast %get3A_376 : vector<16xf32> to vector<16xf32>
    %get3A_378 = arith.constant 16 : index
    %get3A_379 = tpu.vector_load %arg8[%get3A_378] {strides = array<i32>} : memref<1280xf32, #tpu.memory_space<vmem>>, vector<16xf32>,
    %get3A_380 = vector.shape_cast %get3A_379 : vector<16xf32> to vector<16xf32>
    %add3A_381 = arith.constant 1.000000e-10 : f32
    %add3A_382 = vector.broadcast %add3A_381 : f32 to vector<16xf32>
    %add3A_383 = arith.addf %get3A_380, %add3A_382 : vector<16xf32>
    %div3A_384 = arith.divf %get3A_377, %add3A_383 : vector<16xf32>
    %add3A_385 = arith.addf %add3A_374, %div3A_384 : vector<16xf32>
    %get3A_386 = arith.constant 32 : index
    %get3A_387 = tpu.vector_load %arg7[%get3A_386] {strides = array<i32>} : memref<1280xf32, #tpu.memory_space<vmem>>, vector<16xf32>,
    %get3A_388 = vector.shape_cast %get3A_387 : vector<16xf32> to vector<16xf32>
    %get3A_389 = arith.constant 32 : index
    %get3A_390 = tpu.vector_load %arg8[%get3A_389] {strides = array<i32>} : memref<1280xf32, #tpu.memory_space<vmem>>, vector<16xf32>,
    %get3A_391 = vector.shape_cast %get3A_390 : vector<16xf32> to vector<16xf32>
    %add3A_392 = arith.constant 1.000000e-10 : f32
    %add3A_393 = vector.broadcast %add3A_392 : f32 to vector<16xf32>
    %add3A_394 = arith.addf %get3A_391, %add3A_393 : vector<16xf32>
    %div3A_395 = arith.divf %get3A_388, %add3A_394 : vector<16xf32>
    %add3A_396 = arith.addf %add3A_385, %div3A_395 : vector<16xf32>
    %get3A_397 = arith.constant 48 : index
    %get3A_398 = tpu.vector_load %arg7[%get3A_397] {strides = array<i32>} : memref<1280xf32, #tpu.memory_space<vmem>>, vector<16xf32>,
    %get3A_399 = vector.shape_cast %get3A_398 : vector<16xf32> to vector<16xf32>
    %get3A_400 = arith.constant 48 : index
    %get3A_401 = tpu.vector_load %arg8[%get3A_400] {strides = array<i32>} : memref<1280xf32, #tpu.memory_space<vmem>>, vector<16xf32>,
    %get3A_402 = vector.shape_cast %get3A_401 : vector<16xf32> to vector<16xf32>
    %add3A_403 = arith.constant 1.000000e-10 : f32
    %add3A_404 = vector.broadcast %add3A_403 : f32 to vector<16xf32>
    %add3A_405 = arith.addf %get3A_402, %add3A_404 : vector<16xf32>
    %div3A_406 = arith.divf %get3A_399, %add3A_405 : vector<16xf32>
    %add3A_407 = arith.addf %add3A_396, %div3A_406 : vector<16xf32>
    %get3A_408 = arith.constant 64 : index
    %get3A_409 = tpu.vector_load %arg7[%get3A_408] {strides = array<i32>} : memref<1280xf32, #tpu.memory_space<vmem>>, vector<16xf32>,
    %get3A_410 = vector.shape_cast %get3A_409 : vector<16xf32> to vector<16xf32>
    %get3A_411 = arith.constant 64 : index
    %get3A_412 = tpu.vector_load %arg8[%get3A_411] {strides = array<i32>} : memref<1280xf32, #tpu.memory_space<vmem>>, vector<16xf32>,
    %get3A_413 = vector.shape_cast %get3A_412 : vector<16xf32> to vector<16xf32>
    %add3A_414 = arith.constant 1.000000e-10 : f32
    %add3A_415 = vector.broadcast %add3A_414 : f32 to vector<16xf32>
    %add3A_416 = arith.addf %get3A_413, %add3A_415 : vector<16xf32>
    %div3A_417 = arith.divf %get3A_410, %add3A_416 : vector<16xf32>
    %add3A_418 = arith.addf %add3A_407, %div3A_417 : vector<16xf32>
    %get3A_419 = arith.constant 80 : index
    %get3A_420 = tpu.vector_load %arg7[%get3A_419] {strides = array<i32>} : memref<1280xf32, #tpu.memory_space<vmem>>, vector<16xf32>,
    %get3A_421 = vector.shape_cast %get3A_420 : vector<16xf32> to vector<16xf32>
    %get3A_422 = arith.constant 80 : index
    %get3A_423 = tpu.vector_load %arg8[%get3A_422] {strides = array<i32>} : memref<1280xf32, #tpu.memory_space<vmem>>, vector<16xf32>,
    %get3A_424 = vector.shape_cast %get3A_423 : vector<16xf32> to vector<16xf32>
    %add3A_425 = arith.constant 1.000000e-10 : f32
    %add3A_426 = vector.broadcast %add3A_425 : f32 to vector<16xf32>
    %add3A_427 = arith.addf %get3A_424, %add3A_426 : vector<16xf32>
    %div3A_428 = arith.divf %get3A_421, %add3A_427 : vector<16xf32>
    %add3A_429 = arith.addf %add3A_418, %div3A_428 : vector<16xf32>
    %get3A_430 = arith.constant 96 : index
    %get3A_431 = tpu.vector_load %arg7[%get3A_430] {strides = array<i32>} : memref<1280xf32, #tpu.memory_space<vmem>>, vector<16xf32>,
    %get3A_432 = vector.shape_cast %get3A_431 : vector<16xf32> to vector<16xf32>
    %get3A_433 = arith.constant 96 : index
    %get3A_434 = tpu.vector_load %arg8[%get3A_433] {strides = array<i32>} : memref<1280xf32, #tpu.memory_space<vmem>>, vector<16xf32>,
    %get3A_435 = vector.shape_cast %get3A_434 : vector<16xf32> to vector<16xf32>
    %add3A_436 = arith.constant 1.000000e-10 : f32
    %add3A_437 = vector.broadcast %add3A_436 : f32 to vector<16xf32>
    %add3A_438 = arith.addf %get3A_435, %add3A_437 : vector<16xf32>
    %div3A_439 = arith.divf %get3A_432, %add3A_438 : vector<16xf32>
    %add3A_440 = arith.addf %add3A_429, %div3A_439 : vector<16xf32>
    %get3A_441 = arith.constant 112 : index
    %get3A_442 = tpu.vector_load %arg7[%get3A_441] {strides = array<i32>} : memref<1280xf32, #tpu.memory_space<vmem>>, vector<16xf32>,
    %get3A_443 = vector.shape_cast %get3A_442 : vector<16xf32> to vector<16xf32>
    %get3A_444 = arith.constant 112 : index
    %get3A_445 = tpu.vector_load %arg8[%get3A_444] {strides = array<i32>} : memref<1280xf32, #tpu.memory_space<vmem>>, vector<16xf32>,
    %get3A_446 = vector.shape_cast %get3A_445 : vector<16xf32> to vector<16xf32>
    %add3A_447 = arith.constant 1.000000e-10 : f32
    %add3A_448 = vector.broadcast %add3A_447 : f32 to vector<16xf32>
    %add3A_449 = arith.addf %get3A_446, %add3A_448 : vector<16xf32>
    %div3A_450 = arith.divf %get3A_443, %add3A_449 : vector<16xf32>
    %add3A_451 = arith.addf %add3A_440, %div3A_450 : vector<16xf32>
    %get3A_452 = arith.constant 128 : index
    %get3A_453 = tpu.vector_load %arg7[%get3A_452] {strides = array<i32>} : memref<1280xf32, #tpu.memory_space<vmem>>, vector<16xf32>,
    %get3A_454 = vector.shape_cast %get3A_453 : vector<16xf32> to vector<16xf32>
    %get3A_455 = arith.constant 128 : index
    %get3A_456 = tpu.vector_load %arg8[%get3A_455] {strides = array<i32>} : memref<1280xf32, #tpu.memory_space<vmem>>, vector<16xf32>,
    %get3A_457 = vector.shape_cast %get3A_456 : vector<16xf32> to vector<16xf32>
    %add3A_458 = arith.constant 1.000000e-10 : f32
    %add3A_459 = vector.broadcast %add3A_458 : f32 to vector<16xf32>
    %add3A_460 = arith.addf %get3A_457, %add3A_459 : vector<16xf32>
    %div3A_461 = arith.divf %get3A_454, %add3A_460 : vector<16xf32>
    %add3A_462 = arith.addf %add3A_451, %div3A_461 : vector<16xf32>
    %get3A_463 = arith.constant 144 : index
    %get3A_464 = tpu.vector_load %arg7[%get3A_463] {strides = array<i32>} : memref<1280xf32, #tpu.memory_space<vmem>>, vector<16xf32>,
    %get3A_465 = vector.shape_cast %get3A_464 : vector<16xf32> to vector<16xf32>
    %get3A_466 = arith.constant 144 : index
    %get3A_467 = tpu.vector_load %arg8[%get3A_466] {strides = array<i32>} : memref<1280xf32, #tpu.memory_space<vmem>>, vector<16xf32>,
    %get3A_468 = vector.shape_cast %get3A_467 : vector<16xf32> to vector<16xf32>
    %add3A_469 = arith.constant 1.000000e-10 : f32
    %add3A_470 = vector.broadcast %add3A_469 : f32 to vector<16xf32>
    %add3A_471 = arith.addf %get3A_468, %add3A_470 : vector<16xf32>
    %div3A_472 = arith.divf %get3A_465, %add3A_471 : vector<16xf32>
    %add3A_473 = arith.addf %add3A_462, %div3A_472 : vector<16xf32>
    %get3A_474 = arith.constant 160 : index
    %get3A_475 = tpu.vector_load %arg7[%get3A_474] {strides = array<i32>} : memref<1280xf32, #tpu.memory_space<vmem>>, vector<16xf32>,
    %get3A_476 = vector.shape_cast %get3A_475 : vector<16xf32> to vector<16xf32>
    %get3A_477 = arith.constant 160 : index
    %get3A_478 = tpu.vector_load %arg8[%get3A_477] {strides = array<i32>} : memref<1280xf32, #tpu.memory_space<vmem>>, vector<16xf32>,
    %get3A_479 = vector.shape_cast %get3A_478 : vector<16xf32> to vector<16xf32>
    %add3A_480 = arith.constant 1.000000e-10 : f32
    %add3A_481 = vector.broadcast %add3A_480 : f32 to vector<16xf32>
    %add3A_482 = arith.addf %get3A_479, %add3A_481 : vector<16xf32>
    %div3A_483 = arith.divf %get3A_476, %add3A_482 : vector<16xf32>
    %add3A_484 = arith.addf %add3A_473, %div3A_483 : vector<16xf32>
    %get3A_485 = arith.constant 176 : index
    %get3A_486 = tpu.vector_load %arg7[%get3A_485] {strides = array<i32>} : memref<1280xf32, #tpu.memory_space<vmem>>, vector<16xf32>,
    %get3A_487 = vector.shape_cast %get3A_486 : vector<16xf32> to vector<16xf32>
    %get3A_488 = arith.constant 176 : index
    %get3A_489 = tpu.vector_load %arg8[%get3A_488] {strides = array<i32>} : memref<1280xf32, #tpu.memory_space<vmem>>, vector<16xf32>,
    %get3A_490 = vector.shape_cast %get3A_489 : vector<16xf32> to vector<16xf32>
    %add3A_491 = arith.constant 1.000000e-10 : f32
    %add3A_492 = vector.broadcast %add3A_491 : f32 to vector<16xf32>
    %add3A_493 = arith.addf %get3A_490, %add3A_492 : vector<16xf32>
    %div3A_494 = arith.divf %get3A_487, %add3A_493 : vector<16xf32>
    %add3A_495 = arith.addf %add3A_484, %div3A_494 : vector<16xf32>
    %get3A_496 = arith.constant 192 : index
    %get3A_497 = tpu.vector_load %arg7[%get3A_496] {strides = array<i32>} : memref<1280xf32, #tpu.memory_space<vmem>>, vector<16xf32>,
    %get3A_498 = vector.shape_cast %get3A_497 : vector<16xf32> to vector<16xf32>
    %get3A_499 = arith.constant 192 : index
    %get3A_500 = tpu.vector_load %arg8[%get3A_499] {strides = array<i32>} : memref<1280xf32, #tpu.memory_space<vmem>>, vector<16xf32>,
    %get3A_501 = vector.shape_cast %get3A_500 : vector<16xf32> to vector<16xf32>
    %add3A_502 = arith.constant 1.000000e-10 : f32
    %add3A_503 = vector.broadcast %add3A_502 : f32 to vector<16xf32>
    %add3A_504 = arith.addf %get3A_501, %add3A_503 : vector<16xf32>
    %div3A_505 = arith.divf %get3A_498, %add3A_504 : vector<16xf32>
    %add3A_506 = arith.addf %add3A_495, %div3A_505 : vector<16xf32>
    %get3A_507 = arith.constant 208 : index
    %get3A_508 = tpu.vector_load %arg7[%get3A_507] {strides = array<i32>} : memref<1280xf32, #tpu.memory_space<vmem>>, vector<16xf32>,
    %get3A_509 = vector.shape_cast %get3A_508 : vector<16xf32> to vector<16xf32>
    %get3A_510 = arith.constant 208 : index
    %get3A_511 = tpu.vector_load %arg8[%get3A_510] {strides = array<i32>} : memref<1280xf32, #tpu.memory_space<vmem>>, vector<16xf32>,
    %get3A_512 = vector.shape_cast %get3A_511 : vector<16xf32> to vector<16xf32>
    %add3A_513 = arith.constant 1.000000e-10 : f32
    %add3A_514 = vector.broadcast %add3A_513 : f32 to vector<16xf32>
    %add3A_515 = arith.addf %get3A_512, %add3A_514 : vector<16xf32>
    %div3A_516 = arith.divf %get3A_509, %add3A_515 : vector<16xf32>
    %add3A_517 = arith.addf %add3A_506, %div3A_516 : vector<16xf32>
    %get3A_518 = arith.constant 224 : index
    %get3A_519 = tpu.vector_load %arg7[%get3A_518] {strides = array<i32>} : memref<1280xf32, #tpu.memory_space<vmem>>, vector<16xf32>,
    %get3A_520 = vector.shape_cast %get3A_519 : vector<16xf32> to vector<16xf32>
    %get3A_521 = arith.constant 224 : index
    %get3A_522 = tpu.vector_load %arg8[%get3A_521] {strides = array<i32>} : memref<1280xf32, #tpu.memory_space<vmem>>, vector<16xf32>,
    %get3A_523 = vector.shape_cast %get3A_522 : vector<16xf32> to vector<16xf32>
    %add3A_524 = arith.constant 1.000000e-10 : f32
    %add3A_525 = vector.broadcast %add3A_524 : f32 to vector<16xf32>
    %add3A_526 = arith.addf %get3A_523, %add3A_525 : vector<16xf32>
    %div3A_527 = arith.divf %get3A_520, %add3A_526 : vector<16xf32>
    %add3A_528 = arith.addf %add3A_517, %div3A_527 : vector<16xf32>
    %get3A_529 = arith.constant 240 : index
    %get3A_530 = tpu.vector_load %arg7[%get3A_529] {strides = array<i32>} : memref<1280xf32, #tpu.memory_space<vmem>>, vector<16xf32>,
    %get3A_531 = vector.shape_cast %get3A_530 : vector<16xf32> to vector<16xf32>
    %get3A_532 = arith.constant 240 : index
    %get3A_533 = tpu.vector_load %arg8[%get3A_532] {strides = array<i32>} : memref<1280xf32, #tpu.memory_space<vmem>>, vector<16xf32>,
    %get3A_534 = vector.shape_cast %get3A_533 : vector<16xf32> to vector<16xf32>
    %add3A_535 = arith.constant 1.000000e-10 : f32
    %add3A_536 = vector.broadcast %add3A_535 : f32 to vector<16xf32>
    %add3A_537 = arith.addf %get3A_534, %add3A_536 : vector<16xf32>
    %div3A_538 = arith.divf %get3A_531, %add3A_537 : vector<16xf32>
    %add3A_539 = arith.addf %add3A_528, %div3A_538 : vector<16xf32>
    %get3A_540 = arith.constant 256 : index
    %get3A_541 = tpu.vector_load %arg7[%get3A_540] {strides = array<i32>} : memref<1280xf32, #tpu.memory_space<vmem>>, vector<16xf32>,
    %get3A_542 = vector.shape_cast %get3A_541 : vector<16xf32> to vector<16xf32>
    %get3A_543 = arith.constant 256 : index
    %get3A_544 = tpu.vector_load %arg8[%get3A_543] {strides = array<i32>} : memref<1280xf32, #tpu.memory_space<vmem>>, vector<16xf32>,
    %get3A_545 = vector.shape_cast %get3A_544 : vector<16xf32> to vector<16xf32>
    %add3A_546 = arith.constant 1.000000e-10 : f32
    %add3A_547 = vector.broadcast %add3A_546 : f32 to vector<16xf32>
    %add3A_548 = arith.addf %get3A_545, %add3A_547 : vector<16xf32>
    %div3A_549 = arith.divf %get3A_542, %add3A_548 : vector<16xf32>
    %add3A_550 = arith.addf %add3A_539, %div3A_549 : vector<16xf32>
    %get3A_551 = arith.constant 272 : index
    %get3A_552 = tpu.vector_load %arg7[%get3A_551] {strides = array<i32>} : memref<1280xf32, #tpu.memory_space<vmem>>, vector<16xf32>,
    %get3A_553 = vector.shape_cast %get3A_552 : vector<16xf32> to vector<16xf32>
    %get3A_554 = arith.constant 272 : index
    %get3A_555 = tpu.vector_load %arg8[%get3A_554] {strides = array<i32>} : memref<1280xf32, #tpu.memory_space<vmem>>, vector<16xf32>,
    %get3A_556 = vector.shape_cast %get3A_555 : vector<16xf32> to vector<16xf32>
    %add3A_557 = arith.constant 1.000000e-10 : f32
    %add3A_558 = vector.broadcast %add3A_557 : f32 to vector<16xf32>
    %add3A_559 = arith.addf %get3A_556, %add3A_558 : vector<16xf32>
    %div3A_560 = arith.divf %get3A_553, %add3A_559 : vector<16xf32>
    %add3A_561 = arith.addf %add3A_550, %div3A_560 : vector<16xf32>
    %get3A_562 = arith.constant 288 : index
    %get3A_563 = tpu.vector_load %arg7[%get3A_562] {strides = array<i32>} : memref<1280xf32, #tpu.memory_space<vmem>>, vector<16xf32>,
    %get3A_564 = vector.shape_cast %get3A_563 : vector<16xf32> to vector<16xf32>
    %get3A_565 = arith.constant 288 : index
    %get3A_566 = tpu.vector_load %arg8[%get3A_565] {strides = array<i32>} : memref<1280xf32, #tpu.memory_space<vmem>>, vector<16xf32>,
    %get3A_567 = vector.shape_cast %get3A_566 : vector<16xf32> to vector<16xf32>
    %add3A_568 = arith.constant 1.000000e-10 : f32
    %add3A_569 = vector.broadcast %add3A_568 : f32 to vector<16xf32>
    %add3A_570 = arith.addf %get3A_567, %add3A_569 : vector<16xf32>
    %div3A_571 = arith.divf %get3A_564, %add3A_570 : vector<16xf32>
    %add3A_572 = arith.addf %add3A_561, %div3A_571 : vector<16xf32>
    %get3A_573 = arith.constant 304 : index
    %get3A_574 = tpu.vector_load %arg7[%get3A_573] {strides = array<i32>} : memref<1280xf32, #tpu.memory_space<vmem>>, vector<16xf32>,
    %get3A_575 = vector.shape_cast %get3A_574 : vector<16xf32> to vector<16xf32>
    %get3A_576 = arith.constant 304 : index
    %get3A_577 = tpu.vector_load %arg8[%get3A_576] {strides = array<i32>} : memref<1280xf32, #tpu.memory_space<vmem>>, vector<16xf32>,
    %get3A_578 = vector.shape_cast %get3A_577 : vector<16xf32> to vector<16xf32>
    %add3A_579 = arith.constant 1.000000e-10 : f32
    %add3A_580 = vector.broadcast %add3A_579 : f32 to vector<16xf32>
    %add3A_581 = arith.addf %get3A_578, %add3A_580 : vector<16xf32>
    %div3A_582 = arith.divf %get3A_575, %add3A_581 : vector<16xf32>
    %add3A_583 = arith.addf %add3A_572, %div3A_582 : vector<16xf32>
    %get3A_584 = arith.constant 320 : index
    %get3A_585 = tpu.vector_load %arg7[%get3A_584] {strides = array<i32>} : memref<1280xf32, #tpu.memory_space<vmem>>, vector<16xf32>,
    %get3A_586 = vector.shape_cast %get3A_585 : vector<16xf32> to vector<16xf32>
    %get3A_587 = arith.constant 320 : index
    %get3A_588 = tpu.vector_load %arg8[%get3A_587] {strides = array<i32>} : memref<1280xf32, #tpu.memory_space<vmem>>, vector<16xf32>,
    %get3A_589 = vector.shape_cast %get3A_588 : vector<16xf32> to vector<16xf32>
    %add3A_590 = arith.constant 1.000000e-10 : f32
    %add3A_591 = vector.broadcast %add3A_590 : f32 to vector<16xf32>
    %add3A_592 = arith.addf %get3A_589, %add3A_591 : vector<16xf32>
    %div3A_593 = arith.divf %get3A_586, %add3A_592 : vector<16xf32>
    %add3A_594 = arith.addf %add3A_583, %div3A_593 : vector<16xf32>
    %get3A_595 = arith.constant 336 : index
    %get3A_596 = tpu.vector_load %arg7[%get3A_595] {strides = array<i32>} : memref<1280xf32, #tpu.memory_space<vmem>>, vector<16xf32>,
    %get3A_597 = vector.shape_cast %get3A_596 : vector<16xf32> to vector<16xf32>
    %get3A_598 = arith.constant 336 : index
    %get3A_599 = tpu.vector_load %arg8[%get3A_598] {strides = array<i32>} : memref<1280xf32, #tpu.memory_space<vmem>>, vector<16xf32>,
    %get3A_600 = vector.shape_cast %get3A_599 : vector<16xf32> to vector<16xf32>
    %add3A_601 = arith.constant 1.000000e-10 : f32
    %add3A_602 = vector.broadcast %add3A_601 : f32 to vector<16xf32>
    %add3A_603 = arith.addf %get3A_600, %add3A_602 : vector<16xf32>
    %div3A_604 = arith.divf %get3A_597, %add3A_603 : vector<16xf32>
    %add3A_605 = arith.addf %add3A_594, %div3A_604 : vector<16xf32>
    %get3A_606 = arith.constant 352 : index
    %get3A_607 = tpu.vector_load %arg7[%get3A_606] {strides = array<i32>} : memref<1280xf32, #tpu.memory_space<vmem>>, vector<16xf32>,
    %get3A_608 = vector.shape_cast %get3A_607 : vector<16xf32> to vector<16xf32>
    %get3A_609 = arith.constant 352 : index
    %get3A_610 = tpu.vector_load %arg8[%get3A_609] {strides = array<i32>} : memref<1280xf32, #tpu.memory_space<vmem>>, vector<16xf32>,
    %get3A_611 = vector.shape_cast %get3A_610 : vector<16xf32> to vector<16xf32>
    %add3A_612 = arith.constant 1.000000e-10 : f32
    %add3A_613 = vector.broadcast %add3A_612 : f32 to vector<16xf32>
    %add3A_614 = arith.addf %get3A_611, %add3A_613 : vector<16xf32>
    %div3A_615 = arith.divf %get3A_608, %add3A_614 : vector<16xf32>
    %add3A_616 = arith.addf %add3A_605, %div3A_615 : vector<16xf32>
    %get3A_617 = arith.constant 368 : index
    %get3A_618 = tpu.vector_load %arg7[%get3A_617] {strides = array<i32>} : memref<1280xf32, #tpu.memory_space<vmem>>, vector<16xf32>,
    %get3A_619 = vector.shape_cast %get3A_618 : vector<16xf32> to vector<16xf32>
    %get3A_620 = arith.constant 368 : index
    %get3A_621 = tpu.vector_load %arg8[%get3A_620] {strides = array<i32>} : memref<1280xf32, #tpu.memory_space<vmem>>, vector<16xf32>,
    %get3A_622 = vector.shape_cast %get3A_621 : vector<16xf32> to vector<16xf32>
    %add3A_623 = arith.constant 1.000000e-10 : f32
    %add3A_624 = vector.broadcast %add3A_623 : f32 to vector<16xf32>
    %add3A_625 = arith.addf %get3A_622, %add3A_624 : vector<16xf32>
    %div3A_626 = arith.divf %get3A_619, %add3A_625 : vector<16xf32>
    %add3A_627 = arith.addf %add3A_616, %div3A_626 : vector<16xf32>
    %get3A_628 = arith.constant 384 : index
    %get3A_629 = tpu.vector_load %arg7[%get3A_628] {strides = array<i32>} : memref<1280xf32, #tpu.memory_space<vmem>>, vector<16xf32>,
    %get3A_630 = vector.shape_cast %get3A_629 : vector<16xf32> to vector<16xf32>
    %get3A_631 = arith.constant 384 : index
    %get3A_632 = tpu.vector_load %arg8[%get3A_631] {strides = array<i32>} : memref<1280xf32, #tpu.memory_space<vmem>>, vector<16xf32>,
    %get3A_633 = vector.shape_cast %get3A_632 : vector<16xf32> to vector<16xf32>
    %add3A_634 = arith.constant 1.000000e-10 : f32
    %add3A_635 = vector.broadcast %add3A_634 : f32 to vector<16xf32>
    %add3A_636 = arith.addf %get3A_633, %add3A_635 : vector<16xf32>
    %div3A_637 = arith.divf %get3A_630, %add3A_636 : vector<16xf32>
    %add3A_638 = arith.addf %add3A_627, %div3A_637 : vector<16xf32>
    %get3A_639 = arith.constant 400 : index
    %get3A_640 = tpu.vector_load %arg7[%get3A_639] {strides = array<i32>} : memref<1280xf32, #tpu.memory_space<vmem>>, vector<16xf32>,
    %get3A_641 = vector.shape_cast %get3A_640 : vector<16xf32> to vector<16xf32>
    %get3A_642 = arith.constant 400 : index
    %get3A_643 = tpu.vector_load %arg8[%get3A_642] {strides = array<i32>} : memref<1280xf32, #tpu.memory_space<vmem>>, vector<16xf32>,
    %get3A_644 = vector.shape_cast %get3A_643 : vector<16xf32> to vector<16xf32>
    %add3A_645 = arith.constant 1.000000e-10 : f32
    %add3A_646 = vector.broadcast %add3A_645 : f32 to vector<16xf32>
    %add3A_647 = arith.addf %get3A_644, %add3A_646 : vector<16xf32>
    %div3A_648 = arith.divf %get3A_641, %add3A_647 : vector<16xf32>
    %add3A_649 = arith.addf %add3A_638, %div3A_648 : vector<16xf32>
    %get3A_650 = arith.constant 416 : index
    %get3A_651 = tpu.vector_load %arg7[%get3A_650] {strides = array<i32>} : memref<1280xf32, #tpu.memory_space<vmem>>, vector<16xf32>,
    %get3A_652 = vector.shape_cast %get3A_651 : vector<16xf32> to vector<16xf32>
    %get3A_653 = arith.constant 416 : index
    %get3A_654 = tpu.vector_load %arg8[%get3A_653] {strides = array<i32>} : memref<1280xf32, #tpu.memory_space<vmem>>, vector<16xf32>,
    %get3A_655 = vector.shape_cast %get3A_654 : vector<16xf32> to vector<16xf32>
    %add3A_656 = arith.constant 1.000000e-10 : f32
    %add3A_657 = vector.broadcast %add3A_656 : f32 to vector<16xf32>
    %add3A_658 = arith.addf %get3A_655, %add3A_657 : vector<16xf32>
    %div3A_659 = arith.divf %get3A_652, %add3A_658 : vector<16xf32>
    %add3A_660 = arith.addf %add3A_649, %div3A_659 : vector<16xf32>
    %get3A_661 = arith.constant 432 : index
    %get3A_662 = tpu.vector_load %arg7[%get3A_661] {strides = array<i32>} : memref<1280xf32, #tpu.memory_space<vmem>>, vector<16xf32>,
    %get3A_663 = vector.shape_cast %get3A_662 : vector<16xf32> to vector<16xf32>
    %get3A_664 = arith.constant 432 : index
    %get3A_665 = tpu.vector_load %arg8[%get3A_664] {strides = array<i32>} : memref<1280xf32, #tpu.memory_space<vmem>>, vector<16xf32>,
    %get3A_666 = vector.shape_cast %get3A_665 : vector<16xf32> to vector<16xf32>
    %add3A_667 = arith.constant 1.000000e-10 : f32
    %add3A_668 = vector.broadcast %add3A_667 : f32 to vector<16xf32>
    %add3A_669 = arith.addf %get3A_666, %add3A_668 : vector<16xf32>
    %div3A_670 = arith.divf %get3A_663, %add3A_669 : vector<16xf32>
    %add3A_671 = arith.addf %add3A_660, %div3A_670 : vector<16xf32>
    %get3A_672 = arith.constant 448 : index
    %get3A_673 = tpu.vector_load %arg7[%get3A_672] {strides = array<i32>} : memref<1280xf32, #tpu.memory_space<vmem>>, vector<16xf32>,
    %get3A_674 = vector.shape_cast %get3A_673 : vector<16xf32> to vector<16xf32>
    %get3A_675 = arith.constant 448 : index
    %get3A_676 = tpu.vector_load %arg8[%get3A_675] {strides = array<i32>} : memref<1280xf32, #tpu.memory_space<vmem>>, vector<16xf32>,
    %get3A_677 = vector.shape_cast %get3A_676 : vector<16xf32> to vector<16xf32>
    %add3A_678 = arith.constant 1.000000e-10 : f32
    %add3A_679 = vector.broadcast %add3A_678 : f32 to vector<16xf32>
    %add3A_680 = arith.addf %get3A_677, %add3A_679 : vector<16xf32>
    %div3A_681 = arith.divf %get3A_674, %add3A_680 : vector<16xf32>
    %add3A_682 = arith.addf %add3A_671, %div3A_681 : vector<16xf32>
    %get3A_683 = arith.constant 464 : index
    %get3A_684 = tpu.vector_load %arg7[%get3A_683] {strides = array<i32>} : memref<1280xf32, #tpu.memory_space<vmem>>, vector<16xf32>,
    %get3A_685 = vector.shape_cast %get3A_684 : vector<16xf32> to vector<16xf32>
    %get3A_686 = arith.constant 464 : index
    %get3A_687 = tpu.vector_load %arg8[%get3A_686] {strides = array<i32>} : memref<1280xf32, #tpu.memory_space<vmem>>, vector<16xf32>,
    %get3A_688 = vector.shape_cast %get3A_687 : vector<16xf32> to vector<16xf32>
    %add3A_689 = arith.constant 1.000000e-10 : f32
    %add3A_690 = vector.broadcast %add3A_689 : f32 to vector<16xf32>
    %add3A_691 = arith.addf %get3A_688, %add3A_690 : vector<16xf32>
    %div3A_692 = arith.divf %get3A_685, %add3A_691 : vector<16xf32>
    %add3A_693 = arith.addf %add3A_682, %div3A_692 : vector<16xf32>
    %get3A_694 = arith.constant 480 : index
    %get3A_695 = tpu.vector_load %arg7[%get3A_694] {strides = array<i32>} : memref<1280xf32, #tpu.memory_space<vmem>>, vector<16xf32>,
    %get3A_696 = vector.shape_cast %get3A_695 : vector<16xf32> to vector<16xf32>
    %get3A_697 = arith.constant 480 : index
    %get3A_698 = tpu.vector_load %arg8[%get3A_697] {strides = array<i32>} : memref<1280xf32, #tpu.memory_space<vmem>>, vector<16xf32>,
    %get3A_699 = vector.shape_cast %get3A_698 : vector<16xf32> to vector<16xf32>
    %add3A_700 = arith.constant 1.000000e-10 : f32
    %add3A_701 = vector.broadcast %add3A_700 : f32 to vector<16xf32>
    %add3A_702 = arith.addf %get3A_699, %add3A_701 : vector<16xf32>
    %div3A_703 = arith.divf %get3A_696, %add3A_702 : vector<16xf32>
    %add3A_704 = arith.addf %add3A_693, %div3A_703 : vector<16xf32>
    %get3A_705 = arith.constant 496 : index
    %get3A_706 = tpu.vector_load %arg7[%get3A_705] {strides = array<i32>} : memref<1280xf32, #tpu.memory_space<vmem>>, vector<16xf32>,
    %get3A_707 = vector.shape_cast %get3A_706 : vector<16xf32> to vector<16xf32>
    %get3A_708 = arith.constant 496 : index
    %get3A_709 = tpu.vector_load %arg8[%get3A_708] {strides = array<i32>} : memref<1280xf32, #tpu.memory_space<vmem>>, vector<16xf32>,
    %get3A_710 = vector.shape_cast %get3A_709 : vector<16xf32> to vector<16xf32>
    %add3A_711 = arith.constant 1.000000e-10 : f32
    %add3A_712 = vector.broadcast %add3A_711 : f32 to vector<16xf32>
    %add3A_713 = arith.addf %get3A_710, %add3A_712 : vector<16xf32>
    %div3A_714 = arith.divf %get3A_707, %add3A_713 : vector<16xf32>
    %add3A_715 = arith.addf %add3A_704, %div3A_714 : vector<16xf32>
    %get3A_716 = arith.constant 512 : index
    %get3A_717 = tpu.vector_load %arg7[%get3A_716] {strides = array<i32>} : memref<1280xf32, #tpu.memory_space<vmem>>, vector<16xf32>,
    %get3A_718 = vector.shape_cast %get3A_717 : vector<16xf32> to vector<16xf32>
    %get3A_719 = arith.constant 512 : index
    %get3A_720 = tpu.vector_load %arg8[%get3A_719] {strides = array<i32>} : memref<1280xf32, #tpu.memory_space<vmem>>, vector<16xf32>,
    %get3A_721 = vector.shape_cast %get3A_720 : vector<16xf32> to vector<16xf32>
    %add3A_722 = arith.constant 1.000000e-10 : f32
    %add3A_723 = vector.broadcast %add3A_722 : f32 to vector<16xf32>
    %add3A_724 = arith.addf %get3A_721, %add3A_723 : vector<16xf32>
    %div3A_725 = arith.divf %get3A_718, %add3A_724 : vector<16xf32>
    %add3A_726 = arith.addf %add3A_715, %div3A_725 : vector<16xf32>
    %get3A_727 = arith.constant 528 : index
    %get3A_728 = tpu.vector_load %arg7[%get3A_727] {strides = array<i32>} : memref<1280xf32, #tpu.memory_space<vmem>>, vector<16xf32>,
    %get3A_729 = vector.shape_cast %get3A_728 : vector<16xf32> to vector<16xf32>
    %get3A_730 = arith.constant 528 : index
    %get3A_731 = tpu.vector_load %arg8[%get3A_730] {strides = array<i32>} : memref<1280xf32, #tpu.memory_space<vmem>>, vector<16xf32>,
    %get3A_732 = vector.shape_cast %get3A_731 : vector<16xf32> to vector<16xf32>
    %add3A_733 = arith.constant 1.000000e-10 : f32
    %add3A_734 = vector.broadcast %add3A_733 : f32 to vector<16xf32>
    %add3A_735 = arith.addf %get3A_732, %add3A_734 : vector<16xf32>
    %div3A_736 = arith.divf %get3A_729, %add3A_735 : vector<16xf32>
    %add3A_737 = arith.addf %add3A_726, %div3A_736 : vector<16xf32>
    %get3A_738 = arith.constant 544 : index
    %get3A_739 = tpu.vector_load %arg7[%get3A_738] {strides = array<i32>} : memref<1280xf32, #tpu.memory_space<vmem>>, vector<16xf32>,
    %get3A_740 = vector.shape_cast %get3A_739 : vector<16xf32> to vector<16xf32>
    %get3A_741 = arith.constant 544 : index
    %get3A_742 = tpu.vector_load %arg8[%get3A_741] {strides = array<i32>} : memref<1280xf32, #tpu.memory_space<vmem>>, vector<16xf32>,
    %get3A_743 = vector.shape_cast %get3A_742 : vector<16xf32> to vector<16xf32>
    %add3A_744 = arith.constant 1.000000e-10 : f32
    %add3A_745 = vector.broadcast %add3A_744 : f32 to vector<16xf32>
    %add3A_746 = arith.addf %get3A_743, %add3A_745 : vector<16xf32>
    %div3A_747 = arith.divf %get3A_740, %add3A_746 : vector<16xf32>
    %add3A_748 = arith.addf %add3A_737, %div3A_747 : vector<16xf32>
    %get3A_749 = arith.constant 560 : index
    %get3A_750 = tpu.vector_load %arg7[%get3A_749] {strides = array<i32>} : memref<1280xf32, #tpu.memory_space<vmem>>, vector<16xf32>,
    %get3A_751 = vector.shape_cast %get3A_750 : vector<16xf32> to vector<16xf32>
    %get3A_752 = arith.constant 560 : index
    %get3A_753 = tpu.vector_load %arg8[%get3A_752] {strides = array<i32>} : memref<1280xf32, #tpu.memory_space<vmem>>, vector<16xf32>,
    %get3A_754 = vector.shape_cast %get3A_753 : vector<16xf32> to vector<16xf32>
    %add3A_755 = arith.constant 1.000000e-10 : f32
    %add3A_756 = vector.broadcast %add3A_755 : f32 to vector<16xf32>
    %add3A_757 = arith.addf %get3A_754, %add3A_756 : vector<16xf32>
    %div3A_758 = arith.divf %get3A_751, %add3A_757 : vector<16xf32>
    %add3A_759 = arith.addf %add3A_748, %div3A_758 : vector<16xf32>
    %get3A_760 = arith.constant 576 : index
    %get3A_761 = tpu.vector_load %arg7[%get3A_760] {strides = array<i32>} : memref<1280xf32, #tpu.memory_space<vmem>>, vector<16xf32>,
    %get3A_762 = vector.shape_cast %get3A_761 : vector<16xf32> to vector<16xf32>
    %get3A_763 = arith.constant 576 : index
    %get3A_764 = tpu.vector_load %arg8[%get3A_763] {strides = array<i32>} : memref<1280xf32, #tpu.memory_space<vmem>>, vector<16xf32>,
    %get3A_765 = vector.shape_cast %get3A_764 : vector<16xf32> to vector<16xf32>
    %add3A_766 = arith.constant 1.000000e-10 : f32
    %add3A_767 = vector.broadcast %add3A_766 : f32 to vector<16xf32>
    %add3A_768 = arith.addf %get3A_765, %add3A_767 : vector<16xf32>
    %div3A_769 = arith.divf %get3A_762, %add3A_768 : vector<16xf32>
    %add3A_770 = arith.addf %add3A_759, %div3A_769 : vector<16xf32>
    %get3A_771 = arith.constant 592 : index
    %get3A_772 = tpu.vector_load %arg7[%get3A_771] {strides = array<i32>} : memref<1280xf32, #tpu.memory_space<vmem>>, vector<16xf32>,
    %get3A_773 = vector.shape_cast %get3A_772 : vector<16xf32> to vector<16xf32>
    %get3A_774 = arith.constant 592 : index
    %get3A_775 = tpu.vector_load %arg8[%get3A_774] {strides = array<i32>} : memref<1280xf32, #tpu.memory_space<vmem>>, vector<16xf32>,
    %get3A_776 = vector.shape_cast %get3A_775 : vector<16xf32> to vector<16xf32>
    %add3A_777 = arith.constant 1.000000e-10 : f32
    %add3A_778 = vector.broadcast %add3A_777 : f32 to vector<16xf32>
    %add3A_779 = arith.addf %get3A_776, %add3A_778 : vector<16xf32>
    %div3A_780 = arith.divf %get3A_773, %add3A_779 : vector<16xf32>
    %add3A_781 = arith.addf %add3A_770, %div3A_780 : vector<16xf32>
    %get3A_782 = arith.constant 608 : index
    %get3A_783 = tpu.vector_load %arg7[%get3A_782] {strides = array<i32>} : memref<1280xf32, #tpu.memory_space<vmem>>, vector<16xf32>,
    %get3A_784 = vector.shape_cast %get3A_783 : vector<16xf32> to vector<16xf32>
    %get3A_785 = arith.constant 608 : index
    %get3A_786 = tpu.vector_load %arg8[%get3A_785] {strides = array<i32>} : memref<1280xf32, #tpu.memory_space<vmem>>, vector<16xf32>,
    %get3A_787 = vector.shape_cast %get3A_786 : vector<16xf32> to vector<16xf32>
    %add3A_788 = arith.constant 1.000000e-10 : f32
    %add3A_789 = vector.broadcast %add3A_788 : f32 to vector<16xf32>
    %add3A_790 = arith.addf %get3A_787, %add3A_789 : vector<16xf32>
    %div3A_791 = arith.divf %get3A_784, %add3A_790 : vector<16xf32>
    %add3A_792 = arith.addf %add3A_781, %div3A_791 : vector<16xf32>
    %get3A_793 = arith.constant 624 : index
    %get3A_794 = tpu.vector_load %arg7[%get3A_793] {strides = array<i32>} : memref<1280xf32, #tpu.memory_space<vmem>>, vector<16xf32>,
    %get3A_795 = vector.shape_cast %get3A_794 : vector<16xf32> to vector<16xf32>
    %get3A_796 = arith.constant 624 : index
    %get3A_797 = tpu.vector_load %arg8[%get3A_796] {strides = array<i32>} : memref<1280xf32, #tpu.memory_space<vmem>>, vector<16xf32>,
    %get3A_798 = vector.shape_cast %get3A_797 : vector<16xf32> to vector<16xf32>
    %add3A_799 = arith.constant 1.000000e-10 : f32
    %add3A_800 = vector.broadcast %add3A_799 : f32 to vector<16xf32>
    %add3A_801 = arith.addf %get3A_798, %add3A_800 : vector<16xf32>
    %div3A_802 = arith.divf %get3A_795, %add3A_801 : vector<16xf32>
    %add3A_803 = arith.addf %add3A_792, %div3A_802 : vector<16xf32>
    %get3A_804 = arith.constant 640 : index
    %get3A_805 = tpu.vector_load %arg7[%get3A_804] {strides = array<i32>} : memref<1280xf32, #tpu.memory_space<vmem>>, vector<16xf32>,
    %get3A_806 = vector.shape_cast %get3A_805 : vector<16xf32> to vector<16xf32>
    %get3A_807 = arith.constant 640 : index
    %get3A_808 = tpu.vector_load %arg8[%get3A_807] {strides = array<i32>} : memref<1280xf32, #tpu.memory_space<vmem>>, vector<16xf32>,
    %get3A_809 = vector.shape_cast %get3A_808 : vector<16xf32> to vector<16xf32>
    %add3A_810 = arith.constant 1.000000e-10 : f32
    %add3A_811 = vector.broadcast %add3A_810 : f32 to vector<16xf32>
    %add3A_812 = arith.addf %get3A_809, %add3A_811 : vector<16xf32>
    %div3A_813 = arith.divf %get3A_806, %add3A_812 : vector<16xf32>
    %add3A_814 = arith.addf %add3A_803, %div3A_813 : vector<16xf32>
    %get3A_815 = arith.constant 656 : index
    %get3A_816 = tpu.vector_load %arg7[%get3A_815] {strides = array<i32>} : memref<1280xf32, #tpu.memory_space<vmem>>, vector<16xf32>,
    %get3A_817 = vector.shape_cast %get3A_816 : vector<16xf32> to vector<16xf32>
    %get3A_818 = arith.constant 656 : index
    %get3A_819 = tpu.vector_load %arg8[%get3A_818] {strides = array<i32>} : memref<1280xf32, #tpu.memory_space<vmem>>, vector<16xf32>,
    %get3A_820 = vector.shape_cast %get3A_819 : vector<16xf32> to vector<16xf32>
    %add3A_821 = arith.constant 1.000000e-10 : f32
    %add3A_822 = vector.broadcast %add3A_821 : f32 to vector<16xf32>
    %add3A_823 = arith.addf %get3A_820, %add3A_822 : vector<16xf32>
    %div3A_824 = arith.divf %get3A_817, %add3A_823 : vector<16xf32>
    %add3A_825 = arith.addf %add3A_814, %div3A_824 : vector<16xf32>
    %get3A_826 = arith.constant 672 : index
    %get3A_827 = tpu.vector_load %arg7[%get3A_826] {strides = array<i32>} : memref<1280xf32, #tpu.memory_space<vmem>>, vector<16xf32>,
    %get3A_828 = vector.shape_cast %get3A_827 : vector<16xf32> to vector<16xf32>
    %get3A_829 = arith.constant 672 : index
    %get3A_830 = tpu.vector_load %arg8[%get3A_829] {strides = array<i32>} : memref<1280xf32, #tpu.memory_space<vmem>>, vector<16xf32>,
    %get3A_831 = vector.shape_cast %get3A_830 : vector<16xf32> to vector<16xf32>
    %add3A_832 = arith.constant 1.000000e-10 : f32
    %add3A_833 = vector.broadcast %add3A_832 : f32 to vector<16xf32>
    %add3A_834 = arith.addf %get3A_831, %add3A_833 : vector<16xf32>
    %div3A_835 = arith.divf %get3A_828, %add3A_834 : vector<16xf32>
    %add3A_836 = arith.addf %add3A_825, %div3A_835 : vector<16xf32>
    %get3A_837 = arith.constant 688 : index
    %get3A_838 = tpu.vector_load %arg7[%get3A_837] {strides = array<i32>} : memref<1280xf32, #tpu.memory_space<vmem>>, vector<16xf32>,
    %get3A_839 = vector.shape_cast %get3A_838 : vector<16xf32> to vector<16xf32>
    %get3A_840 = arith.constant 688 : index
    %get3A_841 = tpu.vector_load %arg8[%get3A_840] {strides = array<i32>} : memref<1280xf32, #tpu.memory_space<vmem>>, vector<16xf32>,
    %get3A_842 = vector.shape_cast %get3A_841 : vector<16xf32> to vector<16xf32>
    %add3A_843 = arith.constant 1.000000e-10 : f32
    %add3A_844 = vector.broadcast %add3A_843 : f32 to vector<16xf32>
    %add3A_845 = arith.addf %get3A_842, %add3A_844 : vector<16xf32>
    %div3A_846 = arith.divf %get3A_839, %add3A_845 : vector<16xf32>
    %add3A_847 = arith.addf %add3A_836, %div3A_846 : vector<16xf32>
    %get3A_848 = arith.constant 704 : index
    %get3A_849 = tpu.vector_load %arg7[%get3A_848] {strides = array<i32>} : memref<1280xf32, #tpu.memory_space<vmem>>, vector<16xf32>,
    %get3A_850 = vector.shape_cast %get3A_849 : vector<16xf32> to vector<16xf32>
    %get3A_851 = arith.constant 704 : index
    %get3A_852 = tpu.vector_load %arg8[%get3A_851] {strides = array<i32>} : memref<1280xf32, #tpu.memory_space<vmem>>, vector<16xf32>,
    %get3A_853 = vector.shape_cast %get3A_852 : vector<16xf32> to vector<16xf32>
    %add3A_854 = arith.constant 1.000000e-10 : f32
    %add3A_855 = vector.broadcast %add3A_854 : f32 to vector<16xf32>
    %add3A_856 = arith.addf %get3A_853, %add3A_855 : vector<16xf32>
    %div3A_857 = arith.divf %get3A_850, %add3A_856 : vector<16xf32>
    %add3A_858 = arith.addf %add3A_847, %div3A_857 : vector<16xf32>
    %get3A_859 = arith.constant 720 : index
    %get3A_860 = tpu.vector_load %arg7[%get3A_859] {strides = array<i32>} : memref<1280xf32, #tpu.memory_space<vmem>>, vector<16xf32>,
    %get3A_861 = vector.shape_cast %get3A_860 : vector<16xf32> to vector<16xf32>
    %get3A_862 = arith.constant 720 : index
    %get3A_863 = tpu.vector_load %arg8[%get3A_862] {strides = array<i32>} : memref<1280xf32, #tpu.memory_space<vmem>>, vector<16xf32>,
    %get3A_864 = vector.shape_cast %get3A_863 : vector<16xf32> to vector<16xf32>
    %add3A_865 = arith.constant 1.000000e-10 : f32
    %add3A_866 = vector.broadcast %add3A_865 : f32 to vector<16xf32>
    %add3A_867 = arith.addf %get3A_864, %add3A_866 : vector<16xf32>
    %div3A_868 = arith.divf %get3A_861, %add3A_867 : vector<16xf32>
    %add3A_869 = arith.addf %add3A_858, %div3A_868 : vector<16xf32>
    %get3A_870 = arith.constant 736 : index
    %get3A_871 = tpu.vector_load %arg7[%get3A_870] {strides = array<i32>} : memref<1280xf32, #tpu.memory_space<vmem>>, vector<16xf32>,
    %get3A_872 = vector.shape_cast %get3A_871 : vector<16xf32> to vector<16xf32>
    %get3A_873 = arith.constant 736 : index
    %get3A_874 = tpu.vector_load %arg8[%get3A_873] {strides = array<i32>} : memref<1280xf32, #tpu.memory_space<vmem>>, vector<16xf32>,
    %get3A_875 = vector.shape_cast %get3A_874 : vector<16xf32> to vector<16xf32>
    %add3A_876 = arith.constant 1.000000e-10 : f32
    %add3A_877 = vector.broadcast %add3A_876 : f32 to vector<16xf32>
    %add3A_878 = arith.addf %get3A_875, %add3A_877 : vector<16xf32>
    %div3A_879 = arith.divf %get3A_872, %add3A_878 : vector<16xf32>
    %add3A_880 = arith.addf %add3A_869, %div3A_879 : vector<16xf32>
    %get3A_881 = arith.constant 752 : index
    %get3A_882 = tpu.vector_load %arg7[%get3A_881] {strides = array<i32>} : memref<1280xf32, #tpu.memory_space<vmem>>, vector<16xf32>,
    %get3A_883 = vector.shape_cast %get3A_882 : vector<16xf32> to vector<16xf32>
    %get3A_884 = arith.constant 752 : index
    %get3A_885 = tpu.vector_load %arg8[%get3A_884] {strides = array<i32>} : memref<1280xf32, #tpu.memory_space<vmem>>, vector<16xf32>,
    %get3A_886 = vector.shape_cast %get3A_885 : vector<16xf32> to vector<16xf32>
    %add3A_887 = arith.constant 1.000000e-10 : f32
    %add3A_888 = vector.broadcast %add3A_887 : f32 to vector<16xf32>
    %add3A_889 = arith.addf %get3A_886, %add3A_888 : vector<16xf32>
    %div3A_890 = arith.divf %get3A_883, %add3A_889 : vector<16xf32>
    %add3A_891 = arith.addf %add3A_880, %div3A_890 : vector<16xf32>
    %get3A_892 = arith.constant 768 : index
    %get3A_893 = tpu.vector_load %arg7[%get3A_892] {strides = array<i32>} : memref<1280xf32, #tpu.memory_space<vmem>>, vector<16xf32>,
    %get3A_894 = vector.shape_cast %get3A_893 : vector<16xf32> to vector<16xf32>
    %get3A_895 = arith.constant 768 : index
    %get3A_896 = tpu.vector_load %arg8[%get3A_895] {strides = array<i32>} : memref<1280xf32, #tpu.memory_space<vmem>>, vector<16xf32>,
    %get3A_897 = vector.shape_cast %get3A_896 : vector<16xf32> to vector<16xf32>
    %add3A_898 = arith.constant 1.000000e-10 : f32
    %add3A_899 = vector.broadcast %add3A_898 : f32 to vector<16xf32>
    %add3A_900 = arith.addf %get3A_897, %add3A_899 : vector<16xf32>
    %div3A_901 = arith.divf %get3A_894, %add3A_900 : vector<16xf32>
    %add3A_902 = arith.addf %add3A_891, %div3A_901 : vector<16xf32>
    %get3A_903 = arith.constant 784 : index
    %get3A_904 = tpu.vector_load %arg7[%get3A_903] {strides = array<i32>} : memref<1280xf32, #tpu.memory_space<vmem>>, vector<16xf32>,
    %get3A_905 = vector.shape_cast %get3A_904 : vector<16xf32> to vector<16xf32>
    %get3A_906 = arith.constant 784 : index
    %get3A_907 = tpu.vector_load %arg8[%get3A_906] {strides = array<i32>} : memref<1280xf32, #tpu.memory_space<vmem>>, vector<16xf32>,
    %get3A_908 = vector.shape_cast %get3A_907 : vector<16xf32> to vector<16xf32>
    %add3A_909 = arith.constant 1.000000e-10 : f32
    %add3A_910 = vector.broadcast %add3A_909 : f32 to vector<16xf32>
    %add3A_911 = arith.addf %get3A_908, %add3A_910 : vector<16xf32>
    %div3A_912 = arith.divf %get3A_905, %add3A_911 : vector<16xf32>
    %add3A_913 = arith.addf %add3A_902, %div3A_912 : vector<16xf32>
    %get3A_914 = arith.constant 800 : index
    %get3A_915 = tpu.vector_load %arg7[%get3A_914] {strides = array<i32>} : memref<1280xf32, #tpu.memory_space<vmem>>, vector<16xf32>,
    %get3A_916 = vector.shape_cast %get3A_915 : vector<16xf32> to vector<16xf32>
    %get3A_917 = arith.constant 800 : index
    %get3A_918 = tpu.vector_load %arg8[%get3A_917] {strides = array<i32>} : memref<1280xf32, #tpu.memory_space<vmem>>, vector<16xf32>,
    %get3A_919 = vector.shape_cast %get3A_918 : vector<16xf32> to vector<16xf32>
    %add3A_920 = arith.constant 1.000000e-10 : f32
    %add3A_921 = vector.broadcast %add3A_920 : f32 to vector<16xf32>
    %add3A_922 = arith.addf %get3A_919, %add3A_921 : vector<16xf32>
    %div3A_923 = arith.divf %get3A_916, %add3A_922 : vector<16xf32>
    %add3A_924 = arith.addf %add3A_913, %div3A_923 : vector<16xf32>
    %get3A_925 = arith.constant 816 : index
    %get3A_926 = tpu.vector_load %arg7[%get3A_925] {strides = array<i32>} : memref<1280xf32, #tpu.memory_space<vmem>>, vector<16xf32>,
    %get3A_927 = vector.shape_cast %get3A_926 : vector<16xf32> to vector<16xf32>
    %get3A_928 = arith.constant 816 : index
    %get3A_929 = tpu.vector_load %arg8[%get3A_928] {strides = array<i32>} : memref<1280xf32, #tpu.memory_space<vmem>>, vector<16xf32>,
    %get3A_930 = vector.shape_cast %get3A_929 : vector<16xf32> to vector<16xf32>
    %add3A_931 = arith.constant 1.000000e-10 : f32
    %add3A_932 = vector.broadcast %add3A_931 : f32 to vector<16xf32>
    %add3A_933 = arith.addf %get3A_930, %add3A_932 : vector<16xf32>
    %div3A_934 = arith.divf %get3A_927, %add3A_933 : vector<16xf32>
    %add3A_935 = arith.addf %add3A_924, %div3A_934 : vector<16xf32>
    %get3A_936 = arith.constant 832 : index
    %get3A_937 = tpu.vector_load %arg7[%get3A_936] {strides = array<i32>} : memref<1280xf32, #tpu.memory_space<vmem>>, vector<16xf32>,
    %get3A_938 = vector.shape_cast %get3A_937 : vector<16xf32> to vector<16xf32>
    %get3A_939 = arith.constant 832 : index
    %get3A_940 = tpu.vector_load %arg8[%get3A_939] {strides = array<i32>} : memref<1280xf32, #tpu.memory_space<vmem>>, vector<16xf32>,
    %get3A_941 = vector.shape_cast %get3A_940 : vector<16xf32> to vector<16xf32>
    %add3A_942 = arith.constant 1.000000e-10 : f32
    %add3A_943 = vector.broadcast %add3A_942 : f32 to vector<16xf32>
    %add3A_944 = arith.addf %get3A_941, %add3A_943 : vector<16xf32>
    %div3A_945 = arith.divf %get3A_938, %add3A_944 : vector<16xf32>
    %add3A_946 = arith.addf %add3A_935, %div3A_945 : vector<16xf32>
    %get3A_947 = arith.constant 848 : index
    %get3A_948 = tpu.vector_load %arg7[%get3A_947] {strides = array<i32>} : memref<1280xf32, #tpu.memory_space<vmem>>, vector<16xf32>,
    %get3A_949 = vector.shape_cast %get3A_948 : vector<16xf32> to vector<16xf32>
    %get3A_950 = arith.constant 848 : index
    %get3A_951 = tpu.vector_load %arg8[%get3A_950] {strides = array<i32>} : memref<1280xf32, #tpu.memory_space<vmem>>, vector<16xf32>,
    %get3A_952 = vector.shape_cast %get3A_951 : vector<16xf32> to vector<16xf32>
    %add3A_953 = arith.constant 1.000000e-10 : f32
    %add3A_954 = vector.broadcast %add3A_953 : f32 to vector<16xf32>
    %add3A_955 = arith.addf %get3A_952, %add3A_954 : vector<16xf32>
    %div3A_956 = arith.divf %get3A_949, %add3A_955 : vector<16xf32>
    %add3A_957 = arith.addf %add3A_946, %div3A_956 : vector<16xf32>
    %get3A_958 = arith.constant 864 : index
    %get3A_959 = tpu.vector_load %arg7[%get3A_958] {strides = array<i32>} : memref<1280xf32, #tpu.memory_space<vmem>>, vector<16xf32>,
    %get3A_960 = vector.shape_cast %get3A_959 : vector<16xf32> to vector<16xf32>
    %get3A_961 = arith.constant 864 : index
    %get3A_962 = tpu.vector_load %arg8[%get3A_961] {strides = array<i32>} : memref<1280xf32, #tpu.memory_space<vmem>>, vector<16xf32>,
    %get3A_963 = vector.shape_cast %get3A_962 : vector<16xf32> to vector<16xf32>
    %add3A_964 = arith.constant 1.000000e-10 : f32
    %add3A_965 = vector.broadcast %add3A_964 : f32 to vector<16xf32>
    %add3A_966 = arith.addf %get3A_963, %add3A_965 : vector<16xf32>
    %div3A_967 = arith.divf %get3A_960, %add3A_966 : vector<16xf32>
    %add3A_968 = arith.addf %add3A_957, %div3A_967 : vector<16xf32>
    %get3A_969 = arith.constant 880 : index
    %get3A_970 = tpu.vector_load %arg7[%get3A_969] {strides = array<i32>} : memref<1280xf32, #tpu.memory_space<vmem>>, vector<16xf32>,
    %get3A_971 = vector.shape_cast %get3A_970 : vector<16xf32> to vector<16xf32>
    %get3A_972 = arith.constant 880 : index
    %get3A_973 = tpu.vector_load %arg8[%get3A_972] {strides = array<i32>} : memref<1280xf32, #tpu.memory_space<vmem>>, vector<16xf32>,
    %get3A_974 = vector.shape_cast %get3A_973 : vector<16xf32> to vector<16xf32>
    %add3A_975 = arith.constant 1.000000e-10 : f32
    %add3A_976 = vector.broadcast %add3A_975 : f32 to vector<16xf32>
    %add3A_977 = arith.addf %get3A_974, %add3A_976 : vector<16xf32>
    %div3A_978 = arith.divf %get3A_971, %add3A_977 : vector<16xf32>
    %add3A_979 = arith.addf %add3A_968, %div3A_978 : vector<16xf32>
    %get3A_980 = arith.constant 896 : index
    %get3A_981 = tpu.vector_load %arg7[%get3A_980] {strides = array<i32>} : memref<1280xf32, #tpu.memory_space<vmem>>, vector<16xf32>,
    %get3A_982 = vector.shape_cast %get3A_981 : vector<16xf32> to vector<16xf32>
    %get3A_983 = arith.constant 896 : index
    %get3A_984 = tpu.vector_load %arg8[%get3A_983] {strides = array<i32>} : memref<1280xf32, #tpu.memory_space<vmem>>, vector<16xf32>,
    %get3A_985 = vector.shape_cast %get3A_984 : vector<16xf32> to vector<16xf32>
    %add3A_986 = arith.constant 1.000000e-10 : f32
    %add3A_987 = vector.broadcast %add3A_986 : f32 to vector<16xf32>
    %add3A_988 = arith.addf %get3A_985, %add3A_987 : vector<16xf32>
    %div3A_989 = arith.divf %get3A_982, %add3A_988 : vector<16xf32>
    %add3A_990 = arith.addf %add3A_979, %div3A_989 : vector<16xf32>
    %get3A_991 = arith.constant 912 : index
    %get3A_992 = tpu.vector_load %arg7[%get3A_991] {strides = array<i32>} : memref<1280xf32, #tpu.memory_space<vmem>>, vector<16xf32>,
    %get3A_993 = vector.shape_cast %get3A_992 : vector<16xf32> to vector<16xf32>
    %get3A_994 = arith.constant 912 : index
    %get3A_995 = tpu.vector_load %arg8[%get3A_994] {strides = array<i32>} : memref<1280xf32, #tpu.memory_space<vmem>>, vector<16xf32>,
    %get3A_996 = vector.shape_cast %get3A_995 : vector<16xf32> to vector<16xf32>
    %add3A_997 = arith.constant 1.000000e-10 : f32
    %add3A_998 = vector.broadcast %add3A_997 : f32 to vector<16xf32>
    %add3A_999 = arith.addf %get3A_996, %add3A_998 : vector<16xf32>
    %div3A_1000 = arith.divf %get3A_993, %add3A_999 : vector<16xf32>
    %add3A_1001 = arith.addf %add3A_990, %div3A_1000 : vector<16xf32>
    %get3A_1002 = arith.constant 928 : index
    %get3A_1003 = tpu.vector_load %arg7[%get3A_1002] {strides = array<i32>} : memref<1280xf32, #tpu.memory_space<vmem>>, vector<16xf32>,
    %get3A_1004 = vector.shape_cast %get3A_1003 : vector<16xf32> to vector<16xf32>
    %get3A_1005 = arith.constant 928 : index
    %get3A_1006 = tpu.vector_load %arg8[%get3A_1005] {strides = array<i32>} : memref<1280xf32, #tpu.memory_space<vmem>>, vector<16xf32>,
    %get3A_1007 = vector.shape_cast %get3A_1006 : vector<16xf32> to vector<16xf32>
    %add3A_1008 = arith.constant 1.000000e-10 : f32
    %add3A_1009 = vector.broadcast %add3A_1008 : f32 to vector<16xf32>
    %add3A_1010 = arith.addf %get3A_1007, %add3A_1009 : vector<16xf32>
    %div3A_1011 = arith.divf %get3A_1004, %add3A_1010 : vector<16xf32>
    %add3A_1012 = arith.addf %add3A_1001, %div3A_1011 : vector<16xf32>
    %get3A_1013 = arith.constant 944 : index
    %get3A_1014 = tpu.vector_load %arg7[%get3A_1013] {strides = array<i32>} : memref<1280xf32, #tpu.memory_space<vmem>>, vector<16xf32>,
    %get3A_1015 = vector.shape_cast %get3A_1014 : vector<16xf32> to vector<16xf32>
    %get3A_1016 = arith.constant 944 : index
    %get3A_1017 = tpu.vector_load %arg8[%get3A_1016] {strides = array<i32>} : memref<1280xf32, #tpu.memory_space<vmem>>, vector<16xf32>,
    %get3A_1018 = vector.shape_cast %get3A_1017 : vector<16xf32> to vector<16xf32>
    %add3A_1019 = arith.constant 1.000000e-10 : f32
    %add3A_1020 = vector.broadcast %add3A_1019 : f32 to vector<16xf32>
    %add3A_1021 = arith.addf %get3A_1018, %add3A_1020 : vector<16xf32>
    %div3A_1022 = arith.divf %get3A_1015, %add3A_1021 : vector<16xf32>
    %add3A_1023 = arith.addf %add3A_1012, %div3A_1022 : vector<16xf32>
    %get3A_1024 = arith.constant 960 : index
    %get3A_1025 = tpu.vector_load %arg7[%get3A_1024] {strides = array<i32>} : memref<1280xf32, #tpu.memory_space<vmem>>, vector<16xf32>,
    %get3A_1026 = vector.shape_cast %get3A_1025 : vector<16xf32> to vector<16xf32>
    %get3A_1027 = arith.constant 960 : index
    %get3A_1028 = tpu.vector_load %arg8[%get3A_1027] {strides = array<i32>} : memref<1280xf32, #tpu.memory_space<vmem>>, vector<16xf32>,
    %get3A_1029 = vector.shape_cast %get3A_1028 : vector<16xf32> to vector<16xf32>
    %add3A_1030 = arith.constant 1.000000e-10 : f32
    %add3A_1031 = vector.broadcast %add3A_1030 : f32 to vector<16xf32>
    %add3A_1032 = arith.addf %get3A_1029, %add3A_1031 : vector<16xf32>
    %div3A_1033 = arith.divf %get3A_1026, %add3A_1032 : vector<16xf32>
    %add3A_1034 = arith.addf %add3A_1023, %div3A_1033 : vector<16xf32>
    %get3A_1035 = arith.constant 976 : index
    %get3A_1036 = tpu.vector_load %arg7[%get3A_1035] {strides = array<i32>} : memref<1280xf32, #tpu.memory_space<vmem>>, vector<16xf32>,
    %get3A_1037 = vector.shape_cast %get3A_1036 : vector<16xf32> to vector<16xf32>
    %get3A_1038 = arith.constant 976 : index
    %get3A_1039 = tpu.vector_load %arg8[%get3A_1038] {strides = array<i32>} : memref<1280xf32, #tpu.memory_space<vmem>>, vector<16xf32>,
    %get3A_1040 = vector.shape_cast %get3A_1039 : vector<16xf32> to vector<16xf32>
    %add3A_1041 = arith.constant 1.000000e-10 : f32
    %add3A_1042 = vector.broadcast %add3A_1041 : f32 to vector<16xf32>
    %add3A_1043 = arith.addf %get3A_1040, %add3A_1042 : vector<16xf32>
    %div3A_1044 = arith.divf %get3A_1037, %add3A_1043 : vector<16xf32>
    %add3A_1045 = arith.addf %add3A_1034, %div3A_1044 : vector<16xf32>
    %get3A_1046 = arith.constant 992 : index
    %get3A_1047 = tpu.vector_load %arg7[%get3A_1046] {strides = array<i32>} : memref<1280xf32, #tpu.memory_space<vmem>>, vector<16xf32>,
    %get3A_1048 = vector.shape_cast %get3A_1047 : vector<16xf32> to vector<16xf32>
    %get3A_1049 = arith.constant 992 : index
    %get3A_1050 = tpu.vector_load %arg8[%get3A_1049] {strides = array<i32>} : memref<1280xf32, #tpu.memory_space<vmem>>, vector<16xf32>,
    %get3A_1051 = vector.shape_cast %get3A_1050 : vector<16xf32> to vector<16xf32>
    %add3A_1052 = arith.constant 1.000000e-10 : f32
    %add3A_1053 = vector.broadcast %add3A_1052 : f32 to vector<16xf32>
    %add3A_1054 = arith.addf %get3A_1051, %add3A_1053 : vector<16xf32>
    %div3A_1055 = arith.divf %get3A_1048, %add3A_1054 : vector<16xf32>
    %add3A_1056 = arith.addf %add3A_1045, %div3A_1055 : vector<16xf32>
    %get3A_1057 = arith.constant 1008 : index
    %get3A_1058 = tpu.vector_load %arg7[%get3A_1057] {strides = array<i32>} : memref<1280xf32, #tpu.memory_space<vmem>>, vector<16xf32>,
    %get3A_1059 = vector.shape_cast %get3A_1058 : vector<16xf32> to vector<16xf32>
    %get3A_1060 = arith.constant 1008 : index
    %get3A_1061 = tpu.vector_load %arg8[%get3A_1060] {strides = array<i32>} : memref<1280xf32, #tpu.memory_space<vmem>>, vector<16xf32>,
    %get3A_1062 = vector.shape_cast %get3A_1061 : vector<16xf32> to vector<16xf32>
    %add3A_1063 = arith.constant 1.000000e-10 : f32
    %add3A_1064 = vector.broadcast %add3A_1063 : f32 to vector<16xf32>
    %add3A_1065 = arith.addf %get3A_1062, %add3A_1064 : vector<16xf32>
    %div3A_1066 = arith.divf %get3A_1059, %add3A_1065 : vector<16xf32>
    %add3A_1067 = arith.addf %add3A_1056, %div3A_1066 : vector<16xf32>
    %get3A_1068 = arith.constant 1024 : index
    %get3A_1069 = tpu.vector_load %arg7[%get3A_1068] {strides = array<i32>} : memref<1280xf32, #tpu.memory_space<vmem>>, vector<16xf32>,
    %get3A_1070 = vector.shape_cast %get3A_1069 : vector<16xf32> to vector<16xf32>
    %get3A_1071 = arith.constant 1024 : index
    %get3A_1072 = tpu.vector_load %arg8[%get3A_1071] {strides = array<i32>} : memref<1280xf32, #tpu.memory_space<vmem>>, vector<16xf32>,
    %get3A_1073 = vector.shape_cast %get3A_1072 : vector<16xf32> to vector<16xf32>
    %add3A_1074 = arith.constant 1.000000e-10 : f32
    %add3A_1075 = vector.broadcast %add3A_1074 : f32 to vector<16xf32>
    %add3A_1076 = arith.addf %get3A_1073, %add3A_1075 : vector<16xf32>
    %div3A_1077 = arith.divf %get3A_1070, %add3A_1076 : vector<16xf32>
    %add3A_1078 = arith.addf %add3A_1067, %div3A_1077 : vector<16xf32>
    %get3A_1079 = arith.constant 1040 : index
    %get3A_1080 = tpu.vector_load %arg7[%get3A_1079] {strides = array<i32>} : memref<1280xf32, #tpu.memory_space<vmem>>, vector<16xf32>,
    %get3A_1081 = vector.shape_cast %get3A_1080 : vector<16xf32> to vector<16xf32>
    %get3A_1082 = arith.constant 1040 : index
    %get3A_1083 = tpu.vector_load %arg8[%get3A_1082] {strides = array<i32>} : memref<1280xf32, #tpu.memory_space<vmem>>, vector<16xf32>,
    %get3A_1084 = vector.shape_cast %get3A_1083 : vector<16xf32> to vector<16xf32>
    %add3A_1085 = arith.constant 1.000000e-10 : f32
    %add3A_1086 = vector.broadcast %add3A_1085 : f32 to vector<16xf32>
    %add3A_1087 = arith.addf %get3A_1084, %add3A_1086 : vector<16xf32>
    %div3A_1088 = arith.divf %get3A_1081, %add3A_1087 : vector<16xf32>
    %add3A_1089 = arith.addf %add3A_1078, %div3A_1088 : vector<16xf32>
    %get3A_1090 = arith.constant 1056 : index
    %get3A_1091 = tpu.vector_load %arg7[%get3A_1090] {strides = array<i32>} : memref<1280xf32, #tpu.memory_space<vmem>>, vector<16xf32>,
    %get3A_1092 = vector.shape_cast %get3A_1091 : vector<16xf32> to vector<16xf32>
    %get3A_1093 = arith.constant 1056 : index
    %get3A_1094 = tpu.vector_load %arg8[%get3A_1093] {strides = array<i32>} : memref<1280xf32, #tpu.memory_space<vmem>>, vector<16xf32>,
    %get3A_1095 = vector.shape_cast %get3A_1094 : vector<16xf32> to vector<16xf32>
    %add3A_1096 = arith.constant 1.000000e-10 : f32
    %add3A_1097 = vector.broadcast %add3A_1096 : f32 to vector<16xf32>
    %add3A_1098 = arith.addf %get3A_1095, %add3A_1097 : vector<16xf32>
    %div3A_1099 = arith.divf %get3A_1092, %add3A_1098 : vector<16xf32>
    %add3A_1100 = arith.addf %add3A_1089, %div3A_1099 : vector<16xf32>
    %get3A_1101 = arith.constant 1072 : index
    %get3A_1102 = tpu.vector_load %arg7[%get3A_1101] {strides = array<i32>} : memref<1280xf32, #tpu.memory_space<vmem>>, vector<16xf32>,
    %get3A_1103 = vector.shape_cast %get3A_1102 : vector<16xf32> to vector<16xf32>
    %get3A_1104 = arith.constant 1072 : index
    %get3A_1105 = tpu.vector_load %arg8[%get3A_1104] {strides = array<i32>} : memref<1280xf32, #tpu.memory_space<vmem>>, vector<16xf32>,
    %get3A_1106 = vector.shape_cast %get3A_1105 : vector<16xf32> to vector<16xf32>
    %add3A_1107 = arith.constant 1.000000e-10 : f32
    %add3A_1108 = vector.broadcast %add3A_1107 : f32 to vector<16xf32>
    %add3A_1109 = arith.addf %get3A_1106, %add3A_1108 : vector<16xf32>
    %div3A_1110 = arith.divf %get3A_1103, %add3A_1109 : vector<16xf32>
    %add3A_1111 = arith.addf %add3A_1100, %div3A_1110 : vector<16xf32>
    %get3A_1112 = arith.constant 1088 : index
    %get3A_1113 = tpu.vector_load %arg7[%get3A_1112] {strides = array<i32>} : memref<1280xf32, #tpu.memory_space<vmem>>, vector<16xf32>,
    %get3A_1114 = vector.shape_cast %get3A_1113 : vector<16xf32> to vector<16xf32>
    %get3A_1115 = arith.constant 1088 : index
    %get3A_1116 = tpu.vector_load %arg8[%get3A_1115] {strides = array<i32>} : memref<1280xf32, #tpu.memory_space<vmem>>, vector<16xf32>,
    %get3A_1117 = vector.shape_cast %get3A_1116 : vector<16xf32> to vector<16xf32>
    %add3A_1118 = arith.constant 1.000000e-10 : f32
    %add3A_1119 = vector.broadcast %add3A_1118 : f32 to vector<16xf32>
    %add3A_1120 = arith.addf %get3A_1117, %add3A_1119 : vector<16xf32>
    %div3A_1121 = arith.divf %get3A_1114, %add3A_1120 : vector<16xf32>
    %add3A_1122 = arith.addf %add3A_1111, %div3A_1121 : vector<16xf32>
    %get3A_1123 = arith.constant 1104 : index
    %get3A_1124 = tpu.vector_load %arg7[%get3A_1123] {strides = array<i32>} : memref<1280xf32, #tpu.memory_space<vmem>>, vector<16xf32>,
    %get3A_1125 = vector.shape_cast %get3A_1124 : vector<16xf32> to vector<16xf32>
    %get3A_1126 = arith.constant 1104 : index
    %get3A_1127 = tpu.vector_load %arg8[%get3A_1126] {strides = array<i32>} : memref<1280xf32, #tpu.memory_space<vmem>>, vector<16xf32>,
    %get3A_1128 = vector.shape_cast %get3A_1127 : vector<16xf32> to vector<16xf32>
    %add3A_1129 = arith.constant 1.000000e-10 : f32
    %add3A_1130 = vector.broadcast %add3A_1129 : f32 to vector<16xf32>
    %add3A_1131 = arith.addf %get3A_1128, %add3A_1130 : vector<16xf32>
    %div3A_1132 = arith.divf %get3A_1125, %add3A_1131 : vector<16xf32>
    %add3A_1133 = arith.addf %add3A_1122, %div3A_1132 : vector<16xf32>
    %get3A_1134 = arith.constant 1120 : index
    %get3A_1135 = tpu.vector_load %arg7[%get3A_1134] {strides = array<i32>} : memref<1280xf32, #tpu.memory_space<vmem>>, vector<16xf32>,
    %get3A_1136 = vector.shape_cast %get3A_1135 : vector<16xf32> to vector<16xf32>
    %get3A_1137 = arith.constant 1120 : index
    %get3A_1138 = tpu.vector_load %arg8[%get3A_1137] {strides = array<i32>} : memref<1280xf32, #tpu.memory_space<vmem>>, vector<16xf32>,
    %get3A_1139 = vector.shape_cast %get3A_1138 : vector<16xf32> to vector<16xf32>
    %add3A_1140 = arith.constant 1.000000e-10 : f32
    %add3A_1141 = vector.broadcast %add3A_1140 : f32 to vector<16xf32>
    %add3A_1142 = arith.addf %get3A_1139, %add3A_1141 : vector<16xf32>
    %div3A_1143 = arith.divf %get3A_1136, %add3A_1142 : vector<16xf32>
    %add3A_1144 = arith.addf %add3A_1133, %div3A_1143 : vector<16xf32>
    %get3A_1145 = arith.constant 1136 : index
    %get3A_1146 = tpu.vector_load %arg7[%get3A_1145] {strides = array<i32>} : memref<1280xf32, #tpu.memory_space<vmem>>, vector<16xf32>,
    %get3A_1147 = vector.shape_cast %get3A_1146 : vector<16xf32> to vector<16xf32>
    %get3A_1148 = arith.constant 1136 : index
    %get3A_1149 = tpu.vector_load %arg8[%get3A_1148] {strides = array<i32>} : memref<1280xf32, #tpu.memory_space<vmem>>, vector<16xf32>,
    %get3A_1150 = vector.shape_cast %get3A_1149 : vector<16xf32> to vector<16xf32>
    %add3A_1151 = arith.constant 1.000000e-10 : f32
    %add3A_1152 = vector.broadcast %add3A_1151 : f32 to vector<16xf32>
    %add3A_1153 = arith.addf %get3A_1150, %add3A_1152 : vector<16xf32>
    %div3A_1154 = arith.divf %get3A_1147, %add3A_1153 : vector<16xf32>
    %add3A_1155 = arith.addf %add3A_1144, %div3A_1154 : vector<16xf32>
    %get3A_1156 = arith.constant 1152 : index
    %get3A_1157 = tpu.vector_load %arg7[%get3A_1156] {strides = array<i32>} : memref<1280xf32, #tpu.memory_space<vmem>>, vector<16xf32>,
    %get3A_1158 = vector.shape_cast %get3A_1157 : vector<16xf32> to vector<16xf32>
    %get3A_1159 = arith.constant 1152 : index
    %get3A_1160 = tpu.vector_load %arg8[%get3A_1159] {strides = array<i32>} : memref<1280xf32, #tpu.memory_space<vmem>>, vector<16xf32>,
    %get3A_1161 = vector.shape_cast %get3A_1160 : vector<16xf32> to vector<16xf32>
    %add3A_1162 = arith.constant 1.000000e-10 : f32
    %add3A_1163 = vector.broadcast %add3A_1162 : f32 to vector<16xf32>
    %add3A_1164 = arith.addf %get3A_1161, %add3A_1163 : vector<16xf32>
    %div3A_1165 = arith.divf %get3A_1158, %add3A_1164 : vector<16xf32>
    %add3A_1166 = arith.addf %add3A_1155, %div3A_1165 : vector<16xf32>
    %get3A_1167 = arith.constant 1168 : index
    %get3A_1168 = tpu.vector_load %arg7[%get3A_1167] {strides = array<i32>} : memref<1280xf32, #tpu.memory_space<vmem>>, vector<16xf32>,
    %get3A_1169 = vector.shape_cast %get3A_1168 : vector<16xf32> to vector<16xf32>
    %get3A_1170 = arith.constant 1168 : index
    %get3A_1171 = tpu.vector_load %arg8[%get3A_1170] {strides = array<i32>} : memref<1280xf32, #tpu.memory_space<vmem>>, vector<16xf32>,
    %get3A_1172 = vector.shape_cast %get3A_1171 : vector<16xf32> to vector<16xf32>
    %add3A_1173 = arith.constant 1.000000e-10 : f32
    %add3A_1174 = vector.broadcast %add3A_1173 : f32 to vector<16xf32>
    %add3A_1175 = arith.addf %get3A_1172, %add3A_1174 : vector<16xf32>
    %div3A_1176 = arith.divf %get3A_1169, %add3A_1175 : vector<16xf32>
    %add3A_1177 = arith.addf %add3A_1166, %div3A_1176 : vector<16xf32>
    %get3A_1178 = arith.constant 1184 : index
    %get3A_1179 = tpu.vector_load %arg7[%get3A_1178] {strides = array<i32>} : memref<1280xf32, #tpu.memory_space<vmem>>, vector<16xf32>,
    %get3A_1180 = vector.shape_cast %get3A_1179 : vector<16xf32> to vector<16xf32>
    %get3A_1181 = arith.constant 1184 : index
    %get3A_1182 = tpu.vector_load %arg8[%get3A_1181] {strides = array<i32>} : memref<1280xf32, #tpu.memory_space<vmem>>, vector<16xf32>,
    %get3A_1183 = vector.shape_cast %get3A_1182 : vector<16xf32> to vector<16xf32>
    %add3A_1184 = arith.constant 1.000000e-10 : f32
    %add3A_1185 = vector.broadcast %add3A_1184 : f32 to vector<16xf32>
    %add3A_1186 = arith.addf %get3A_1183, %add3A_1185 : vector<16xf32>
    %div3A_1187 = arith.divf %get3A_1180, %add3A_1186 : vector<16xf32>
    %add3A_1188 = arith.addf %add3A_1177, %div3A_1187 : vector<16xf32>
    %get3A_1189 = arith.constant 1200 : index
    %get3A_1190 = tpu.vector_load %arg7[%get3A_1189] {strides = array<i32>} : memref<1280xf32, #tpu.memory_space<vmem>>, vector<16xf32>,
    %get3A_1191 = vector.shape_cast %get3A_1190 : vector<16xf32> to vector<16xf32>
    %get3A_1192 = arith.constant 1200 : index
    %get3A_1193 = tpu.vector_load %arg8[%get3A_1192] {strides = array<i32>} : memref<1280xf32, #tpu.memory_space<vmem>>, vector<16xf32>,
    %get3A_1194 = vector.shape_cast %get3A_1193 : vector<16xf32> to vector<16xf32>
    %add3A_1195 = arith.constant 1.000000e-10 : f32
    %add3A_1196 = vector.broadcast %add3A_1195 : f32 to vector<16xf32>
    %add3A_1197 = arith.addf %get3A_1194, %add3A_1196 : vector<16xf32>
    %div3A_1198 = arith.divf %get3A_1191, %add3A_1197 : vector<16xf32>
    %add3A_1199 = arith.addf %add3A_1188, %div3A_1198 : vector<16xf32>
    %get3A_1200 = arith.constant 1216 : index
    %get3A_1201 = tpu.vector_load %arg7[%get3A_1200] {strides = array<i32>} : memref<1280xf32, #tpu.memory_space<vmem>>, vector<16xf32>,
    %get3A_1202 = vector.shape_cast %get3A_1201 : vector<16xf32> to vector<16xf32>
    %get3A_1203 = arith.constant 1216 : index
    %get3A_1204 = tpu.vector_load %arg8[%get3A_1203] {strides = array<i32>} : memref<1280xf32, #tpu.memory_space<vmem>>, vector<16xf32>,
    %get3A_1205 = vector.shape_cast %get3A_1204 : vector<16xf32> to vector<16xf32>
    %add3A_1206 = arith.constant 1.000000e-10 : f32
    %add3A_1207 = vector.broadcast %add3A_1206 : f32 to vector<16xf32>
    %add3A_1208 = arith.addf %get3A_1205, %add3A_1207 : vector<16xf32>
    %div3A_1209 = arith.divf %get3A_1202, %add3A_1208 : vector<16xf32>
    %add3A_1210 = arith.addf %add3A_1199, %div3A_1209 : vector<16xf32>
    %get3A_1211 = arith.constant 1232 : index
    %get3A_1212 = tpu.vector_load %arg7[%get3A_1211] {strides = array<i32>} : memref<1280xf32, #tpu.memory_space<vmem>>, vector<16xf32>,
    %get3A_1213 = vector.shape_cast %get3A_1212 : vector<16xf32> to vector<16xf32>
    %get3A_1214 = arith.constant 1232 : index
    %get3A_1215 = tpu.vector_load %arg8[%get3A_1214] {strides = array<i32>} : memref<1280xf32, #tpu.memory_space<vmem>>, vector<16xf32>,
    %get3A_1216 = vector.shape_cast %get3A_1215 : vector<16xf32> to vector<16xf32>
    %add3A_1217 = arith.constant 1.000000e-10 : f32
    %add3A_1218 = vector.broadcast %add3A_1217 : f32 to vector<16xf32>
    %add3A_1219 = arith.addf %get3A_1216, %add3A_1218 : vector<16xf32>
    %div3A_1220 = arith.divf %get3A_1213, %add3A_1219 : vector<16xf32>
    %add3A_1221 = arith.addf %add3A_1210, %div3A_1220 : vector<16xf32>
    %get3A_1222 = arith.constant 1248 : index
    %get3A_1223 = tpu.vector_load %arg7[%get3A_1222] {strides = array<i32>} : memref<1280xf32, #tpu.memory_space<vmem>>, vector<16xf32>,
    %get3A_1224 = vector.shape_cast %get3A_1223 : vector<16xf32> to vector<16xf32>
    %get3A_1225 = arith.constant 1248 : index
    %get3A_1226 = tpu.vector_load %arg8[%get3A_1225] {strides = array<i32>} : memref<1280xf32, #tpu.memory_space<vmem>>, vector<16xf32>,
    %get3A_1227 = vector.shape_cast %get3A_1226 : vector<16xf32> to vector<16xf32>
    %add3A_1228 = arith.constant 1.000000e-10 : f32
    %add3A_1229 = vector.broadcast %add3A_1228 : f32 to vector<16xf32>
    %add3A_1230 = arith.addf %get3A_1227, %add3A_1229 : vector<16xf32>
    %div3A_1231 = arith.divf %get3A_1224, %add3A_1230 : vector<16xf32>
    %add3A_1232 = arith.addf %add3A_1221, %div3A_1231 : vector<16xf32>
    %get3A_1233 = arith.constant 1264 : index
    %get3A_1234 = tpu.vector_load %arg7[%get3A_1233] {strides = array<i32>} : memref<1280xf32, #tpu.memory_space<vmem>>, vector<16xf32>,
    %get3A_1235 = vector.shape_cast %get3A_1234 : vector<16xf32> to vector<16xf32>
    %get3A_1236 = arith.constant 1264 : index
    %get3A_1237 = tpu.vector_load %arg8[%get3A_1236] {strides = array<i32>} : memref<1280xf32, #tpu.memory_space<vmem>>, vector<16xf32>,
    %get3A_1238 = vector.shape_cast %get3A_1237 : vector<16xf32> to vector<16xf32>
    %add3A_1239 = arith.constant 1.000000e-10 : f32
    %add3A_1240 = vector.broadcast %add3A_1239 : f32 to vector<16xf32>
    %add3A_1241 = arith.addf %get3A_1238, %add3A_1240 : vector<16xf32>
    %div3A_1242 = arith.divf %get3A_1235, %add3A_1241 : vector<16xf32>
    %add3A_1243 = arith.addf %add3A_1232, %div3A_1242 : vector<16xf32>
    %swap3A = arith.constant 0 : index
    %swap3A_1244 = tpu.vector_load %arg9[%swap3A] {strides = array<i32>} : memref<16xf32, #tpu.memory_space<vmem>>, vector<16xf32>,
    %swap3A_1245 = vector.shape_cast %swap3A_1244 : vector<16xf32> to vector<16xf32>
    %swap3A_1246 = vector.shape_cast %add3A_1243 : vector<16xf32> to vector<16xf32>
    tpu.vector_store %arg9[%swap3A], %swap3A_1246 {strides = array<i32>} : memref<16xf32, #tpu.memory_space<vmem>>, vector<16xf32>,
    "tpu.region"() ({
      %run_scoped3A = tpu.sem_alloc : memref<!tpu.dma_semaphore, #tpu.memory_space<semaphore_mem>>
      %dma_start3A_1247 = arith.constant 0 : i32
      %dma_start3A_1248 = tpu.memref_slice %arg5[%add3A, %dma_start3A_1247] : memref<32x16xf32, #tpu.memory_space<hbm>> -> memref<1x16xf32, #tpu.memory_space<hbm>>
      %dma_start3A_1249 = tpu.memref_squeeze %dma_start3A_1248 : memref<1x16xf32, #tpu.memory_space<hbm>> -> memref<16xf32, #tpu.memory_space<hbm>>
      %dma_start3A_1250 = arith.constant 0 : i32
      %dma_start3A_1251 = tpu.memref_slice %arg5[%add3A, %dma_start3A_1250] : memref<32x16xf32, #tpu.memory_space<hbm>> -> memref<1x16xf32, #tpu.memory_space<hbm>>
      %dma_start3A_1252 = tpu.memref_squeeze %dma_start3A_1251 : memref<1x16xf32, #tpu.memory_space<hbm>> -> memref<16xf32, #tpu.memory_space<hbm>>
      tpu.enqueue_dma source(%arg9 : memref<16xf32, #tpu.memory_space<vmem>>) target(%dma_start3A_1252 : memref<16xf32, #tpu.memory_space<hbm>>) target_semaphore(%run_scoped3A : memref<!tpu.dma_semaphore, #tpu.memory_space<semaphore_mem>>)
      %dma_wait3A_1253 = arith.constant 0 : i32
      %dma_wait3A_1254 = tpu.memref_slice %arg5[%add3A, %dma_wait3A_1253] : memref<32x16xf32, #tpu.memory_space<hbm>> -> memref<1x16xf32, #tpu.memory_space<hbm>>
      %dma_wait3A_1255 = tpu.memref_squeeze %dma_wait3A_1254 : memref<1x16xf32, #tpu.memory_space<hbm>> -> memref<16xf32, #tpu.memory_space<hbm>>
      %dma_wait3A_1256 = arith.constant 0 : i32
      %dma_wait3A_1257 = tpu.memref_slice %arg5[%add3A, %dma_wait3A_1256] : memref<32x16xf32, #tpu.memory_space<hbm>> -> memref<1x16xf32, #tpu.memory_space<hbm>>
      %dma_wait3A_1258 = tpu.memref_squeeze %dma_wait3A_1257 : memref<1x16xf32, #tpu.memory_space<hbm>> -> memref<16xf32, #tpu.memory_space<hbm>>
      tpu.wait_dma2 semaphore(%run_scoped3A : memref<!tpu.dma_semaphore, #tpu.memory_space<semaphore_mem>>) src(%arg9 : memref<16xf32, #tpu.memory_space<vmem>>) dst(%dma_wait3A_1258 : memref<16xf32, #tpu.memory_space<hbm>>)
      tpu.yield
    }) : () -> ()
    return
  }
}

#map = affine_map<(d0, d1) -> (0)>
module attributes {stable_mosaic.version = 14 : i64} {
  func.func @_sc_scatter_body(%arg0: i32, %arg1: i32, %arg2: memref<40960xi32, #tpu.memory_space<hbm>>, %arg3: memref<40960xf32, #tpu.memory_space<hbm>>, %arg4: memref<50051001xf32, #tpu.memory_space<hbm>>, %arg5: memref<50051001xf32, #tpu.memory_space<hbm>>, %arg6: memref<10x128xi32, #tpu.memory_space<vmem>>, %arg7: memref<1280xf32, #tpu.memory_space<vmem>>, %arg8: memref<1280xf32, #tpu.memory_space<vmem>>, %arg9: memref<!tpu.dma_semaphore, #tpu.memory_space<semaphore_mem>>) attributes {dimension_semantics = [#tpu.dimension_semantics<core_parallel>, #tpu.dimension_semantics<subcore_parallel>], iteration_bounds = array<i64: 2, 16>, scalar_prefetch = 0 : i64, scratch_operands = 4 : i64, tpu.core_type = #tpu.core_type<sc_vector_subcore>, window_params = [{transform_indices = #map}, {transform_indices = #map}, {transform_indices = #map}, {transform_indices = #map}]} {
    %mul3A = arith.constant 2 : i32
    %mul3A_0 = arith.muli %arg1, %mul3A : i32
    %add3A = arith.addi %mul3A_0, %arg0 : i32
    %mul3A_1 = arith.constant 1280 : i32
    %mul3A_2 = arith.muli %add3A, %mul3A_1 : i32
    %add3A_3 = arith.constant 0 : i32
    %add3A_4 = arith.addi %mul3A_2, %add3A_3 : i32
    %dma_start3A = arith.constant 0 : i32
    %dma_start3A_5 = arith.constant 0 : i32
    %dma_start3A_6 = tpu.memref_slice %arg6[%dma_start3A, %dma_start3A_5] : memref<10x128xi32, #tpu.memory_space<vmem>> -> memref<1x128xi32, #tpu.memory_space<vmem>>
    %dma_start3A_7 = tpu.memref_squeeze %dma_start3A_6 : memref<1x128xi32, #tpu.memory_space<vmem>> -> memref<128xi32, #tpu.memory_space<vmem>>
    %dma_start3A_8 = tpu.memref_slice %arg2[%add3A_4] : memref<40960xi32, #tpu.memory_space<hbm>> -> memref<128xi32, #tpu.memory_space<hbm>>
    %dma_start3A_9 = arith.constant 0 : i32
    %dma_start3A_10 = tpu.memref_slice %arg6[%dma_start3A, %dma_start3A_9] : memref<10x128xi32, #tpu.memory_space<vmem>> -> memref<1x128xi32, #tpu.memory_space<vmem>>
    %dma_start3A_11 = tpu.memref_squeeze %dma_start3A_10 : memref<1x128xi32, #tpu.memory_space<vmem>> -> memref<128xi32, #tpu.memory_space<vmem>>
    %dma_start3A_12 = tpu.memref_slice %arg2[%add3A_4] : memref<40960xi32, #tpu.memory_space<hbm>> -> memref<128xi32, #tpu.memory_space<hbm>>
    tpu.enqueue_dma source(%dma_start3A_12 : memref<128xi32, #tpu.memory_space<hbm>>) target(%dma_start3A_11 : memref<128xi32, #tpu.memory_space<vmem>>) target_semaphore(%arg9 : memref<!tpu.dma_semaphore, #tpu.memory_space<semaphore_mem>>)
    %add3A_13 = arith.constant 128 : i32
    %add3A_14 = arith.addi %mul3A_2, %add3A_13 : i32
    %dma_start3A_15 = arith.constant 1 : i32
    %dma_start3A_16 = arith.constant 0 : i32
    %dma_start3A_17 = tpu.memref_slice %arg6[%dma_start3A_15, %dma_start3A_16] : memref<10x128xi32, #tpu.memory_space<vmem>> -> memref<1x128xi32, #tpu.memory_space<vmem>>
    %dma_start3A_18 = tpu.memref_squeeze %dma_start3A_17 : memref<1x128xi32, #tpu.memory_space<vmem>> -> memref<128xi32, #tpu.memory_space<vmem>>
    %dma_start3A_19 = tpu.memref_slice %arg2[%add3A_14] : memref<40960xi32, #tpu.memory_space<hbm>> -> memref<128xi32, #tpu.memory_space<hbm>>
    %dma_start3A_20 = arith.constant 0 : i32
    %dma_start3A_21 = tpu.memref_slice %arg6[%dma_start3A_15, %dma_start3A_20] : memref<10x128xi32, #tpu.memory_space<vmem>> -> memref<1x128xi32, #tpu.memory_space<vmem>>
    %dma_start3A_22 = tpu.memref_squeeze %dma_start3A_21 : memref<1x128xi32, #tpu.memory_space<vmem>> -> memref<128xi32, #tpu.memory_space<vmem>>
    %dma_start3A_23 = tpu.memref_slice %arg2[%add3A_14] : memref<40960xi32, #tpu.memory_space<hbm>> -> memref<128xi32, #tpu.memory_space<hbm>>
    tpu.enqueue_dma source(%dma_start3A_23 : memref<128xi32, #tpu.memory_space<hbm>>) target(%dma_start3A_22 : memref<128xi32, #tpu.memory_space<vmem>>) target_semaphore(%arg9 : memref<!tpu.dma_semaphore, #tpu.memory_space<semaphore_mem>>)
    %add3A_24 = arith.constant 256 : i32
    %add3A_25 = arith.addi %mul3A_2, %add3A_24 : i32
    %dma_start3A_26 = arith.constant 2 : i32
    %dma_start3A_27 = arith.constant 0 : i32
    %dma_start3A_28 = tpu.memref_slice %arg6[%dma_start3A_26, %dma_start3A_27] : memref<10x128xi32, #tpu.memory_space<vmem>> -> memref<1x128xi32, #tpu.memory_space<vmem>>
    %dma_start3A_29 = tpu.memref_squeeze %dma_start3A_28 : memref<1x128xi32, #tpu.memory_space<vmem>> -> memref<128xi32, #tpu.memory_space<vmem>>
    %dma_start3A_30 = tpu.memref_slice %arg2[%add3A_25] : memref<40960xi32, #tpu.memory_space<hbm>> -> memref<128xi32, #tpu.memory_space<hbm>>
    %dma_start3A_31 = arith.constant 0 : i32
    %dma_start3A_32 = tpu.memref_slice %arg6[%dma_start3A_26, %dma_start3A_31] : memref<10x128xi32, #tpu.memory_space<vmem>> -> memref<1x128xi32, #tpu.memory_space<vmem>>
    %dma_start3A_33 = tpu.memref_squeeze %dma_start3A_32 : memref<1x128xi32, #tpu.memory_space<vmem>> -> memref<128xi32, #tpu.memory_space<vmem>>
    %dma_start3A_34 = tpu.memref_slice %arg2[%add3A_25] : memref<40960xi32, #tpu.memory_space<hbm>> -> memref<128xi32, #tpu.memory_space<hbm>>
    tpu.enqueue_dma source(%dma_start3A_34 : memref<128xi32, #tpu.memory_space<hbm>>) target(%dma_start3A_33 : memref<128xi32, #tpu.memory_space<vmem>>) target_semaphore(%arg9 : memref<!tpu.dma_semaphore, #tpu.memory_space<semaphore_mem>>)
    %add3A_35 = arith.constant 384 : i32
    %add3A_36 = arith.addi %mul3A_2, %add3A_35 : i32
    %dma_start3A_37 = arith.constant 3 : i32
    %dma_start3A_38 = arith.constant 0 : i32
    %dma_start3A_39 = tpu.memref_slice %arg6[%dma_start3A_37, %dma_start3A_38] : memref<10x128xi32, #tpu.memory_space<vmem>> -> memref<1x128xi32, #tpu.memory_space<vmem>>
    %dma_start3A_40 = tpu.memref_squeeze %dma_start3A_39 : memref<1x128xi32, #tpu.memory_space<vmem>> -> memref<128xi32, #tpu.memory_space<vmem>>
    %dma_start3A_41 = tpu.memref_slice %arg2[%add3A_36] : memref<40960xi32, #tpu.memory_space<hbm>> -> memref<128xi32, #tpu.memory_space<hbm>>
    %dma_start3A_42 = arith.constant 0 : i32
    %dma_start3A_43 = tpu.memref_slice %arg6[%dma_start3A_37, %dma_start3A_42] : memref<10x128xi32, #tpu.memory_space<vmem>> -> memref<1x128xi32, #tpu.memory_space<vmem>>
    %dma_start3A_44 = tpu.memref_squeeze %dma_start3A_43 : memref<1x128xi32, #tpu.memory_space<vmem>> -> memref<128xi32, #tpu.memory_space<vmem>>
    %dma_start3A_45 = tpu.memref_slice %arg2[%add3A_36] : memref<40960xi32, #tpu.memory_space<hbm>> -> memref<128xi32, #tpu.memory_space<hbm>>
    tpu.enqueue_dma source(%dma_start3A_45 : memref<128xi32, #tpu.memory_space<hbm>>) target(%dma_start3A_44 : memref<128xi32, #tpu.memory_space<vmem>>) target_semaphore(%arg9 : memref<!tpu.dma_semaphore, #tpu.memory_space<semaphore_mem>>)
    %add3A_46 = arith.constant 512 : i32
    %add3A_47 = arith.addi %mul3A_2, %add3A_46 : i32
    %dma_start3A_48 = arith.constant 4 : i32
    %dma_start3A_49 = arith.constant 0 : i32
    %dma_start3A_50 = tpu.memref_slice %arg6[%dma_start3A_48, %dma_start3A_49] : memref<10x128xi32, #tpu.memory_space<vmem>> -> memref<1x128xi32, #tpu.memory_space<vmem>>
    %dma_start3A_51 = tpu.memref_squeeze %dma_start3A_50 : memref<1x128xi32, #tpu.memory_space<vmem>> -> memref<128xi32, #tpu.memory_space<vmem>>
    %dma_start3A_52 = tpu.memref_slice %arg2[%add3A_47] : memref<40960xi32, #tpu.memory_space<hbm>> -> memref<128xi32, #tpu.memory_space<hbm>>
    %dma_start3A_53 = arith.constant 0 : i32
    %dma_start3A_54 = tpu.memref_slice %arg6[%dma_start3A_48, %dma_start3A_53] : memref<10x128xi32, #tpu.memory_space<vmem>> -> memref<1x128xi32, #tpu.memory_space<vmem>>
    %dma_start3A_55 = tpu.memref_squeeze %dma_start3A_54 : memref<1x128xi32, #tpu.memory_space<vmem>> -> memref<128xi32, #tpu.memory_space<vmem>>
    %dma_start3A_56 = tpu.memref_slice %arg2[%add3A_47] : memref<40960xi32, #tpu.memory_space<hbm>> -> memref<128xi32, #tpu.memory_space<hbm>>
    tpu.enqueue_dma source(%dma_start3A_56 : memref<128xi32, #tpu.memory_space<hbm>>) target(%dma_start3A_55 : memref<128xi32, #tpu.memory_space<vmem>>) target_semaphore(%arg9 : memref<!tpu.dma_semaphore, #tpu.memory_space<semaphore_mem>>)
    %add3A_57 = arith.constant 640 : i32
    %add3A_58 = arith.addi %mul3A_2, %add3A_57 : i32
    %dma_start3A_59 = arith.constant 5 : i32
    %dma_start3A_60 = arith.constant 0 : i32
    %dma_start3A_61 = tpu.memref_slice %arg6[%dma_start3A_59, %dma_start3A_60] : memref<10x128xi32, #tpu.memory_space<vmem>> -> memref<1x128xi32, #tpu.memory_space<vmem>>
    %dma_start3A_62 = tpu.memref_squeeze %dma_start3A_61 : memref<1x128xi32, #tpu.memory_space<vmem>> -> memref<128xi32, #tpu.memory_space<vmem>>
    %dma_start3A_63 = tpu.memref_slice %arg2[%add3A_58] : memref<40960xi32, #tpu.memory_space<hbm>> -> memref<128xi32, #tpu.memory_space<hbm>>
    %dma_start3A_64 = arith.constant 0 : i32
    %dma_start3A_65 = tpu.memref_slice %arg6[%dma_start3A_59, %dma_start3A_64] : memref<10x128xi32, #tpu.memory_space<vmem>> -> memref<1x128xi32, #tpu.memory_space<vmem>>
    %dma_start3A_66 = tpu.memref_squeeze %dma_start3A_65 : memref<1x128xi32, #tpu.memory_space<vmem>> -> memref<128xi32, #tpu.memory_space<vmem>>
    %dma_start3A_67 = tpu.memref_slice %arg2[%add3A_58] : memref<40960xi32, #tpu.memory_space<hbm>> -> memref<128xi32, #tpu.memory_space<hbm>>
    tpu.enqueue_dma source(%dma_start3A_67 : memref<128xi32, #tpu.memory_space<hbm>>) target(%dma_start3A_66 : memref<128xi32, #tpu.memory_space<vmem>>) target_semaphore(%arg9 : memref<!tpu.dma_semaphore, #tpu.memory_space<semaphore_mem>>)
    %add3A_68 = arith.constant 768 : i32
    %add3A_69 = arith.addi %mul3A_2, %add3A_68 : i32
    %dma_start3A_70 = arith.constant 6 : i32
    %dma_start3A_71 = arith.constant 0 : i32
    %dma_start3A_72 = tpu.memref_slice %arg6[%dma_start3A_70, %dma_start3A_71] : memref<10x128xi32, #tpu.memory_space<vmem>> -> memref<1x128xi32, #tpu.memory_space<vmem>>
    %dma_start3A_73 = tpu.memref_squeeze %dma_start3A_72 : memref<1x128xi32, #tpu.memory_space<vmem>> -> memref<128xi32, #tpu.memory_space<vmem>>
    %dma_start3A_74 = tpu.memref_slice %arg2[%add3A_69] : memref<40960xi32, #tpu.memory_space<hbm>> -> memref<128xi32, #tpu.memory_space<hbm>>
    %dma_start3A_75 = arith.constant 0 : i32
    %dma_start3A_76 = tpu.memref_slice %arg6[%dma_start3A_70, %dma_start3A_75] : memref<10x128xi32, #tpu.memory_space<vmem>> -> memref<1x128xi32, #tpu.memory_space<vmem>>
    %dma_start3A_77 = tpu.memref_squeeze %dma_start3A_76 : memref<1x128xi32, #tpu.memory_space<vmem>> -> memref<128xi32, #tpu.memory_space<vmem>>
    %dma_start3A_78 = tpu.memref_slice %arg2[%add3A_69] : memref<40960xi32, #tpu.memory_space<hbm>> -> memref<128xi32, #tpu.memory_space<hbm>>
    tpu.enqueue_dma source(%dma_start3A_78 : memref<128xi32, #tpu.memory_space<hbm>>) target(%dma_start3A_77 : memref<128xi32, #tpu.memory_space<vmem>>) target_semaphore(%arg9 : memref<!tpu.dma_semaphore, #tpu.memory_space<semaphore_mem>>)
    %add3A_79 = arith.constant 896 : i32
    %add3A_80 = arith.addi %mul3A_2, %add3A_79 : i32
    %dma_start3A_81 = arith.constant 7 : i32
    %dma_start3A_82 = arith.constant 0 : i32
    %dma_start3A_83 = tpu.memref_slice %arg6[%dma_start3A_81, %dma_start3A_82] : memref<10x128xi32, #tpu.memory_space<vmem>> -> memref<1x128xi32, #tpu.memory_space<vmem>>
    %dma_start3A_84 = tpu.memref_squeeze %dma_start3A_83 : memref<1x128xi32, #tpu.memory_space<vmem>> -> memref<128xi32, #tpu.memory_space<vmem>>
    %dma_start3A_85 = tpu.memref_slice %arg2[%add3A_80] : memref<40960xi32, #tpu.memory_space<hbm>> -> memref<128xi32, #tpu.memory_space<hbm>>
    %dma_start3A_86 = arith.constant 0 : i32
    %dma_start3A_87 = tpu.memref_slice %arg6[%dma_start3A_81, %dma_start3A_86] : memref<10x128xi32, #tpu.memory_space<vmem>> -> memref<1x128xi32, #tpu.memory_space<vmem>>
    %dma_start3A_88 = tpu.memref_squeeze %dma_start3A_87 : memref<1x128xi32, #tpu.memory_space<vmem>> -> memref<128xi32, #tpu.memory_space<vmem>>
    %dma_start3A_89 = tpu.memref_slice %arg2[%add3A_80] : memref<40960xi32, #tpu.memory_space<hbm>> -> memref<128xi32, #tpu.memory_space<hbm>>
    tpu.enqueue_dma source(%dma_start3A_89 : memref<128xi32, #tpu.memory_space<hbm>>) target(%dma_start3A_88 : memref<128xi32, #tpu.memory_space<vmem>>) target_semaphore(%arg9 : memref<!tpu.dma_semaphore, #tpu.memory_space<semaphore_mem>>)
    %add3A_90 = arith.constant 1024 : i32
    %add3A_91 = arith.addi %mul3A_2, %add3A_90 : i32
    %dma_start3A_92 = arith.constant 8 : i32
    %dma_start3A_93 = arith.constant 0 : i32
    %dma_start3A_94 = tpu.memref_slice %arg6[%dma_start3A_92, %dma_start3A_93] : memref<10x128xi32, #tpu.memory_space<vmem>> -> memref<1x128xi32, #tpu.memory_space<vmem>>
    %dma_start3A_95 = tpu.memref_squeeze %dma_start3A_94 : memref<1x128xi32, #tpu.memory_space<vmem>> -> memref<128xi32, #tpu.memory_space<vmem>>
    %dma_start3A_96 = tpu.memref_slice %arg2[%add3A_91] : memref<40960xi32, #tpu.memory_space<hbm>> -> memref<128xi32, #tpu.memory_space<hbm>>
    %dma_start3A_97 = arith.constant 0 : i32
    %dma_start3A_98 = tpu.memref_slice %arg6[%dma_start3A_92, %dma_start3A_97] : memref<10x128xi32, #tpu.memory_space<vmem>> -> memref<1x128xi32, #tpu.memory_space<vmem>>
    %dma_start3A_99 = tpu.memref_squeeze %dma_start3A_98 : memref<1x128xi32, #tpu.memory_space<vmem>> -> memref<128xi32, #tpu.memory_space<vmem>>
    %dma_start3A_100 = tpu.memref_slice %arg2[%add3A_91] : memref<40960xi32, #tpu.memory_space<hbm>> -> memref<128xi32, #tpu.memory_space<hbm>>
    tpu.enqueue_dma source(%dma_start3A_100 : memref<128xi32, #tpu.memory_space<hbm>>) target(%dma_start3A_99 : memref<128xi32, #tpu.memory_space<vmem>>) target_semaphore(%arg9 : memref<!tpu.dma_semaphore, #tpu.memory_space<semaphore_mem>>)
    %add3A_101 = arith.constant 1152 : i32
    %add3A_102 = arith.addi %mul3A_2, %add3A_101 : i32
    %dma_start3A_103 = arith.constant 9 : i32
    %dma_start3A_104 = arith.constant 0 : i32
    %dma_start3A_105 = tpu.memref_slice %arg6[%dma_start3A_103, %dma_start3A_104] : memref<10x128xi32, #tpu.memory_space<vmem>> -> memref<1x128xi32, #tpu.memory_space<vmem>>
    %dma_start3A_106 = tpu.memref_squeeze %dma_start3A_105 : memref<1x128xi32, #tpu.memory_space<vmem>> -> memref<128xi32, #tpu.memory_space<vmem>>
    %dma_start3A_107 = tpu.memref_slice %arg2[%add3A_102] : memref<40960xi32, #tpu.memory_space<hbm>> -> memref<128xi32, #tpu.memory_space<hbm>>
    %dma_start3A_108 = arith.constant 0 : i32
    %dma_start3A_109 = tpu.memref_slice %arg6[%dma_start3A_103, %dma_start3A_108] : memref<10x128xi32, #tpu.memory_space<vmem>> -> memref<1x128xi32, #tpu.memory_space<vmem>>
    %dma_start3A_110 = tpu.memref_squeeze %dma_start3A_109 : memref<1x128xi32, #tpu.memory_space<vmem>> -> memref<128xi32, #tpu.memory_space<vmem>>
    %dma_start3A_111 = tpu.memref_slice %arg2[%add3A_102] : memref<40960xi32, #tpu.memory_space<hbm>> -> memref<128xi32, #tpu.memory_space<hbm>>
    tpu.enqueue_dma source(%dma_start3A_111 : memref<128xi32, #tpu.memory_space<hbm>>) target(%dma_start3A_110 : memref<128xi32, #tpu.memory_space<vmem>>) target_semaphore(%arg9 : memref<!tpu.dma_semaphore, #tpu.memory_space<semaphore_mem>>)
    %dma_start3A_112 = tpu.memref_slice %arg3[%mul3A_2] : memref<40960xf32, #tpu.memory_space<hbm>> -> memref<1280xf32, #tpu.memory_space<hbm>>
    %dma_start3A_113 = tpu.memref_slice %arg3[%mul3A_2] : memref<40960xf32, #tpu.memory_space<hbm>> -> memref<1280xf32, #tpu.memory_space<hbm>>
    tpu.enqueue_dma source(%dma_start3A_113 : memref<1280xf32, #tpu.memory_space<hbm>>) target(%arg7 : memref<1280xf32, #tpu.memory_space<vmem>>) target_semaphore(%arg9 : memref<!tpu.dma_semaphore, #tpu.memory_space<semaphore_mem>>)
    %dma_wait3A = arith.constant 0 : i32
    %dma_wait3A_114 = arith.constant 0 : i32
    %dma_wait3A_115 = tpu.memref_slice %arg6[%dma_wait3A, %dma_wait3A_114] : memref<10x128xi32, #tpu.memory_space<vmem>> -> memref<1x128xi32, #tpu.memory_space<vmem>>
    %dma_wait3A_116 = tpu.memref_squeeze %dma_wait3A_115 : memref<1x128xi32, #tpu.memory_space<vmem>> -> memref<128xi32, #tpu.memory_space<vmem>>
    %dma_wait3A_117 = tpu.memref_slice %arg2[%add3A_4] : memref<40960xi32, #tpu.memory_space<hbm>> -> memref<128xi32, #tpu.memory_space<hbm>>
    %dma_wait3A_118 = arith.constant 0 : i32
    %dma_wait3A_119 = tpu.memref_slice %arg6[%dma_wait3A, %dma_wait3A_118] : memref<10x128xi32, #tpu.memory_space<vmem>> -> memref<1x128xi32, #tpu.memory_space<vmem>>
    %dma_wait3A_120 = tpu.memref_squeeze %dma_wait3A_119 : memref<1x128xi32, #tpu.memory_space<vmem>> -> memref<128xi32, #tpu.memory_space<vmem>>
    %dma_wait3A_121 = tpu.memref_slice %arg2[%add3A_4] : memref<40960xi32, #tpu.memory_space<hbm>> -> memref<128xi32, #tpu.memory_space<hbm>>
    tpu.wait_dma2 semaphore(%arg9 : memref<!tpu.dma_semaphore, #tpu.memory_space<semaphore_mem>>) src(%dma_wait3A_121 : memref<128xi32, #tpu.memory_space<hbm>>) dst(%dma_wait3A_120 : memref<128xi32, #tpu.memory_space<vmem>>)
    %dma_wait3A_122 = arith.constant 1 : i32
    %dma_wait3A_123 = arith.constant 0 : i32
    %dma_wait3A_124 = tpu.memref_slice %arg6[%dma_wait3A_122, %dma_wait3A_123] : memref<10x128xi32, #tpu.memory_space<vmem>> -> memref<1x128xi32, #tpu.memory_space<vmem>>
    %dma_wait3A_125 = tpu.memref_squeeze %dma_wait3A_124 : memref<1x128xi32, #tpu.memory_space<vmem>> -> memref<128xi32, #tpu.memory_space<vmem>>
    %dma_wait3A_126 = tpu.memref_slice %arg2[%add3A_14] : memref<40960xi32, #tpu.memory_space<hbm>> -> memref<128xi32, #tpu.memory_space<hbm>>
    %dma_wait3A_127 = arith.constant 0 : i32
    %dma_wait3A_128 = tpu.memref_slice %arg6[%dma_wait3A_122, %dma_wait3A_127] : memref<10x128xi32, #tpu.memory_space<vmem>> -> memref<1x128xi32, #tpu.memory_space<vmem>>
    %dma_wait3A_129 = tpu.memref_squeeze %dma_wait3A_128 : memref<1x128xi32, #tpu.memory_space<vmem>> -> memref<128xi32, #tpu.memory_space<vmem>>
    %dma_wait3A_130 = tpu.memref_slice %arg2[%add3A_14] : memref<40960xi32, #tpu.memory_space<hbm>> -> memref<128xi32, #tpu.memory_space<hbm>>
    tpu.wait_dma2 semaphore(%arg9 : memref<!tpu.dma_semaphore, #tpu.memory_space<semaphore_mem>>) src(%dma_wait3A_130 : memref<128xi32, #tpu.memory_space<hbm>>) dst(%dma_wait3A_129 : memref<128xi32, #tpu.memory_space<vmem>>)
    %dma_wait3A_131 = arith.constant 2 : i32
    %dma_wait3A_132 = arith.constant 0 : i32
    %dma_wait3A_133 = tpu.memref_slice %arg6[%dma_wait3A_131, %dma_wait3A_132] : memref<10x128xi32, #tpu.memory_space<vmem>> -> memref<1x128xi32, #tpu.memory_space<vmem>>
    %dma_wait3A_134 = tpu.memref_squeeze %dma_wait3A_133 : memref<1x128xi32, #tpu.memory_space<vmem>> -> memref<128xi32, #tpu.memory_space<vmem>>
    %dma_wait3A_135 = tpu.memref_slice %arg2[%add3A_25] : memref<40960xi32, #tpu.memory_space<hbm>> -> memref<128xi32, #tpu.memory_space<hbm>>
    %dma_wait3A_136 = arith.constant 0 : i32
    %dma_wait3A_137 = tpu.memref_slice %arg6[%dma_wait3A_131, %dma_wait3A_136] : memref<10x128xi32, #tpu.memory_space<vmem>> -> memref<1x128xi32, #tpu.memory_space<vmem>>
    %dma_wait3A_138 = tpu.memref_squeeze %dma_wait3A_137 : memref<1x128xi32, #tpu.memory_space<vmem>> -> memref<128xi32, #tpu.memory_space<vmem>>
    %dma_wait3A_139 = tpu.memref_slice %arg2[%add3A_25] : memref<40960xi32, #tpu.memory_space<hbm>> -> memref<128xi32, #tpu.memory_space<hbm>>
    tpu.wait_dma2 semaphore(%arg9 : memref<!tpu.dma_semaphore, #tpu.memory_space<semaphore_mem>>) src(%dma_wait3A_139 : memref<128xi32, #tpu.memory_space<hbm>>) dst(%dma_wait3A_138 : memref<128xi32, #tpu.memory_space<vmem>>)
    %dma_wait3A_140 = arith.constant 3 : i32
    %dma_wait3A_141 = arith.constant 0 : i32
    %dma_wait3A_142 = tpu.memref_slice %arg6[%dma_wait3A_140, %dma_wait3A_141] : memref<10x128xi32, #tpu.memory_space<vmem>> -> memref<1x128xi32, #tpu.memory_space<vmem>>
    %dma_wait3A_143 = tpu.memref_squeeze %dma_wait3A_142 : memref<1x128xi32, #tpu.memory_space<vmem>> -> memref<128xi32, #tpu.memory_space<vmem>>
    %dma_wait3A_144 = tpu.memref_slice %arg2[%add3A_36] : memref<40960xi32, #tpu.memory_space<hbm>> -> memref<128xi32, #tpu.memory_space<hbm>>
    %dma_wait3A_145 = arith.constant 0 : i32
    %dma_wait3A_146 = tpu.memref_slice %arg6[%dma_wait3A_140, %dma_wait3A_145] : memref<10x128xi32, #tpu.memory_space<vmem>> -> memref<1x128xi32, #tpu.memory_space<vmem>>
    %dma_wait3A_147 = tpu.memref_squeeze %dma_wait3A_146 : memref<1x128xi32, #tpu.memory_space<vmem>> -> memref<128xi32, #tpu.memory_space<vmem>>
    %dma_wait3A_148 = tpu.memref_slice %arg2[%add3A_36] : memref<40960xi32, #tpu.memory_space<hbm>> -> memref<128xi32, #tpu.memory_space<hbm>>
    tpu.wait_dma2 semaphore(%arg9 : memref<!tpu.dma_semaphore, #tpu.memory_space<semaphore_mem>>) src(%dma_wait3A_148 : memref<128xi32, #tpu.memory_space<hbm>>) dst(%dma_wait3A_147 : memref<128xi32, #tpu.memory_space<vmem>>)
    %dma_wait3A_149 = arith.constant 4 : i32
    %dma_wait3A_150 = arith.constant 0 : i32
    %dma_wait3A_151 = tpu.memref_slice %arg6[%dma_wait3A_149, %dma_wait3A_150] : memref<10x128xi32, #tpu.memory_space<vmem>> -> memref<1x128xi32, #tpu.memory_space<vmem>>
    %dma_wait3A_152 = tpu.memref_squeeze %dma_wait3A_151 : memref<1x128xi32, #tpu.memory_space<vmem>> -> memref<128xi32, #tpu.memory_space<vmem>>
    %dma_wait3A_153 = tpu.memref_slice %arg2[%add3A_47] : memref<40960xi32, #tpu.memory_space<hbm>> -> memref<128xi32, #tpu.memory_space<hbm>>
    %dma_wait3A_154 = arith.constant 0 : i32
    %dma_wait3A_155 = tpu.memref_slice %arg6[%dma_wait3A_149, %dma_wait3A_154] : memref<10x128xi32, #tpu.memory_space<vmem>> -> memref<1x128xi32, #tpu.memory_space<vmem>>
    %dma_wait3A_156 = tpu.memref_squeeze %dma_wait3A_155 : memref<1x128xi32, #tpu.memory_space<vmem>> -> memref<128xi32, #tpu.memory_space<vmem>>
    %dma_wait3A_157 = tpu.memref_slice %arg2[%add3A_47] : memref<40960xi32, #tpu.memory_space<hbm>> -> memref<128xi32, #tpu.memory_space<hbm>>
    tpu.wait_dma2 semaphore(%arg9 : memref<!tpu.dma_semaphore, #tpu.memory_space<semaphore_mem>>) src(%dma_wait3A_157 : memref<128xi32, #tpu.memory_space<hbm>>) dst(%dma_wait3A_156 : memref<128xi32, #tpu.memory_space<vmem>>)
    %dma_wait3A_158 = arith.constant 5 : i32
    %dma_wait3A_159 = arith.constant 0 : i32
    %dma_wait3A_160 = tpu.memref_slice %arg6[%dma_wait3A_158, %dma_wait3A_159] : memref<10x128xi32, #tpu.memory_space<vmem>> -> memref<1x128xi32, #tpu.memory_space<vmem>>
    %dma_wait3A_161 = tpu.memref_squeeze %dma_wait3A_160 : memref<1x128xi32, #tpu.memory_space<vmem>> -> memref<128xi32, #tpu.memory_space<vmem>>
    %dma_wait3A_162 = tpu.memref_slice %arg2[%add3A_58] : memref<40960xi32, #tpu.memory_space<hbm>> -> memref<128xi32, #tpu.memory_space<hbm>>
    %dma_wait3A_163 = arith.constant 0 : i32
    %dma_wait3A_164 = tpu.memref_slice %arg6[%dma_wait3A_158, %dma_wait3A_163] : memref<10x128xi32, #tpu.memory_space<vmem>> -> memref<1x128xi32, #tpu.memory_space<vmem>>
    %dma_wait3A_165 = tpu.memref_squeeze %dma_wait3A_164 : memref<1x128xi32, #tpu.memory_space<vmem>> -> memref<128xi32, #tpu.memory_space<vmem>>
    %dma_wait3A_166 = tpu.memref_slice %arg2[%add3A_58] : memref<40960xi32, #tpu.memory_space<hbm>> -> memref<128xi32, #tpu.memory_space<hbm>>
    tpu.wait_dma2 semaphore(%arg9 : memref<!tpu.dma_semaphore, #tpu.memory_space<semaphore_mem>>) src(%dma_wait3A_166 : memref<128xi32, #tpu.memory_space<hbm>>) dst(%dma_wait3A_165 : memref<128xi32, #tpu.memory_space<vmem>>)
    %dma_wait3A_167 = arith.constant 6 : i32
    %dma_wait3A_168 = arith.constant 0 : i32
    %dma_wait3A_169 = tpu.memref_slice %arg6[%dma_wait3A_167, %dma_wait3A_168] : memref<10x128xi32, #tpu.memory_space<vmem>> -> memref<1x128xi32, #tpu.memory_space<vmem>>
    %dma_wait3A_170 = tpu.memref_squeeze %dma_wait3A_169 : memref<1x128xi32, #tpu.memory_space<vmem>> -> memref<128xi32, #tpu.memory_space<vmem>>
    %dma_wait3A_171 = tpu.memref_slice %arg2[%add3A_69] : memref<40960xi32, #tpu.memory_space<hbm>> -> memref<128xi32, #tpu.memory_space<hbm>>
    %dma_wait3A_172 = arith.constant 0 : i32
    %dma_wait3A_173 = tpu.memref_slice %arg6[%dma_wait3A_167, %dma_wait3A_172] : memref<10x128xi32, #tpu.memory_space<vmem>> -> memref<1x128xi32, #tpu.memory_space<vmem>>
    %dma_wait3A_174 = tpu.memref_squeeze %dma_wait3A_173 : memref<1x128xi32, #tpu.memory_space<vmem>> -> memref<128xi32, #tpu.memory_space<vmem>>
    %dma_wait3A_175 = tpu.memref_slice %arg2[%add3A_69] : memref<40960xi32, #tpu.memory_space<hbm>> -> memref<128xi32, #tpu.memory_space<hbm>>
    tpu.wait_dma2 semaphore(%arg9 : memref<!tpu.dma_semaphore, #tpu.memory_space<semaphore_mem>>) src(%dma_wait3A_175 : memref<128xi32, #tpu.memory_space<hbm>>) dst(%dma_wait3A_174 : memref<128xi32, #tpu.memory_space<vmem>>)
    %dma_wait3A_176 = arith.constant 7 : i32
    %dma_wait3A_177 = arith.constant 0 : i32
    %dma_wait3A_178 = tpu.memref_slice %arg6[%dma_wait3A_176, %dma_wait3A_177] : memref<10x128xi32, #tpu.memory_space<vmem>> -> memref<1x128xi32, #tpu.memory_space<vmem>>
    %dma_wait3A_179 = tpu.memref_squeeze %dma_wait3A_178 : memref<1x128xi32, #tpu.memory_space<vmem>> -> memref<128xi32, #tpu.memory_space<vmem>>
    %dma_wait3A_180 = tpu.memref_slice %arg2[%add3A_80] : memref<40960xi32, #tpu.memory_space<hbm>> -> memref<128xi32, #tpu.memory_space<hbm>>
    %dma_wait3A_181 = arith.constant 0 : i32
    %dma_wait3A_182 = tpu.memref_slice %arg6[%dma_wait3A_176, %dma_wait3A_181] : memref<10x128xi32, #tpu.memory_space<vmem>> -> memref<1x128xi32, #tpu.memory_space<vmem>>
    %dma_wait3A_183 = tpu.memref_squeeze %dma_wait3A_182 : memref<1x128xi32, #tpu.memory_space<vmem>> -> memref<128xi32, #tpu.memory_space<vmem>>
    %dma_wait3A_184 = tpu.memref_slice %arg2[%add3A_80] : memref<40960xi32, #tpu.memory_space<hbm>> -> memref<128xi32, #tpu.memory_space<hbm>>
    tpu.wait_dma2 semaphore(%arg9 : memref<!tpu.dma_semaphore, #tpu.memory_space<semaphore_mem>>) src(%dma_wait3A_184 : memref<128xi32, #tpu.memory_space<hbm>>) dst(%dma_wait3A_183 : memref<128xi32, #tpu.memory_space<vmem>>)
    %dma_wait3A_185 = arith.constant 8 : i32
    %dma_wait3A_186 = arith.constant 0 : i32
    %dma_wait3A_187 = tpu.memref_slice %arg6[%dma_wait3A_185, %dma_wait3A_186] : memref<10x128xi32, #tpu.memory_space<vmem>> -> memref<1x128xi32, #tpu.memory_space<vmem>>
    %dma_wait3A_188 = tpu.memref_squeeze %dma_wait3A_187 : memref<1x128xi32, #tpu.memory_space<vmem>> -> memref<128xi32, #tpu.memory_space<vmem>>
    %dma_wait3A_189 = tpu.memref_slice %arg2[%add3A_91] : memref<40960xi32, #tpu.memory_space<hbm>> -> memref<128xi32, #tpu.memory_space<hbm>>
    %dma_wait3A_190 = arith.constant 0 : i32
    %dma_wait3A_191 = tpu.memref_slice %arg6[%dma_wait3A_185, %dma_wait3A_190] : memref<10x128xi32, #tpu.memory_space<vmem>> -> memref<1x128xi32, #tpu.memory_space<vmem>>
    %dma_wait3A_192 = tpu.memref_squeeze %dma_wait3A_191 : memref<1x128xi32, #tpu.memory_space<vmem>> -> memref<128xi32, #tpu.memory_space<vmem>>
    %dma_wait3A_193 = tpu.memref_slice %arg2[%add3A_91] : memref<40960xi32, #tpu.memory_space<hbm>> -> memref<128xi32, #tpu.memory_space<hbm>>
    tpu.wait_dma2 semaphore(%arg9 : memref<!tpu.dma_semaphore, #tpu.memory_space<semaphore_mem>>) src(%dma_wait3A_193 : memref<128xi32, #tpu.memory_space<hbm>>) dst(%dma_wait3A_192 : memref<128xi32, #tpu.memory_space<vmem>>)
    %dma_wait3A_194 = arith.constant 9 : i32
    %dma_wait3A_195 = arith.constant 0 : i32
    %dma_wait3A_196 = tpu.memref_slice %arg6[%dma_wait3A_194, %dma_wait3A_195] : memref<10x128xi32, #tpu.memory_space<vmem>> -> memref<1x128xi32, #tpu.memory_space<vmem>>
    %dma_wait3A_197 = tpu.memref_squeeze %dma_wait3A_196 : memref<1x128xi32, #tpu.memory_space<vmem>> -> memref<128xi32, #tpu.memory_space<vmem>>
    %dma_wait3A_198 = tpu.memref_slice %arg2[%add3A_102] : memref<40960xi32, #tpu.memory_space<hbm>> -> memref<128xi32, #tpu.memory_space<hbm>>
    %dma_wait3A_199 = arith.constant 0 : i32
    %dma_wait3A_200 = tpu.memref_slice %arg6[%dma_wait3A_194, %dma_wait3A_199] : memref<10x128xi32, #tpu.memory_space<vmem>> -> memref<1x128xi32, #tpu.memory_space<vmem>>
    %dma_wait3A_201 = tpu.memref_squeeze %dma_wait3A_200 : memref<1x128xi32, #tpu.memory_space<vmem>> -> memref<128xi32, #tpu.memory_space<vmem>>
    %dma_wait3A_202 = tpu.memref_slice %arg2[%add3A_102] : memref<40960xi32, #tpu.memory_space<hbm>> -> memref<128xi32, #tpu.memory_space<hbm>>
    tpu.wait_dma2 semaphore(%arg9 : memref<!tpu.dma_semaphore, #tpu.memory_space<semaphore_mem>>) src(%dma_wait3A_202 : memref<128xi32, #tpu.memory_space<hbm>>) dst(%dma_wait3A_201 : memref<128xi32, #tpu.memory_space<vmem>>)
    %dma_wait3A_203 = tpu.memref_slice %arg3[%mul3A_2] : memref<40960xf32, #tpu.memory_space<hbm>> -> memref<1280xf32, #tpu.memory_space<hbm>>
    %dma_wait3A_204 = tpu.memref_slice %arg3[%mul3A_2] : memref<40960xf32, #tpu.memory_space<hbm>> -> memref<1280xf32, #tpu.memory_space<hbm>>
    tpu.wait_dma2 semaphore(%arg9 : memref<!tpu.dma_semaphore, #tpu.memory_space<semaphore_mem>>) src(%dma_wait3A_204 : memref<1280xf32, #tpu.memory_space<hbm>>) dst(%arg7 : memref<1280xf32, #tpu.memory_space<vmem>>)
    %dma_start3A_205 = arith.constant 0 : i32
    %dma_start3A_206 = arith.constant 0 : i32
    %dma_start3A_207 = tpu.memref_slice %arg8[%dma_start3A_206] : memref<1280xf32, #tpu.memory_space<vmem>> -> memref<128xf32, #tpu.memory_space<vmem>>
    %dma_start3A_208 = arith.constant 0 : i32
    %dma_start3A_209 = tpu.memref_slice %arg6[%dma_start3A_205, %dma_start3A_208] : memref<10x128xi32, #tpu.memory_space<vmem>> -> memref<1x128xi32, #tpu.memory_space<vmem>>
    %dma_start3A_210 = tpu.memref_squeeze %dma_start3A_209 : memref<1x128xi32, #tpu.memory_space<vmem>> -> memref<128xi32, #tpu.memory_space<vmem>>
    %dma_start3A_211 = arith.constant 0 : i32
    %dma_start3A_212 = tpu.memref_slice %arg4[%dma_start3A_211] : memref<50051001xf32, #tpu.memory_space<hbm>> -> memref<50051001xf32, #tpu.memory_space<hbm>>
    tpu.enqueue_indirect_dma source(%dma_start3A_212 : memref<50051001xf32, #tpu.memory_space<hbm>>) target(%dma_start3A_207 : memref<128xf32, #tpu.memory_space<vmem>>) offsets(%dma_start3A_210 : memref<128xi32, #tpu.memory_space<vmem>>) semaphore(%arg9 : memref<!tpu.dma_semaphore, #tpu.memory_space<semaphore_mem>>)
    %dma_start3A_213 = arith.constant 1 : i32
    %dma_start3A_214 = arith.constant 128 : i32
    %dma_start3A_215 = tpu.memref_slice %arg8[%dma_start3A_214] : memref<1280xf32, #tpu.memory_space<vmem>> -> memref<128xf32, #tpu.memory_space<vmem>>
    %dma_start3A_216 = arith.constant 0 : i32
    %dma_start3A_217 = tpu.memref_slice %arg6[%dma_start3A_213, %dma_start3A_216] : memref<10x128xi32, #tpu.memory_space<vmem>> -> memref<1x128xi32, #tpu.memory_space<vmem>>
    %dma_start3A_218 = tpu.memref_squeeze %dma_start3A_217 : memref<1x128xi32, #tpu.memory_space<vmem>> -> memref<128xi32, #tpu.memory_space<vmem>>
    %dma_start3A_219 = arith.constant 0 : i32
    %dma_start3A_220 = tpu.memref_slice %arg4[%dma_start3A_219] : memref<50051001xf32, #tpu.memory_space<hbm>> -> memref<50051001xf32, #tpu.memory_space<hbm>>
    tpu.enqueue_indirect_dma source(%dma_start3A_220 : memref<50051001xf32, #tpu.memory_space<hbm>>) target(%dma_start3A_215 : memref<128xf32, #tpu.memory_space<vmem>>) offsets(%dma_start3A_218 : memref<128xi32, #tpu.memory_space<vmem>>) semaphore(%arg9 : memref<!tpu.dma_semaphore, #tpu.memory_space<semaphore_mem>>)
    %dma_start3A_221 = arith.constant 2 : i32
    %dma_start3A_222 = arith.constant 256 : i32
    %dma_start3A_223 = tpu.memref_slice %arg8[%dma_start3A_222] : memref<1280xf32, #tpu.memory_space<vmem>> -> memref<128xf32, #tpu.memory_space<vmem>>
    %dma_start3A_224 = arith.constant 0 : i32
    %dma_start3A_225 = tpu.memref_slice %arg6[%dma_start3A_221, %dma_start3A_224] : memref<10x128xi32, #tpu.memory_space<vmem>> -> memref<1x128xi32, #tpu.memory_space<vmem>>
    %dma_start3A_226 = tpu.memref_squeeze %dma_start3A_225 : memref<1x128xi32, #tpu.memory_space<vmem>> -> memref<128xi32, #tpu.memory_space<vmem>>
    %dma_start3A_227 = arith.constant 0 : i32
    %dma_start3A_228 = tpu.memref_slice %arg4[%dma_start3A_227] : memref<50051001xf32, #tpu.memory_space<hbm>> -> memref<50051001xf32, #tpu.memory_space<hbm>>
    tpu.enqueue_indirect_dma source(%dma_start3A_228 : memref<50051001xf32, #tpu.memory_space<hbm>>) target(%dma_start3A_223 : memref<128xf32, #tpu.memory_space<vmem>>) offsets(%dma_start3A_226 : memref<128xi32, #tpu.memory_space<vmem>>) semaphore(%arg9 : memref<!tpu.dma_semaphore, #tpu.memory_space<semaphore_mem>>)
    %dma_start3A_229 = arith.constant 3 : i32
    %dma_start3A_230 = arith.constant 384 : i32
    %dma_start3A_231 = tpu.memref_slice %arg8[%dma_start3A_230] : memref<1280xf32, #tpu.memory_space<vmem>> -> memref<128xf32, #tpu.memory_space<vmem>>
    %dma_start3A_232 = arith.constant 0 : i32
    %dma_start3A_233 = tpu.memref_slice %arg6[%dma_start3A_229, %dma_start3A_232] : memref<10x128xi32, #tpu.memory_space<vmem>> -> memref<1x128xi32, #tpu.memory_space<vmem>>
    %dma_start3A_234 = tpu.memref_squeeze %dma_start3A_233 : memref<1x128xi32, #tpu.memory_space<vmem>> -> memref<128xi32, #tpu.memory_space<vmem>>
    %dma_start3A_235 = arith.constant 0 : i32
    %dma_start3A_236 = tpu.memref_slice %arg4[%dma_start3A_235] : memref<50051001xf32, #tpu.memory_space<hbm>> -> memref<50051001xf32, #tpu.memory_space<hbm>>
    tpu.enqueue_indirect_dma source(%dma_start3A_236 : memref<50051001xf32, #tpu.memory_space<hbm>>) target(%dma_start3A_231 : memref<128xf32, #tpu.memory_space<vmem>>) offsets(%dma_start3A_234 : memref<128xi32, #tpu.memory_space<vmem>>) semaphore(%arg9 : memref<!tpu.dma_semaphore, #tpu.memory_space<semaphore_mem>>)
    %dma_start3A_237 = arith.constant 4 : i32
    %dma_start3A_238 = arith.constant 512 : i32
    %dma_start3A_239 = tpu.memref_slice %arg8[%dma_start3A_238] : memref<1280xf32, #tpu.memory_space<vmem>> -> memref<128xf32, #tpu.memory_space<vmem>>
    %dma_start3A_240 = arith.constant 0 : i32
    %dma_start3A_241 = tpu.memref_slice %arg6[%dma_start3A_237, %dma_start3A_240] : memref<10x128xi32, #tpu.memory_space<vmem>> -> memref<1x128xi32, #tpu.memory_space<vmem>>
    %dma_start3A_242 = tpu.memref_squeeze %dma_start3A_241 : memref<1x128xi32, #tpu.memory_space<vmem>> -> memref<128xi32, #tpu.memory_space<vmem>>
    %dma_start3A_243 = arith.constant 0 : i32
    %dma_start3A_244 = tpu.memref_slice %arg4[%dma_start3A_243] : memref<50051001xf32, #tpu.memory_space<hbm>> -> memref<50051001xf32, #tpu.memory_space<hbm>>
    tpu.enqueue_indirect_dma source(%dma_start3A_244 : memref<50051001xf32, #tpu.memory_space<hbm>>) target(%dma_start3A_239 : memref<128xf32, #tpu.memory_space<vmem>>) offsets(%dma_start3A_242 : memref<128xi32, #tpu.memory_space<vmem>>) semaphore(%arg9 : memref<!tpu.dma_semaphore, #tpu.memory_space<semaphore_mem>>)
    %dma_start3A_245 = arith.constant 5 : i32
    %dma_start3A_246 = arith.constant 640 : i32
    %dma_start3A_247 = tpu.memref_slice %arg8[%dma_start3A_246] : memref<1280xf32, #tpu.memory_space<vmem>> -> memref<128xf32, #tpu.memory_space<vmem>>
    %dma_start3A_248 = arith.constant 0 : i32
    %dma_start3A_249 = tpu.memref_slice %arg6[%dma_start3A_245, %dma_start3A_248] : memref<10x128xi32, #tpu.memory_space<vmem>> -> memref<1x128xi32, #tpu.memory_space<vmem>>
    %dma_start3A_250 = tpu.memref_squeeze %dma_start3A_249 : memref<1x128xi32, #tpu.memory_space<vmem>> -> memref<128xi32, #tpu.memory_space<vmem>>
    %dma_start3A_251 = arith.constant 0 : i32
    %dma_start3A_252 = tpu.memref_slice %arg4[%dma_start3A_251] : memref<50051001xf32, #tpu.memory_space<hbm>> -> memref<50051001xf32, #tpu.memory_space<hbm>>
    tpu.enqueue_indirect_dma source(%dma_start3A_252 : memref<50051001xf32, #tpu.memory_space<hbm>>) target(%dma_start3A_247 : memref<128xf32, #tpu.memory_space<vmem>>) offsets(%dma_start3A_250 : memref<128xi32, #tpu.memory_space<vmem>>) semaphore(%arg9 : memref<!tpu.dma_semaphore, #tpu.memory_space<semaphore_mem>>)
    %dma_start3A_253 = arith.constant 6 : i32
    %dma_start3A_254 = arith.constant 768 : i32
    %dma_start3A_255 = tpu.memref_slice %arg8[%dma_start3A_254] : memref<1280xf32, #tpu.memory_space<vmem>> -> memref<128xf32, #tpu.memory_space<vmem>>
    %dma_start3A_256 = arith.constant 0 : i32
    %dma_start3A_257 = tpu.memref_slice %arg6[%dma_start3A_253, %dma_start3A_256] : memref<10x128xi32, #tpu.memory_space<vmem>> -> memref<1x128xi32, #tpu.memory_space<vmem>>
    %dma_start3A_258 = tpu.memref_squeeze %dma_start3A_257 : memref<1x128xi32, #tpu.memory_space<vmem>> -> memref<128xi32, #tpu.memory_space<vmem>>
    %dma_start3A_259 = arith.constant 0 : i32
    %dma_start3A_260 = tpu.memref_slice %arg4[%dma_start3A_259] : memref<50051001xf32, #tpu.memory_space<hbm>> -> memref<50051001xf32, #tpu.memory_space<hbm>>
    tpu.enqueue_indirect_dma source(%dma_start3A_260 : memref<50051001xf32, #tpu.memory_space<hbm>>) target(%dma_start3A_255 : memref<128xf32, #tpu.memory_space<vmem>>) offsets(%dma_start3A_258 : memref<128xi32, #tpu.memory_space<vmem>>) semaphore(%arg9 : memref<!tpu.dma_semaphore, #tpu.memory_space<semaphore_mem>>)
    %dma_start3A_261 = arith.constant 7 : i32
    %dma_start3A_262 = arith.constant 896 : i32
    %dma_start3A_263 = tpu.memref_slice %arg8[%dma_start3A_262] : memref<1280xf32, #tpu.memory_space<vmem>> -> memref<128xf32, #tpu.memory_space<vmem>>
    %dma_start3A_264 = arith.constant 0 : i32
    %dma_start3A_265 = tpu.memref_slice %arg6[%dma_start3A_261, %dma_start3A_264] : memref<10x128xi32, #tpu.memory_space<vmem>> -> memref<1x128xi32, #tpu.memory_space<vmem>>
    %dma_start3A_266 = tpu.memref_squeeze %dma_start3A_265 : memref<1x128xi32, #tpu.memory_space<vmem>> -> memref<128xi32, #tpu.memory_space<vmem>>
    %dma_start3A_267 = arith.constant 0 : i32
    %dma_start3A_268 = tpu.memref_slice %arg4[%dma_start3A_267] : memref<50051001xf32, #tpu.memory_space<hbm>> -> memref<50051001xf32, #tpu.memory_space<hbm>>
    tpu.enqueue_indirect_dma source(%dma_start3A_268 : memref<50051001xf32, #tpu.memory_space<hbm>>) target(%dma_start3A_263 : memref<128xf32, #tpu.memory_space<vmem>>) offsets(%dma_start3A_266 : memref<128xi32, #tpu.memory_space<vmem>>) semaphore(%arg9 : memref<!tpu.dma_semaphore, #tpu.memory_space<semaphore_mem>>)
    %dma_start3A_269 = arith.constant 8 : i32
    %dma_start3A_270 = arith.constant 1024 : i32
    %dma_start3A_271 = tpu.memref_slice %arg8[%dma_start3A_270] : memref<1280xf32, #tpu.memory_space<vmem>> -> memref<128xf32, #tpu.memory_space<vmem>>
    %dma_start3A_272 = arith.constant 0 : i32
    %dma_start3A_273 = tpu.memref_slice %arg6[%dma_start3A_269, %dma_start3A_272] : memref<10x128xi32, #tpu.memory_space<vmem>> -> memref<1x128xi32, #tpu.memory_space<vmem>>
    %dma_start3A_274 = tpu.memref_squeeze %dma_start3A_273 : memref<1x128xi32, #tpu.memory_space<vmem>> -> memref<128xi32, #tpu.memory_space<vmem>>
    %dma_start3A_275 = arith.constant 0 : i32
    %dma_start3A_276 = tpu.memref_slice %arg4[%dma_start3A_275] : memref<50051001xf32, #tpu.memory_space<hbm>> -> memref<50051001xf32, #tpu.memory_space<hbm>>
    tpu.enqueue_indirect_dma source(%dma_start3A_276 : memref<50051001xf32, #tpu.memory_space<hbm>>) target(%dma_start3A_271 : memref<128xf32, #tpu.memory_space<vmem>>) offsets(%dma_start3A_274 : memref<128xi32, #tpu.memory_space<vmem>>) semaphore(%arg9 : memref<!tpu.dma_semaphore, #tpu.memory_space<semaphore_mem>>)
    %dma_start3A_277 = arith.constant 9 : i32
    %dma_start3A_278 = arith.constant 1152 : i32
    %dma_start3A_279 = tpu.memref_slice %arg8[%dma_start3A_278] : memref<1280xf32, #tpu.memory_space<vmem>> -> memref<128xf32, #tpu.memory_space<vmem>>
    %dma_start3A_280 = arith.constant 0 : i32
    %dma_start3A_281 = tpu.memref_slice %arg6[%dma_start3A_277, %dma_start3A_280] : memref<10x128xi32, #tpu.memory_space<vmem>> -> memref<1x128xi32, #tpu.memory_space<vmem>>
    %dma_start3A_282 = tpu.memref_squeeze %dma_start3A_281 : memref<1x128xi32, #tpu.memory_space<vmem>> -> memref<128xi32, #tpu.memory_space<vmem>>
    %dma_start3A_283 = arith.constant 0 : i32
    %dma_start3A_284 = tpu.memref_slice %arg4[%dma_start3A_283] : memref<50051001xf32, #tpu.memory_space<hbm>> -> memref<50051001xf32, #tpu.memory_space<hbm>>
    tpu.enqueue_indirect_dma source(%dma_start3A_284 : memref<50051001xf32, #tpu.memory_space<hbm>>) target(%dma_start3A_279 : memref<128xf32, #tpu.memory_space<vmem>>) offsets(%dma_start3A_282 : memref<128xi32, #tpu.memory_space<vmem>>) semaphore(%arg9 : memref<!tpu.dma_semaphore, #tpu.memory_space<semaphore_mem>>)
    %dma_wait3A_285 = arith.constant 0 : i32
    %dma_wait3A_286 = arith.constant 0 : i32
    %dma_wait3A_287 = tpu.memref_slice %arg8[%dma_wait3A_286] : memref<1280xf32, #tpu.memory_space<vmem>> -> memref<128xf32, #tpu.memory_space<vmem>>
    %dma_wait3A_288 = arith.constant 0 : i32
    %dma_wait3A_289 = tpu.memref_slice %arg6[%dma_wait3A_285, %dma_wait3A_288] : memref<10x128xi32, #tpu.memory_space<vmem>> -> memref<1x128xi32, #tpu.memory_space<vmem>>
    %dma_wait3A_290 = tpu.memref_squeeze %dma_wait3A_289 : memref<1x128xi32, #tpu.memory_space<vmem>> -> memref<128xi32, #tpu.memory_space<vmem>>
    %dma_wait3A_291 = arith.constant 0 : i32
    %dma_wait3A_292 = tpu.memref_slice %arg4[%dma_wait3A_291] : memref<50051001xf32, #tpu.memory_space<hbm>> -> memref<50051001xf32, #tpu.memory_space<hbm>>
    tpu.wait_indirect_dma semaphore(%arg9 : memref<!tpu.dma_semaphore, #tpu.memory_space<semaphore_mem>>) src(%dma_wait3A_292 : memref<50051001xf32, #tpu.memory_space<hbm>>) dst(%dma_wait3A_287 : memref<128xf32, #tpu.memory_space<vmem>>)
    %dma_wait3A_293 = arith.constant 1 : i32
    %dma_wait3A_294 = arith.constant 128 : i32
    %dma_wait3A_295 = tpu.memref_slice %arg8[%dma_wait3A_294] : memref<1280xf32, #tpu.memory_space<vmem>> -> memref<128xf32, #tpu.memory_space<vmem>>
    %dma_wait3A_296 = arith.constant 0 : i32
    %dma_wait3A_297 = tpu.memref_slice %arg6[%dma_wait3A_293, %dma_wait3A_296] : memref<10x128xi32, #tpu.memory_space<vmem>> -> memref<1x128xi32, #tpu.memory_space<vmem>>
    %dma_wait3A_298 = tpu.memref_squeeze %dma_wait3A_297 : memref<1x128xi32, #tpu.memory_space<vmem>> -> memref<128xi32, #tpu.memory_space<vmem>>
    %dma_wait3A_299 = arith.constant 0 : i32
    %dma_wait3A_300 = tpu.memref_slice %arg4[%dma_wait3A_299] : memref<50051001xf32, #tpu.memory_space<hbm>> -> memref<50051001xf32, #tpu.memory_space<hbm>>
    tpu.wait_indirect_dma semaphore(%arg9 : memref<!tpu.dma_semaphore, #tpu.memory_space<semaphore_mem>>) src(%dma_wait3A_300 : memref<50051001xf32, #tpu.memory_space<hbm>>) dst(%dma_wait3A_295 : memref<128xf32, #tpu.memory_space<vmem>>)
    %dma_wait3A_301 = arith.constant 2 : i32
    %dma_wait3A_302 = arith.constant 256 : i32
    %dma_wait3A_303 = tpu.memref_slice %arg8[%dma_wait3A_302] : memref<1280xf32, #tpu.memory_space<vmem>> -> memref<128xf32, #tpu.memory_space<vmem>>
    %dma_wait3A_304 = arith.constant 0 : i32
    %dma_wait3A_305 = tpu.memref_slice %arg6[%dma_wait3A_301, %dma_wait3A_304] : memref<10x128xi32, #tpu.memory_space<vmem>> -> memref<1x128xi32, #tpu.memory_space<vmem>>
    %dma_wait3A_306 = tpu.memref_squeeze %dma_wait3A_305 : memref<1x128xi32, #tpu.memory_space<vmem>> -> memref<128xi32, #tpu.memory_space<vmem>>
    %dma_wait3A_307 = arith.constant 0 : i32
    %dma_wait3A_308 = tpu.memref_slice %arg4[%dma_wait3A_307] : memref<50051001xf32, #tpu.memory_space<hbm>> -> memref<50051001xf32, #tpu.memory_space<hbm>>
    tpu.wait_indirect_dma semaphore(%arg9 : memref<!tpu.dma_semaphore, #tpu.memory_space<semaphore_mem>>) src(%dma_wait3A_308 : memref<50051001xf32, #tpu.memory_space<hbm>>) dst(%dma_wait3A_303 : memref<128xf32, #tpu.memory_space<vmem>>)
    %dma_wait3A_309 = arith.constant 3 : i32
    %dma_wait3A_310 = arith.constant 384 : i32
    %dma_wait3A_311 = tpu.memref_slice %arg8[%dma_wait3A_310] : memref<1280xf32, #tpu.memory_space<vmem>> -> memref<128xf32, #tpu.memory_space<vmem>>
    %dma_wait3A_312 = arith.constant 0 : i32
    %dma_wait3A_313 = tpu.memref_slice %arg6[%dma_wait3A_309, %dma_wait3A_312] : memref<10x128xi32, #tpu.memory_space<vmem>> -> memref<1x128xi32, #tpu.memory_space<vmem>>
    %dma_wait3A_314 = tpu.memref_squeeze %dma_wait3A_313 : memref<1x128xi32, #tpu.memory_space<vmem>> -> memref<128xi32, #tpu.memory_space<vmem>>
    %dma_wait3A_315 = arith.constant 0 : i32
    %dma_wait3A_316 = tpu.memref_slice %arg4[%dma_wait3A_315] : memref<50051001xf32, #tpu.memory_space<hbm>> -> memref<50051001xf32, #tpu.memory_space<hbm>>
    tpu.wait_indirect_dma semaphore(%arg9 : memref<!tpu.dma_semaphore, #tpu.memory_space<semaphore_mem>>) src(%dma_wait3A_316 : memref<50051001xf32, #tpu.memory_space<hbm>>) dst(%dma_wait3A_311 : memref<128xf32, #tpu.memory_space<vmem>>)
    %dma_wait3A_317 = arith.constant 4 : i32
    %dma_wait3A_318 = arith.constant 512 : i32
    %dma_wait3A_319 = tpu.memref_slice %arg8[%dma_wait3A_318] : memref<1280xf32, #tpu.memory_space<vmem>> -> memref<128xf32, #tpu.memory_space<vmem>>
    %dma_wait3A_320 = arith.constant 0 : i32
    %dma_wait3A_321 = tpu.memref_slice %arg6[%dma_wait3A_317, %dma_wait3A_320] : memref<10x128xi32, #tpu.memory_space<vmem>> -> memref<1x128xi32, #tpu.memory_space<vmem>>
    %dma_wait3A_322 = tpu.memref_squeeze %dma_wait3A_321 : memref<1x128xi32, #tpu.memory_space<vmem>> -> memref<128xi32, #tpu.memory_space<vmem>>
    %dma_wait3A_323 = arith.constant 0 : i32
    %dma_wait3A_324 = tpu.memref_slice %arg4[%dma_wait3A_323] : memref<50051001xf32, #tpu.memory_space<hbm>> -> memref<50051001xf32, #tpu.memory_space<hbm>>
    tpu.wait_indirect_dma semaphore(%arg9 : memref<!tpu.dma_semaphore, #tpu.memory_space<semaphore_mem>>) src(%dma_wait3A_324 : memref<50051001xf32, #tpu.memory_space<hbm>>) dst(%dma_wait3A_319 : memref<128xf32, #tpu.memory_space<vmem>>)
    %dma_wait3A_325 = arith.constant 5 : i32
    %dma_wait3A_326 = arith.constant 640 : i32
    %dma_wait3A_327 = tpu.memref_slice %arg8[%dma_wait3A_326] : memref<1280xf32, #tpu.memory_space<vmem>> -> memref<128xf32, #tpu.memory_space<vmem>>
    %dma_wait3A_328 = arith.constant 0 : i32
    %dma_wait3A_329 = tpu.memref_slice %arg6[%dma_wait3A_325, %dma_wait3A_328] : memref<10x128xi32, #tpu.memory_space<vmem>> -> memref<1x128xi32, #tpu.memory_space<vmem>>
    %dma_wait3A_330 = tpu.memref_squeeze %dma_wait3A_329 : memref<1x128xi32, #tpu.memory_space<vmem>> -> memref<128xi32, #tpu.memory_space<vmem>>
    %dma_wait3A_331 = arith.constant 0 : i32
    %dma_wait3A_332 = tpu.memref_slice %arg4[%dma_wait3A_331] : memref<50051001xf32, #tpu.memory_space<hbm>> -> memref<50051001xf32, #tpu.memory_space<hbm>>
    tpu.wait_indirect_dma semaphore(%arg9 : memref<!tpu.dma_semaphore, #tpu.memory_space<semaphore_mem>>) src(%dma_wait3A_332 : memref<50051001xf32, #tpu.memory_space<hbm>>) dst(%dma_wait3A_327 : memref<128xf32, #tpu.memory_space<vmem>>)
    %dma_wait3A_333 = arith.constant 6 : i32
    %dma_wait3A_334 = arith.constant 768 : i32
    %dma_wait3A_335 = tpu.memref_slice %arg8[%dma_wait3A_334] : memref<1280xf32, #tpu.memory_space<vmem>> -> memref<128xf32, #tpu.memory_space<vmem>>
    %dma_wait3A_336 = arith.constant 0 : i32
    %dma_wait3A_337 = tpu.memref_slice %arg6[%dma_wait3A_333, %dma_wait3A_336] : memref<10x128xi32, #tpu.memory_space<vmem>> -> memref<1x128xi32, #tpu.memory_space<vmem>>
    %dma_wait3A_338 = tpu.memref_squeeze %dma_wait3A_337 : memref<1x128xi32, #tpu.memory_space<vmem>> -> memref<128xi32, #tpu.memory_space<vmem>>
    %dma_wait3A_339 = arith.constant 0 : i32
    %dma_wait3A_340 = tpu.memref_slice %arg4[%dma_wait3A_339] : memref<50051001xf32, #tpu.memory_space<hbm>> -> memref<50051001xf32, #tpu.memory_space<hbm>>
    tpu.wait_indirect_dma semaphore(%arg9 : memref<!tpu.dma_semaphore, #tpu.memory_space<semaphore_mem>>) src(%dma_wait3A_340 : memref<50051001xf32, #tpu.memory_space<hbm>>) dst(%dma_wait3A_335 : memref<128xf32, #tpu.memory_space<vmem>>)
    %dma_wait3A_341 = arith.constant 7 : i32
    %dma_wait3A_342 = arith.constant 896 : i32
    %dma_wait3A_343 = tpu.memref_slice %arg8[%dma_wait3A_342] : memref<1280xf32, #tpu.memory_space<vmem>> -> memref<128xf32, #tpu.memory_space<vmem>>
    %dma_wait3A_344 = arith.constant 0 : i32
    %dma_wait3A_345 = tpu.memref_slice %arg6[%dma_wait3A_341, %dma_wait3A_344] : memref<10x128xi32, #tpu.memory_space<vmem>> -> memref<1x128xi32, #tpu.memory_space<vmem>>
    %dma_wait3A_346 = tpu.memref_squeeze %dma_wait3A_345 : memref<1x128xi32, #tpu.memory_space<vmem>> -> memref<128xi32, #tpu.memory_space<vmem>>
    %dma_wait3A_347 = arith.constant 0 : i32
    %dma_wait3A_348 = tpu.memref_slice %arg4[%dma_wait3A_347] : memref<50051001xf32, #tpu.memory_space<hbm>> -> memref<50051001xf32, #tpu.memory_space<hbm>>
    tpu.wait_indirect_dma semaphore(%arg9 : memref<!tpu.dma_semaphore, #tpu.memory_space<semaphore_mem>>) src(%dma_wait3A_348 : memref<50051001xf32, #tpu.memory_space<hbm>>) dst(%dma_wait3A_343 : memref<128xf32, #tpu.memory_space<vmem>>)
    %dma_wait3A_349 = arith.constant 8 : i32
    %dma_wait3A_350 = arith.constant 1024 : i32
    %dma_wait3A_351 = tpu.memref_slice %arg8[%dma_wait3A_350] : memref<1280xf32, #tpu.memory_space<vmem>> -> memref<128xf32, #tpu.memory_space<vmem>>
    %dma_wait3A_352 = arith.constant 0 : i32
    %dma_wait3A_353 = tpu.memref_slice %arg6[%dma_wait3A_349, %dma_wait3A_352] : memref<10x128xi32, #tpu.memory_space<vmem>> -> memref<1x128xi32, #tpu.memory_space<vmem>>
    %dma_wait3A_354 = tpu.memref_squeeze %dma_wait3A_353 : memref<1x128xi32, #tpu.memory_space<vmem>> -> memref<128xi32, #tpu.memory_space<vmem>>
    %dma_wait3A_355 = arith.constant 0 : i32
    %dma_wait3A_356 = tpu.memref_slice %arg4[%dma_wait3A_355] : memref<50051001xf32, #tpu.memory_space<hbm>> -> memref<50051001xf32, #tpu.memory_space<hbm>>
    tpu.wait_indirect_dma semaphore(%arg9 : memref<!tpu.dma_semaphore, #tpu.memory_space<semaphore_mem>>) src(%dma_wait3A_356 : memref<50051001xf32, #tpu.memory_space<hbm>>) dst(%dma_wait3A_351 : memref<128xf32, #tpu.memory_space<vmem>>)
    %dma_wait3A_357 = arith.constant 9 : i32
    %dma_wait3A_358 = arith.constant 1152 : i32
    %dma_wait3A_359 = tpu.memref_slice %arg8[%dma_wait3A_358] : memref<1280xf32, #tpu.memory_space<vmem>> -> memref<128xf32, #tpu.memory_space<vmem>>
    %dma_wait3A_360 = arith.constant 0 : i32
    %dma_wait3A_361 = tpu.memref_slice %arg6[%dma_wait3A_357, %dma_wait3A_360] : memref<10x128xi32, #tpu.memory_space<vmem>> -> memref<1x128xi32, #tpu.memory_space<vmem>>
    %dma_wait3A_362 = tpu.memref_squeeze %dma_wait3A_361 : memref<1x128xi32, #tpu.memory_space<vmem>> -> memref<128xi32, #tpu.memory_space<vmem>>
    %dma_wait3A_363 = arith.constant 0 : i32
    %dma_wait3A_364 = tpu.memref_slice %arg4[%dma_wait3A_363] : memref<50051001xf32, #tpu.memory_space<hbm>> -> memref<50051001xf32, #tpu.memory_space<hbm>>
    tpu.wait_indirect_dma semaphore(%arg9 : memref<!tpu.dma_semaphore, #tpu.memory_space<semaphore_mem>>) src(%dma_wait3A_364 : memref<50051001xf32, #tpu.memory_space<hbm>>) dst(%dma_wait3A_359 : memref<128xf32, #tpu.memory_space<vmem>>)
    %get3A = arith.constant 0 : index
    %get3A_365 = tpu.vector_load %arg7[%get3A] {strides = array<i32>} : memref<1280xf32, #tpu.memory_space<vmem>>, vector<16xf32>,
    %get3A_366 = vector.shape_cast %get3A_365 : vector<16xf32> to vector<16xf32>
    %get3A_367 = arith.constant 0 : index
    %get3A_368 = tpu.vector_load %arg8[%get3A_367] {strides = array<i32>} : memref<1280xf32, #tpu.memory_space<vmem>>, vector<16xf32>,
    %get3A_369 = vector.shape_cast %get3A_368 : vector<16xf32> to vector<16xf32>
    %mul3A_370 = arith.constant 1.000000e-01 : f32
    %mul3A_371 = vector.broadcast %mul3A_370 : f32 to vector<16xf32>
    %mul3A_372 = arith.mulf %mul3A_371, %get3A_369 : vector<16xf32>
    %add3A_373 = arith.addf %get3A_366, %mul3A_372 : vector<16xf32>
    %swap3A = arith.constant 0 : index
    %swap3A_374 = tpu.vector_load %arg7[%swap3A] {strides = array<i32>} : memref<1280xf32, #tpu.memory_space<vmem>>, vector<16xf32>,
    %swap3A_375 = vector.shape_cast %swap3A_374 : vector<16xf32> to vector<16xf32>
    %swap3A_376 = vector.shape_cast %add3A_373 : vector<16xf32> to vector<16xf32>
    tpu.vector_store %arg7[%swap3A], %swap3A_376 {strides = array<i32>} : memref<1280xf32, #tpu.memory_space<vmem>>, vector<16xf32>,
    %get3A_377 = arith.constant 16 : index
    %get3A_378 = tpu.vector_load %arg7[%get3A_377] {strides = array<i32>} : memref<1280xf32, #tpu.memory_space<vmem>>, vector<16xf32>,
    %get3A_379 = vector.shape_cast %get3A_378 : vector<16xf32> to vector<16xf32>
    %get3A_380 = arith.constant 16 : index
    %get3A_381 = tpu.vector_load %arg8[%get3A_380] {strides = array<i32>} : memref<1280xf32, #tpu.memory_space<vmem>>, vector<16xf32>,
    %get3A_382 = vector.shape_cast %get3A_381 : vector<16xf32> to vector<16xf32>
    %mul3A_383 = arith.constant 1.000000e-01 : f32
    %mul3A_384 = vector.broadcast %mul3A_383 : f32 to vector<16xf32>
    %mul3A_385 = arith.mulf %mul3A_384, %get3A_382 : vector<16xf32>
    %add3A_386 = arith.addf %get3A_379, %mul3A_385 : vector<16xf32>
    %swap3A_387 = arith.constant 16 : index
    %swap3A_388 = tpu.vector_load %arg7[%swap3A_387] {strides = array<i32>} : memref<1280xf32, #tpu.memory_space<vmem>>, vector<16xf32>,
    %swap3A_389 = vector.shape_cast %swap3A_388 : vector<16xf32> to vector<16xf32>
    %swap3A_390 = vector.shape_cast %add3A_386 : vector<16xf32> to vector<16xf32>
    tpu.vector_store %arg7[%swap3A_387], %swap3A_390 {strides = array<i32>} : memref<1280xf32, #tpu.memory_space<vmem>>, vector<16xf32>,
    %get3A_391 = arith.constant 32 : index
    %get3A_392 = tpu.vector_load %arg7[%get3A_391] {strides = array<i32>} : memref<1280xf32, #tpu.memory_space<vmem>>, vector<16xf32>,
    %get3A_393 = vector.shape_cast %get3A_392 : vector<16xf32> to vector<16xf32>
    %get3A_394 = arith.constant 32 : index
    %get3A_395 = tpu.vector_load %arg8[%get3A_394] {strides = array<i32>} : memref<1280xf32, #tpu.memory_space<vmem>>, vector<16xf32>,
    %get3A_396 = vector.shape_cast %get3A_395 : vector<16xf32> to vector<16xf32>
    %mul3A_397 = arith.constant 1.000000e-01 : f32
    %mul3A_398 = vector.broadcast %mul3A_397 : f32 to vector<16xf32>
    %mul3A_399 = arith.mulf %mul3A_398, %get3A_396 : vector<16xf32>
    %add3A_400 = arith.addf %get3A_393, %mul3A_399 : vector<16xf32>
    %swap3A_401 = arith.constant 32 : index
    %swap3A_402 = tpu.vector_load %arg7[%swap3A_401] {strides = array<i32>} : memref<1280xf32, #tpu.memory_space<vmem>>, vector<16xf32>,
    %swap3A_403 = vector.shape_cast %swap3A_402 : vector<16xf32> to vector<16xf32>
    %swap3A_404 = vector.shape_cast %add3A_400 : vector<16xf32> to vector<16xf32>
    tpu.vector_store %arg7[%swap3A_401], %swap3A_404 {strides = array<i32>} : memref<1280xf32, #tpu.memory_space<vmem>>, vector<16xf32>,
    %get3A_405 = arith.constant 48 : index
    %get3A_406 = tpu.vector_load %arg7[%get3A_405] {strides = array<i32>} : memref<1280xf32, #tpu.memory_space<vmem>>, vector<16xf32>,
    %get3A_407 = vector.shape_cast %get3A_406 : vector<16xf32> to vector<16xf32>
    %get3A_408 = arith.constant 48 : index
    %get3A_409 = tpu.vector_load %arg8[%get3A_408] {strides = array<i32>} : memref<1280xf32, #tpu.memory_space<vmem>>, vector<16xf32>,
    %get3A_410 = vector.shape_cast %get3A_409 : vector<16xf32> to vector<16xf32>
    %mul3A_411 = arith.constant 1.000000e-01 : f32
    %mul3A_412 = vector.broadcast %mul3A_411 : f32 to vector<16xf32>
    %mul3A_413 = arith.mulf %mul3A_412, %get3A_410 : vector<16xf32>
    %add3A_414 = arith.addf %get3A_407, %mul3A_413 : vector<16xf32>
    %swap3A_415 = arith.constant 48 : index
    %swap3A_416 = tpu.vector_load %arg7[%swap3A_415] {strides = array<i32>} : memref<1280xf32, #tpu.memory_space<vmem>>, vector<16xf32>,
    %swap3A_417 = vector.shape_cast %swap3A_416 : vector<16xf32> to vector<16xf32>
    %swap3A_418 = vector.shape_cast %add3A_414 : vector<16xf32> to vector<16xf32>
    tpu.vector_store %arg7[%swap3A_415], %swap3A_418 {strides = array<i32>} : memref<1280xf32, #tpu.memory_space<vmem>>, vector<16xf32>,
    %get3A_419 = arith.constant 64 : index
    %get3A_420 = tpu.vector_load %arg7[%get3A_419] {strides = array<i32>} : memref<1280xf32, #tpu.memory_space<vmem>>, vector<16xf32>,
    %get3A_421 = vector.shape_cast %get3A_420 : vector<16xf32> to vector<16xf32>
    %get3A_422 = arith.constant 64 : index
    %get3A_423 = tpu.vector_load %arg8[%get3A_422] {strides = array<i32>} : memref<1280xf32, #tpu.memory_space<vmem>>, vector<16xf32>,
    %get3A_424 = vector.shape_cast %get3A_423 : vector<16xf32> to vector<16xf32>
    %mul3A_425 = arith.constant 1.000000e-01 : f32
    %mul3A_426 = vector.broadcast %mul3A_425 : f32 to vector<16xf32>
    %mul3A_427 = arith.mulf %mul3A_426, %get3A_424 : vector<16xf32>
    %add3A_428 = arith.addf %get3A_421, %mul3A_427 : vector<16xf32>
    %swap3A_429 = arith.constant 64 : index
    %swap3A_430 = tpu.vector_load %arg7[%swap3A_429] {strides = array<i32>} : memref<1280xf32, #tpu.memory_space<vmem>>, vector<16xf32>,
    %swap3A_431 = vector.shape_cast %swap3A_430 : vector<16xf32> to vector<16xf32>
    %swap3A_432 = vector.shape_cast %add3A_428 : vector<16xf32> to vector<16xf32>
    tpu.vector_store %arg7[%swap3A_429], %swap3A_432 {strides = array<i32>} : memref<1280xf32, #tpu.memory_space<vmem>>, vector<16xf32>,
    %get3A_433 = arith.constant 80 : index
    %get3A_434 = tpu.vector_load %arg7[%get3A_433] {strides = array<i32>} : memref<1280xf32, #tpu.memory_space<vmem>>, vector<16xf32>,
    %get3A_435 = vector.shape_cast %get3A_434 : vector<16xf32> to vector<16xf32>
    %get3A_436 = arith.constant 80 : index
    %get3A_437 = tpu.vector_load %arg8[%get3A_436] {strides = array<i32>} : memref<1280xf32, #tpu.memory_space<vmem>>, vector<16xf32>,
    %get3A_438 = vector.shape_cast %get3A_437 : vector<16xf32> to vector<16xf32>
    %mul3A_439 = arith.constant 1.000000e-01 : f32
    %mul3A_440 = vector.broadcast %mul3A_439 : f32 to vector<16xf32>
    %mul3A_441 = arith.mulf %mul3A_440, %get3A_438 : vector<16xf32>
    %add3A_442 = arith.addf %get3A_435, %mul3A_441 : vector<16xf32>
    %swap3A_443 = arith.constant 80 : index
    %swap3A_444 = tpu.vector_load %arg7[%swap3A_443] {strides = array<i32>} : memref<1280xf32, #tpu.memory_space<vmem>>, vector<16xf32>,
    %swap3A_445 = vector.shape_cast %swap3A_444 : vector<16xf32> to vector<16xf32>
    %swap3A_446 = vector.shape_cast %add3A_442 : vector<16xf32> to vector<16xf32>
    tpu.vector_store %arg7[%swap3A_443], %swap3A_446 {strides = array<i32>} : memref<1280xf32, #tpu.memory_space<vmem>>, vector<16xf32>,
    %get3A_447 = arith.constant 96 : index
    %get3A_448 = tpu.vector_load %arg7[%get3A_447] {strides = array<i32>} : memref<1280xf32, #tpu.memory_space<vmem>>, vector<16xf32>,
    %get3A_449 = vector.shape_cast %get3A_448 : vector<16xf32> to vector<16xf32>
    %get3A_450 = arith.constant 96 : index
    %get3A_451 = tpu.vector_load %arg8[%get3A_450] {strides = array<i32>} : memref<1280xf32, #tpu.memory_space<vmem>>, vector<16xf32>,
    %get3A_452 = vector.shape_cast %get3A_451 : vector<16xf32> to vector<16xf32>
    %mul3A_453 = arith.constant 1.000000e-01 : f32
    %mul3A_454 = vector.broadcast %mul3A_453 : f32 to vector<16xf32>
    %mul3A_455 = arith.mulf %mul3A_454, %get3A_452 : vector<16xf32>
    %add3A_456 = arith.addf %get3A_449, %mul3A_455 : vector<16xf32>
    %swap3A_457 = arith.constant 96 : index
    %swap3A_458 = tpu.vector_load %arg7[%swap3A_457] {strides = array<i32>} : memref<1280xf32, #tpu.memory_space<vmem>>, vector<16xf32>,
    %swap3A_459 = vector.shape_cast %swap3A_458 : vector<16xf32> to vector<16xf32>
    %swap3A_460 = vector.shape_cast %add3A_456 : vector<16xf32> to vector<16xf32>
    tpu.vector_store %arg7[%swap3A_457], %swap3A_460 {strides = array<i32>} : memref<1280xf32, #tpu.memory_space<vmem>>, vector<16xf32>,
    %get3A_461 = arith.constant 112 : index
    %get3A_462 = tpu.vector_load %arg7[%get3A_461] {strides = array<i32>} : memref<1280xf32, #tpu.memory_space<vmem>>, vector<16xf32>,
    %get3A_463 = vector.shape_cast %get3A_462 : vector<16xf32> to vector<16xf32>
    %get3A_464 = arith.constant 112 : index
    %get3A_465 = tpu.vector_load %arg8[%get3A_464] {strides = array<i32>} : memref<1280xf32, #tpu.memory_space<vmem>>, vector<16xf32>,
    %get3A_466 = vector.shape_cast %get3A_465 : vector<16xf32> to vector<16xf32>
    %mul3A_467 = arith.constant 1.000000e-01 : f32
    %mul3A_468 = vector.broadcast %mul3A_467 : f32 to vector<16xf32>
    %mul3A_469 = arith.mulf %mul3A_468, %get3A_466 : vector<16xf32>
    %add3A_470 = arith.addf %get3A_463, %mul3A_469 : vector<16xf32>
    %swap3A_471 = arith.constant 112 : index
    %swap3A_472 = tpu.vector_load %arg7[%swap3A_471] {strides = array<i32>} : memref<1280xf32, #tpu.memory_space<vmem>>, vector<16xf32>,
    %swap3A_473 = vector.shape_cast %swap3A_472 : vector<16xf32> to vector<16xf32>
    %swap3A_474 = vector.shape_cast %add3A_470 : vector<16xf32> to vector<16xf32>
    tpu.vector_store %arg7[%swap3A_471], %swap3A_474 {strides = array<i32>} : memref<1280xf32, #tpu.memory_space<vmem>>, vector<16xf32>,
    %get3A_475 = arith.constant 128 : index
    %get3A_476 = tpu.vector_load %arg7[%get3A_475] {strides = array<i32>} : memref<1280xf32, #tpu.memory_space<vmem>>, vector<16xf32>,
    %get3A_477 = vector.shape_cast %get3A_476 : vector<16xf32> to vector<16xf32>
    %get3A_478 = arith.constant 128 : index
    %get3A_479 = tpu.vector_load %arg8[%get3A_478] {strides = array<i32>} : memref<1280xf32, #tpu.memory_space<vmem>>, vector<16xf32>,
    %get3A_480 = vector.shape_cast %get3A_479 : vector<16xf32> to vector<16xf32>
    %mul3A_481 = arith.constant 1.000000e-01 : f32
    %mul3A_482 = vector.broadcast %mul3A_481 : f32 to vector<16xf32>
    %mul3A_483 = arith.mulf %mul3A_482, %get3A_480 : vector<16xf32>
    %add3A_484 = arith.addf %get3A_477, %mul3A_483 : vector<16xf32>
    %swap3A_485 = arith.constant 128 : index
    %swap3A_486 = tpu.vector_load %arg7[%swap3A_485] {strides = array<i32>} : memref<1280xf32, #tpu.memory_space<vmem>>, vector<16xf32>,
    %swap3A_487 = vector.shape_cast %swap3A_486 : vector<16xf32> to vector<16xf32>
    %swap3A_488 = vector.shape_cast %add3A_484 : vector<16xf32> to vector<16xf32>
    tpu.vector_store %arg7[%swap3A_485], %swap3A_488 {strides = array<i32>} : memref<1280xf32, #tpu.memory_space<vmem>>, vector<16xf32>,
    %get3A_489 = arith.constant 144 : index
    %get3A_490 = tpu.vector_load %arg7[%get3A_489] {strides = array<i32>} : memref<1280xf32, #tpu.memory_space<vmem>>, vector<16xf32>,
    %get3A_491 = vector.shape_cast %get3A_490 : vector<16xf32> to vector<16xf32>
    %get3A_492 = arith.constant 144 : index
    %get3A_493 = tpu.vector_load %arg8[%get3A_492] {strides = array<i32>} : memref<1280xf32, #tpu.memory_space<vmem>>, vector<16xf32>,
    %get3A_494 = vector.shape_cast %get3A_493 : vector<16xf32> to vector<16xf32>
    %mul3A_495 = arith.constant 1.000000e-01 : f32
    %mul3A_496 = vector.broadcast %mul3A_495 : f32 to vector<16xf32>
    %mul3A_497 = arith.mulf %mul3A_496, %get3A_494 : vector<16xf32>
    %add3A_498 = arith.addf %get3A_491, %mul3A_497 : vector<16xf32>
    %swap3A_499 = arith.constant 144 : index
    %swap3A_500 = tpu.vector_load %arg7[%swap3A_499] {strides = array<i32>} : memref<1280xf32, #tpu.memory_space<vmem>>, vector<16xf32>,
    %swap3A_501 = vector.shape_cast %swap3A_500 : vector<16xf32> to vector<16xf32>
    %swap3A_502 = vector.shape_cast %add3A_498 : vector<16xf32> to vector<16xf32>
    tpu.vector_store %arg7[%swap3A_499], %swap3A_502 {strides = array<i32>} : memref<1280xf32, #tpu.memory_space<vmem>>, vector<16xf32>,
    %get3A_503 = arith.constant 160 : index
    %get3A_504 = tpu.vector_load %arg7[%get3A_503] {strides = array<i32>} : memref<1280xf32, #tpu.memory_space<vmem>>, vector<16xf32>,
    %get3A_505 = vector.shape_cast %get3A_504 : vector<16xf32> to vector<16xf32>
    %get3A_506 = arith.constant 160 : index
    %get3A_507 = tpu.vector_load %arg8[%get3A_506] {strides = array<i32>} : memref<1280xf32, #tpu.memory_space<vmem>>, vector<16xf32>,
    %get3A_508 = vector.shape_cast %get3A_507 : vector<16xf32> to vector<16xf32>
    %mul3A_509 = arith.constant 1.000000e-01 : f32
    %mul3A_510 = vector.broadcast %mul3A_509 : f32 to vector<16xf32>
    %mul3A_511 = arith.mulf %mul3A_510, %get3A_508 : vector<16xf32>
    %add3A_512 = arith.addf %get3A_505, %mul3A_511 : vector<16xf32>
    %swap3A_513 = arith.constant 160 : index
    %swap3A_514 = tpu.vector_load %arg7[%swap3A_513] {strides = array<i32>} : memref<1280xf32, #tpu.memory_space<vmem>>, vector<16xf32>,
    %swap3A_515 = vector.shape_cast %swap3A_514 : vector<16xf32> to vector<16xf32>
    %swap3A_516 = vector.shape_cast %add3A_512 : vector<16xf32> to vector<16xf32>
    tpu.vector_store %arg7[%swap3A_513], %swap3A_516 {strides = array<i32>} : memref<1280xf32, #tpu.memory_space<vmem>>, vector<16xf32>,
    %get3A_517 = arith.constant 176 : index
    %get3A_518 = tpu.vector_load %arg7[%get3A_517] {strides = array<i32>} : memref<1280xf32, #tpu.memory_space<vmem>>, vector<16xf32>,
    %get3A_519 = vector.shape_cast %get3A_518 : vector<16xf32> to vector<16xf32>
    %get3A_520 = arith.constant 176 : index
    %get3A_521 = tpu.vector_load %arg8[%get3A_520] {strides = array<i32>} : memref<1280xf32, #tpu.memory_space<vmem>>, vector<16xf32>,
    %get3A_522 = vector.shape_cast %get3A_521 : vector<16xf32> to vector<16xf32>
    %mul3A_523 = arith.constant 1.000000e-01 : f32
    %mul3A_524 = vector.broadcast %mul3A_523 : f32 to vector<16xf32>
    %mul3A_525 = arith.mulf %mul3A_524, %get3A_522 : vector<16xf32>
    %add3A_526 = arith.addf %get3A_519, %mul3A_525 : vector<16xf32>
    %swap3A_527 = arith.constant 176 : index
    %swap3A_528 = tpu.vector_load %arg7[%swap3A_527] {strides = array<i32>} : memref<1280xf32, #tpu.memory_space<vmem>>, vector<16xf32>,
    %swap3A_529 = vector.shape_cast %swap3A_528 : vector<16xf32> to vector<16xf32>
    %swap3A_530 = vector.shape_cast %add3A_526 : vector<16xf32> to vector<16xf32>
    tpu.vector_store %arg7[%swap3A_527], %swap3A_530 {strides = array<i32>} : memref<1280xf32, #tpu.memory_space<vmem>>, vector<16xf32>,
    %get3A_531 = arith.constant 192 : index
    %get3A_532 = tpu.vector_load %arg7[%get3A_531] {strides = array<i32>} : memref<1280xf32, #tpu.memory_space<vmem>>, vector<16xf32>,
    %get3A_533 = vector.shape_cast %get3A_532 : vector<16xf32> to vector<16xf32>
    %get3A_534 = arith.constant 192 : index
    %get3A_535 = tpu.vector_load %arg8[%get3A_534] {strides = array<i32>} : memref<1280xf32, #tpu.memory_space<vmem>>, vector<16xf32>,
    %get3A_536 = vector.shape_cast %get3A_535 : vector<16xf32> to vector<16xf32>
    %mul3A_537 = arith.constant 1.000000e-01 : f32
    %mul3A_538 = vector.broadcast %mul3A_537 : f32 to vector<16xf32>
    %mul3A_539 = arith.mulf %mul3A_538, %get3A_536 : vector<16xf32>
    %add3A_540 = arith.addf %get3A_533, %mul3A_539 : vector<16xf32>
    %swap3A_541 = arith.constant 192 : index
    %swap3A_542 = tpu.vector_load %arg7[%swap3A_541] {strides = array<i32>} : memref<1280xf32, #tpu.memory_space<vmem>>, vector<16xf32>,
    %swap3A_543 = vector.shape_cast %swap3A_542 : vector<16xf32> to vector<16xf32>
    %swap3A_544 = vector.shape_cast %add3A_540 : vector<16xf32> to vector<16xf32>
    tpu.vector_store %arg7[%swap3A_541], %swap3A_544 {strides = array<i32>} : memref<1280xf32, #tpu.memory_space<vmem>>, vector<16xf32>,
    %get3A_545 = arith.constant 208 : index
    %get3A_546 = tpu.vector_load %arg7[%get3A_545] {strides = array<i32>} : memref<1280xf32, #tpu.memory_space<vmem>>, vector<16xf32>,
    %get3A_547 = vector.shape_cast %get3A_546 : vector<16xf32> to vector<16xf32>
    %get3A_548 = arith.constant 208 : index
    %get3A_549 = tpu.vector_load %arg8[%get3A_548] {strides = array<i32>} : memref<1280xf32, #tpu.memory_space<vmem>>, vector<16xf32>,
    %get3A_550 = vector.shape_cast %get3A_549 : vector<16xf32> to vector<16xf32>
    %mul3A_551 = arith.constant 1.000000e-01 : f32
    %mul3A_552 = vector.broadcast %mul3A_551 : f32 to vector<16xf32>
    %mul3A_553 = arith.mulf %mul3A_552, %get3A_550 : vector<16xf32>
    %add3A_554 = arith.addf %get3A_547, %mul3A_553 : vector<16xf32>
    %swap3A_555 = arith.constant 208 : index
    %swap3A_556 = tpu.vector_load %arg7[%swap3A_555] {strides = array<i32>} : memref<1280xf32, #tpu.memory_space<vmem>>, vector<16xf32>,
    %swap3A_557 = vector.shape_cast %swap3A_556 : vector<16xf32> to vector<16xf32>
    %swap3A_558 = vector.shape_cast %add3A_554 : vector<16xf32> to vector<16xf32>
    tpu.vector_store %arg7[%swap3A_555], %swap3A_558 {strides = array<i32>} : memref<1280xf32, #tpu.memory_space<vmem>>, vector<16xf32>,
    %get3A_559 = arith.constant 224 : index
    %get3A_560 = tpu.vector_load %arg7[%get3A_559] {strides = array<i32>} : memref<1280xf32, #tpu.memory_space<vmem>>, vector<16xf32>,
    %get3A_561 = vector.shape_cast %get3A_560 : vector<16xf32> to vector<16xf32>
    %get3A_562 = arith.constant 224 : index
    %get3A_563 = tpu.vector_load %arg8[%get3A_562] {strides = array<i32>} : memref<1280xf32, #tpu.memory_space<vmem>>, vector<16xf32>,
    %get3A_564 = vector.shape_cast %get3A_563 : vector<16xf32> to vector<16xf32>
    %mul3A_565 = arith.constant 1.000000e-01 : f32
    %mul3A_566 = vector.broadcast %mul3A_565 : f32 to vector<16xf32>
    %mul3A_567 = arith.mulf %mul3A_566, %get3A_564 : vector<16xf32>
    %add3A_568 = arith.addf %get3A_561, %mul3A_567 : vector<16xf32>
    %swap3A_569 = arith.constant 224 : index
    %swap3A_570 = tpu.vector_load %arg7[%swap3A_569] {strides = array<i32>} : memref<1280xf32, #tpu.memory_space<vmem>>, vector<16xf32>,
    %swap3A_571 = vector.shape_cast %swap3A_570 : vector<16xf32> to vector<16xf32>
    %swap3A_572 = vector.shape_cast %add3A_568 : vector<16xf32> to vector<16xf32>
    tpu.vector_store %arg7[%swap3A_569], %swap3A_572 {strides = array<i32>} : memref<1280xf32, #tpu.memory_space<vmem>>, vector<16xf32>,
    %get3A_573 = arith.constant 240 : index
    %get3A_574 = tpu.vector_load %arg7[%get3A_573] {strides = array<i32>} : memref<1280xf32, #tpu.memory_space<vmem>>, vector<16xf32>,
    %get3A_575 = vector.shape_cast %get3A_574 : vector<16xf32> to vector<16xf32>
    %get3A_576 = arith.constant 240 : index
    %get3A_577 = tpu.vector_load %arg8[%get3A_576] {strides = array<i32>} : memref<1280xf32, #tpu.memory_space<vmem>>, vector<16xf32>,
    %get3A_578 = vector.shape_cast %get3A_577 : vector<16xf32> to vector<16xf32>
    %mul3A_579 = arith.constant 1.000000e-01 : f32
    %mul3A_580 = vector.broadcast %mul3A_579 : f32 to vector<16xf32>
    %mul3A_581 = arith.mulf %mul3A_580, %get3A_578 : vector<16xf32>
    %add3A_582 = arith.addf %get3A_575, %mul3A_581 : vector<16xf32>
    %swap3A_583 = arith.constant 240 : index
    %swap3A_584 = tpu.vector_load %arg7[%swap3A_583] {strides = array<i32>} : memref<1280xf32, #tpu.memory_space<vmem>>, vector<16xf32>,
    %swap3A_585 = vector.shape_cast %swap3A_584 : vector<16xf32> to vector<16xf32>
    %swap3A_586 = vector.shape_cast %add3A_582 : vector<16xf32> to vector<16xf32>
    tpu.vector_store %arg7[%swap3A_583], %swap3A_586 {strides = array<i32>} : memref<1280xf32, #tpu.memory_space<vmem>>, vector<16xf32>,
    %get3A_587 = arith.constant 256 : index
    %get3A_588 = tpu.vector_load %arg7[%get3A_587] {strides = array<i32>} : memref<1280xf32, #tpu.memory_space<vmem>>, vector<16xf32>,
    %get3A_589 = vector.shape_cast %get3A_588 : vector<16xf32> to vector<16xf32>
    %get3A_590 = arith.constant 256 : index
    %get3A_591 = tpu.vector_load %arg8[%get3A_590] {strides = array<i32>} : memref<1280xf32, #tpu.memory_space<vmem>>, vector<16xf32>,
    %get3A_592 = vector.shape_cast %get3A_591 : vector<16xf32> to vector<16xf32>
    %mul3A_593 = arith.constant 1.000000e-01 : f32
    %mul3A_594 = vector.broadcast %mul3A_593 : f32 to vector<16xf32>
    %mul3A_595 = arith.mulf %mul3A_594, %get3A_592 : vector<16xf32>
    %add3A_596 = arith.addf %get3A_589, %mul3A_595 : vector<16xf32>
    %swap3A_597 = arith.constant 256 : index
    %swap3A_598 = tpu.vector_load %arg7[%swap3A_597] {strides = array<i32>} : memref<1280xf32, #tpu.memory_space<vmem>>, vector<16xf32>,
    %swap3A_599 = vector.shape_cast %swap3A_598 : vector<16xf32> to vector<16xf32>
    %swap3A_600 = vector.shape_cast %add3A_596 : vector<16xf32> to vector<16xf32>
    tpu.vector_store %arg7[%swap3A_597], %swap3A_600 {strides = array<i32>} : memref<1280xf32, #tpu.memory_space<vmem>>, vector<16xf32>,
    %get3A_601 = arith.constant 272 : index
    %get3A_602 = tpu.vector_load %arg7[%get3A_601] {strides = array<i32>} : memref<1280xf32, #tpu.memory_space<vmem>>, vector<16xf32>,
    %get3A_603 = vector.shape_cast %get3A_602 : vector<16xf32> to vector<16xf32>
    %get3A_604 = arith.constant 272 : index
    %get3A_605 = tpu.vector_load %arg8[%get3A_604] {strides = array<i32>} : memref<1280xf32, #tpu.memory_space<vmem>>, vector<16xf32>,
    %get3A_606 = vector.shape_cast %get3A_605 : vector<16xf32> to vector<16xf32>
    %mul3A_607 = arith.constant 1.000000e-01 : f32
    %mul3A_608 = vector.broadcast %mul3A_607 : f32 to vector<16xf32>
    %mul3A_609 = arith.mulf %mul3A_608, %get3A_606 : vector<16xf32>
    %add3A_610 = arith.addf %get3A_603, %mul3A_609 : vector<16xf32>
    %swap3A_611 = arith.constant 272 : index
    %swap3A_612 = tpu.vector_load %arg7[%swap3A_611] {strides = array<i32>} : memref<1280xf32, #tpu.memory_space<vmem>>, vector<16xf32>,
    %swap3A_613 = vector.shape_cast %swap3A_612 : vector<16xf32> to vector<16xf32>
    %swap3A_614 = vector.shape_cast %add3A_610 : vector<16xf32> to vector<16xf32>
    tpu.vector_store %arg7[%swap3A_611], %swap3A_614 {strides = array<i32>} : memref<1280xf32, #tpu.memory_space<vmem>>, vector<16xf32>,
    %get3A_615 = arith.constant 288 : index
    %get3A_616 = tpu.vector_load %arg7[%get3A_615] {strides = array<i32>} : memref<1280xf32, #tpu.memory_space<vmem>>, vector<16xf32>,
    %get3A_617 = vector.shape_cast %get3A_616 : vector<16xf32> to vector<16xf32>
    %get3A_618 = arith.constant 288 : index
    %get3A_619 = tpu.vector_load %arg8[%get3A_618] {strides = array<i32>} : memref<1280xf32, #tpu.memory_space<vmem>>, vector<16xf32>,
    %get3A_620 = vector.shape_cast %get3A_619 : vector<16xf32> to vector<16xf32>
    %mul3A_621 = arith.constant 1.000000e-01 : f32
    %mul3A_622 = vector.broadcast %mul3A_621 : f32 to vector<16xf32>
    %mul3A_623 = arith.mulf %mul3A_622, %get3A_620 : vector<16xf32>
    %add3A_624 = arith.addf %get3A_617, %mul3A_623 : vector<16xf32>
    %swap3A_625 = arith.constant 288 : index
    %swap3A_626 = tpu.vector_load %arg7[%swap3A_625] {strides = array<i32>} : memref<1280xf32, #tpu.memory_space<vmem>>, vector<16xf32>,
    %swap3A_627 = vector.shape_cast %swap3A_626 : vector<16xf32> to vector<16xf32>
    %swap3A_628 = vector.shape_cast %add3A_624 : vector<16xf32> to vector<16xf32>
    tpu.vector_store %arg7[%swap3A_625], %swap3A_628 {strides = array<i32>} : memref<1280xf32, #tpu.memory_space<vmem>>, vector<16xf32>,
    %get3A_629 = arith.constant 304 : index
    %get3A_630 = tpu.vector_load %arg7[%get3A_629] {strides = array<i32>} : memref<1280xf32, #tpu.memory_space<vmem>>, vector<16xf32>,
    %get3A_631 = vector.shape_cast %get3A_630 : vector<16xf32> to vector<16xf32>
    %get3A_632 = arith.constant 304 : index
    %get3A_633 = tpu.vector_load %arg8[%get3A_632] {strides = array<i32>} : memref<1280xf32, #tpu.memory_space<vmem>>, vector<16xf32>,
    %get3A_634 = vector.shape_cast %get3A_633 : vector<16xf32> to vector<16xf32>
    %mul3A_635 = arith.constant 1.000000e-01 : f32
    %mul3A_636 = vector.broadcast %mul3A_635 : f32 to vector<16xf32>
    %mul3A_637 = arith.mulf %mul3A_636, %get3A_634 : vector<16xf32>
    %add3A_638 = arith.addf %get3A_631, %mul3A_637 : vector<16xf32>
    %swap3A_639 = arith.constant 304 : index
    %swap3A_640 = tpu.vector_load %arg7[%swap3A_639] {strides = array<i32>} : memref<1280xf32, #tpu.memory_space<vmem>>, vector<16xf32>,
    %swap3A_641 = vector.shape_cast %swap3A_640 : vector<16xf32> to vector<16xf32>
    %swap3A_642 = vector.shape_cast %add3A_638 : vector<16xf32> to vector<16xf32>
    tpu.vector_store %arg7[%swap3A_639], %swap3A_642 {strides = array<i32>} : memref<1280xf32, #tpu.memory_space<vmem>>, vector<16xf32>,
    %get3A_643 = arith.constant 320 : index
    %get3A_644 = tpu.vector_load %arg7[%get3A_643] {strides = array<i32>} : memref<1280xf32, #tpu.memory_space<vmem>>, vector<16xf32>,
    %get3A_645 = vector.shape_cast %get3A_644 : vector<16xf32> to vector<16xf32>
    %get3A_646 = arith.constant 320 : index
    %get3A_647 = tpu.vector_load %arg8[%get3A_646] {strides = array<i32>} : memref<1280xf32, #tpu.memory_space<vmem>>, vector<16xf32>,
    %get3A_648 = vector.shape_cast %get3A_647 : vector<16xf32> to vector<16xf32>
    %mul3A_649 = arith.constant 1.000000e-01 : f32
    %mul3A_650 = vector.broadcast %mul3A_649 : f32 to vector<16xf32>
    %mul3A_651 = arith.mulf %mul3A_650, %get3A_648 : vector<16xf32>
    %add3A_652 = arith.addf %get3A_645, %mul3A_651 : vector<16xf32>
    %swap3A_653 = arith.constant 320 : index
    %swap3A_654 = tpu.vector_load %arg7[%swap3A_653] {strides = array<i32>} : memref<1280xf32, #tpu.memory_space<vmem>>, vector<16xf32>,
    %swap3A_655 = vector.shape_cast %swap3A_654 : vector<16xf32> to vector<16xf32>
    %swap3A_656 = vector.shape_cast %add3A_652 : vector<16xf32> to vector<16xf32>
    tpu.vector_store %arg7[%swap3A_653], %swap3A_656 {strides = array<i32>} : memref<1280xf32, #tpu.memory_space<vmem>>, vector<16xf32>,
    %get3A_657 = arith.constant 336 : index
    %get3A_658 = tpu.vector_load %arg7[%get3A_657] {strides = array<i32>} : memref<1280xf32, #tpu.memory_space<vmem>>, vector<16xf32>,
    %get3A_659 = vector.shape_cast %get3A_658 : vector<16xf32> to vector<16xf32>
    %get3A_660 = arith.constant 336 : index
    %get3A_661 = tpu.vector_load %arg8[%get3A_660] {strides = array<i32>} : memref<1280xf32, #tpu.memory_space<vmem>>, vector<16xf32>,
    %get3A_662 = vector.shape_cast %get3A_661 : vector<16xf32> to vector<16xf32>
    %mul3A_663 = arith.constant 1.000000e-01 : f32
    %mul3A_664 = vector.broadcast %mul3A_663 : f32 to vector<16xf32>
    %mul3A_665 = arith.mulf %mul3A_664, %get3A_662 : vector<16xf32>
    %add3A_666 = arith.addf %get3A_659, %mul3A_665 : vector<16xf32>
    %swap3A_667 = arith.constant 336 : index
    %swap3A_668 = tpu.vector_load %arg7[%swap3A_667] {strides = array<i32>} : memref<1280xf32, #tpu.memory_space<vmem>>, vector<16xf32>,
    %swap3A_669 = vector.shape_cast %swap3A_668 : vector<16xf32> to vector<16xf32>
    %swap3A_670 = vector.shape_cast %add3A_666 : vector<16xf32> to vector<16xf32>
    tpu.vector_store %arg7[%swap3A_667], %swap3A_670 {strides = array<i32>} : memref<1280xf32, #tpu.memory_space<vmem>>, vector<16xf32>,
    %get3A_671 = arith.constant 352 : index
    %get3A_672 = tpu.vector_load %arg7[%get3A_671] {strides = array<i32>} : memref<1280xf32, #tpu.memory_space<vmem>>, vector<16xf32>,
    %get3A_673 = vector.shape_cast %get3A_672 : vector<16xf32> to vector<16xf32>
    %get3A_674 = arith.constant 352 : index
    %get3A_675 = tpu.vector_load %arg8[%get3A_674] {strides = array<i32>} : memref<1280xf32, #tpu.memory_space<vmem>>, vector<16xf32>,
    %get3A_676 = vector.shape_cast %get3A_675 : vector<16xf32> to vector<16xf32>
    %mul3A_677 = arith.constant 1.000000e-01 : f32
    %mul3A_678 = vector.broadcast %mul3A_677 : f32 to vector<16xf32>
    %mul3A_679 = arith.mulf %mul3A_678, %get3A_676 : vector<16xf32>
    %add3A_680 = arith.addf %get3A_673, %mul3A_679 : vector<16xf32>
    %swap3A_681 = arith.constant 352 : index
    %swap3A_682 = tpu.vector_load %arg7[%swap3A_681] {strides = array<i32>} : memref<1280xf32, #tpu.memory_space<vmem>>, vector<16xf32>,
    %swap3A_683 = vector.shape_cast %swap3A_682 : vector<16xf32> to vector<16xf32>
    %swap3A_684 = vector.shape_cast %add3A_680 : vector<16xf32> to vector<16xf32>
    tpu.vector_store %arg7[%swap3A_681], %swap3A_684 {strides = array<i32>} : memref<1280xf32, #tpu.memory_space<vmem>>, vector<16xf32>,
    %get3A_685 = arith.constant 368 : index
    %get3A_686 = tpu.vector_load %arg7[%get3A_685] {strides = array<i32>} : memref<1280xf32, #tpu.memory_space<vmem>>, vector<16xf32>,
    %get3A_687 = vector.shape_cast %get3A_686 : vector<16xf32> to vector<16xf32>
    %get3A_688 = arith.constant 368 : index
    %get3A_689 = tpu.vector_load %arg8[%get3A_688] {strides = array<i32>} : memref<1280xf32, #tpu.memory_space<vmem>>, vector<16xf32>,
    %get3A_690 = vector.shape_cast %get3A_689 : vector<16xf32> to vector<16xf32>
    %mul3A_691 = arith.constant 1.000000e-01 : f32
    %mul3A_692 = vector.broadcast %mul3A_691 : f32 to vector<16xf32>
    %mul3A_693 = arith.mulf %mul3A_692, %get3A_690 : vector<16xf32>
    %add3A_694 = arith.addf %get3A_687, %mul3A_693 : vector<16xf32>
    %swap3A_695 = arith.constant 368 : index
    %swap3A_696 = tpu.vector_load %arg7[%swap3A_695] {strides = array<i32>} : memref<1280xf32, #tpu.memory_space<vmem>>, vector<16xf32>,
    %swap3A_697 = vector.shape_cast %swap3A_696 : vector<16xf32> to vector<16xf32>
    %swap3A_698 = vector.shape_cast %add3A_694 : vector<16xf32> to vector<16xf32>
    tpu.vector_store %arg7[%swap3A_695], %swap3A_698 {strides = array<i32>} : memref<1280xf32, #tpu.memory_space<vmem>>, vector<16xf32>,
    %get3A_699 = arith.constant 384 : index
    %get3A_700 = tpu.vector_load %arg7[%get3A_699] {strides = array<i32>} : memref<1280xf32, #tpu.memory_space<vmem>>, vector<16xf32>,
    %get3A_701 = vector.shape_cast %get3A_700 : vector<16xf32> to vector<16xf32>
    %get3A_702 = arith.constant 384 : index
    %get3A_703 = tpu.vector_load %arg8[%get3A_702] {strides = array<i32>} : memref<1280xf32, #tpu.memory_space<vmem>>, vector<16xf32>,
    %get3A_704 = vector.shape_cast %get3A_703 : vector<16xf32> to vector<16xf32>
    %mul3A_705 = arith.constant 1.000000e-01 : f32
    %mul3A_706 = vector.broadcast %mul3A_705 : f32 to vector<16xf32>
    %mul3A_707 = arith.mulf %mul3A_706, %get3A_704 : vector<16xf32>
    %add3A_708 = arith.addf %get3A_701, %mul3A_707 : vector<16xf32>
    %swap3A_709 = arith.constant 384 : index
    %swap3A_710 = tpu.vector_load %arg7[%swap3A_709] {strides = array<i32>} : memref<1280xf32, #tpu.memory_space<vmem>>, vector<16xf32>,
    %swap3A_711 = vector.shape_cast %swap3A_710 : vector<16xf32> to vector<16xf32>
    %swap3A_712 = vector.shape_cast %add3A_708 : vector<16xf32> to vector<16xf32>
    tpu.vector_store %arg7[%swap3A_709], %swap3A_712 {strides = array<i32>} : memref<1280xf32, #tpu.memory_space<vmem>>, vector<16xf32>,
    %get3A_713 = arith.constant 400 : index
    %get3A_714 = tpu.vector_load %arg7[%get3A_713] {strides = array<i32>} : memref<1280xf32, #tpu.memory_space<vmem>>, vector<16xf32>,
    %get3A_715 = vector.shape_cast %get3A_714 : vector<16xf32> to vector<16xf32>
    %get3A_716 = arith.constant 400 : index
    %get3A_717 = tpu.vector_load %arg8[%get3A_716] {strides = array<i32>} : memref<1280xf32, #tpu.memory_space<vmem>>, vector<16xf32>,
    %get3A_718 = vector.shape_cast %get3A_717 : vector<16xf32> to vector<16xf32>
    %mul3A_719 = arith.constant 1.000000e-01 : f32
    %mul3A_720 = vector.broadcast %mul3A_719 : f32 to vector<16xf32>
    %mul3A_721 = arith.mulf %mul3A_720, %get3A_718 : vector<16xf32>
    %add3A_722 = arith.addf %get3A_715, %mul3A_721 : vector<16xf32>
    %swap3A_723 = arith.constant 400 : index
    %swap3A_724 = tpu.vector_load %arg7[%swap3A_723] {strides = array<i32>} : memref<1280xf32, #tpu.memory_space<vmem>>, vector<16xf32>,
    %swap3A_725 = vector.shape_cast %swap3A_724 : vector<16xf32> to vector<16xf32>
    %swap3A_726 = vector.shape_cast %add3A_722 : vector<16xf32> to vector<16xf32>
    tpu.vector_store %arg7[%swap3A_723], %swap3A_726 {strides = array<i32>} : memref<1280xf32, #tpu.memory_space<vmem>>, vector<16xf32>,
    %get3A_727 = arith.constant 416 : index
    %get3A_728 = tpu.vector_load %arg7[%get3A_727] {strides = array<i32>} : memref<1280xf32, #tpu.memory_space<vmem>>, vector<16xf32>,
    %get3A_729 = vector.shape_cast %get3A_728 : vector<16xf32> to vector<16xf32>
    %get3A_730 = arith.constant 416 : index
    %get3A_731 = tpu.vector_load %arg8[%get3A_730] {strides = array<i32>} : memref<1280xf32, #tpu.memory_space<vmem>>, vector<16xf32>,
    %get3A_732 = vector.shape_cast %get3A_731 : vector<16xf32> to vector<16xf32>
    %mul3A_733 = arith.constant 1.000000e-01 : f32
    %mul3A_734 = vector.broadcast %mul3A_733 : f32 to vector<16xf32>
    %mul3A_735 = arith.mulf %mul3A_734, %get3A_732 : vector<16xf32>
    %add3A_736 = arith.addf %get3A_729, %mul3A_735 : vector<16xf32>
    %swap3A_737 = arith.constant 416 : index
    %swap3A_738 = tpu.vector_load %arg7[%swap3A_737] {strides = array<i32>} : memref<1280xf32, #tpu.memory_space<vmem>>, vector<16xf32>,
    %swap3A_739 = vector.shape_cast %swap3A_738 : vector<16xf32> to vector<16xf32>
    %swap3A_740 = vector.shape_cast %add3A_736 : vector<16xf32> to vector<16xf32>
    tpu.vector_store %arg7[%swap3A_737], %swap3A_740 {strides = array<i32>} : memref<1280xf32, #tpu.memory_space<vmem>>, vector<16xf32>,
    %get3A_741 = arith.constant 432 : index
    %get3A_742 = tpu.vector_load %arg7[%get3A_741] {strides = array<i32>} : memref<1280xf32, #tpu.memory_space<vmem>>, vector<16xf32>,
    %get3A_743 = vector.shape_cast %get3A_742 : vector<16xf32> to vector<16xf32>
    %get3A_744 = arith.constant 432 : index
    %get3A_745 = tpu.vector_load %arg8[%get3A_744] {strides = array<i32>} : memref<1280xf32, #tpu.memory_space<vmem>>, vector<16xf32>,
    %get3A_746 = vector.shape_cast %get3A_745 : vector<16xf32> to vector<16xf32>
    %mul3A_747 = arith.constant 1.000000e-01 : f32
    %mul3A_748 = vector.broadcast %mul3A_747 : f32 to vector<16xf32>
    %mul3A_749 = arith.mulf %mul3A_748, %get3A_746 : vector<16xf32>
    %add3A_750 = arith.addf %get3A_743, %mul3A_749 : vector<16xf32>
    %swap3A_751 = arith.constant 432 : index
    %swap3A_752 = tpu.vector_load %arg7[%swap3A_751] {strides = array<i32>} : memref<1280xf32, #tpu.memory_space<vmem>>, vector<16xf32>,
    %swap3A_753 = vector.shape_cast %swap3A_752 : vector<16xf32> to vector<16xf32>
    %swap3A_754 = vector.shape_cast %add3A_750 : vector<16xf32> to vector<16xf32>
    tpu.vector_store %arg7[%swap3A_751], %swap3A_754 {strides = array<i32>} : memref<1280xf32, #tpu.memory_space<vmem>>, vector<16xf32>,
    %get3A_755 = arith.constant 448 : index
    %get3A_756 = tpu.vector_load %arg7[%get3A_755] {strides = array<i32>} : memref<1280xf32, #tpu.memory_space<vmem>>, vector<16xf32>,
    %get3A_757 = vector.shape_cast %get3A_756 : vector<16xf32> to vector<16xf32>
    %get3A_758 = arith.constant 448 : index
    %get3A_759 = tpu.vector_load %arg8[%get3A_758] {strides = array<i32>} : memref<1280xf32, #tpu.memory_space<vmem>>, vector<16xf32>,
    %get3A_760 = vector.shape_cast %get3A_759 : vector<16xf32> to vector<16xf32>
    %mul3A_761 = arith.constant 1.000000e-01 : f32
    %mul3A_762 = vector.broadcast %mul3A_761 : f32 to vector<16xf32>
    %mul3A_763 = arith.mulf %mul3A_762, %get3A_760 : vector<16xf32>
    %add3A_764 = arith.addf %get3A_757, %mul3A_763 : vector<16xf32>
    %swap3A_765 = arith.constant 448 : index
    %swap3A_766 = tpu.vector_load %arg7[%swap3A_765] {strides = array<i32>} : memref<1280xf32, #tpu.memory_space<vmem>>, vector<16xf32>,
    %swap3A_767 = vector.shape_cast %swap3A_766 : vector<16xf32> to vector<16xf32>
    %swap3A_768 = vector.shape_cast %add3A_764 : vector<16xf32> to vector<16xf32>
    tpu.vector_store %arg7[%swap3A_765], %swap3A_768 {strides = array<i32>} : memref<1280xf32, #tpu.memory_space<vmem>>, vector<16xf32>,
    %get3A_769 = arith.constant 464 : index
    %get3A_770 = tpu.vector_load %arg7[%get3A_769] {strides = array<i32>} : memref<1280xf32, #tpu.memory_space<vmem>>, vector<16xf32>,
    %get3A_771 = vector.shape_cast %get3A_770 : vector<16xf32> to vector<16xf32>
    %get3A_772 = arith.constant 464 : index
    %get3A_773 = tpu.vector_load %arg8[%get3A_772] {strides = array<i32>} : memref<1280xf32, #tpu.memory_space<vmem>>, vector<16xf32>,
    %get3A_774 = vector.shape_cast %get3A_773 : vector<16xf32> to vector<16xf32>
    %mul3A_775 = arith.constant 1.000000e-01 : f32
    %mul3A_776 = vector.broadcast %mul3A_775 : f32 to vector<16xf32>
    %mul3A_777 = arith.mulf %mul3A_776, %get3A_774 : vector<16xf32>
    %add3A_778 = arith.addf %get3A_771, %mul3A_777 : vector<16xf32>
    %swap3A_779 = arith.constant 464 : index
    %swap3A_780 = tpu.vector_load %arg7[%swap3A_779] {strides = array<i32>} : memref<1280xf32, #tpu.memory_space<vmem>>, vector<16xf32>,
    %swap3A_781 = vector.shape_cast %swap3A_780 : vector<16xf32> to vector<16xf32>
    %swap3A_782 = vector.shape_cast %add3A_778 : vector<16xf32> to vector<16xf32>
    tpu.vector_store %arg7[%swap3A_779], %swap3A_782 {strides = array<i32>} : memref<1280xf32, #tpu.memory_space<vmem>>, vector<16xf32>,
    %get3A_783 = arith.constant 480 : index
    %get3A_784 = tpu.vector_load %arg7[%get3A_783] {strides = array<i32>} : memref<1280xf32, #tpu.memory_space<vmem>>, vector<16xf32>,
    %get3A_785 = vector.shape_cast %get3A_784 : vector<16xf32> to vector<16xf32>
    %get3A_786 = arith.constant 480 : index
    %get3A_787 = tpu.vector_load %arg8[%get3A_786] {strides = array<i32>} : memref<1280xf32, #tpu.memory_space<vmem>>, vector<16xf32>,
    %get3A_788 = vector.shape_cast %get3A_787 : vector<16xf32> to vector<16xf32>
    %mul3A_789 = arith.constant 1.000000e-01 : f32
    %mul3A_790 = vector.broadcast %mul3A_789 : f32 to vector<16xf32>
    %mul3A_791 = arith.mulf %mul3A_790, %get3A_788 : vector<16xf32>
    %add3A_792 = arith.addf %get3A_785, %mul3A_791 : vector<16xf32>
    %swap3A_793 = arith.constant 480 : index
    %swap3A_794 = tpu.vector_load %arg7[%swap3A_793] {strides = array<i32>} : memref<1280xf32, #tpu.memory_space<vmem>>, vector<16xf32>,
    %swap3A_795 = vector.shape_cast %swap3A_794 : vector<16xf32> to vector<16xf32>
    %swap3A_796 = vector.shape_cast %add3A_792 : vector<16xf32> to vector<16xf32>
    tpu.vector_store %arg7[%swap3A_793], %swap3A_796 {strides = array<i32>} : memref<1280xf32, #tpu.memory_space<vmem>>, vector<16xf32>,
    %get3A_797 = arith.constant 496 : index
    %get3A_798 = tpu.vector_load %arg7[%get3A_797] {strides = array<i32>} : memref<1280xf32, #tpu.memory_space<vmem>>, vector<16xf32>,
    %get3A_799 = vector.shape_cast %get3A_798 : vector<16xf32> to vector<16xf32>
    %get3A_800 = arith.constant 496 : index
    %get3A_801 = tpu.vector_load %arg8[%get3A_800] {strides = array<i32>} : memref<1280xf32, #tpu.memory_space<vmem>>, vector<16xf32>,
    %get3A_802 = vector.shape_cast %get3A_801 : vector<16xf32> to vector<16xf32>
    %mul3A_803 = arith.constant 1.000000e-01 : f32
    %mul3A_804 = vector.broadcast %mul3A_803 : f32 to vector<16xf32>
    %mul3A_805 = arith.mulf %mul3A_804, %get3A_802 : vector<16xf32>
    %add3A_806 = arith.addf %get3A_799, %mul3A_805 : vector<16xf32>
    %swap3A_807 = arith.constant 496 : index
    %swap3A_808 = tpu.vector_load %arg7[%swap3A_807] {strides = array<i32>} : memref<1280xf32, #tpu.memory_space<vmem>>, vector<16xf32>,
    %swap3A_809 = vector.shape_cast %swap3A_808 : vector<16xf32> to vector<16xf32>
    %swap3A_810 = vector.shape_cast %add3A_806 : vector<16xf32> to vector<16xf32>
    tpu.vector_store %arg7[%swap3A_807], %swap3A_810 {strides = array<i32>} : memref<1280xf32, #tpu.memory_space<vmem>>, vector<16xf32>,
    %get3A_811 = arith.constant 512 : index
    %get3A_812 = tpu.vector_load %arg7[%get3A_811] {strides = array<i32>} : memref<1280xf32, #tpu.memory_space<vmem>>, vector<16xf32>,
    %get3A_813 = vector.shape_cast %get3A_812 : vector<16xf32> to vector<16xf32>
    %get3A_814 = arith.constant 512 : index
    %get3A_815 = tpu.vector_load %arg8[%get3A_814] {strides = array<i32>} : memref<1280xf32, #tpu.memory_space<vmem>>, vector<16xf32>,
    %get3A_816 = vector.shape_cast %get3A_815 : vector<16xf32> to vector<16xf32>
    %mul3A_817 = arith.constant 1.000000e-01 : f32
    %mul3A_818 = vector.broadcast %mul3A_817 : f32 to vector<16xf32>
    %mul3A_819 = arith.mulf %mul3A_818, %get3A_816 : vector<16xf32>
    %add3A_820 = arith.addf %get3A_813, %mul3A_819 : vector<16xf32>
    %swap3A_821 = arith.constant 512 : index
    %swap3A_822 = tpu.vector_load %arg7[%swap3A_821] {strides = array<i32>} : memref<1280xf32, #tpu.memory_space<vmem>>, vector<16xf32>,
    %swap3A_823 = vector.shape_cast %swap3A_822 : vector<16xf32> to vector<16xf32>
    %swap3A_824 = vector.shape_cast %add3A_820 : vector<16xf32> to vector<16xf32>
    tpu.vector_store %arg7[%swap3A_821], %swap3A_824 {strides = array<i32>} : memref<1280xf32, #tpu.memory_space<vmem>>, vector<16xf32>,
    %get3A_825 = arith.constant 528 : index
    %get3A_826 = tpu.vector_load %arg7[%get3A_825] {strides = array<i32>} : memref<1280xf32, #tpu.memory_space<vmem>>, vector<16xf32>,
    %get3A_827 = vector.shape_cast %get3A_826 : vector<16xf32> to vector<16xf32>
    %get3A_828 = arith.constant 528 : index
    %get3A_829 = tpu.vector_load %arg8[%get3A_828] {strides = array<i32>} : memref<1280xf32, #tpu.memory_space<vmem>>, vector<16xf32>,
    %get3A_830 = vector.shape_cast %get3A_829 : vector<16xf32> to vector<16xf32>
    %mul3A_831 = arith.constant 1.000000e-01 : f32
    %mul3A_832 = vector.broadcast %mul3A_831 : f32 to vector<16xf32>
    %mul3A_833 = arith.mulf %mul3A_832, %get3A_830 : vector<16xf32>
    %add3A_834 = arith.addf %get3A_827, %mul3A_833 : vector<16xf32>
    %swap3A_835 = arith.constant 528 : index
    %swap3A_836 = tpu.vector_load %arg7[%swap3A_835] {strides = array<i32>} : memref<1280xf32, #tpu.memory_space<vmem>>, vector<16xf32>,
    %swap3A_837 = vector.shape_cast %swap3A_836 : vector<16xf32> to vector<16xf32>
    %swap3A_838 = vector.shape_cast %add3A_834 : vector<16xf32> to vector<16xf32>
    tpu.vector_store %arg7[%swap3A_835], %swap3A_838 {strides = array<i32>} : memref<1280xf32, #tpu.memory_space<vmem>>, vector<16xf32>,
    %get3A_839 = arith.constant 544 : index
    %get3A_840 = tpu.vector_load %arg7[%get3A_839] {strides = array<i32>} : memref<1280xf32, #tpu.memory_space<vmem>>, vector<16xf32>,
    %get3A_841 = vector.shape_cast %get3A_840 : vector<16xf32> to vector<16xf32>
    %get3A_842 = arith.constant 544 : index
    %get3A_843 = tpu.vector_load %arg8[%get3A_842] {strides = array<i32>} : memref<1280xf32, #tpu.memory_space<vmem>>, vector<16xf32>,
    %get3A_844 = vector.shape_cast %get3A_843 : vector<16xf32> to vector<16xf32>
    %mul3A_845 = arith.constant 1.000000e-01 : f32
    %mul3A_846 = vector.broadcast %mul3A_845 : f32 to vector<16xf32>
    %mul3A_847 = arith.mulf %mul3A_846, %get3A_844 : vector<16xf32>
    %add3A_848 = arith.addf %get3A_841, %mul3A_847 : vector<16xf32>
    %swap3A_849 = arith.constant 544 : index
    %swap3A_850 = tpu.vector_load %arg7[%swap3A_849] {strides = array<i32>} : memref<1280xf32, #tpu.memory_space<vmem>>, vector<16xf32>,
    %swap3A_851 = vector.shape_cast %swap3A_850 : vector<16xf32> to vector<16xf32>
    %swap3A_852 = vector.shape_cast %add3A_848 : vector<16xf32> to vector<16xf32>
    tpu.vector_store %arg7[%swap3A_849], %swap3A_852 {strides = array<i32>} : memref<1280xf32, #tpu.memory_space<vmem>>, vector<16xf32>,
    %get3A_853 = arith.constant 560 : index
    %get3A_854 = tpu.vector_load %arg7[%get3A_853] {strides = array<i32>} : memref<1280xf32, #tpu.memory_space<vmem>>, vector<16xf32>,
    %get3A_855 = vector.shape_cast %get3A_854 : vector<16xf32> to vector<16xf32>
    %get3A_856 = arith.constant 560 : index
    %get3A_857 = tpu.vector_load %arg8[%get3A_856] {strides = array<i32>} : memref<1280xf32, #tpu.memory_space<vmem>>, vector<16xf32>,
    %get3A_858 = vector.shape_cast %get3A_857 : vector<16xf32> to vector<16xf32>
    %mul3A_859 = arith.constant 1.000000e-01 : f32
    %mul3A_860 = vector.broadcast %mul3A_859 : f32 to vector<16xf32>
    %mul3A_861 = arith.mulf %mul3A_860, %get3A_858 : vector<16xf32>
    %add3A_862 = arith.addf %get3A_855, %mul3A_861 : vector<16xf32>
    %swap3A_863 = arith.constant 560 : index
    %swap3A_864 = tpu.vector_load %arg7[%swap3A_863] {strides = array<i32>} : memref<1280xf32, #tpu.memory_space<vmem>>, vector<16xf32>,
    %swap3A_865 = vector.shape_cast %swap3A_864 : vector<16xf32> to vector<16xf32>
    %swap3A_866 = vector.shape_cast %add3A_862 : vector<16xf32> to vector<16xf32>
    tpu.vector_store %arg7[%swap3A_863], %swap3A_866 {strides = array<i32>} : memref<1280xf32, #tpu.memory_space<vmem>>, vector<16xf32>,
    %get3A_867 = arith.constant 576 : index
    %get3A_868 = tpu.vector_load %arg7[%get3A_867] {strides = array<i32>} : memref<1280xf32, #tpu.memory_space<vmem>>, vector<16xf32>,
    %get3A_869 = vector.shape_cast %get3A_868 : vector<16xf32> to vector<16xf32>
    %get3A_870 = arith.constant 576 : index
    %get3A_871 = tpu.vector_load %arg8[%get3A_870] {strides = array<i32>} : memref<1280xf32, #tpu.memory_space<vmem>>, vector<16xf32>,
    %get3A_872 = vector.shape_cast %get3A_871 : vector<16xf32> to vector<16xf32>
    %mul3A_873 = arith.constant 1.000000e-01 : f32
    %mul3A_874 = vector.broadcast %mul3A_873 : f32 to vector<16xf32>
    %mul3A_875 = arith.mulf %mul3A_874, %get3A_872 : vector<16xf32>
    %add3A_876 = arith.addf %get3A_869, %mul3A_875 : vector<16xf32>
    %swap3A_877 = arith.constant 576 : index
    %swap3A_878 = tpu.vector_load %arg7[%swap3A_877] {strides = array<i32>} : memref<1280xf32, #tpu.memory_space<vmem>>, vector<16xf32>,
    %swap3A_879 = vector.shape_cast %swap3A_878 : vector<16xf32> to vector<16xf32>
    %swap3A_880 = vector.shape_cast %add3A_876 : vector<16xf32> to vector<16xf32>
    tpu.vector_store %arg7[%swap3A_877], %swap3A_880 {strides = array<i32>} : memref<1280xf32, #tpu.memory_space<vmem>>, vector<16xf32>,
    %get3A_881 = arith.constant 592 : index
    %get3A_882 = tpu.vector_load %arg7[%get3A_881] {strides = array<i32>} : memref<1280xf32, #tpu.memory_space<vmem>>, vector<16xf32>,
    %get3A_883 = vector.shape_cast %get3A_882 : vector<16xf32> to vector<16xf32>
    %get3A_884 = arith.constant 592 : index
    %get3A_885 = tpu.vector_load %arg8[%get3A_884] {strides = array<i32>} : memref<1280xf32, #tpu.memory_space<vmem>>, vector<16xf32>,
    %get3A_886 = vector.shape_cast %get3A_885 : vector<16xf32> to vector<16xf32>
    %mul3A_887 = arith.constant 1.000000e-01 : f32
    %mul3A_888 = vector.broadcast %mul3A_887 : f32 to vector<16xf32>
    %mul3A_889 = arith.mulf %mul3A_888, %get3A_886 : vector<16xf32>
    %add3A_890 = arith.addf %get3A_883, %mul3A_889 : vector<16xf32>
    %swap3A_891 = arith.constant 592 : index
    %swap3A_892 = tpu.vector_load %arg7[%swap3A_891] {strides = array<i32>} : memref<1280xf32, #tpu.memory_space<vmem>>, vector<16xf32>,
    %swap3A_893 = vector.shape_cast %swap3A_892 : vector<16xf32> to vector<16xf32>
    %swap3A_894 = vector.shape_cast %add3A_890 : vector<16xf32> to vector<16xf32>
    tpu.vector_store %arg7[%swap3A_891], %swap3A_894 {strides = array<i32>} : memref<1280xf32, #tpu.memory_space<vmem>>, vector<16xf32>,
    %get3A_895 = arith.constant 608 : index
    %get3A_896 = tpu.vector_load %arg7[%get3A_895] {strides = array<i32>} : memref<1280xf32, #tpu.memory_space<vmem>>, vector<16xf32>,
    %get3A_897 = vector.shape_cast %get3A_896 : vector<16xf32> to vector<16xf32>
    %get3A_898 = arith.constant 608 : index
    %get3A_899 = tpu.vector_load %arg8[%get3A_898] {strides = array<i32>} : memref<1280xf32, #tpu.memory_space<vmem>>, vector<16xf32>,
    %get3A_900 = vector.shape_cast %get3A_899 : vector<16xf32> to vector<16xf32>
    %mul3A_901 = arith.constant 1.000000e-01 : f32
    %mul3A_902 = vector.broadcast %mul3A_901 : f32 to vector<16xf32>
    %mul3A_903 = arith.mulf %mul3A_902, %get3A_900 : vector<16xf32>
    %add3A_904 = arith.addf %get3A_897, %mul3A_903 : vector<16xf32>
    %swap3A_905 = arith.constant 608 : index
    %swap3A_906 = tpu.vector_load %arg7[%swap3A_905] {strides = array<i32>} : memref<1280xf32, #tpu.memory_space<vmem>>, vector<16xf32>,
    %swap3A_907 = vector.shape_cast %swap3A_906 : vector<16xf32> to vector<16xf32>
    %swap3A_908 = vector.shape_cast %add3A_904 : vector<16xf32> to vector<16xf32>
    tpu.vector_store %arg7[%swap3A_905], %swap3A_908 {strides = array<i32>} : memref<1280xf32, #tpu.memory_space<vmem>>, vector<16xf32>,
    %get3A_909 = arith.constant 624 : index
    %get3A_910 = tpu.vector_load %arg7[%get3A_909] {strides = array<i32>} : memref<1280xf32, #tpu.memory_space<vmem>>, vector<16xf32>,
    %get3A_911 = vector.shape_cast %get3A_910 : vector<16xf32> to vector<16xf32>
    %get3A_912 = arith.constant 624 : index
    %get3A_913 = tpu.vector_load %arg8[%get3A_912] {strides = array<i32>} : memref<1280xf32, #tpu.memory_space<vmem>>, vector<16xf32>,
    %get3A_914 = vector.shape_cast %get3A_913 : vector<16xf32> to vector<16xf32>
    %mul3A_915 = arith.constant 1.000000e-01 : f32
    %mul3A_916 = vector.broadcast %mul3A_915 : f32 to vector<16xf32>
    %mul3A_917 = arith.mulf %mul3A_916, %get3A_914 : vector<16xf32>
    %add3A_918 = arith.addf %get3A_911, %mul3A_917 : vector<16xf32>
    %swap3A_919 = arith.constant 624 : index
    %swap3A_920 = tpu.vector_load %arg7[%swap3A_919] {strides = array<i32>} : memref<1280xf32, #tpu.memory_space<vmem>>, vector<16xf32>,
    %swap3A_921 = vector.shape_cast %swap3A_920 : vector<16xf32> to vector<16xf32>
    %swap3A_922 = vector.shape_cast %add3A_918 : vector<16xf32> to vector<16xf32>
    tpu.vector_store %arg7[%swap3A_919], %swap3A_922 {strides = array<i32>} : memref<1280xf32, #tpu.memory_space<vmem>>, vector<16xf32>,
    %get3A_923 = arith.constant 640 : index
    %get3A_924 = tpu.vector_load %arg7[%get3A_923] {strides = array<i32>} : memref<1280xf32, #tpu.memory_space<vmem>>, vector<16xf32>,
    %get3A_925 = vector.shape_cast %get3A_924 : vector<16xf32> to vector<16xf32>
    %get3A_926 = arith.constant 640 : index
    %get3A_927 = tpu.vector_load %arg8[%get3A_926] {strides = array<i32>} : memref<1280xf32, #tpu.memory_space<vmem>>, vector<16xf32>,
    %get3A_928 = vector.shape_cast %get3A_927 : vector<16xf32> to vector<16xf32>
    %mul3A_929 = arith.constant 1.000000e-01 : f32
    %mul3A_930 = vector.broadcast %mul3A_929 : f32 to vector<16xf32>
    %mul3A_931 = arith.mulf %mul3A_930, %get3A_928 : vector<16xf32>
    %add3A_932 = arith.addf %get3A_925, %mul3A_931 : vector<16xf32>
    %swap3A_933 = arith.constant 640 : index
    %swap3A_934 = tpu.vector_load %arg7[%swap3A_933] {strides = array<i32>} : memref<1280xf32, #tpu.memory_space<vmem>>, vector<16xf32>,
    %swap3A_935 = vector.shape_cast %swap3A_934 : vector<16xf32> to vector<16xf32>
    %swap3A_936 = vector.shape_cast %add3A_932 : vector<16xf32> to vector<16xf32>
    tpu.vector_store %arg7[%swap3A_933], %swap3A_936 {strides = array<i32>} : memref<1280xf32, #tpu.memory_space<vmem>>, vector<16xf32>,
    %get3A_937 = arith.constant 656 : index
    %get3A_938 = tpu.vector_load %arg7[%get3A_937] {strides = array<i32>} : memref<1280xf32, #tpu.memory_space<vmem>>, vector<16xf32>,
    %get3A_939 = vector.shape_cast %get3A_938 : vector<16xf32> to vector<16xf32>
    %get3A_940 = arith.constant 656 : index
    %get3A_941 = tpu.vector_load %arg8[%get3A_940] {strides = array<i32>} : memref<1280xf32, #tpu.memory_space<vmem>>, vector<16xf32>,
    %get3A_942 = vector.shape_cast %get3A_941 : vector<16xf32> to vector<16xf32>
    %mul3A_943 = arith.constant 1.000000e-01 : f32
    %mul3A_944 = vector.broadcast %mul3A_943 : f32 to vector<16xf32>
    %mul3A_945 = arith.mulf %mul3A_944, %get3A_942 : vector<16xf32>
    %add3A_946 = arith.addf %get3A_939, %mul3A_945 : vector<16xf32>
    %swap3A_947 = arith.constant 656 : index
    %swap3A_948 = tpu.vector_load %arg7[%swap3A_947] {strides = array<i32>} : memref<1280xf32, #tpu.memory_space<vmem>>, vector<16xf32>,
    %swap3A_949 = vector.shape_cast %swap3A_948 : vector<16xf32> to vector<16xf32>
    %swap3A_950 = vector.shape_cast %add3A_946 : vector<16xf32> to vector<16xf32>
    tpu.vector_store %arg7[%swap3A_947], %swap3A_950 {strides = array<i32>} : memref<1280xf32, #tpu.memory_space<vmem>>, vector<16xf32>,
    %get3A_951 = arith.constant 672 : index
    %get3A_952 = tpu.vector_load %arg7[%get3A_951] {strides = array<i32>} : memref<1280xf32, #tpu.memory_space<vmem>>, vector<16xf32>,
    %get3A_953 = vector.shape_cast %get3A_952 : vector<16xf32> to vector<16xf32>
    %get3A_954 = arith.constant 672 : index
    %get3A_955 = tpu.vector_load %arg8[%get3A_954] {strides = array<i32>} : memref<1280xf32, #tpu.memory_space<vmem>>, vector<16xf32>,
    %get3A_956 = vector.shape_cast %get3A_955 : vector<16xf32> to vector<16xf32>
    %mul3A_957 = arith.constant 1.000000e-01 : f32
    %mul3A_958 = vector.broadcast %mul3A_957 : f32 to vector<16xf32>
    %mul3A_959 = arith.mulf %mul3A_958, %get3A_956 : vector<16xf32>
    %add3A_960 = arith.addf %get3A_953, %mul3A_959 : vector<16xf32>
    %swap3A_961 = arith.constant 672 : index
    %swap3A_962 = tpu.vector_load %arg7[%swap3A_961] {strides = array<i32>} : memref<1280xf32, #tpu.memory_space<vmem>>, vector<16xf32>,
    %swap3A_963 = vector.shape_cast %swap3A_962 : vector<16xf32> to vector<16xf32>
    %swap3A_964 = vector.shape_cast %add3A_960 : vector<16xf32> to vector<16xf32>
    tpu.vector_store %arg7[%swap3A_961], %swap3A_964 {strides = array<i32>} : memref<1280xf32, #tpu.memory_space<vmem>>, vector<16xf32>,
    %get3A_965 = arith.constant 688 : index
    %get3A_966 = tpu.vector_load %arg7[%get3A_965] {strides = array<i32>} : memref<1280xf32, #tpu.memory_space<vmem>>, vector<16xf32>,
    %get3A_967 = vector.shape_cast %get3A_966 : vector<16xf32> to vector<16xf32>
    %get3A_968 = arith.constant 688 : index
    %get3A_969 = tpu.vector_load %arg8[%get3A_968] {strides = array<i32>} : memref<1280xf32, #tpu.memory_space<vmem>>, vector<16xf32>,
    %get3A_970 = vector.shape_cast %get3A_969 : vector<16xf32> to vector<16xf32>
    %mul3A_971 = arith.constant 1.000000e-01 : f32
    %mul3A_972 = vector.broadcast %mul3A_971 : f32 to vector<16xf32>
    %mul3A_973 = arith.mulf %mul3A_972, %get3A_970 : vector<16xf32>
    %add3A_974 = arith.addf %get3A_967, %mul3A_973 : vector<16xf32>
    %swap3A_975 = arith.constant 688 : index
    %swap3A_976 = tpu.vector_load %arg7[%swap3A_975] {strides = array<i32>} : memref<1280xf32, #tpu.memory_space<vmem>>, vector<16xf32>,
    %swap3A_977 = vector.shape_cast %swap3A_976 : vector<16xf32> to vector<16xf32>
    %swap3A_978 = vector.shape_cast %add3A_974 : vector<16xf32> to vector<16xf32>
    tpu.vector_store %arg7[%swap3A_975], %swap3A_978 {strides = array<i32>} : memref<1280xf32, #tpu.memory_space<vmem>>, vector<16xf32>,
    %get3A_979 = arith.constant 704 : index
    %get3A_980 = tpu.vector_load %arg7[%get3A_979] {strides = array<i32>} : memref<1280xf32, #tpu.memory_space<vmem>>, vector<16xf32>,
    %get3A_981 = vector.shape_cast %get3A_980 : vector<16xf32> to vector<16xf32>
    %get3A_982 = arith.constant 704 : index
    %get3A_983 = tpu.vector_load %arg8[%get3A_982] {strides = array<i32>} : memref<1280xf32, #tpu.memory_space<vmem>>, vector<16xf32>,
    %get3A_984 = vector.shape_cast %get3A_983 : vector<16xf32> to vector<16xf32>
    %mul3A_985 = arith.constant 1.000000e-01 : f32
    %mul3A_986 = vector.broadcast %mul3A_985 : f32 to vector<16xf32>
    %mul3A_987 = arith.mulf %mul3A_986, %get3A_984 : vector<16xf32>
    %add3A_988 = arith.addf %get3A_981, %mul3A_987 : vector<16xf32>
    %swap3A_989 = arith.constant 704 : index
    %swap3A_990 = tpu.vector_load %arg7[%swap3A_989] {strides = array<i32>} : memref<1280xf32, #tpu.memory_space<vmem>>, vector<16xf32>,
    %swap3A_991 = vector.shape_cast %swap3A_990 : vector<16xf32> to vector<16xf32>
    %swap3A_992 = vector.shape_cast %add3A_988 : vector<16xf32> to vector<16xf32>
    tpu.vector_store %arg7[%swap3A_989], %swap3A_992 {strides = array<i32>} : memref<1280xf32, #tpu.memory_space<vmem>>, vector<16xf32>,
    %get3A_993 = arith.constant 720 : index
    %get3A_994 = tpu.vector_load %arg7[%get3A_993] {strides = array<i32>} : memref<1280xf32, #tpu.memory_space<vmem>>, vector<16xf32>,
    %get3A_995 = vector.shape_cast %get3A_994 : vector<16xf32> to vector<16xf32>
    %get3A_996 = arith.constant 720 : index
    %get3A_997 = tpu.vector_load %arg8[%get3A_996] {strides = array<i32>} : memref<1280xf32, #tpu.memory_space<vmem>>, vector<16xf32>,
    %get3A_998 = vector.shape_cast %get3A_997 : vector<16xf32> to vector<16xf32>
    %mul3A_999 = arith.constant 1.000000e-01 : f32
    %mul3A_1000 = vector.broadcast %mul3A_999 : f32 to vector<16xf32>
    %mul3A_1001 = arith.mulf %mul3A_1000, %get3A_998 : vector<16xf32>
    %add3A_1002 = arith.addf %get3A_995, %mul3A_1001 : vector<16xf32>
    %swap3A_1003 = arith.constant 720 : index
    %swap3A_1004 = tpu.vector_load %arg7[%swap3A_1003] {strides = array<i32>} : memref<1280xf32, #tpu.memory_space<vmem>>, vector<16xf32>,
    %swap3A_1005 = vector.shape_cast %swap3A_1004 : vector<16xf32> to vector<16xf32>
    %swap3A_1006 = vector.shape_cast %add3A_1002 : vector<16xf32> to vector<16xf32>
    tpu.vector_store %arg7[%swap3A_1003], %swap3A_1006 {strides = array<i32>} : memref<1280xf32, #tpu.memory_space<vmem>>, vector<16xf32>,
    %get3A_1007 = arith.constant 736 : index
    %get3A_1008 = tpu.vector_load %arg7[%get3A_1007] {strides = array<i32>} : memref<1280xf32, #tpu.memory_space<vmem>>, vector<16xf32>,
    %get3A_1009 = vector.shape_cast %get3A_1008 : vector<16xf32> to vector<16xf32>
    %get3A_1010 = arith.constant 736 : index
    %get3A_1011 = tpu.vector_load %arg8[%get3A_1010] {strides = array<i32>} : memref<1280xf32, #tpu.memory_space<vmem>>, vector<16xf32>,
    %get3A_1012 = vector.shape_cast %get3A_1011 : vector<16xf32> to vector<16xf32>
    %mul3A_1013 = arith.constant 1.000000e-01 : f32
    %mul3A_1014 = vector.broadcast %mul3A_1013 : f32 to vector<16xf32>
    %mul3A_1015 = arith.mulf %mul3A_1014, %get3A_1012 : vector<16xf32>
    %add3A_1016 = arith.addf %get3A_1009, %mul3A_1015 : vector<16xf32>
    %swap3A_1017 = arith.constant 736 : index
    %swap3A_1018 = tpu.vector_load %arg7[%swap3A_1017] {strides = array<i32>} : memref<1280xf32, #tpu.memory_space<vmem>>, vector<16xf32>,
    %swap3A_1019 = vector.shape_cast %swap3A_1018 : vector<16xf32> to vector<16xf32>
    %swap3A_1020 = vector.shape_cast %add3A_1016 : vector<16xf32> to vector<16xf32>
    tpu.vector_store %arg7[%swap3A_1017], %swap3A_1020 {strides = array<i32>} : memref<1280xf32, #tpu.memory_space<vmem>>, vector<16xf32>,
    %get3A_1021 = arith.constant 752 : index
    %get3A_1022 = tpu.vector_load %arg7[%get3A_1021] {strides = array<i32>} : memref<1280xf32, #tpu.memory_space<vmem>>, vector<16xf32>,
    %get3A_1023 = vector.shape_cast %get3A_1022 : vector<16xf32> to vector<16xf32>
    %get3A_1024 = arith.constant 752 : index
    %get3A_1025 = tpu.vector_load %arg8[%get3A_1024] {strides = array<i32>} : memref<1280xf32, #tpu.memory_space<vmem>>, vector<16xf32>,
    %get3A_1026 = vector.shape_cast %get3A_1025 : vector<16xf32> to vector<16xf32>
    %mul3A_1027 = arith.constant 1.000000e-01 : f32
    %mul3A_1028 = vector.broadcast %mul3A_1027 : f32 to vector<16xf32>
    %mul3A_1029 = arith.mulf %mul3A_1028, %get3A_1026 : vector<16xf32>
    %add3A_1030 = arith.addf %get3A_1023, %mul3A_1029 : vector<16xf32>
    %swap3A_1031 = arith.constant 752 : index
    %swap3A_1032 = tpu.vector_load %arg7[%swap3A_1031] {strides = array<i32>} : memref<1280xf32, #tpu.memory_space<vmem>>, vector<16xf32>,
    %swap3A_1033 = vector.shape_cast %swap3A_1032 : vector<16xf32> to vector<16xf32>
    %swap3A_1034 = vector.shape_cast %add3A_1030 : vector<16xf32> to vector<16xf32>
    tpu.vector_store %arg7[%swap3A_1031], %swap3A_1034 {strides = array<i32>} : memref<1280xf32, #tpu.memory_space<vmem>>, vector<16xf32>,
    %get3A_1035 = arith.constant 768 : index
    %get3A_1036 = tpu.vector_load %arg7[%get3A_1035] {strides = array<i32>} : memref<1280xf32, #tpu.memory_space<vmem>>, vector<16xf32>,
    %get3A_1037 = vector.shape_cast %get3A_1036 : vector<16xf32> to vector<16xf32>
    %get3A_1038 = arith.constant 768 : index
    %get3A_1039 = tpu.vector_load %arg8[%get3A_1038] {strides = array<i32>} : memref<1280xf32, #tpu.memory_space<vmem>>, vector<16xf32>,
    %get3A_1040 = vector.shape_cast %get3A_1039 : vector<16xf32> to vector<16xf32>
    %mul3A_1041 = arith.constant 1.000000e-01 : f32
    %mul3A_1042 = vector.broadcast %mul3A_1041 : f32 to vector<16xf32>
    %mul3A_1043 = arith.mulf %mul3A_1042, %get3A_1040 : vector<16xf32>
    %add3A_1044 = arith.addf %get3A_1037, %mul3A_1043 : vector<16xf32>
    %swap3A_1045 = arith.constant 768 : index
    %swap3A_1046 = tpu.vector_load %arg7[%swap3A_1045] {strides = array<i32>} : memref<1280xf32, #tpu.memory_space<vmem>>, vector<16xf32>,
    %swap3A_1047 = vector.shape_cast %swap3A_1046 : vector<16xf32> to vector<16xf32>
    %swap3A_1048 = vector.shape_cast %add3A_1044 : vector<16xf32> to vector<16xf32>
    tpu.vector_store %arg7[%swap3A_1045], %swap3A_1048 {strides = array<i32>} : memref<1280xf32, #tpu.memory_space<vmem>>, vector<16xf32>,
    %get3A_1049 = arith.constant 784 : index
    %get3A_1050 = tpu.vector_load %arg7[%get3A_1049] {strides = array<i32>} : memref<1280xf32, #tpu.memory_space<vmem>>, vector<16xf32>,
    %get3A_1051 = vector.shape_cast %get3A_1050 : vector<16xf32> to vector<16xf32>
    %get3A_1052 = arith.constant 784 : index
    %get3A_1053 = tpu.vector_load %arg8[%get3A_1052] {strides = array<i32>} : memref<1280xf32, #tpu.memory_space<vmem>>, vector<16xf32>,
    %get3A_1054 = vector.shape_cast %get3A_1053 : vector<16xf32> to vector<16xf32>
    %mul3A_1055 = arith.constant 1.000000e-01 : f32
    %mul3A_1056 = vector.broadcast %mul3A_1055 : f32 to vector<16xf32>
    %mul3A_1057 = arith.mulf %mul3A_1056, %get3A_1054 : vector<16xf32>
    %add3A_1058 = arith.addf %get3A_1051, %mul3A_1057 : vector<16xf32>
    %swap3A_1059 = arith.constant 784 : index
    %swap3A_1060 = tpu.vector_load %arg7[%swap3A_1059] {strides = array<i32>} : memref<1280xf32, #tpu.memory_space<vmem>>, vector<16xf32>,
    %swap3A_1061 = vector.shape_cast %swap3A_1060 : vector<16xf32> to vector<16xf32>
    %swap3A_1062 = vector.shape_cast %add3A_1058 : vector<16xf32> to vector<16xf32>
    tpu.vector_store %arg7[%swap3A_1059], %swap3A_1062 {strides = array<i32>} : memref<1280xf32, #tpu.memory_space<vmem>>, vector<16xf32>,
    %get3A_1063 = arith.constant 800 : index
    %get3A_1064 = tpu.vector_load %arg7[%get3A_1063] {strides = array<i32>} : memref<1280xf32, #tpu.memory_space<vmem>>, vector<16xf32>,
    %get3A_1065 = vector.shape_cast %get3A_1064 : vector<16xf32> to vector<16xf32>
    %get3A_1066 = arith.constant 800 : index
    %get3A_1067 = tpu.vector_load %arg8[%get3A_1066] {strides = array<i32>} : memref<1280xf32, #tpu.memory_space<vmem>>, vector<16xf32>,
    %get3A_1068 = vector.shape_cast %get3A_1067 : vector<16xf32> to vector<16xf32>
    %mul3A_1069 = arith.constant 1.000000e-01 : f32
    %mul3A_1070 = vector.broadcast %mul3A_1069 : f32 to vector<16xf32>
    %mul3A_1071 = arith.mulf %mul3A_1070, %get3A_1068 : vector<16xf32>
    %add3A_1072 = arith.addf %get3A_1065, %mul3A_1071 : vector<16xf32>
    %swap3A_1073 = arith.constant 800 : index
    %swap3A_1074 = tpu.vector_load %arg7[%swap3A_1073] {strides = array<i32>} : memref<1280xf32, #tpu.memory_space<vmem>>, vector<16xf32>,
    %swap3A_1075 = vector.shape_cast %swap3A_1074 : vector<16xf32> to vector<16xf32>
    %swap3A_1076 = vector.shape_cast %add3A_1072 : vector<16xf32> to vector<16xf32>
    tpu.vector_store %arg7[%swap3A_1073], %swap3A_1076 {strides = array<i32>} : memref<1280xf32, #tpu.memory_space<vmem>>, vector<16xf32>,
    %get3A_1077 = arith.constant 816 : index
    %get3A_1078 = tpu.vector_load %arg7[%get3A_1077] {strides = array<i32>} : memref<1280xf32, #tpu.memory_space<vmem>>, vector<16xf32>,
    %get3A_1079 = vector.shape_cast %get3A_1078 : vector<16xf32> to vector<16xf32>
    %get3A_1080 = arith.constant 816 : index
    %get3A_1081 = tpu.vector_load %arg8[%get3A_1080] {strides = array<i32>} : memref<1280xf32, #tpu.memory_space<vmem>>, vector<16xf32>,
    %get3A_1082 = vector.shape_cast %get3A_1081 : vector<16xf32> to vector<16xf32>
    %mul3A_1083 = arith.constant 1.000000e-01 : f32
    %mul3A_1084 = vector.broadcast %mul3A_1083 : f32 to vector<16xf32>
    %mul3A_1085 = arith.mulf %mul3A_1084, %get3A_1082 : vector<16xf32>
    %add3A_1086 = arith.addf %get3A_1079, %mul3A_1085 : vector<16xf32>
    %swap3A_1087 = arith.constant 816 : index
    %swap3A_1088 = tpu.vector_load %arg7[%swap3A_1087] {strides = array<i32>} : memref<1280xf32, #tpu.memory_space<vmem>>, vector<16xf32>,
    %swap3A_1089 = vector.shape_cast %swap3A_1088 : vector<16xf32> to vector<16xf32>
    %swap3A_1090 = vector.shape_cast %add3A_1086 : vector<16xf32> to vector<16xf32>
    tpu.vector_store %arg7[%swap3A_1087], %swap3A_1090 {strides = array<i32>} : memref<1280xf32, #tpu.memory_space<vmem>>, vector<16xf32>,
    %get3A_1091 = arith.constant 832 : index
    %get3A_1092 = tpu.vector_load %arg7[%get3A_1091] {strides = array<i32>} : memref<1280xf32, #tpu.memory_space<vmem>>, vector<16xf32>,
    %get3A_1093 = vector.shape_cast %get3A_1092 : vector<16xf32> to vector<16xf32>
    %get3A_1094 = arith.constant 832 : index
    %get3A_1095 = tpu.vector_load %arg8[%get3A_1094] {strides = array<i32>} : memref<1280xf32, #tpu.memory_space<vmem>>, vector<16xf32>,
    %get3A_1096 = vector.shape_cast %get3A_1095 : vector<16xf32> to vector<16xf32>
    %mul3A_1097 = arith.constant 1.000000e-01 : f32
    %mul3A_1098 = vector.broadcast %mul3A_1097 : f32 to vector<16xf32>
    %mul3A_1099 = arith.mulf %mul3A_1098, %get3A_1096 : vector<16xf32>
    %add3A_1100 = arith.addf %get3A_1093, %mul3A_1099 : vector<16xf32>
    %swap3A_1101 = arith.constant 832 : index
    %swap3A_1102 = tpu.vector_load %arg7[%swap3A_1101] {strides = array<i32>} : memref<1280xf32, #tpu.memory_space<vmem>>, vector<16xf32>,
    %swap3A_1103 = vector.shape_cast %swap3A_1102 : vector<16xf32> to vector<16xf32>
    %swap3A_1104 = vector.shape_cast %add3A_1100 : vector<16xf32> to vector<16xf32>
    tpu.vector_store %arg7[%swap3A_1101], %swap3A_1104 {strides = array<i32>} : memref<1280xf32, #tpu.memory_space<vmem>>, vector<16xf32>,
    %get3A_1105 = arith.constant 848 : index
    %get3A_1106 = tpu.vector_load %arg7[%get3A_1105] {strides = array<i32>} : memref<1280xf32, #tpu.memory_space<vmem>>, vector<16xf32>,
    %get3A_1107 = vector.shape_cast %get3A_1106 : vector<16xf32> to vector<16xf32>
    %get3A_1108 = arith.constant 848 : index
    %get3A_1109 = tpu.vector_load %arg8[%get3A_1108] {strides = array<i32>} : memref<1280xf32, #tpu.memory_space<vmem>>, vector<16xf32>,
    %get3A_1110 = vector.shape_cast %get3A_1109 : vector<16xf32> to vector<16xf32>
    %mul3A_1111 = arith.constant 1.000000e-01 : f32
    %mul3A_1112 = vector.broadcast %mul3A_1111 : f32 to vector<16xf32>
    %mul3A_1113 = arith.mulf %mul3A_1112, %get3A_1110 : vector<16xf32>
    %add3A_1114 = arith.addf %get3A_1107, %mul3A_1113 : vector<16xf32>
    %swap3A_1115 = arith.constant 848 : index
    %swap3A_1116 = tpu.vector_load %arg7[%swap3A_1115] {strides = array<i32>} : memref<1280xf32, #tpu.memory_space<vmem>>, vector<16xf32>,
    %swap3A_1117 = vector.shape_cast %swap3A_1116 : vector<16xf32> to vector<16xf32>
    %swap3A_1118 = vector.shape_cast %add3A_1114 : vector<16xf32> to vector<16xf32>
    tpu.vector_store %arg7[%swap3A_1115], %swap3A_1118 {strides = array<i32>} : memref<1280xf32, #tpu.memory_space<vmem>>, vector<16xf32>,
    %get3A_1119 = arith.constant 864 : index
    %get3A_1120 = tpu.vector_load %arg7[%get3A_1119] {strides = array<i32>} : memref<1280xf32, #tpu.memory_space<vmem>>, vector<16xf32>,
    %get3A_1121 = vector.shape_cast %get3A_1120 : vector<16xf32> to vector<16xf32>
    %get3A_1122 = arith.constant 864 : index
    %get3A_1123 = tpu.vector_load %arg8[%get3A_1122] {strides = array<i32>} : memref<1280xf32, #tpu.memory_space<vmem>>, vector<16xf32>,
    %get3A_1124 = vector.shape_cast %get3A_1123 : vector<16xf32> to vector<16xf32>
    %mul3A_1125 = arith.constant 1.000000e-01 : f32
    %mul3A_1126 = vector.broadcast %mul3A_1125 : f32 to vector<16xf32>
    %mul3A_1127 = arith.mulf %mul3A_1126, %get3A_1124 : vector<16xf32>
    %add3A_1128 = arith.addf %get3A_1121, %mul3A_1127 : vector<16xf32>
    %swap3A_1129 = arith.constant 864 : index
    %swap3A_1130 = tpu.vector_load %arg7[%swap3A_1129] {strides = array<i32>} : memref<1280xf32, #tpu.memory_space<vmem>>, vector<16xf32>,
    %swap3A_1131 = vector.shape_cast %swap3A_1130 : vector<16xf32> to vector<16xf32>
    %swap3A_1132 = vector.shape_cast %add3A_1128 : vector<16xf32> to vector<16xf32>
    tpu.vector_store %arg7[%swap3A_1129], %swap3A_1132 {strides = array<i32>} : memref<1280xf32, #tpu.memory_space<vmem>>, vector<16xf32>,
    %get3A_1133 = arith.constant 880 : index
    %get3A_1134 = tpu.vector_load %arg7[%get3A_1133] {strides = array<i32>} : memref<1280xf32, #tpu.memory_space<vmem>>, vector<16xf32>,
    %get3A_1135 = vector.shape_cast %get3A_1134 : vector<16xf32> to vector<16xf32>
    %get3A_1136 = arith.constant 880 : index
    %get3A_1137 = tpu.vector_load %arg8[%get3A_1136] {strides = array<i32>} : memref<1280xf32, #tpu.memory_space<vmem>>, vector<16xf32>,
    %get3A_1138 = vector.shape_cast %get3A_1137 : vector<16xf32> to vector<16xf32>
    %mul3A_1139 = arith.constant 1.000000e-01 : f32
    %mul3A_1140 = vector.broadcast %mul3A_1139 : f32 to vector<16xf32>
    %mul3A_1141 = arith.mulf %mul3A_1140, %get3A_1138 : vector<16xf32>
    %add3A_1142 = arith.addf %get3A_1135, %mul3A_1141 : vector<16xf32>
    %swap3A_1143 = arith.constant 880 : index
    %swap3A_1144 = tpu.vector_load %arg7[%swap3A_1143] {strides = array<i32>} : memref<1280xf32, #tpu.memory_space<vmem>>, vector<16xf32>,
    %swap3A_1145 = vector.shape_cast %swap3A_1144 : vector<16xf32> to vector<16xf32>
    %swap3A_1146 = vector.shape_cast %add3A_1142 : vector<16xf32> to vector<16xf32>
    tpu.vector_store %arg7[%swap3A_1143], %swap3A_1146 {strides = array<i32>} : memref<1280xf32, #tpu.memory_space<vmem>>, vector<16xf32>,
    %get3A_1147 = arith.constant 896 : index
    %get3A_1148 = tpu.vector_load %arg7[%get3A_1147] {strides = array<i32>} : memref<1280xf32, #tpu.memory_space<vmem>>, vector<16xf32>,
    %get3A_1149 = vector.shape_cast %get3A_1148 : vector<16xf32> to vector<16xf32>
    %get3A_1150 = arith.constant 896 : index
    %get3A_1151 = tpu.vector_load %arg8[%get3A_1150] {strides = array<i32>} : memref<1280xf32, #tpu.memory_space<vmem>>, vector<16xf32>,
    %get3A_1152 = vector.shape_cast %get3A_1151 : vector<16xf32> to vector<16xf32>
    %mul3A_1153 = arith.constant 1.000000e-01 : f32
    %mul3A_1154 = vector.broadcast %mul3A_1153 : f32 to vector<16xf32>
    %mul3A_1155 = arith.mulf %mul3A_1154, %get3A_1152 : vector<16xf32>
    %add3A_1156 = arith.addf %get3A_1149, %mul3A_1155 : vector<16xf32>
    %swap3A_1157 = arith.constant 896 : index
    %swap3A_1158 = tpu.vector_load %arg7[%swap3A_1157] {strides = array<i32>} : memref<1280xf32, #tpu.memory_space<vmem>>, vector<16xf32>,
    %swap3A_1159 = vector.shape_cast %swap3A_1158 : vector<16xf32> to vector<16xf32>
    %swap3A_1160 = vector.shape_cast %add3A_1156 : vector<16xf32> to vector<16xf32>
    tpu.vector_store %arg7[%swap3A_1157], %swap3A_1160 {strides = array<i32>} : memref<1280xf32, #tpu.memory_space<vmem>>, vector<16xf32>,
    %get3A_1161 = arith.constant 912 : index
    %get3A_1162 = tpu.vector_load %arg7[%get3A_1161] {strides = array<i32>} : memref<1280xf32, #tpu.memory_space<vmem>>, vector<16xf32>,
    %get3A_1163 = vector.shape_cast %get3A_1162 : vector<16xf32> to vector<16xf32>
    %get3A_1164 = arith.constant 912 : index
    %get3A_1165 = tpu.vector_load %arg8[%get3A_1164] {strides = array<i32>} : memref<1280xf32, #tpu.memory_space<vmem>>, vector<16xf32>,
    %get3A_1166 = vector.shape_cast %get3A_1165 : vector<16xf32> to vector<16xf32>
    %mul3A_1167 = arith.constant 1.000000e-01 : f32
    %mul3A_1168 = vector.broadcast %mul3A_1167 : f32 to vector<16xf32>
    %mul3A_1169 = arith.mulf %mul3A_1168, %get3A_1166 : vector<16xf32>
    %add3A_1170 = arith.addf %get3A_1163, %mul3A_1169 : vector<16xf32>
    %swap3A_1171 = arith.constant 912 : index
    %swap3A_1172 = tpu.vector_load %arg7[%swap3A_1171] {strides = array<i32>} : memref<1280xf32, #tpu.memory_space<vmem>>, vector<16xf32>,
    %swap3A_1173 = vector.shape_cast %swap3A_1172 : vector<16xf32> to vector<16xf32>
    %swap3A_1174 = vector.shape_cast %add3A_1170 : vector<16xf32> to vector<16xf32>
    tpu.vector_store %arg7[%swap3A_1171], %swap3A_1174 {strides = array<i32>} : memref<1280xf32, #tpu.memory_space<vmem>>, vector<16xf32>,
    %get3A_1175 = arith.constant 928 : index
    %get3A_1176 = tpu.vector_load %arg7[%get3A_1175] {strides = array<i32>} : memref<1280xf32, #tpu.memory_space<vmem>>, vector<16xf32>,
    %get3A_1177 = vector.shape_cast %get3A_1176 : vector<16xf32> to vector<16xf32>
    %get3A_1178 = arith.constant 928 : index
    %get3A_1179 = tpu.vector_load %arg8[%get3A_1178] {strides = array<i32>} : memref<1280xf32, #tpu.memory_space<vmem>>, vector<16xf32>,
    %get3A_1180 = vector.shape_cast %get3A_1179 : vector<16xf32> to vector<16xf32>
    %mul3A_1181 = arith.constant 1.000000e-01 : f32
    %mul3A_1182 = vector.broadcast %mul3A_1181 : f32 to vector<16xf32>
    %mul3A_1183 = arith.mulf %mul3A_1182, %get3A_1180 : vector<16xf32>
    %add3A_1184 = arith.addf %get3A_1177, %mul3A_1183 : vector<16xf32>
    %swap3A_1185 = arith.constant 928 : index
    %swap3A_1186 = tpu.vector_load %arg7[%swap3A_1185] {strides = array<i32>} : memref<1280xf32, #tpu.memory_space<vmem>>, vector<16xf32>,
    %swap3A_1187 = vector.shape_cast %swap3A_1186 : vector<16xf32> to vector<16xf32>
    %swap3A_1188 = vector.shape_cast %add3A_1184 : vector<16xf32> to vector<16xf32>
    tpu.vector_store %arg7[%swap3A_1185], %swap3A_1188 {strides = array<i32>} : memref<1280xf32, #tpu.memory_space<vmem>>, vector<16xf32>,
    %get3A_1189 = arith.constant 944 : index
    %get3A_1190 = tpu.vector_load %arg7[%get3A_1189] {strides = array<i32>} : memref<1280xf32, #tpu.memory_space<vmem>>, vector<16xf32>,
    %get3A_1191 = vector.shape_cast %get3A_1190 : vector<16xf32> to vector<16xf32>
    %get3A_1192 = arith.constant 944 : index
    %get3A_1193 = tpu.vector_load %arg8[%get3A_1192] {strides = array<i32>} : memref<1280xf32, #tpu.memory_space<vmem>>, vector<16xf32>,
    %get3A_1194 = vector.shape_cast %get3A_1193 : vector<16xf32> to vector<16xf32>
    %mul3A_1195 = arith.constant 1.000000e-01 : f32
    %mul3A_1196 = vector.broadcast %mul3A_1195 : f32 to vector<16xf32>
    %mul3A_1197 = arith.mulf %mul3A_1196, %get3A_1194 : vector<16xf32>
    %add3A_1198 = arith.addf %get3A_1191, %mul3A_1197 : vector<16xf32>
    %swap3A_1199 = arith.constant 944 : index
    %swap3A_1200 = tpu.vector_load %arg7[%swap3A_1199] {strides = array<i32>} : memref<1280xf32, #tpu.memory_space<vmem>>, vector<16xf32>,
    %swap3A_1201 = vector.shape_cast %swap3A_1200 : vector<16xf32> to vector<16xf32>
    %swap3A_1202 = vector.shape_cast %add3A_1198 : vector<16xf32> to vector<16xf32>
    tpu.vector_store %arg7[%swap3A_1199], %swap3A_1202 {strides = array<i32>} : memref<1280xf32, #tpu.memory_space<vmem>>, vector<16xf32>,
    %get3A_1203 = arith.constant 960 : index
    %get3A_1204 = tpu.vector_load %arg7[%get3A_1203] {strides = array<i32>} : memref<1280xf32, #tpu.memory_space<vmem>>, vector<16xf32>,
    %get3A_1205 = vector.shape_cast %get3A_1204 : vector<16xf32> to vector<16xf32>
    %get3A_1206 = arith.constant 960 : index
    %get3A_1207 = tpu.vector_load %arg8[%get3A_1206] {strides = array<i32>} : memref<1280xf32, #tpu.memory_space<vmem>>, vector<16xf32>,
    %get3A_1208 = vector.shape_cast %get3A_1207 : vector<16xf32> to vector<16xf32>
    %mul3A_1209 = arith.constant 1.000000e-01 : f32
    %mul3A_1210 = vector.broadcast %mul3A_1209 : f32 to vector<16xf32>
    %mul3A_1211 = arith.mulf %mul3A_1210, %get3A_1208 : vector<16xf32>
    %add3A_1212 = arith.addf %get3A_1205, %mul3A_1211 : vector<16xf32>
    %swap3A_1213 = arith.constant 960 : index
    %swap3A_1214 = tpu.vector_load %arg7[%swap3A_1213] {strides = array<i32>} : memref<1280xf32, #tpu.memory_space<vmem>>, vector<16xf32>,
    %swap3A_1215 = vector.shape_cast %swap3A_1214 : vector<16xf32> to vector<16xf32>
    %swap3A_1216 = vector.shape_cast %add3A_1212 : vector<16xf32> to vector<16xf32>
    tpu.vector_store %arg7[%swap3A_1213], %swap3A_1216 {strides = array<i32>} : memref<1280xf32, #tpu.memory_space<vmem>>, vector<16xf32>,
    %get3A_1217 = arith.constant 976 : index
    %get3A_1218 = tpu.vector_load %arg7[%get3A_1217] {strides = array<i32>} : memref<1280xf32, #tpu.memory_space<vmem>>, vector<16xf32>,
    %get3A_1219 = vector.shape_cast %get3A_1218 : vector<16xf32> to vector<16xf32>
    %get3A_1220 = arith.constant 976 : index
    %get3A_1221 = tpu.vector_load %arg8[%get3A_1220] {strides = array<i32>} : memref<1280xf32, #tpu.memory_space<vmem>>, vector<16xf32>,
    %get3A_1222 = vector.shape_cast %get3A_1221 : vector<16xf32> to vector<16xf32>
    %mul3A_1223 = arith.constant 1.000000e-01 : f32
    %mul3A_1224 = vector.broadcast %mul3A_1223 : f32 to vector<16xf32>
    %mul3A_1225 = arith.mulf %mul3A_1224, %get3A_1222 : vector<16xf32>
    %add3A_1226 = arith.addf %get3A_1219, %mul3A_1225 : vector<16xf32>
    %swap3A_1227 = arith.constant 976 : index
    %swap3A_1228 = tpu.vector_load %arg7[%swap3A_1227] {strides = array<i32>} : memref<1280xf32, #tpu.memory_space<vmem>>, vector<16xf32>,
    %swap3A_1229 = vector.shape_cast %swap3A_1228 : vector<16xf32> to vector<16xf32>
    %swap3A_1230 = vector.shape_cast %add3A_1226 : vector<16xf32> to vector<16xf32>
    tpu.vector_store %arg7[%swap3A_1227], %swap3A_1230 {strides = array<i32>} : memref<1280xf32, #tpu.memory_space<vmem>>, vector<16xf32>,
    %get3A_1231 = arith.constant 992 : index
    %get3A_1232 = tpu.vector_load %arg7[%get3A_1231] {strides = array<i32>} : memref<1280xf32, #tpu.memory_space<vmem>>, vector<16xf32>,
    %get3A_1233 = vector.shape_cast %get3A_1232 : vector<16xf32> to vector<16xf32>
    %get3A_1234 = arith.constant 992 : index
    %get3A_1235 = tpu.vector_load %arg8[%get3A_1234] {strides = array<i32>} : memref<1280xf32, #tpu.memory_space<vmem>>, vector<16xf32>,
    %get3A_1236 = vector.shape_cast %get3A_1235 : vector<16xf32> to vector<16xf32>
    %mul3A_1237 = arith.constant 1.000000e-01 : f32
    %mul3A_1238 = vector.broadcast %mul3A_1237 : f32 to vector<16xf32>
    %mul3A_1239 = arith.mulf %mul3A_1238, %get3A_1236 : vector<16xf32>
    %add3A_1240 = arith.addf %get3A_1233, %mul3A_1239 : vector<16xf32>
    %swap3A_1241 = arith.constant 992 : index
    %swap3A_1242 = tpu.vector_load %arg7[%swap3A_1241] {strides = array<i32>} : memref<1280xf32, #tpu.memory_space<vmem>>, vector<16xf32>,
    %swap3A_1243 = vector.shape_cast %swap3A_1242 : vector<16xf32> to vector<16xf32>
    %swap3A_1244 = vector.shape_cast %add3A_1240 : vector<16xf32> to vector<16xf32>
    tpu.vector_store %arg7[%swap3A_1241], %swap3A_1244 {strides = array<i32>} : memref<1280xf32, #tpu.memory_space<vmem>>, vector<16xf32>,
    %get3A_1245 = arith.constant 1008 : index
    %get3A_1246 = tpu.vector_load %arg7[%get3A_1245] {strides = array<i32>} : memref<1280xf32, #tpu.memory_space<vmem>>, vector<16xf32>,
    %get3A_1247 = vector.shape_cast %get3A_1246 : vector<16xf32> to vector<16xf32>
    %get3A_1248 = arith.constant 1008 : index
    %get3A_1249 = tpu.vector_load %arg8[%get3A_1248] {strides = array<i32>} : memref<1280xf32, #tpu.memory_space<vmem>>, vector<16xf32>,
    %get3A_1250 = vector.shape_cast %get3A_1249 : vector<16xf32> to vector<16xf32>
    %mul3A_1251 = arith.constant 1.000000e-01 : f32
    %mul3A_1252 = vector.broadcast %mul3A_1251 : f32 to vector<16xf32>
    %mul3A_1253 = arith.mulf %mul3A_1252, %get3A_1250 : vector<16xf32>
    %add3A_1254 = arith.addf %get3A_1247, %mul3A_1253 : vector<16xf32>
    %swap3A_1255 = arith.constant 1008 : index
    %swap3A_1256 = tpu.vector_load %arg7[%swap3A_1255] {strides = array<i32>} : memref<1280xf32, #tpu.memory_space<vmem>>, vector<16xf32>,
    %swap3A_1257 = vector.shape_cast %swap3A_1256 : vector<16xf32> to vector<16xf32>
    %swap3A_1258 = vector.shape_cast %add3A_1254 : vector<16xf32> to vector<16xf32>
    tpu.vector_store %arg7[%swap3A_1255], %swap3A_1258 {strides = array<i32>} : memref<1280xf32, #tpu.memory_space<vmem>>, vector<16xf32>,
    %get3A_1259 = arith.constant 1024 : index
    %get3A_1260 = tpu.vector_load %arg7[%get3A_1259] {strides = array<i32>} : memref<1280xf32, #tpu.memory_space<vmem>>, vector<16xf32>,
    %get3A_1261 = vector.shape_cast %get3A_1260 : vector<16xf32> to vector<16xf32>
    %get3A_1262 = arith.constant 1024 : index
    %get3A_1263 = tpu.vector_load %arg8[%get3A_1262] {strides = array<i32>} : memref<1280xf32, #tpu.memory_space<vmem>>, vector<16xf32>,
    %get3A_1264 = vector.shape_cast %get3A_1263 : vector<16xf32> to vector<16xf32>
    %mul3A_1265 = arith.constant 1.000000e-01 : f32
    %mul3A_1266 = vector.broadcast %mul3A_1265 : f32 to vector<16xf32>
    %mul3A_1267 = arith.mulf %mul3A_1266, %get3A_1264 : vector<16xf32>
    %add3A_1268 = arith.addf %get3A_1261, %mul3A_1267 : vector<16xf32>
    %swap3A_1269 = arith.constant 1024 : index
    %swap3A_1270 = tpu.vector_load %arg7[%swap3A_1269] {strides = array<i32>} : memref<1280xf32, #tpu.memory_space<vmem>>, vector<16xf32>,
    %swap3A_1271 = vector.shape_cast %swap3A_1270 : vector<16xf32> to vector<16xf32>
    %swap3A_1272 = vector.shape_cast %add3A_1268 : vector<16xf32> to vector<16xf32>
    tpu.vector_store %arg7[%swap3A_1269], %swap3A_1272 {strides = array<i32>} : memref<1280xf32, #tpu.memory_space<vmem>>, vector<16xf32>,
    %get3A_1273 = arith.constant 1040 : index
    %get3A_1274 = tpu.vector_load %arg7[%get3A_1273] {strides = array<i32>} : memref<1280xf32, #tpu.memory_space<vmem>>, vector<16xf32>,
    %get3A_1275 = vector.shape_cast %get3A_1274 : vector<16xf32> to vector<16xf32>
    %get3A_1276 = arith.constant 1040 : index
    %get3A_1277 = tpu.vector_load %arg8[%get3A_1276] {strides = array<i32>} : memref<1280xf32, #tpu.memory_space<vmem>>, vector<16xf32>,
    %get3A_1278 = vector.shape_cast %get3A_1277 : vector<16xf32> to vector<16xf32>
    %mul3A_1279 = arith.constant 1.000000e-01 : f32
    %mul3A_1280 = vector.broadcast %mul3A_1279 : f32 to vector<16xf32>
    %mul3A_1281 = arith.mulf %mul3A_1280, %get3A_1278 : vector<16xf32>
    %add3A_1282 = arith.addf %get3A_1275, %mul3A_1281 : vector<16xf32>
    %swap3A_1283 = arith.constant 1040 : index
    %swap3A_1284 = tpu.vector_load %arg7[%swap3A_1283] {strides = array<i32>} : memref<1280xf32, #tpu.memory_space<vmem>>, vector<16xf32>,
    %swap3A_1285 = vector.shape_cast %swap3A_1284 : vector<16xf32> to vector<16xf32>
    %swap3A_1286 = vector.shape_cast %add3A_1282 : vector<16xf32> to vector<16xf32>
    tpu.vector_store %arg7[%swap3A_1283], %swap3A_1286 {strides = array<i32>} : memref<1280xf32, #tpu.memory_space<vmem>>, vector<16xf32>,
    %get3A_1287 = arith.constant 1056 : index
    %get3A_1288 = tpu.vector_load %arg7[%get3A_1287] {strides = array<i32>} : memref<1280xf32, #tpu.memory_space<vmem>>, vector<16xf32>,
    %get3A_1289 = vector.shape_cast %get3A_1288 : vector<16xf32> to vector<16xf32>
    %get3A_1290 = arith.constant 1056 : index
    %get3A_1291 = tpu.vector_load %arg8[%get3A_1290] {strides = array<i32>} : memref<1280xf32, #tpu.memory_space<vmem>>, vector<16xf32>,
    %get3A_1292 = vector.shape_cast %get3A_1291 : vector<16xf32> to vector<16xf32>
    %mul3A_1293 = arith.constant 1.000000e-01 : f32
    %mul3A_1294 = vector.broadcast %mul3A_1293 : f32 to vector<16xf32>
    %mul3A_1295 = arith.mulf %mul3A_1294, %get3A_1292 : vector<16xf32>
    %add3A_1296 = arith.addf %get3A_1289, %mul3A_1295 : vector<16xf32>
    %swap3A_1297 = arith.constant 1056 : index
    %swap3A_1298 = tpu.vector_load %arg7[%swap3A_1297] {strides = array<i32>} : memref<1280xf32, #tpu.memory_space<vmem>>, vector<16xf32>,
    %swap3A_1299 = vector.shape_cast %swap3A_1298 : vector<16xf32> to vector<16xf32>
    %swap3A_1300 = vector.shape_cast %add3A_1296 : vector<16xf32> to vector<16xf32>
    tpu.vector_store %arg7[%swap3A_1297], %swap3A_1300 {strides = array<i32>} : memref<1280xf32, #tpu.memory_space<vmem>>, vector<16xf32>,
    %get3A_1301 = arith.constant 1072 : index
    %get3A_1302 = tpu.vector_load %arg7[%get3A_1301] {strides = array<i32>} : memref<1280xf32, #tpu.memory_space<vmem>>, vector<16xf32>,
    %get3A_1303 = vector.shape_cast %get3A_1302 : vector<16xf32> to vector<16xf32>
    %get3A_1304 = arith.constant 1072 : index
    %get3A_1305 = tpu.vector_load %arg8[%get3A_1304] {strides = array<i32>} : memref<1280xf32, #tpu.memory_space<vmem>>, vector<16xf32>,
    %get3A_1306 = vector.shape_cast %get3A_1305 : vector<16xf32> to vector<16xf32>
    %mul3A_1307 = arith.constant 1.000000e-01 : f32
    %mul3A_1308 = vector.broadcast %mul3A_1307 : f32 to vector<16xf32>
    %mul3A_1309 = arith.mulf %mul3A_1308, %get3A_1306 : vector<16xf32>
    %add3A_1310 = arith.addf %get3A_1303, %mul3A_1309 : vector<16xf32>
    %swap3A_1311 = arith.constant 1072 : index
    %swap3A_1312 = tpu.vector_load %arg7[%swap3A_1311] {strides = array<i32>} : memref<1280xf32, #tpu.memory_space<vmem>>, vector<16xf32>,
    %swap3A_1313 = vector.shape_cast %swap3A_1312 : vector<16xf32> to vector<16xf32>
    %swap3A_1314 = vector.shape_cast %add3A_1310 : vector<16xf32> to vector<16xf32>
    tpu.vector_store %arg7[%swap3A_1311], %swap3A_1314 {strides = array<i32>} : memref<1280xf32, #tpu.memory_space<vmem>>, vector<16xf32>,
    %get3A_1315 = arith.constant 1088 : index
    %get3A_1316 = tpu.vector_load %arg7[%get3A_1315] {strides = array<i32>} : memref<1280xf32, #tpu.memory_space<vmem>>, vector<16xf32>,
    %get3A_1317 = vector.shape_cast %get3A_1316 : vector<16xf32> to vector<16xf32>
    %get3A_1318 = arith.constant 1088 : index
    %get3A_1319 = tpu.vector_load %arg8[%get3A_1318] {strides = array<i32>} : memref<1280xf32, #tpu.memory_space<vmem>>, vector<16xf32>,
    %get3A_1320 = vector.shape_cast %get3A_1319 : vector<16xf32> to vector<16xf32>
    %mul3A_1321 = arith.constant 1.000000e-01 : f32
    %mul3A_1322 = vector.broadcast %mul3A_1321 : f32 to vector<16xf32>
    %mul3A_1323 = arith.mulf %mul3A_1322, %get3A_1320 : vector<16xf32>
    %add3A_1324 = arith.addf %get3A_1317, %mul3A_1323 : vector<16xf32>
    %swap3A_1325 = arith.constant 1088 : index
    %swap3A_1326 = tpu.vector_load %arg7[%swap3A_1325] {strides = array<i32>} : memref<1280xf32, #tpu.memory_space<vmem>>, vector<16xf32>,
    %swap3A_1327 = vector.shape_cast %swap3A_1326 : vector<16xf32> to vector<16xf32>
    %swap3A_1328 = vector.shape_cast %add3A_1324 : vector<16xf32> to vector<16xf32>
    tpu.vector_store %arg7[%swap3A_1325], %swap3A_1328 {strides = array<i32>} : memref<1280xf32, #tpu.memory_space<vmem>>, vector<16xf32>,
    %get3A_1329 = arith.constant 1104 : index
    %get3A_1330 = tpu.vector_load %arg7[%get3A_1329] {strides = array<i32>} : memref<1280xf32, #tpu.memory_space<vmem>>, vector<16xf32>,
    %get3A_1331 = vector.shape_cast %get3A_1330 : vector<16xf32> to vector<16xf32>
    %get3A_1332 = arith.constant 1104 : index
    %get3A_1333 = tpu.vector_load %arg8[%get3A_1332] {strides = array<i32>} : memref<1280xf32, #tpu.memory_space<vmem>>, vector<16xf32>,
    %get3A_1334 = vector.shape_cast %get3A_1333 : vector<16xf32> to vector<16xf32>
    %mul3A_1335 = arith.constant 1.000000e-01 : f32
    %mul3A_1336 = vector.broadcast %mul3A_1335 : f32 to vector<16xf32>
    %mul3A_1337 = arith.mulf %mul3A_1336, %get3A_1334 : vector<16xf32>
    %add3A_1338 = arith.addf %get3A_1331, %mul3A_1337 : vector<16xf32>
    %swap3A_1339 = arith.constant 1104 : index
    %swap3A_1340 = tpu.vector_load %arg7[%swap3A_1339] {strides = array<i32>} : memref<1280xf32, #tpu.memory_space<vmem>>, vector<16xf32>,
    %swap3A_1341 = vector.shape_cast %swap3A_1340 : vector<16xf32> to vector<16xf32>
    %swap3A_1342 = vector.shape_cast %add3A_1338 : vector<16xf32> to vector<16xf32>
    tpu.vector_store %arg7[%swap3A_1339], %swap3A_1342 {strides = array<i32>} : memref<1280xf32, #tpu.memory_space<vmem>>, vector<16xf32>,
    %get3A_1343 = arith.constant 1120 : index
    %get3A_1344 = tpu.vector_load %arg7[%get3A_1343] {strides = array<i32>} : memref<1280xf32, #tpu.memory_space<vmem>>, vector<16xf32>,
    %get3A_1345 = vector.shape_cast %get3A_1344 : vector<16xf32> to vector<16xf32>
    %get3A_1346 = arith.constant 1120 : index
    %get3A_1347 = tpu.vector_load %arg8[%get3A_1346] {strides = array<i32>} : memref<1280xf32, #tpu.memory_space<vmem>>, vector<16xf32>,
    %get3A_1348 = vector.shape_cast %get3A_1347 : vector<16xf32> to vector<16xf32>
    %mul3A_1349 = arith.constant 1.000000e-01 : f32
    %mul3A_1350 = vector.broadcast %mul3A_1349 : f32 to vector<16xf32>
    %mul3A_1351 = arith.mulf %mul3A_1350, %get3A_1348 : vector<16xf32>
    %add3A_1352 = arith.addf %get3A_1345, %mul3A_1351 : vector<16xf32>
    %swap3A_1353 = arith.constant 1120 : index
    %swap3A_1354 = tpu.vector_load %arg7[%swap3A_1353] {strides = array<i32>} : memref<1280xf32, #tpu.memory_space<vmem>>, vector<16xf32>,
    %swap3A_1355 = vector.shape_cast %swap3A_1354 : vector<16xf32> to vector<16xf32>
    %swap3A_1356 = vector.shape_cast %add3A_1352 : vector<16xf32> to vector<16xf32>
    tpu.vector_store %arg7[%swap3A_1353], %swap3A_1356 {strides = array<i32>} : memref<1280xf32, #tpu.memory_space<vmem>>, vector<16xf32>,
    %get3A_1357 = arith.constant 1136 : index
    %get3A_1358 = tpu.vector_load %arg7[%get3A_1357] {strides = array<i32>} : memref<1280xf32, #tpu.memory_space<vmem>>, vector<16xf32>,
    %get3A_1359 = vector.shape_cast %get3A_1358 : vector<16xf32> to vector<16xf32>
    %get3A_1360 = arith.constant 1136 : index
    %get3A_1361 = tpu.vector_load %arg8[%get3A_1360] {strides = array<i32>} : memref<1280xf32, #tpu.memory_space<vmem>>, vector<16xf32>,
    %get3A_1362 = vector.shape_cast %get3A_1361 : vector<16xf32> to vector<16xf32>
    %mul3A_1363 = arith.constant 1.000000e-01 : f32
    %mul3A_1364 = vector.broadcast %mul3A_1363 : f32 to vector<16xf32>
    %mul3A_1365 = arith.mulf %mul3A_1364, %get3A_1362 : vector<16xf32>
    %add3A_1366 = arith.addf %get3A_1359, %mul3A_1365 : vector<16xf32>
    %swap3A_1367 = arith.constant 1136 : index
    %swap3A_1368 = tpu.vector_load %arg7[%swap3A_1367] {strides = array<i32>} : memref<1280xf32, #tpu.memory_space<vmem>>, vector<16xf32>,
    %swap3A_1369 = vector.shape_cast %swap3A_1368 : vector<16xf32> to vector<16xf32>
    %swap3A_1370 = vector.shape_cast %add3A_1366 : vector<16xf32> to vector<16xf32>
    tpu.vector_store %arg7[%swap3A_1367], %swap3A_1370 {strides = array<i32>} : memref<1280xf32, #tpu.memory_space<vmem>>, vector<16xf32>,
    %get3A_1371 = arith.constant 1152 : index
    %get3A_1372 = tpu.vector_load %arg7[%get3A_1371] {strides = array<i32>} : memref<1280xf32, #tpu.memory_space<vmem>>, vector<16xf32>,
    %get3A_1373 = vector.shape_cast %get3A_1372 : vector<16xf32> to vector<16xf32>
    %get3A_1374 = arith.constant 1152 : index
    %get3A_1375 = tpu.vector_load %arg8[%get3A_1374] {strides = array<i32>} : memref<1280xf32, #tpu.memory_space<vmem>>, vector<16xf32>,
    %get3A_1376 = vector.shape_cast %get3A_1375 : vector<16xf32> to vector<16xf32>
    %mul3A_1377 = arith.constant 1.000000e-01 : f32
    %mul3A_1378 = vector.broadcast %mul3A_1377 : f32 to vector<16xf32>
    %mul3A_1379 = arith.mulf %mul3A_1378, %get3A_1376 : vector<16xf32>
    %add3A_1380 = arith.addf %get3A_1373, %mul3A_1379 : vector<16xf32>
    %swap3A_1381 = arith.constant 1152 : index
    %swap3A_1382 = tpu.vector_load %arg7[%swap3A_1381] {strides = array<i32>} : memref<1280xf32, #tpu.memory_space<vmem>>, vector<16xf32>,
    %swap3A_1383 = vector.shape_cast %swap3A_1382 : vector<16xf32> to vector<16xf32>
    %swap3A_1384 = vector.shape_cast %add3A_1380 : vector<16xf32> to vector<16xf32>
    tpu.vector_store %arg7[%swap3A_1381], %swap3A_1384 {strides = array<i32>} : memref<1280xf32, #tpu.memory_space<vmem>>, vector<16xf32>,
    %get3A_1385 = arith.constant 1168 : index
    %get3A_1386 = tpu.vector_load %arg7[%get3A_1385] {strides = array<i32>} : memref<1280xf32, #tpu.memory_space<vmem>>, vector<16xf32>,
    %get3A_1387 = vector.shape_cast %get3A_1386 : vector<16xf32> to vector<16xf32>
    %get3A_1388 = arith.constant 1168 : index
    %get3A_1389 = tpu.vector_load %arg8[%get3A_1388] {strides = array<i32>} : memref<1280xf32, #tpu.memory_space<vmem>>, vector<16xf32>,
    %get3A_1390 = vector.shape_cast %get3A_1389 : vector<16xf32> to vector<16xf32>
    %mul3A_1391 = arith.constant 1.000000e-01 : f32
    %mul3A_1392 = vector.broadcast %mul3A_1391 : f32 to vector<16xf32>
    %mul3A_1393 = arith.mulf %mul3A_1392, %get3A_1390 : vector<16xf32>
    %add3A_1394 = arith.addf %get3A_1387, %mul3A_1393 : vector<16xf32>
    %swap3A_1395 = arith.constant 1168 : index
    %swap3A_1396 = tpu.vector_load %arg7[%swap3A_1395] {strides = array<i32>} : memref<1280xf32, #tpu.memory_space<vmem>>, vector<16xf32>,
    %swap3A_1397 = vector.shape_cast %swap3A_1396 : vector<16xf32> to vector<16xf32>
    %swap3A_1398 = vector.shape_cast %add3A_1394 : vector<16xf32> to vector<16xf32>
    tpu.vector_store %arg7[%swap3A_1395], %swap3A_1398 {strides = array<i32>} : memref<1280xf32, #tpu.memory_space<vmem>>, vector<16xf32>,
    %get3A_1399 = arith.constant 1184 : index
    %get3A_1400 = tpu.vector_load %arg7[%get3A_1399] {strides = array<i32>} : memref<1280xf32, #tpu.memory_space<vmem>>, vector<16xf32>,
    %get3A_1401 = vector.shape_cast %get3A_1400 : vector<16xf32> to vector<16xf32>
    %get3A_1402 = arith.constant 1184 : index
    %get3A_1403 = tpu.vector_load %arg8[%get3A_1402] {strides = array<i32>} : memref<1280xf32, #tpu.memory_space<vmem>>, vector<16xf32>,
    %get3A_1404 = vector.shape_cast %get3A_1403 : vector<16xf32> to vector<16xf32>
    %mul3A_1405 = arith.constant 1.000000e-01 : f32
    %mul3A_1406 = vector.broadcast %mul3A_1405 : f32 to vector<16xf32>
    %mul3A_1407 = arith.mulf %mul3A_1406, %get3A_1404 : vector<16xf32>
    %add3A_1408 = arith.addf %get3A_1401, %mul3A_1407 : vector<16xf32>
    %swap3A_1409 = arith.constant 1184 : index
    %swap3A_1410 = tpu.vector_load %arg7[%swap3A_1409] {strides = array<i32>} : memref<1280xf32, #tpu.memory_space<vmem>>, vector<16xf32>,
    %swap3A_1411 = vector.shape_cast %swap3A_1410 : vector<16xf32> to vector<16xf32>
    %swap3A_1412 = vector.shape_cast %add3A_1408 : vector<16xf32> to vector<16xf32>
    tpu.vector_store %arg7[%swap3A_1409], %swap3A_1412 {strides = array<i32>} : memref<1280xf32, #tpu.memory_space<vmem>>, vector<16xf32>,
    %get3A_1413 = arith.constant 1200 : index
    %get3A_1414 = tpu.vector_load %arg7[%get3A_1413] {strides = array<i32>} : memref<1280xf32, #tpu.memory_space<vmem>>, vector<16xf32>,
    %get3A_1415 = vector.shape_cast %get3A_1414 : vector<16xf32> to vector<16xf32>
    %get3A_1416 = arith.constant 1200 : index
    %get3A_1417 = tpu.vector_load %arg8[%get3A_1416] {strides = array<i32>} : memref<1280xf32, #tpu.memory_space<vmem>>, vector<16xf32>,
    %get3A_1418 = vector.shape_cast %get3A_1417 : vector<16xf32> to vector<16xf32>
    %mul3A_1419 = arith.constant 1.000000e-01 : f32
    %mul3A_1420 = vector.broadcast %mul3A_1419 : f32 to vector<16xf32>
    %mul3A_1421 = arith.mulf %mul3A_1420, %get3A_1418 : vector<16xf32>
    %add3A_1422 = arith.addf %get3A_1415, %mul3A_1421 : vector<16xf32>
    %swap3A_1423 = arith.constant 1200 : index
    %swap3A_1424 = tpu.vector_load %arg7[%swap3A_1423] {strides = array<i32>} : memref<1280xf32, #tpu.memory_space<vmem>>, vector<16xf32>,
    %swap3A_1425 = vector.shape_cast %swap3A_1424 : vector<16xf32> to vector<16xf32>
    %swap3A_1426 = vector.shape_cast %add3A_1422 : vector<16xf32> to vector<16xf32>
    tpu.vector_store %arg7[%swap3A_1423], %swap3A_1426 {strides = array<i32>} : memref<1280xf32, #tpu.memory_space<vmem>>, vector<16xf32>,
    %get3A_1427 = arith.constant 1216 : index
    %get3A_1428 = tpu.vector_load %arg7[%get3A_1427] {strides = array<i32>} : memref<1280xf32, #tpu.memory_space<vmem>>, vector<16xf32>,
    %get3A_1429 = vector.shape_cast %get3A_1428 : vector<16xf32> to vector<16xf32>
    %get3A_1430 = arith.constant 1216 : index
    %get3A_1431 = tpu.vector_load %arg8[%get3A_1430] {strides = array<i32>} : memref<1280xf32, #tpu.memory_space<vmem>>, vector<16xf32>,
    %get3A_1432 = vector.shape_cast %get3A_1431 : vector<16xf32> to vector<16xf32>
    %mul3A_1433 = arith.constant 1.000000e-01 : f32
    %mul3A_1434 = vector.broadcast %mul3A_1433 : f32 to vector<16xf32>
    %mul3A_1435 = arith.mulf %mul3A_1434, %get3A_1432 : vector<16xf32>
    %add3A_1436 = arith.addf %get3A_1429, %mul3A_1435 : vector<16xf32>
    %swap3A_1437 = arith.constant 1216 : index
    %swap3A_1438 = tpu.vector_load %arg7[%swap3A_1437] {strides = array<i32>} : memref<1280xf32, #tpu.memory_space<vmem>>, vector<16xf32>,
    %swap3A_1439 = vector.shape_cast %swap3A_1438 : vector<16xf32> to vector<16xf32>
    %swap3A_1440 = vector.shape_cast %add3A_1436 : vector<16xf32> to vector<16xf32>
    tpu.vector_store %arg7[%swap3A_1437], %swap3A_1440 {strides = array<i32>} : memref<1280xf32, #tpu.memory_space<vmem>>, vector<16xf32>,
    %get3A_1441 = arith.constant 1232 : index
    %get3A_1442 = tpu.vector_load %arg7[%get3A_1441] {strides = array<i32>} : memref<1280xf32, #tpu.memory_space<vmem>>, vector<16xf32>,
    %get3A_1443 = vector.shape_cast %get3A_1442 : vector<16xf32> to vector<16xf32>
    %get3A_1444 = arith.constant 1232 : index
    %get3A_1445 = tpu.vector_load %arg8[%get3A_1444] {strides = array<i32>} : memref<1280xf32, #tpu.memory_space<vmem>>, vector<16xf32>,
    %get3A_1446 = vector.shape_cast %get3A_1445 : vector<16xf32> to vector<16xf32>
    %mul3A_1447 = arith.constant 1.000000e-01 : f32
    %mul3A_1448 = vector.broadcast %mul3A_1447 : f32 to vector<16xf32>
    %mul3A_1449 = arith.mulf %mul3A_1448, %get3A_1446 : vector<16xf32>
    %add3A_1450 = arith.addf %get3A_1443, %mul3A_1449 : vector<16xf32>
    %swap3A_1451 = arith.constant 1232 : index
    %swap3A_1452 = tpu.vector_load %arg7[%swap3A_1451] {strides = array<i32>} : memref<1280xf32, #tpu.memory_space<vmem>>, vector<16xf32>,
    %swap3A_1453 = vector.shape_cast %swap3A_1452 : vector<16xf32> to vector<16xf32>
    %swap3A_1454 = vector.shape_cast %add3A_1450 : vector<16xf32> to vector<16xf32>
    tpu.vector_store %arg7[%swap3A_1451], %swap3A_1454 {strides = array<i32>} : memref<1280xf32, #tpu.memory_space<vmem>>, vector<16xf32>,
    %get3A_1455 = arith.constant 1248 : index
    %get3A_1456 = tpu.vector_load %arg7[%get3A_1455] {strides = array<i32>} : memref<1280xf32, #tpu.memory_space<vmem>>, vector<16xf32>,
    %get3A_1457 = vector.shape_cast %get3A_1456 : vector<16xf32> to vector<16xf32>
    %get3A_1458 = arith.constant 1248 : index
    %get3A_1459 = tpu.vector_load %arg8[%get3A_1458] {strides = array<i32>} : memref<1280xf32, #tpu.memory_space<vmem>>, vector<16xf32>,
    %get3A_1460 = vector.shape_cast %get3A_1459 : vector<16xf32> to vector<16xf32>
    %mul3A_1461 = arith.constant 1.000000e-01 : f32
    %mul3A_1462 = vector.broadcast %mul3A_1461 : f32 to vector<16xf32>
    %mul3A_1463 = arith.mulf %mul3A_1462, %get3A_1460 : vector<16xf32>
    %add3A_1464 = arith.addf %get3A_1457, %mul3A_1463 : vector<16xf32>
    %swap3A_1465 = arith.constant 1248 : index
    %swap3A_1466 = tpu.vector_load %arg7[%swap3A_1465] {strides = array<i32>} : memref<1280xf32, #tpu.memory_space<vmem>>, vector<16xf32>,
    %swap3A_1467 = vector.shape_cast %swap3A_1466 : vector<16xf32> to vector<16xf32>
    %swap3A_1468 = vector.shape_cast %add3A_1464 : vector<16xf32> to vector<16xf32>
    tpu.vector_store %arg7[%swap3A_1465], %swap3A_1468 {strides = array<i32>} : memref<1280xf32, #tpu.memory_space<vmem>>, vector<16xf32>,
    %get3A_1469 = arith.constant 1264 : index
    %get3A_1470 = tpu.vector_load %arg7[%get3A_1469] {strides = array<i32>} : memref<1280xf32, #tpu.memory_space<vmem>>, vector<16xf32>,
    %get3A_1471 = vector.shape_cast %get3A_1470 : vector<16xf32> to vector<16xf32>
    %get3A_1472 = arith.constant 1264 : index
    %get3A_1473 = tpu.vector_load %arg8[%get3A_1472] {strides = array<i32>} : memref<1280xf32, #tpu.memory_space<vmem>>, vector<16xf32>,
    %get3A_1474 = vector.shape_cast %get3A_1473 : vector<16xf32> to vector<16xf32>
    %mul3A_1475 = arith.constant 1.000000e-01 : f32
    %mul3A_1476 = vector.broadcast %mul3A_1475 : f32 to vector<16xf32>
    %mul3A_1477 = arith.mulf %mul3A_1476, %get3A_1474 : vector<16xf32>
    %add3A_1478 = arith.addf %get3A_1471, %mul3A_1477 : vector<16xf32>
    %swap3A_1479 = arith.constant 1264 : index
    %swap3A_1480 = tpu.vector_load %arg7[%swap3A_1479] {strides = array<i32>} : memref<1280xf32, #tpu.memory_space<vmem>>, vector<16xf32>,
    %swap3A_1481 = vector.shape_cast %swap3A_1480 : vector<16xf32> to vector<16xf32>
    %swap3A_1482 = vector.shape_cast %add3A_1478 : vector<16xf32> to vector<16xf32>
    tpu.vector_store %arg7[%swap3A_1479], %swap3A_1482 {strides = array<i32>} : memref<1280xf32, #tpu.memory_space<vmem>>, vector<16xf32>,
    %dma_start3A_1483 = arith.constant 0 : i32
    %dma_start3A_1484 = arith.constant 0 : i32
    %dma_start3A_1485 = tpu.memref_slice %arg7[%dma_start3A_1484] : memref<1280xf32, #tpu.memory_space<vmem>> -> memref<128xf32, #tpu.memory_space<vmem>>
    %dma_start3A_1486 = arith.constant 0 : i32
    %dma_start3A_1487 = tpu.memref_slice %arg6[%dma_start3A_1483, %dma_start3A_1486] : memref<10x128xi32, #tpu.memory_space<vmem>> -> memref<1x128xi32, #tpu.memory_space<vmem>>
    %dma_start3A_1488 = tpu.memref_squeeze %dma_start3A_1487 : memref<1x128xi32, #tpu.memory_space<vmem>> -> memref<128xi32, #tpu.memory_space<vmem>>
    %dma_start3A_1489 = arith.constant 0 : i32
    %dma_start3A_1490 = tpu.memref_slice %arg5[%dma_start3A_1489] : memref<50051001xf32, #tpu.memory_space<hbm>> -> memref<50051001xf32, #tpu.memory_space<hbm>>
    tpu.enqueue_indirect_dma source(%dma_start3A_1485 : memref<128xf32, #tpu.memory_space<vmem>>) target(%dma_start3A_1490 : memref<50051001xf32, #tpu.memory_space<hbm>>) offsets(%dma_start3A_1488 : memref<128xi32, #tpu.memory_space<vmem>>) semaphore(%arg9 : memref<!tpu.dma_semaphore, #tpu.memory_space<semaphore_mem>>)
    %dma_start3A_1491 = arith.constant 1 : i32
    %dma_start3A_1492 = arith.constant 128 : i32
    %dma_start3A_1493 = tpu.memref_slice %arg7[%dma_start3A_1492] : memref<1280xf32, #tpu.memory_space<vmem>> -> memref<128xf32, #tpu.memory_space<vmem>>
    %dma_start3A_1494 = arith.constant 0 : i32
    %dma_start3A_1495 = tpu.memref_slice %arg6[%dma_start3A_1491, %dma_start3A_1494] : memref<10x128xi32, #tpu.memory_space<vmem>> -> memref<1x128xi32, #tpu.memory_space<vmem>>
    %dma_start3A_1496 = tpu.memref_squeeze %dma_start3A_1495 : memref<1x128xi32, #tpu.memory_space<vmem>> -> memref<128xi32, #tpu.memory_space<vmem>>
    %dma_start3A_1497 = arith.constant 0 : i32
    %dma_start3A_1498 = tpu.memref_slice %arg5[%dma_start3A_1497] : memref<50051001xf32, #tpu.memory_space<hbm>> -> memref<50051001xf32, #tpu.memory_space<hbm>>
    tpu.enqueue_indirect_dma source(%dma_start3A_1493 : memref<128xf32, #tpu.memory_space<vmem>>) target(%dma_start3A_1498 : memref<50051001xf32, #tpu.memory_space<hbm>>) offsets(%dma_start3A_1496 : memref<128xi32, #tpu.memory_space<vmem>>) semaphore(%arg9 : memref<!tpu.dma_semaphore, #tpu.memory_space<semaphore_mem>>)
    %dma_start3A_1499 = arith.constant 2 : i32
    %dma_start3A_1500 = arith.constant 256 : i32
    %dma_start3A_1501 = tpu.memref_slice %arg7[%dma_start3A_1500] : memref<1280xf32, #tpu.memory_space<vmem>> -> memref<128xf32, #tpu.memory_space<vmem>>
    %dma_start3A_1502 = arith.constant 0 : i32
    %dma_start3A_1503 = tpu.memref_slice %arg6[%dma_start3A_1499, %dma_start3A_1502] : memref<10x128xi32, #tpu.memory_space<vmem>> -> memref<1x128xi32, #tpu.memory_space<vmem>>
    %dma_start3A_1504 = tpu.memref_squeeze %dma_start3A_1503 : memref<1x128xi32, #tpu.memory_space<vmem>> -> memref<128xi32, #tpu.memory_space<vmem>>
    %dma_start3A_1505 = arith.constant 0 : i32
    %dma_start3A_1506 = tpu.memref_slice %arg5[%dma_start3A_1505] : memref<50051001xf32, #tpu.memory_space<hbm>> -> memref<50051001xf32, #tpu.memory_space<hbm>>
    tpu.enqueue_indirect_dma source(%dma_start3A_1501 : memref<128xf32, #tpu.memory_space<vmem>>) target(%dma_start3A_1506 : memref<50051001xf32, #tpu.memory_space<hbm>>) offsets(%dma_start3A_1504 : memref<128xi32, #tpu.memory_space<vmem>>) semaphore(%arg9 : memref<!tpu.dma_semaphore, #tpu.memory_space<semaphore_mem>>)
    %dma_start3A_1507 = arith.constant 3 : i32
    %dma_start3A_1508 = arith.constant 384 : i32
    %dma_start3A_1509 = tpu.memref_slice %arg7[%dma_start3A_1508] : memref<1280xf32, #tpu.memory_space<vmem>> -> memref<128xf32, #tpu.memory_space<vmem>>
    %dma_start3A_1510 = arith.constant 0 : i32
    %dma_start3A_1511 = tpu.memref_slice %arg6[%dma_start3A_1507, %dma_start3A_1510] : memref<10x128xi32, #tpu.memory_space<vmem>> -> memref<1x128xi32, #tpu.memory_space<vmem>>
    %dma_start3A_1512 = tpu.memref_squeeze %dma_start3A_1511 : memref<1x128xi32, #tpu.memory_space<vmem>> -> memref<128xi32, #tpu.memory_space<vmem>>
    %dma_start3A_1513 = arith.constant 0 : i32
    %dma_start3A_1514 = tpu.memref_slice %arg5[%dma_start3A_1513] : memref<50051001xf32, #tpu.memory_space<hbm>> -> memref<50051001xf32, #tpu.memory_space<hbm>>
    tpu.enqueue_indirect_dma source(%dma_start3A_1509 : memref<128xf32, #tpu.memory_space<vmem>>) target(%dma_start3A_1514 : memref<50051001xf32, #tpu.memory_space<hbm>>) offsets(%dma_start3A_1512 : memref<128xi32, #tpu.memory_space<vmem>>) semaphore(%arg9 : memref<!tpu.dma_semaphore, #tpu.memory_space<semaphore_mem>>)
    %dma_start3A_1515 = arith.constant 4 : i32
    %dma_start3A_1516 = arith.constant 512 : i32
    %dma_start3A_1517 = tpu.memref_slice %arg7[%dma_start3A_1516] : memref<1280xf32, #tpu.memory_space<vmem>> -> memref<128xf32, #tpu.memory_space<vmem>>
    %dma_start3A_1518 = arith.constant 0 : i32
    %dma_start3A_1519 = tpu.memref_slice %arg6[%dma_start3A_1515, %dma_start3A_1518] : memref<10x128xi32, #tpu.memory_space<vmem>> -> memref<1x128xi32, #tpu.memory_space<vmem>>
    %dma_start3A_1520 = tpu.memref_squeeze %dma_start3A_1519 : memref<1x128xi32, #tpu.memory_space<vmem>> -> memref<128xi32, #tpu.memory_space<vmem>>
    %dma_start3A_1521 = arith.constant 0 : i32
    %dma_start3A_1522 = tpu.memref_slice %arg5[%dma_start3A_1521] : memref<50051001xf32, #tpu.memory_space<hbm>> -> memref<50051001xf32, #tpu.memory_space<hbm>>
    tpu.enqueue_indirect_dma source(%dma_start3A_1517 : memref<128xf32, #tpu.memory_space<vmem>>) target(%dma_start3A_1522 : memref<50051001xf32, #tpu.memory_space<hbm>>) offsets(%dma_start3A_1520 : memref<128xi32, #tpu.memory_space<vmem>>) semaphore(%arg9 : memref<!tpu.dma_semaphore, #tpu.memory_space<semaphore_mem>>)
    %dma_start3A_1523 = arith.constant 5 : i32
    %dma_start3A_1524 = arith.constant 640 : i32
    %dma_start3A_1525 = tpu.memref_slice %arg7[%dma_start3A_1524] : memref<1280xf32, #tpu.memory_space<vmem>> -> memref<128xf32, #tpu.memory_space<vmem>>
    %dma_start3A_1526 = arith.constant 0 : i32
    %dma_start3A_1527 = tpu.memref_slice %arg6[%dma_start3A_1523, %dma_start3A_1526] : memref<10x128xi32, #tpu.memory_space<vmem>> -> memref<1x128xi32, #tpu.memory_space<vmem>>
    %dma_start3A_1528 = tpu.memref_squeeze %dma_start3A_1527 : memref<1x128xi32, #tpu.memory_space<vmem>> -> memref<128xi32, #tpu.memory_space<vmem>>
    %dma_start3A_1529 = arith.constant 0 : i32
    %dma_start3A_1530 = tpu.memref_slice %arg5[%dma_start3A_1529] : memref<50051001xf32, #tpu.memory_space<hbm>> -> memref<50051001xf32, #tpu.memory_space<hbm>>
    tpu.enqueue_indirect_dma source(%dma_start3A_1525 : memref<128xf32, #tpu.memory_space<vmem>>) target(%dma_start3A_1530 : memref<50051001xf32, #tpu.memory_space<hbm>>) offsets(%dma_start3A_1528 : memref<128xi32, #tpu.memory_space<vmem>>) semaphore(%arg9 : memref<!tpu.dma_semaphore, #tpu.memory_space<semaphore_mem>>)
    %dma_start3A_1531 = arith.constant 6 : i32
    %dma_start3A_1532 = arith.constant 768 : i32
    %dma_start3A_1533 = tpu.memref_slice %arg7[%dma_start3A_1532] : memref<1280xf32, #tpu.memory_space<vmem>> -> memref<128xf32, #tpu.memory_space<vmem>>
    %dma_start3A_1534 = arith.constant 0 : i32
    %dma_start3A_1535 = tpu.memref_slice %arg6[%dma_start3A_1531, %dma_start3A_1534] : memref<10x128xi32, #tpu.memory_space<vmem>> -> memref<1x128xi32, #tpu.memory_space<vmem>>
    %dma_start3A_1536 = tpu.memref_squeeze %dma_start3A_1535 : memref<1x128xi32, #tpu.memory_space<vmem>> -> memref<128xi32, #tpu.memory_space<vmem>>
    %dma_start3A_1537 = arith.constant 0 : i32
    %dma_start3A_1538 = tpu.memref_slice %arg5[%dma_start3A_1537] : memref<50051001xf32, #tpu.memory_space<hbm>> -> memref<50051001xf32, #tpu.memory_space<hbm>>
    tpu.enqueue_indirect_dma source(%dma_start3A_1533 : memref<128xf32, #tpu.memory_space<vmem>>) target(%dma_start3A_1538 : memref<50051001xf32, #tpu.memory_space<hbm>>) offsets(%dma_start3A_1536 : memref<128xi32, #tpu.memory_space<vmem>>) semaphore(%arg9 : memref<!tpu.dma_semaphore, #tpu.memory_space<semaphore_mem>>)
    %dma_start3A_1539 = arith.constant 7 : i32
    %dma_start3A_1540 = arith.constant 896 : i32
    %dma_start3A_1541 = tpu.memref_slice %arg7[%dma_start3A_1540] : memref<1280xf32, #tpu.memory_space<vmem>> -> memref<128xf32, #tpu.memory_space<vmem>>
    %dma_start3A_1542 = arith.constant 0 : i32
    %dma_start3A_1543 = tpu.memref_slice %arg6[%dma_start3A_1539, %dma_start3A_1542] : memref<10x128xi32, #tpu.memory_space<vmem>> -> memref<1x128xi32, #tpu.memory_space<vmem>>
    %dma_start3A_1544 = tpu.memref_squeeze %dma_start3A_1543 : memref<1x128xi32, #tpu.memory_space<vmem>> -> memref<128xi32, #tpu.memory_space<vmem>>
    %dma_start3A_1545 = arith.constant 0 : i32
    %dma_start3A_1546 = tpu.memref_slice %arg5[%dma_start3A_1545] : memref<50051001xf32, #tpu.memory_space<hbm>> -> memref<50051001xf32, #tpu.memory_space<hbm>>
    tpu.enqueue_indirect_dma source(%dma_start3A_1541 : memref<128xf32, #tpu.memory_space<vmem>>) target(%dma_start3A_1546 : memref<50051001xf32, #tpu.memory_space<hbm>>) offsets(%dma_start3A_1544 : memref<128xi32, #tpu.memory_space<vmem>>) semaphore(%arg9 : memref<!tpu.dma_semaphore, #tpu.memory_space<semaphore_mem>>)
    %dma_start3A_1547 = arith.constant 8 : i32
    %dma_start3A_1548 = arith.constant 1024 : i32
    %dma_start3A_1549 = tpu.memref_slice %arg7[%dma_start3A_1548] : memref<1280xf32, #tpu.memory_space<vmem>> -> memref<128xf32, #tpu.memory_space<vmem>>
    %dma_start3A_1550 = arith.constant 0 : i32
    %dma_start3A_1551 = tpu.memref_slice %arg6[%dma_start3A_1547, %dma_start3A_1550] : memref<10x128xi32, #tpu.memory_space<vmem>> -> memref<1x128xi32, #tpu.memory_space<vmem>>
    %dma_start3A_1552 = tpu.memref_squeeze %dma_start3A_1551 : memref<1x128xi32, #tpu.memory_space<vmem>> -> memref<128xi32, #tpu.memory_space<vmem>>
    %dma_start3A_1553 = arith.constant 0 : i32
    %dma_start3A_1554 = tpu.memref_slice %arg5[%dma_start3A_1553] : memref<50051001xf32, #tpu.memory_space<hbm>> -> memref<50051001xf32, #tpu.memory_space<hbm>>
    tpu.enqueue_indirect_dma source(%dma_start3A_1549 : memref<128xf32, #tpu.memory_space<vmem>>) target(%dma_start3A_1554 : memref<50051001xf32, #tpu.memory_space<hbm>>) offsets(%dma_start3A_1552 : memref<128xi32, #tpu.memory_space<vmem>>) semaphore(%arg9 : memref<!tpu.dma_semaphore, #tpu.memory_space<semaphore_mem>>)
    %dma_start3A_1555 = arith.constant 9 : i32
    %dma_start3A_1556 = arith.constant 1152 : i32
    %dma_start3A_1557 = tpu.memref_slice %arg7[%dma_start3A_1556] : memref<1280xf32, #tpu.memory_space<vmem>> -> memref<128xf32, #tpu.memory_space<vmem>>
    %dma_start3A_1558 = arith.constant 0 : i32
    %dma_start3A_1559 = tpu.memref_slice %arg6[%dma_start3A_1555, %dma_start3A_1558] : memref<10x128xi32, #tpu.memory_space<vmem>> -> memref<1x128xi32, #tpu.memory_space<vmem>>
    %dma_start3A_1560 = tpu.memref_squeeze %dma_start3A_1559 : memref<1x128xi32, #tpu.memory_space<vmem>> -> memref<128xi32, #tpu.memory_space<vmem>>
    %dma_start3A_1561 = arith.constant 0 : i32
    %dma_start3A_1562 = tpu.memref_slice %arg5[%dma_start3A_1561] : memref<50051001xf32, #tpu.memory_space<hbm>> -> memref<50051001xf32, #tpu.memory_space<hbm>>
    tpu.enqueue_indirect_dma source(%dma_start3A_1557 : memref<128xf32, #tpu.memory_space<vmem>>) target(%dma_start3A_1562 : memref<50051001xf32, #tpu.memory_space<hbm>>) offsets(%dma_start3A_1560 : memref<128xi32, #tpu.memory_space<vmem>>) semaphore(%arg9 : memref<!tpu.dma_semaphore, #tpu.memory_space<semaphore_mem>>)
    %dma_wait3A_1563 = arith.constant 0 : i32
    %dma_wait3A_1564 = arith.constant 0 : i32
    %dma_wait3A_1565 = tpu.memref_slice %arg7[%dma_wait3A_1564] : memref<1280xf32, #tpu.memory_space<vmem>> -> memref<128xf32, #tpu.memory_space<vmem>>
    %dma_wait3A_1566 = arith.constant 0 : i32
    %dma_wait3A_1567 = tpu.memref_slice %arg6[%dma_wait3A_1563, %dma_wait3A_1566] : memref<10x128xi32, #tpu.memory_space<vmem>> -> memref<1x128xi32, #tpu.memory_space<vmem>>
    %dma_wait3A_1568 = tpu.memref_squeeze %dma_wait3A_1567 : memref<1x128xi32, #tpu.memory_space<vmem>> -> memref<128xi32, #tpu.memory_space<vmem>>
    %dma_wait3A_1569 = arith.constant 0 : i32
    %dma_wait3A_1570 = tpu.memref_slice %arg5[%dma_wait3A_1569] : memref<50051001xf32, #tpu.memory_space<hbm>> -> memref<50051001xf32, #tpu.memory_space<hbm>>
    tpu.wait_indirect_dma semaphore(%arg9 : memref<!tpu.dma_semaphore, #tpu.memory_space<semaphore_mem>>) src(%dma_wait3A_1565 : memref<128xf32, #tpu.memory_space<vmem>>) dst(%dma_wait3A_1570 : memref<50051001xf32, #tpu.memory_space<hbm>>)
    %dma_wait3A_1571 = arith.constant 1 : i32
    %dma_wait3A_1572 = arith.constant 128 : i32
    %dma_wait3A_1573 = tpu.memref_slice %arg7[%dma_wait3A_1572] : memref<1280xf32, #tpu.memory_space<vmem>> -> memref<128xf32, #tpu.memory_space<vmem>>
    %dma_wait3A_1574 = arith.constant 0 : i32
    %dma_wait3A_1575 = tpu.memref_slice %arg6[%dma_wait3A_1571, %dma_wait3A_1574] : memref<10x128xi32, #tpu.memory_space<vmem>> -> memref<1x128xi32, #tpu.memory_space<vmem>>
    %dma_wait3A_1576 = tpu.memref_squeeze %dma_wait3A_1575 : memref<1x128xi32, #tpu.memory_space<vmem>> -> memref<128xi32, #tpu.memory_space<vmem>>
    %dma_wait3A_1577 = arith.constant 0 : i32
    %dma_wait3A_1578 = tpu.memref_slice %arg5[%dma_wait3A_1577] : memref<50051001xf32, #tpu.memory_space<hbm>> -> memref<50051001xf32, #tpu.memory_space<hbm>>
    tpu.wait_indirect_dma semaphore(%arg9 : memref<!tpu.dma_semaphore, #tpu.memory_space<semaphore_mem>>) src(%dma_wait3A_1573 : memref<128xf32, #tpu.memory_space<vmem>>) dst(%dma_wait3A_1578 : memref<50051001xf32, #tpu.memory_space<hbm>>)
    %dma_wait3A_1579 = arith.constant 2 : i32
    %dma_wait3A_1580 = arith.constant 256 : i32
    %dma_wait3A_1581 = tpu.memref_slice %arg7[%dma_wait3A_1580] : memref<1280xf32, #tpu.memory_space<vmem>> -> memref<128xf32, #tpu.memory_space<vmem>>
    %dma_wait3A_1582 = arith.constant 0 : i32
    %dma_wait3A_1583 = tpu.memref_slice %arg6[%dma_wait3A_1579, %dma_wait3A_1582] : memref<10x128xi32, #tpu.memory_space<vmem>> -> memref<1x128xi32, #tpu.memory_space<vmem>>
    %dma_wait3A_1584 = tpu.memref_squeeze %dma_wait3A_1583 : memref<1x128xi32, #tpu.memory_space<vmem>> -> memref<128xi32, #tpu.memory_space<vmem>>
    %dma_wait3A_1585 = arith.constant 0 : i32
    %dma_wait3A_1586 = tpu.memref_slice %arg5[%dma_wait3A_1585] : memref<50051001xf32, #tpu.memory_space<hbm>> -> memref<50051001xf32, #tpu.memory_space<hbm>>
    tpu.wait_indirect_dma semaphore(%arg9 : memref<!tpu.dma_semaphore, #tpu.memory_space<semaphore_mem>>) src(%dma_wait3A_1581 : memref<128xf32, #tpu.memory_space<vmem>>) dst(%dma_wait3A_1586 : memref<50051001xf32, #tpu.memory_space<hbm>>)
    %dma_wait3A_1587 = arith.constant 3 : i32
    %dma_wait3A_1588 = arith.constant 384 : i32
    %dma_wait3A_1589 = tpu.memref_slice %arg7[%dma_wait3A_1588] : memref<1280xf32, #tpu.memory_space<vmem>> -> memref<128xf32, #tpu.memory_space<vmem>>
    %dma_wait3A_1590 = arith.constant 0 : i32
    %dma_wait3A_1591 = tpu.memref_slice %arg6[%dma_wait3A_1587, %dma_wait3A_1590] : memref<10x128xi32, #tpu.memory_space<vmem>> -> memref<1x128xi32, #tpu.memory_space<vmem>>
    %dma_wait3A_1592 = tpu.memref_squeeze %dma_wait3A_1591 : memref<1x128xi32, #tpu.memory_space<vmem>> -> memref<128xi32, #tpu.memory_space<vmem>>
    %dma_wait3A_1593 = arith.constant 0 : i32
    %dma_wait3A_1594 = tpu.memref_slice %arg5[%dma_wait3A_1593] : memref<50051001xf32, #tpu.memory_space<hbm>> -> memref<50051001xf32, #tpu.memory_space<hbm>>
    tpu.wait_indirect_dma semaphore(%arg9 : memref<!tpu.dma_semaphore, #tpu.memory_space<semaphore_mem>>) src(%dma_wait3A_1589 : memref<128xf32, #tpu.memory_space<vmem>>) dst(%dma_wait3A_1594 : memref<50051001xf32, #tpu.memory_space<hbm>>)
    %dma_wait3A_1595 = arith.constant 4 : i32
    %dma_wait3A_1596 = arith.constant 512 : i32
    %dma_wait3A_1597 = tpu.memref_slice %arg7[%dma_wait3A_1596] : memref<1280xf32, #tpu.memory_space<vmem>> -> memref<128xf32, #tpu.memory_space<vmem>>
    %dma_wait3A_1598 = arith.constant 0 : i32
    %dma_wait3A_1599 = tpu.memref_slice %arg6[%dma_wait3A_1595, %dma_wait3A_1598] : memref<10x128xi32, #tpu.memory_space<vmem>> -> memref<1x128xi32, #tpu.memory_space<vmem>>
    %dma_wait3A_1600 = tpu.memref_squeeze %dma_wait3A_1599 : memref<1x128xi32, #tpu.memory_space<vmem>> -> memref<128xi32, #tpu.memory_space<vmem>>
    %dma_wait3A_1601 = arith.constant 0 : i32
    %dma_wait3A_1602 = tpu.memref_slice %arg5[%dma_wait3A_1601] : memref<50051001xf32, #tpu.memory_space<hbm>> -> memref<50051001xf32, #tpu.memory_space<hbm>>
    tpu.wait_indirect_dma semaphore(%arg9 : memref<!tpu.dma_semaphore, #tpu.memory_space<semaphore_mem>>) src(%dma_wait3A_1597 : memref<128xf32, #tpu.memory_space<vmem>>) dst(%dma_wait3A_1602 : memref<50051001xf32, #tpu.memory_space<hbm>>)
    %dma_wait3A_1603 = arith.constant 5 : i32
    %dma_wait3A_1604 = arith.constant 640 : i32
    %dma_wait3A_1605 = tpu.memref_slice %arg7[%dma_wait3A_1604] : memref<1280xf32, #tpu.memory_space<vmem>> -> memref<128xf32, #tpu.memory_space<vmem>>
    %dma_wait3A_1606 = arith.constant 0 : i32
    %dma_wait3A_1607 = tpu.memref_slice %arg6[%dma_wait3A_1603, %dma_wait3A_1606] : memref<10x128xi32, #tpu.memory_space<vmem>> -> memref<1x128xi32, #tpu.memory_space<vmem>>
    %dma_wait3A_1608 = tpu.memref_squeeze %dma_wait3A_1607 : memref<1x128xi32, #tpu.memory_space<vmem>> -> memref<128xi32, #tpu.memory_space<vmem>>
    %dma_wait3A_1609 = arith.constant 0 : i32
    %dma_wait3A_1610 = tpu.memref_slice %arg5[%dma_wait3A_1609] : memref<50051001xf32, #tpu.memory_space<hbm>> -> memref<50051001xf32, #tpu.memory_space<hbm>>
    tpu.wait_indirect_dma semaphore(%arg9 : memref<!tpu.dma_semaphore, #tpu.memory_space<semaphore_mem>>) src(%dma_wait3A_1605 : memref<128xf32, #tpu.memory_space<vmem>>) dst(%dma_wait3A_1610 : memref<50051001xf32, #tpu.memory_space<hbm>>)
    %dma_wait3A_1611 = arith.constant 6 : i32
    %dma_wait3A_1612 = arith.constant 768 : i32
    %dma_wait3A_1613 = tpu.memref_slice %arg7[%dma_wait3A_1612] : memref<1280xf32, #tpu.memory_space<vmem>> -> memref<128xf32, #tpu.memory_space<vmem>>
    %dma_wait3A_1614 = arith.constant 0 : i32
    %dma_wait3A_1615 = tpu.memref_slice %arg6[%dma_wait3A_1611, %dma_wait3A_1614] : memref<10x128xi32, #tpu.memory_space<vmem>> -> memref<1x128xi32, #tpu.memory_space<vmem>>
    %dma_wait3A_1616 = tpu.memref_squeeze %dma_wait3A_1615 : memref<1x128xi32, #tpu.memory_space<vmem>> -> memref<128xi32, #tpu.memory_space<vmem>>
    %dma_wait3A_1617 = arith.constant 0 : i32
    %dma_wait3A_1618 = tpu.memref_slice %arg5[%dma_wait3A_1617] : memref<50051001xf32, #tpu.memory_space<hbm>> -> memref<50051001xf32, #tpu.memory_space<hbm>>
    tpu.wait_indirect_dma semaphore(%arg9 : memref<!tpu.dma_semaphore, #tpu.memory_space<semaphore_mem>>) src(%dma_wait3A_1613 : memref<128xf32, #tpu.memory_space<vmem>>) dst(%dma_wait3A_1618 : memref<50051001xf32, #tpu.memory_space<hbm>>)
    %dma_wait3A_1619 = arith.constant 7 : i32
    %dma_wait3A_1620 = arith.constant 896 : i32
    %dma_wait3A_1621 = tpu.memref_slice %arg7[%dma_wait3A_1620] : memref<1280xf32, #tpu.memory_space<vmem>> -> memref<128xf32, #tpu.memory_space<vmem>>
    %dma_wait3A_1622 = arith.constant 0 : i32
    %dma_wait3A_1623 = tpu.memref_slice %arg6[%dma_wait3A_1619, %dma_wait3A_1622] : memref<10x128xi32, #tpu.memory_space<vmem>> -> memref<1x128xi32, #tpu.memory_space<vmem>>
    %dma_wait3A_1624 = tpu.memref_squeeze %dma_wait3A_1623 : memref<1x128xi32, #tpu.memory_space<vmem>> -> memref<128xi32, #tpu.memory_space<vmem>>
    %dma_wait3A_1625 = arith.constant 0 : i32
    %dma_wait3A_1626 = tpu.memref_slice %arg5[%dma_wait3A_1625] : memref<50051001xf32, #tpu.memory_space<hbm>> -> memref<50051001xf32, #tpu.memory_space<hbm>>
    tpu.wait_indirect_dma semaphore(%arg9 : memref<!tpu.dma_semaphore, #tpu.memory_space<semaphore_mem>>) src(%dma_wait3A_1621 : memref<128xf32, #tpu.memory_space<vmem>>) dst(%dma_wait3A_1626 : memref<50051001xf32, #tpu.memory_space<hbm>>)
    %dma_wait3A_1627 = arith.constant 8 : i32
    %dma_wait3A_1628 = arith.constant 1024 : i32
    %dma_wait3A_1629 = tpu.memref_slice %arg7[%dma_wait3A_1628] : memref<1280xf32, #tpu.memory_space<vmem>> -> memref<128xf32, #tpu.memory_space<vmem>>
    %dma_wait3A_1630 = arith.constant 0 : i32
    %dma_wait3A_1631 = tpu.memref_slice %arg6[%dma_wait3A_1627, %dma_wait3A_1630] : memref<10x128xi32, #tpu.memory_space<vmem>> -> memref<1x128xi32, #tpu.memory_space<vmem>>
    %dma_wait3A_1632 = tpu.memref_squeeze %dma_wait3A_1631 : memref<1x128xi32, #tpu.memory_space<vmem>> -> memref<128xi32, #tpu.memory_space<vmem>>
    %dma_wait3A_1633 = arith.constant 0 : i32
    %dma_wait3A_1634 = tpu.memref_slice %arg5[%dma_wait3A_1633] : memref<50051001xf32, #tpu.memory_space<hbm>> -> memref<50051001xf32, #tpu.memory_space<hbm>>
    tpu.wait_indirect_dma semaphore(%arg9 : memref<!tpu.dma_semaphore, #tpu.memory_space<semaphore_mem>>) src(%dma_wait3A_1629 : memref<128xf32, #tpu.memory_space<vmem>>) dst(%dma_wait3A_1634 : memref<50051001xf32, #tpu.memory_space<hbm>>)
    %dma_wait3A_1635 = arith.constant 9 : i32
    %dma_wait3A_1636 = arith.constant 1152 : i32
    %dma_wait3A_1637 = tpu.memref_slice %arg7[%dma_wait3A_1636] : memref<1280xf32, #tpu.memory_space<vmem>> -> memref<128xf32, #tpu.memory_space<vmem>>
    %dma_wait3A_1638 = arith.constant 0 : i32
    %dma_wait3A_1639 = tpu.memref_slice %arg6[%dma_wait3A_1635, %dma_wait3A_1638] : memref<10x128xi32, #tpu.memory_space<vmem>> -> memref<1x128xi32, #tpu.memory_space<vmem>>
    %dma_wait3A_1640 = tpu.memref_squeeze %dma_wait3A_1639 : memref<1x128xi32, #tpu.memory_space<vmem>> -> memref<128xi32, #tpu.memory_space<vmem>>
    %dma_wait3A_1641 = arith.constant 0 : i32
    %dma_wait3A_1642 = tpu.memref_slice %arg5[%dma_wait3A_1641] : memref<50051001xf32, #tpu.memory_space<hbm>> -> memref<50051001xf32, #tpu.memory_space<hbm>>
    tpu.wait_indirect_dma semaphore(%arg9 : memref<!tpu.dma_semaphore, #tpu.memory_space<semaphore_mem>>) src(%dma_wait3A_1637 : memref<128xf32, #tpu.memory_space<vmem>>) dst(%dma_wait3A_1642 : memref<50051001xf32, #tpu.memory_space<hbm>>)
    return
  }
}

module attributes {stable_mosaic.version = 14 : i64} {
  func.func @_tc_body(%arg0: i32, %arg1: memref<256x1010xf32, #tpu.memory_space<vmem>>, %arg2: memref<4096x1xi32, #tpu.memory_space<vmem>>, %arg3: memref<4096x10xi32, #tpu.memory_space<vmem>>, %arg4: memref<4096x10xf32, #tpu.memory_space<vmem>>, %arg5: memref<4096x10xf32, #tpu.memory_space<vmem>>, %arg6: memref<4096x10xi32, #tpu.memory_space<vmem>>, %arg7: memref<4096x1xf32, #tpu.memory_space<vmem>>, %arg8: memref<4096x1xf32, #tpu.memory_space<vmem>>, %arg9: memref<4096x1xf32, #tpu.memory_space<vmem>>, %arg10: memref<4096x10xf32, #tpu.memory_space<vmem>>, %arg11: memref<1x1xf32, #tpu.memory_space<smem>>) attributes {dimension_semantics = [#tpu.dimension_semantics<arbitrary>], iteration_bounds = array<i64: 17>, scalar_prefetch = 0 : i64, scratch_operands = 5 : i64, tpu.core_type = #tpu.core_type<tc>, window_params = [{transform_indices = @transform_0, window_bounds = array<i64: 256, 1010>}, {pipeline_mode = #tpu.pipeline_mode<synchronous>, transform_indices = @transform_1, window_bounds = array<i64: 4096, 1>}, {pipeline_mode = #tpu.pipeline_mode<synchronous>, transform_indices = @transform_2, window_bounds = array<i64: 4096, 10>}, {pipeline_mode = #tpu.pipeline_mode<synchronous>, transform_indices = @transform_3, window_bounds = array<i64: 4096, 10>}, {pipeline_mode = #tpu.pipeline_mode<synchronous>, transform_indices = @transform_4, window_bounds = array<i64: 4096, 10>}, {pipeline_mode = #tpu.pipeline_mode<synchronous>, transform_indices = @transform_5, window_bounds = array<i64: 4096, 10>}]} {
    %lt3A = arith.constant 16 : i32
    %lt3A_0 = arith.cmpi slt, %arg0, %lt3A : i32
    %convert_element_type3A = arith.extui %lt3A_0 : i1 to i32
    %cond3A = arith.constant 0 : i32
    %cond3A_1 = arith.cmpi ne, %convert_element_type3A, %cond3A : i32
    scf.if %cond3A_1 {
      %get3A = arith.constant 0 : index
      %get3A_6 = arith.constant 0 : index
      %get3A_7 = vector.load %arg1[%get3A, %get3A_6] : memref<256x1010xf32, #tpu.memory_space<vmem>>, vector<256x1010xf32>
      %iota3A = tpu.iota {dimensions = array<i32: 1>} : vector<256x1010xi32>
      %ge3A = arith.constant 10 : i32
      %ge3A_8 = vector.broadcast %ge3A : i32 to vector<256x1010xi32>
      %ge3A_9 = arith.cmpi sge, %iota3A, %ge3A_8 : vector<256x1010xi32>
      %jit3A = arith.constant 0xFF800000 : f32
      %broadcast_in_dim3A = vector.broadcast %jit3A : f32 to vector<256x1010xf32>
      %select_n3A = arith.select %ge3A_9, %get3A_7, %broadcast_in_dim3A : vector<256x1010xi1>, vector<256x1010xf32>
      %reduce_max3A = arith.constant dense<0xFF800000> : vector<256xf32>
      %reduce_max3A_10 = vector.multi_reduction <maximumf>, %select_n3A, %reduce_max3A [1] : vector<256x1010xf32> to vector<256xf32>
      %broadcast_in_dim3A_11 = vector.shape_cast %reduce_max3A_10 : vector<256xf32> to vector<256x1xf32>
      %sub3A = vector.broadcast %broadcast_in_dim3A_11 : vector<256x1xf32> to vector<256x1010xf32>
      %sub3A_12 = arith.subf %get3A_7, %sub3A : vector<256x1010xf32>
      %exp3A = math.exp %sub3A_12 : vector<256x1010xf32>
      %jit3A_13 = arith.constant 0.000000e+00 : f32
      %broadcast_in_dim3A_14 = vector.broadcast %jit3A_13 : f32 to vector<256x1010xf32>
      %select_n3A_15 = arith.select %ge3A_9, %exp3A, %broadcast_in_dim3A_14 : vector<256x1010xi1>, vector<256x1010xf32>
      %reduce_sum3A = arith.constant dense<0.000000e+00> : vector<256xf32>
      %reduce_sum3A_16 = vector.multi_reduction <add>, %select_n3A_15, %reduce_sum3A [1] : vector<256x1010xf32> to vector<256xf32>
      %broadcast_in_dim3A_17 = vector.shape_cast %reduce_sum3A_16 : vector<256xf32> to vector<256x1xf32>
      %mul3A = arith.mulf %get3A_7, %select_n3A_15 : vector<256x1010xf32>
      %reduce_sum3A_18 = arith.constant dense<0.000000e+00> : vector<256xf32>
      %reduce_sum3A_19 = vector.multi_reduction <add>, %mul3A, %reduce_sum3A_18 [1] : vector<256x1010xf32> to vector<256xf32>
      %broadcast_in_dim3A_20 = vector.shape_cast %reduce_sum3A_19 : vector<256xf32> to vector<256x1xf32>
      %jit3A_21 = arith.constant 0x7F800000 : f32
      %broadcast_in_dim3A_22 = vector.broadcast %jit3A_21 : f32 to vector<256x1010xf32>
      %select_n3A_23 = arith.select %ge3A_9, %broadcast_in_dim3A_22, %get3A_7 : vector<256x1010xi1>, vector<256x1010xf32>
      %reduce_min3A = arith.constant dense<0x7F800000> : vector<256xf32>
      %reduce_min3A_24 = vector.multi_reduction <minimumf>, %select_n3A_23, %reduce_min3A [1] : vector<256x1010xf32> to vector<256xf32>
      %broadcast_in_dim3A_25 = vector.shape_cast %reduce_min3A_24 : vector<256xf32> to vector<256x1xf32>
      %mul3A_26 = arith.constant 256 : i32
      %mul3A_27 = arith.muli %arg0, %mul3A_26 : i32
      %swap3A = arith.index_cast %mul3A_27 : i32 to index
      %swap3A_28 = arith.constant 0 : index
      %swap3A_29 = vector.load %arg7[%swap3A, %swap3A_28] : memref<4096x1xf32, #tpu.memory_space<vmem>>, vector<256x1xf32>
      tpu.vector_store %arg7[%swap3A, %swap3A_28], %broadcast_in_dim3A_11 {strides = array<i32>} : memref<4096x1xf32, #tpu.memory_space<vmem>>, vector<256x1xf32>,
      %swap3A_30 = arith.index_cast %mul3A_27 : i32 to index
      %swap3A_31 = arith.constant 0 : index
      %swap3A_32 = vector.load %arg8[%swap3A_30, %swap3A_31] : memref<4096x1xf32, #tpu.memory_space<vmem>>, vector<256x1xf32>
      tpu.vector_store %arg8[%swap3A_30, %swap3A_31], %broadcast_in_dim3A_17 {strides = array<i32>} : memref<4096x1xf32, #tpu.memory_space<vmem>>, vector<256x1xf32>,
      %swap3A_33 = arith.index_cast %mul3A_27 : i32 to index
      %swap3A_34 = arith.constant 0 : index
      %swap3A_35 = vector.load %arg9[%swap3A_33, %swap3A_34] : memref<4096x1xf32, #tpu.memory_space<vmem>>, vector<256x1xf32>
      tpu.vector_store %arg9[%swap3A_33, %swap3A_34], %broadcast_in_dim3A_20 {strides = array<i32>} : memref<4096x1xf32, #tpu.memory_space<vmem>>, vector<256x1xf32>,
      %slice3A = vector.extract_strided_slice %get3A_7 {offsets = [0, 0], sizes = [256, 10], strides = [1, 1]} : vector<256x1010xf32> to vector<256x10xf32>
      %swap3A_36 = arith.index_cast %mul3A_27 : i32 to index
      %swap3A_37 = arith.constant 0 : index
      %swap3A_38 = vector.load %arg10[%swap3A_36, %swap3A_37] : memref<4096x10xf32, #tpu.memory_space<vmem>>, vector<256x10xf32>
      tpu.vector_store %arg10[%swap3A_36, %swap3A_37], %slice3A {strides = array<i32>} : memref<4096x10xf32, #tpu.memory_space<vmem>>, vector<256x10xf32>,
      %sub3A_39 = arith.subf %broadcast_in_dim3A_11, %broadcast_in_dim3A_25 : vector<256x1xf32>
      %reduce_max3A_40 = vector.shape_cast %sub3A_39 : vector<256x1xf32> to vector<1x256x1xf32>
      %reduce_max3A_41 = arith.constant dense<0xFF800000> : vector<1xf32>
      %reduce_max3A_42 = vector.multi_reduction <maximumf>, %reduce_max3A_40, %reduce_max3A_41 [1, 2] : vector<1x256x1xf32> to vector<1xf32>
      %reduce_max3A_43 = vector.shape_cast %reduce_max3A_42 : vector<1xf32> to vector<1x1x1xf32>
      %reduce_max3A_44 = vector.extract %reduce_max3A_43[0, 0, 0] : f32 from vector<1x1x1xf32>
      %eq3A_45 = arith.constant 0 : i32
      %eq3A_46 = arith.cmpi eq, %arg0, %eq3A_45 : i32
      %convert_element_type3A_47 = arith.extui %eq3A_46 : i1 to i32
      %cond3A_48 = arith.constant 0 : i32
      %cond3A_49 = arith.cmpi ne, %convert_element_type3A_47, %cond3A_48 : i32
      scf.if %cond3A_49 {
        %swap3A_54 = arith.constant 0 : index
        %swap3A_55 = arith.constant 0 : index
        %swap3A_56 = memref.load %arg11[%swap3A_54, %swap3A_55] : memref<1x1xf32, #tpu.memory_space<smem>>
        memref.store %reduce_max3A_44, %arg11[%swap3A_54, %swap3A_55] : memref<1x1xf32, #tpu.memory_space<smem>>
      } else {
      }
      %gt3A = arith.constant 0 : i32
      %gt3A_50 = arith.cmpi sgt, %arg0, %gt3A : i32
      %convert_element_type3A_51 = arith.extui %gt3A_50 : i1 to i32
      %cond3A_52 = arith.constant 0 : i32
      %cond3A_53 = arith.cmpi ne, %convert_element_type3A_51, %cond3A_52 : i32
      scf.if %cond3A_53 {
        %get3A_54 = arith.constant 0 : index
        %get3A_55 = arith.constant 0 : index
        %get3A_56 = memref.load %arg11[%get3A_54, %get3A_55] : memref<1x1xf32, #tpu.memory_space<smem>>
        %max3A = arith.maximumf %get3A_56, %reduce_max3A_44 : f32
        %swap3A_57 = arith.constant 0 : index
        %swap3A_58 = arith.constant 0 : index
        %swap3A_59 = memref.load %arg11[%swap3A_57, %swap3A_58] : memref<1x1xf32, #tpu.memory_space<smem>>
        memref.store %max3A, %arg11[%swap3A_57, %swap3A_58] : memref<1x1xf32, #tpu.memory_space<smem>>
      } else {
      }
    } else {
    }
    %eq3A = arith.constant 16 : i32
    %eq3A_2 = arith.cmpi eq, %arg0, %eq3A : i32
    %convert_element_type3A_3 = arith.extui %eq3A_2 : i1 to i32
    %cond3A_4 = arith.constant 0 : i32
    %cond3A_5 = arith.cmpi ne, %convert_element_type3A_3, %cond3A_4 : i32
    scf.if %cond3A_5 {
      %get3A = arith.constant 0 : index
      %get3A_6 = arith.constant 0 : index
      %get3A_7 = vector.load %arg7[%get3A, %get3A_6] : memref<4096x1xf32, #tpu.memory_space<vmem>>, vector<4096x1xf32>
      %get3A_8 = arith.constant 0 : index
      %get3A_9 = arith.constant 0 : index
      %get3A_10 = vector.load %arg8[%get3A_8, %get3A_9] : memref<4096x1xf32, #tpu.memory_space<vmem>>, vector<4096x1xf32>
      %get3A_11 = arith.constant 0 : index
      %get3A_12 = arith.constant 0 : index
      %get3A_13 = vector.load %arg9[%get3A_11, %get3A_12] : memref<4096x1xf32, #tpu.memory_space<vmem>>, vector<4096x1xf32>
      %get3A_14 = arith.constant 0 : index
      %get3A_15 = arith.constant 0 : index
      %get3A_16 = vector.load %arg10[%get3A_14, %get3A_15] : memref<4096x10xf32, #tpu.memory_space<vmem>>, vector<4096x10xf32>
      %get3A_17 = arith.constant 0 : index
      %get3A_18 = arith.constant 0 : index
      %get3A_19 = memref.load %arg11[%get3A_17, %get3A_18] : memref<1x1xf32, #tpu.memory_space<smem>>
      %sub3A = vector.broadcast %get3A_7 : vector<4096x1xf32> to vector<4096x10xf32>
      %sub3A_20 = arith.subf %sub3A, %get3A_16 : vector<4096x10xf32>
      %sub3A_21 = vector.broadcast %get3A_19 : f32 to vector<4096x10xf32>
      %sub3A_22 = arith.subf %sub3A_20, %sub3A_21 : vector<4096x10xf32>
      %exp3A = math.exp %sub3A_22 : vector<4096x10xf32>
      %mul3A = arith.constant 8.99999984E-4 : f32
      %mul3A_23 = vector.broadcast %mul3A : f32 to vector<4096x1xf32>
      %mul3A_24 = arith.mulf %mul3A_23, %get3A_10 : vector<4096x1xf32>
      %mul3A_25 = vector.broadcast %mul3A_24 : vector<4096x1xf32> to vector<4096x10xf32>
      %mul3A_26 = arith.mulf %mul3A_25, %exp3A : vector<4096x10xf32>
      %swap3A = arith.constant 0 : index
      %swap3A_27 = arith.constant 0 : index
      %swap3A_28 = vector.load %arg4[%swap3A, %swap3A_27] : memref<4096x10xf32, #tpu.memory_space<vmem>>, vector<4096x10xf32>
      tpu.vector_store %arg4[%swap3A, %swap3A_27], %mul3A_26 {strides = array<i32>} : memref<4096x10xf32, #tpu.memory_space<vmem>>, vector<4096x10xf32>,
      %mul3A_29 = vector.broadcast %get3A_10 : vector<4096x1xf32> to vector<4096x10xf32>
      %mul3A_30 = arith.mulf %get3A_16, %mul3A_29 : vector<4096x10xf32>
      %sub3A_31 = vector.broadcast %get3A_13 : vector<4096x1xf32> to vector<4096x10xf32>
      %sub3A_32 = arith.subf %sub3A_31, %mul3A_30 : vector<4096x10xf32>
      %mul3A_33 = arith.mulf %exp3A, %sub3A_32 : vector<4096x10xf32>
      %swap3A_34 = arith.constant 0 : index
      %swap3A_35 = arith.constant 0 : index
      %swap3A_36 = vector.load %arg5[%swap3A_34, %swap3A_35] : memref<4096x10xf32, #tpu.memory_space<vmem>>, vector<4096x10xf32>
      tpu.vector_store %arg5[%swap3A_34, %swap3A_35], %mul3A_33 {strides = array<i32>} : memref<4096x10xf32, #tpu.memory_space<vmem>>, vector<4096x10xf32>,
      %get3A_37 = arith.constant 0 : index
      %get3A_38 = arith.constant 0 : index
      %get3A_39 = vector.load %arg2[%get3A_37, %get3A_38] : memref<4096x1xi32, #tpu.memory_space<vmem>>, vector<4096x1xi32>
      %mul3A_40 = arith.constant 1001 : i32
      %mul3A_41 = vector.broadcast %mul3A_40 : i32 to vector<4096x1xi32>
      %mul3A_42 = arith.muli %get3A_39, %mul3A_41 : vector<4096x1xi32>
      %get3A_43 = arith.constant 0 : index
      %get3A_44 = arith.constant 0 : index
      %get3A_45 = vector.load %arg3[%get3A_43, %get3A_44] : memref<4096x10xi32, #tpu.memory_space<vmem>>, vector<4096x10xi32>
      %add3A = vector.broadcast %mul3A_42 : vector<4096x1xi32> to vector<4096x10xi32>
      %add3A_46 = arith.addi %add3A, %get3A_45 : vector<4096x10xi32>
      %swap3A_47 = arith.constant 0 : index
      %swap3A_48 = arith.constant 0 : index
      %swap3A_49 = vector.load %arg6[%swap3A_47, %swap3A_48] : memref<4096x10xi32, #tpu.memory_space<vmem>>, vector<4096x10xi32>
      tpu.vector_store %arg6[%swap3A_47, %swap3A_48], %add3A_46 {strides = array<i32>} : memref<4096x10xi32, #tpu.memory_space<vmem>>, vector<4096x10xi32>,
    } else {
    }
    return
  }
  func.func @transform_0(%arg0: i32) -> (i32, i32) {
    %min3A = arith.constant 15 : i32
    %min3A_0 = arith.minsi %arg0, %min3A : i32
    %c0_i32 = arith.constant 0 : i32
    %c0_i32_1 = arith.constant 0 : i32
    return %min3A_0, %c0_i32 : i32, i32
  }
  func.func @transform_1(%arg0: i32) -> (i32, i32) {
    %c0_i32 = arith.constant 0 : i32
    %c0_i32_0 = arith.constant 0 : i32
    %c0_i32_1 = arith.constant 0 : i32
    return %c0_i32, %c0_i32_0 : i32, i32
  }
  func.func @transform_2(%arg0: i32) -> (i32, i32) {
    %c0_i32 = arith.constant 0 : i32
    %c0_i32_0 = arith.constant 0 : i32
    %c0_i32_1 = arith.constant 0 : i32
    return %c0_i32, %c0_i32_0 : i32, i32
  }
  func.func @transform_3(%arg0: i32) -> (i32, i32) {
    %c0_i32 = arith.constant 0 : i32
    %c0_i32_0 = arith.constant 0 : i32
    %c0_i32_1 = arith.constant 0 : i32
    return %c0_i32, %c0_i32_0 : i32, i32
  }
  func.func @transform_4(%arg0: i32) -> (i32, i32) {
    %c0_i32 = arith.constant 0 : i32
    %c0_i32_0 = arith.constant 0 : i32
    %c0_i32_1 = arith.constant 0 : i32
    return %c0_i32, %c0_i32_0 : i32, i32
  }
  func.func @transform_5(%arg0: i32) -> (i32, i32) {
    %c0_i32 = arith.constant 0 : i32
    %c0_i32_0 = arith.constant 0 : i32
    %c0_i32_1 = arith.constant 0 : i32
    return %c0_i32, %c0_i32_0 : i32, i32
  }
}

</mosaic_0001>

<sc_bundles>
// kernel: kernel.5.cloned.1.call-start
scs
__scs_entry_jumppad:
0x0: {  	(pc) =	sbr.rel $0x88, $3  }
0x1: {  	(tag) =	ssettag $0x0;
	lr =	simm.s32 $0x1  }
0x2: {  	[smem:$0x3F9D] =	sst lr;
	_ =	strace $0xD0000000  }
0x3: {  	_ = 	snop  }
0x4: {  	_ = 	snop  }
0x5: {  	_ = 	snop  }
0x6: {  	_ = 	snop  }
0x7: {  	_ = 	snop  }
__scs_overlays_trampoline_lowered:
0x8: {  	[smem:$0x3FAC] =	sst s0  }
0x9: {  	[smem:$0x3FAD] =	sst s1  }
0xa: {  	[smem:$0x3FAE] =	sst s2  }
0xb: {  	[smem:$0x3FAF] =	sst s3  }
0xc: {  	[smem:$0x3FB0] =	sst s4  }
0xd: {  	[smem:$0x3FB1] =	sst s5  }
0xe: {  	[smem:$0x3FB2] =	sst s6  }
0xf: {  	[smem:$0x3FB3] =	sst s7  }
0x10: {  	[smem:$0x3FB4] =	sst s8  }
0x11: {  	[smem:$0x3FB5] =	sst s9;
	s0 =	simm.s32 @!p0 $0x0  }
0x12: {  	s1 =	sld [smem:$0x3F9B];
	s0 =	simm.s32 @p0 $0x1  }
0x13: {  	[smem:$0x3FB6] =	sst s0;
	s0 =	simm.s32 @!p1 $0x0  }
0x14: {  	s2 =	sld [smem:$0x3F9A];
	s0 =	simm.s32 @p1 $0x1  }
0x15: {  	[smem:$0x3FB7] =	sst s0;
	s0 =	simm.s32 @!p2 $0x0  }
0x16: {  	s3 =	sld [smem:$0x3FDB];
	s0 =	simm.s32 @p2 $0x1  }
0x17: {  	s4 =	simm.s32 $0x1BF5;
	[smem:$0x3FB9] =	sst s0  }
0x18: {  	s0 =	sld [smem:$0x3F9C];
	_ =	swait.ge [sflag:s4], $0x0  }
0x19: {  	s7 =	sld [smem:$0x3F9D]  }
0x1a: {  	s8 =	sadd.s32 $0xFFFFE003, lr  }
0x1b: {  	s9 =	sadd.s32 $0xFFFFFEF7, lr;
	s5 =	simm.s32 $0xFFFFFFFF;
	p2 =	slt.u32 s8, $0xFFFFF086  }
0x1c: {  	p1 =	slt.u32 s9, $0xF7A;
	s5 =	simm.s32 @!p2 $0x0  }
0x1d: {  	s5 =	simm.s32 @p1 $0x1;
	p0 =	seq.s32 s7, s2  }
0x1e: {  	s7 =	smul.u32 @!p0 $0xF7A, s2;
	p2 =	seq.s32 @!p0 s5, $0x0  }
0x1f: {  	s9 =	smul.u32 $0xF7A, s1;
	s8 =	simm.s32 @!p0 $0x1BF5;
	p2 =	por !p2, p0  }
0x20: {  	[sflag:s8] =	ssyncset.s32 @!p0 $0xFFFFF086;
	s6 =	sadd.s32 @!p0 s3, s7;
	s7 =	simm.s32 @!p0 $0x108  }
0x21: {  	s3 =	sadd.s32 s3, s9;
	s6 =	sadd.s32 @!p0 $0x88, s6;
	s7 =	simm.s32 @p2 $0x1082  }
0x22: {  	[simem:s7], [sflag:s8] =	dma.local @!p0 [hbm:s6], $0xF7A  }
0x23: {  	s9 =	sor.u32 $0xD0000000, s2;
	s6 =	simm.s32 $0x108;
	_ =	swait.ge @!p0 [sflag:s8], $0x0  }
0x24: {  	s3 =	sadd.s32 $0x88, s3;
	s6 =	simm.s32 @!p1 $0x1082;
	[sflag:s4] =	ssyncset.s32 $0xFFFFF086  }
0x25: {  	[simem:s6], [sflag:s4] =	dma.local [hbm:s3], $0xF7A  }
0x26: {  	[smem:$0x3F9D] =	sst s1;
	(tag) =	ssettag s2;
	_ =	strace s9  }
0x27: {  	s1 =	sld [smem:$0x3FAD]  }
0x28: {  	s2 =	sld [smem:$0x3FAE]  }
0x29: {  	s4 =	sld [smem:$0x3FB0]  }
0x2a: {  	p0 =	seq.s32 s5, $0x0;
	s5 =	sld [smem:$0x3FB1]  }
0x2b: {  	s6 =	sld [smem:$0x3FB2]  }
0x2c: {  	s7 =	sld [smem:$0x3FB3]  }
0x2d: {  	s3 =	simm.s32 $0x108;
	s8 =	sld [smem:$0x3FB4]  }
0x2e: {  	s3 =	simm.s32 @!p0 $0x1082;
	s9 =	sld [smem:$0x3FB5]  }
0x2f: {  	lr =	sadd.s32 s0, s3;
	s0 =	sld [smem:$0x3FAC]  }
0x30: {  	s3 =	sld [smem:$0x3FAF]  }
0x31: {  	[smem:$0x3FB8] =	sst s10  }
0x32: {  	s10 =	sld [smem:$0x3FB6];
	_ =	sdelay $0x3  }
0x33: {  	p0 =	seq.s32 s10, $0x1;
	s10 =	sld [smem:$0x3FB8];
	_ =	sdelay $0x3  }
0x34: {  	[smem:$0x3FB8] =	sst s10  }
0x35: {  	s10 =	sld [smem:$0x3FB7];
	_ =	sdelay $0x3  }
0x36: {  	p1 =	seq.s32 s10, $0x1;
	s10 =	sld [smem:$0x3FB8];
	_ =	sdelay $0x3  }
0x37: {  	[smem:$0x3FB8] =	sst s10  }
0x38: {  	s10 =	sld [smem:$0x3FB9]  }
0x39: {  	_ = 	snop;
	(pc) =	sbr.ind lr, $3  }
0x3a: {  	_ = 	snop  }
0x3b: {  	_ = 	snop  }
0x3c: {  	p2 =	seq.s32 s10, $0x1;
	s10 =	sld [smem:$0x3FB8]  }
0x3d: {  	_ =	shalt  }
0x3e: {  	_ =	shalt  }
0x3f: {  	_ =	shalt  }
0x40: {  	_ =	shalt  }
0x41: {  	_ =	shalt  }
0x42: {  	_ =	shalt  }
0x43: {  	_ =	shalt  }
0x44: {  	_ =	shalt  }
0x45: {  	_ =	shalt  }
0x46: {  	_ =	shalt  }
0x47: {  	_ =	shalt  }
0x48: {  	_ =	shalt  }
0x49: {  	_ =	shalt  }
0x4a: {  	_ =	shalt  }
0x4b: {  	_ =	shalt  }
0x4c: {  	_ =	shalt  }
0x4d: {  	_ =	shalt  }
0x4e: {  	_ =	shalt  }
0x4f: {  	_ =	shalt  }
0x50: {  	_ =	shalt  }
0x51: {  	_ =	shalt  }
0x52: {  	_ =	shalt  }
0x53: {  	_ =	shalt  }
0x54: {  	_ =	shalt  }
0x55: {  	_ =	shalt  }
0x56: {  	_ =	shalt  }
0x57: {  	_ =	shalt  }
0x58: {  	_ =	shalt  }
0x59: {  	_ =	shalt  }
0x5a: {  	_ =	shalt  }
0x5b: {  	_ =	shalt  }
0x5c: {  	_ =	shalt  }
0x5d: {  	_ =	shalt  }
0x5e: {  	_ =	shalt  }
0x5f: {  	_ =	shalt  }
0x60: {  	_ =	shalt  }
0x61: {  	_ =	shalt  }
0x62: {  	_ =	shalt  }
0x63: {  	_ =	shalt  }
0x64: {  	_ =	shalt  }
0x65: {  	_ =	shalt  }
0x66: {  	_ =	shalt  }
0x67: {  	_ =	shalt  }
0x68: {  	_ =	shalt  }
0x69: {  	_ =	shalt  }
0x6a: {  	_ =	shalt  }
0x6b: {  	_ =	shalt  }
0x6c: {  	_ =	shalt  }
0x6d: {  	_ =	shalt  }
0x6e: {  	_ =	shalt  }
0x6f: {  	_ =	shalt  }
0x70: {  	_ =	shalt  }
0x71: {  	_ =	shalt  }
0x72: {  	_ =	shalt  }
0x73: {  	_ =	shalt  }
0x74: {  	_ =	shalt  }
0x75: {  	_ =	shalt  }
0x76: {  	_ =	shalt  }
0x77: {  	_ =	shalt  }
0x78: {  	_ =	shalt  }
0x79: {  	_ =	shalt  }
0x7a: {  	_ =	shalt  }
0x7b: {  	_ =	shalt  }
0x7c: {  	_ =	shalt  }
0x7d: {  	_ =	shalt  }
0x7e: {  	_ =	shalt  }
0x7f: {  	_ =	shalt  }
0x80: {  	_ =	shalt  }
0x81: {  	_ =	shalt  }
0x82: {  	_ =	shalt  }
0x83: {  	_ =	shalt  }
0x84: {  	_ =	shalt  }
0x85: {  	_ =	shalt  }
0x86: {  	_ =	shalt  }
0x87: {  	_ =	shalt  }
.Lfunc_end0:
.L_simem_size_0:
called_computation_lowered:
.L_overlay_start_0:
0x88: {  	s2 =	sld [smem:$0x3FD9]  }
0x89: {  	s3 =	sld [smem:$0x3FFE];
	_ =	sdelay $0x1  }
0x8a: {  	s1 =	srdreg.scid  }
0x8b: {  	s0 =	sand.u32 $0x1, s1  }
0x8c: {  	s16 =	sshll.u32 s0, $0xA;
	s2 =	sadd.s32 s3, s2  }
0x8d: {  	s2 =	sadd.s32 s2, s16  }
0x8e: {  	[smem:$0x3FC4] =	sst s2  }
0x8f: {  	_ = 	snop  }
0x90: {  	(tm) =	ssettm $0x1  }
0x91: {  	s17 =	sld [smem:$0x3FFB];
	_ =	sdelay $0x3  }
0x92: {  	_ =	strace s17  }
0x93: {  	s2 =	sld [smem:$0x3FFC];
	_ =	sdelay $0x3  }
0x94: {  	_ =	strace s2  }
0x95: {  	s2 =	sld [smem:$0x3FFD];
	_ =	sdelay $0x3  }
0x96: {  	_ =	strace s2  }
0x97: {  	_ =	strace $0x8FFFFFFF  }
0x98: {  	s18 =	sld [smem:$0x3FDB];
	_ =	sdelay $0x1  }
0x99: {  	s19 =	simm.s32 $_scs_section_size  }
0x9a: {  	s4 =	simm.s32 $_size__tile_overlayer_lowered;
	s5 =	simm.s32 $_tile_overlayer_lowered  }
0x9b: {  	s22 =	simm.s32 $0x1BFF;
	s21 =	sshll.u32 s5, $0x1;
	s2 =	sadd.s32 s19, s18  }
0x9c: {  	s6 =	simm.s32 $0x0;
	s20 =	sshll.u32 s4, $0x1;
	s4 =	sadd.s32 s21, s2  }
0x9d: {  	[timem:s6], [sflag:s22] =	dma.local [hbm:s4], s20  }
0x9e: {  	_ =	swait.ge [sflag:s22], s20  }
0x9f: {  	s3 =	ssub.s32 $0x0, s20;
	[sflag:s22] =	ssyncset.done $0x0  }
0xa0: {  	[sflag:s22] =	ssyncadd.s32 s3;
	_ =	sdelay $0x1  }
0xa1: {  	s23 =	simm.s32 $0x1B8B  }
0xa2: {  	_ =	swait.ge [sflag:s23], $0x1  }
0xa3: {  	[sflag:s23] =	ssyncset.done $0x0  }
0xa4: {  	s25 =	simm.s32 $0x1B8E;
	s24 =	sld [smem:$0x3FFE];
	[sflag:s23] =	ssyncadd.s32 $0xFFFFFFFF  }
0xa5: {  	s26 =	simm.s32 $execute0_lowered;
	[smem:$0x3FD2] =	sst s25  }
0xa6: {  	s4 =	sshll.u32 s26, $0x1;
	_ =	strace $0x80000046;
	[dreg:$0x1] =	wrdreg $0xFFFFFFFF  }
0xa7: {  	s28 =	simm.s32 $_size_execute0_lowered;
	s2 =	sadd.s32 s2, s4;
	[dreg:$0x0] =	wrdreg $0x0  }
0xa8: {  	s4 =	sshll.u32 s28, $0x1;
	[dreg:$0x2] =	wrdreg s2  }
0xa9: {  	[dreg:$0x3] =	wrdreg s4  }
0xaa: {  	[dreg:$0x4] =	wrdreg $0xC0  }
0xab: {  	_ =	task [dreg:s6], $0x5FFFF  }
0xac: {  	[dreg:$0x1] =	wrdreg $0xFFFFFFFF  }
0xad: {  	[dreg:$0x0] =	wrdreg $0x60  }
0xae: {  	[dreg:$0x2] =	wrdreg s24  }
0xaf: {  	[dreg:$0x3] =	wrdreg $0x9  }
0xb0: {  	_ =	task.clear_ibuf [dreg:s6], $0x4FFFF;
	_ =	strace $0x90000046  }
0xb1: {  	s29 =	simm.s32 $0x9;
	_ =	strace $0x80000048  }
0xb2: {  	_ =	swait.ge [sflag:s29], $0x1  }
0xb3: {  	[sflag:s29] =	ssyncadd.s32 $0xFFFFFFFF  }
0xb4: {  	_ =	strace $0x90000048  }
0xb5: {  	_ =	sfence  }
0xb6: {  	s30 =	sld [smem:$0x0];
	_ =	sdelay $0x2  }
0xb7: {  	s31 =	sshll.u32 s1, $0xD;
	s1 =	sshrl.u32 s1, $0x2  }
0xb8: {  	s3 =	sand.u32 $0x4000, s31;
	s1 =	sadd.s32 s1, s30  }
0xb9: {  	s0 =	sor.u32 s3, s0;
	s1 =	sshll.u32 s1, $0x11  }
0xba: {  	s0 =	sor.u32 s1, s0  }
0xbb: {  	s0 =	sadd.s32 $0x8F2B, s0  }
0xbc: {  	[sflag:s0] =	ssyncadd.remote.s32 $0x1  }
0xbd: {  	_ =	sfence.sel $0xFFFF  }
0xbe: {  	[dreg:$0x0] =	wrdreg $0xFFFFFFFF;
	(pc) =	sbr.abs _section_cstart, $3  }
0xbf: {  	[dreg:$0x1] =	wrdreg $0xFFFFFFFF  }
0xc0: {  	_ =	task.clear_ibuf [dreg:s6], $0x2FFFF;
	_ =	strace $0x9FFFFFFF  }
0xc1: {  	(tm) =	ssettm $0x7FFFFFFF  }
tec
execute0_lowered:
.L_overlay_start_1:
0x0: {  	(tag) =	ssettag $0x1  }
0x1: {  	s1 =	srdreg.scid  }
0x2: {  	s0 =	stileid.u32;
	s4 =	rddreg [dreg:$0x0];
	s8 =	simm.s32 $0x180  }
0x3: {  	s9 =	simm.s32 $0x200;
	s10 =	simm.s32 $0x280;
	s11 =	simm.s32 $0x300  }
0x4: {  	s23 =	simm.s32 $0xD00;
	s1 =	sand.u32 $0x1, s1;
	s2 =	sshll.u32 s0, $0x1  }
0x5: {  	s12 =	simm.s32 $0x380;
	s24 =	simm.s32 $0xD80;
	s2 =	sor.u32 s1, s2  }
0x6: {  	s13 =	simm.s32 $0x400;
	s3 =	smul.u32 $0x500, s2;
	s2 =	simm.s32 $0x0  }
0x7: {  	s25 =	simm.s32 $0xE00;
	s14 =	simm.s32 $0x480;
	[smem:$0x7FF] =	sst s2  }
0x8: {  	s26 =	simm.s32 $0xE80;
	_ =	strace $0x80000047;
	[dreg:$0xd] =	wrdreg s23  }
0x9: {  	s28 =	simm.s32 $0xA80;
	s3 =	sshrl.u32 s3, $0x3;
	[dreg:$0xe] =	wrdreg s24  }
0xa: {  	s29 =	simm.s32 $0xB00;
	[dreg:$0xf] =	wrdreg s25;
	s5 =	sadd.s32 s3, s4  }
0xb: {  	s30 =	simm.s32 $0xB80;
	[dreg:$0x10] =	wrdreg s26;
	s3 =	sadd.s32 $0x10A00, s5  }
0xc: {  	s31 =	simm.s32 $0xC00;
	s15 =	sadd.s32 $0x10A10, s5;
	[dreg:$0x2] =	wrdreg s3  }
0xd: {  	s1 =	ssub.s32 $0x2, s1;
	s16 =	sadd.s32 $0x10A20, s5;
	[dreg:$0x3] =	wrdreg s15  }
0xe: {  	s7 =	sshrl.u32 s1, $0x1;
	s17 =	sadd.s32 $0x10A30, s5;
	[dreg:$0x4] =	wrdreg s16  }
0xf: {  	s1 =	ssub.s32 s1, s7;
	s18 =	sadd.s32 $0x10A40, s5;
	[dreg:$0x5] =	wrdreg s17  }
0x10: {  	s7 =	simm.s32 $0x100;
	s6 =	sadd.s32 $0x10A50, s5;
	[dreg:$0x6] =	wrdreg s18  }
0x11: {  	s23 =	simm.s32 $0x880;
	s19 =	sadd.s32 $0x10A60, s5;
	[dreg:$0x7] =	wrdreg s6  }
0x12: {  	s24 =	simm.s32 $0x900;
	s20 =	sadd.s32 $0x10A70, s5;
	[dreg:$0x8] =	wrdreg s19  }
0x13: {  	s25 =	simm.s32 $0x980;
	s21 =	sadd.s32 $0x10A80, s5;
	[dreg:$0x9] =	wrdreg s20  }
0x14: {  	s26 =	simm.s32 $0xA00;
	s22 =	sadd.s32 $0x10A90, s5;
	[dreg:$0xa] =	wrdreg s21  }
0x15: {  	s5 =	sadd.s32 $0x11E00, s5;
	s3 =	sadd.s32 $0x62DE00, s4;
	[dreg:$0xb] =	wrdreg s22  }
0x16: {  	s4 =	sadd.s32 $0x13200, s4;
	[dreg:$0xc] =	wrdreg s5;
	s5 =	smax.u32 s1, $0x1  }
0x17: {  	s6 =	simm.s32 $0x80;
	s15 =	simm.s32 $0x800;
	s16 =	simm.s32 $0x1  }
0x18: {  	s18 =	simm.s32 $0xF80;
	s19 =	simm.s32 $0x1000;
	s20 =	simm.s32 $0x1080  }
0x19: {  	s21 =	simm.s32 $0x1100;
	s22 =	simm.s32 $0x1180;
	s1 =	simm.s32 $0xC80  }
.LBB2_1:
0x1a: {  	s0 =	rddreg [dreg:$0x2]  }
0x1b: {  	[tilespmem:s2], [sflag:$0x1] =	stream.linear.gather [hbm4b:s0+s2], $0x80, $0x38;
	[tilespmem:$0x1200] =	vst v63  }
0x1c: {  	s17 =	rddreg [dreg:$0x3]  }
0x1d: {  	[tilespmem:s6], [sflag:$0x1] =	stream.linear.gather [hbm4b:s17+s2], $0x80, $0x38;
	[tilespmem:$0x1200] =	vst v63  }
0x1e: {  	s0 =	rddreg [dreg:$0x4]  }
0x1f: {  	[tilespmem:s7], [sflag:$0x1] =	stream.linear.gather [hbm4b:s0+s2], $0x80, $0x38;
	[tilespmem:$0x1200] =	vst v63  }
0x20: {  	s17 =	rddreg [dreg:$0x5]  }
0x21: {  	[tilespmem:s8], [sflag:$0x1] =	stream.linear.gather [hbm4b:s17+s2], $0x80, $0x38;
	[tilespmem:$0x1200] =	vst v63  }
0x22: {  	s0 =	rddreg [dreg:$0x6]  }
0x23: {  	[tilespmem:s9], [sflag:$0x1] =	stream.linear.gather [hbm4b:s0+s2], $0x80, $0x38;
	[tilespmem:$0x1200] =	vst v63  }
0x24: {  	s17 =	rddreg [dreg:$0x7]  }
0x25: {  	[tilespmem:s10], [sflag:$0x1] =	stream.linear.gather [hbm4b:s17+s2], $0x80, $0x38;
	[tilespmem:$0x1200] =	vst v63  }
0x26: {  	s0 =	rddreg [dreg:$0x8]  }
0x27: {  	[tilespmem:s11], [sflag:$0x1] =	stream.linear.gather [hbm4b:s0+s2], $0x80, $0x38;
	[tilespmem:$0x1200] =	vst v63  }
0x28: {  	s17 =	rddreg [dreg:$0x9]  }
0x29: {  	[tilespmem:s12], [sflag:$0x1] =	stream.linear.gather [hbm4b:s17+s2], $0x80, $0x38;
	[tilespmem:$0x1200] =	vst v63  }
0x2a: {  	s0 =	rddreg [dreg:$0xa]  }
0x2b: {  	[tilespmem:s13], [sflag:$0x1] =	stream.linear.gather [hbm4b:s0+s2], $0x80, $0x38;
	[tilespmem:$0x1200] =	vst v63  }
0x2c: {  	s17 =	rddreg [dreg:$0xb]  }
0x2d: {  	[tilespmem:s14], [sflag:$0x1] =	stream.linear.gather [hbm4b:s17+s2], $0x80, $0x38;
	[tilespmem:$0x1200] =	vst v63  }
0x2e: {  	s0 =	rddreg [dreg:$0xc]  }
0x2f: {  	[tilespmem:s15], [sflag:$0x1] =	stream.linear.gather [hbm4b:s0+s2], $0x500, $0x38;
	[tilespmem:$0x1200] =	vst v63  }
0x30: {  	_ =	swait.ge [sflag:s16], $0x80  }
0x31: {  	[sflag:s16] =	ssyncset.done $0x0  }
0x32: {  	[sflag:s16] =	ssyncadd.s32 $0xFFFFFF80  }
0x33: {  	_ =	swait.ge [sflag:s16], $0x80  }
0x34: {  	[sflag:s16] =	ssyncset.done $0x0  }
0x35: {  	[sflag:s16] =	ssyncadd.s32 $0xFFFFFF80  }
0x36: {  	_ =	swait.ge [sflag:s16], $0x80  }
0x37: {  	[sflag:s16] =	ssyncset.done $0x0  }
0x38: {  	[sflag:s16] =	ssyncadd.s32 $0xFFFFFF80  }
0x39: {  	_ =	swait.ge [sflag:s16], $0x80  }
0x3a: {  	[sflag:s16] =	ssyncset.done $0x0  }
0x3b: {  	[sflag:s16] =	ssyncadd.s32 $0xFFFFFF80  }
0x3c: {  	_ =	swait.ge [sflag:s16], $0x80  }
0x3d: {  	[sflag:s16] =	ssyncset.done $0x0  }
0x3e: {  	[sflag:s16] =	ssyncadd.s32 $0xFFFFFF80  }
0x3f: {  	_ =	swait.ge [sflag:s16], $0x80  }
0x40: {  	[sflag:s16] =	ssyncset.done $0x0  }
0x41: {  	[sflag:s16] =	ssyncadd.s32 $0xFFFFFF80  }
0x42: {  	_ =	swait.ge [sflag:s16], $0x80  }
0x43: {  	[sflag:s16] =	ssyncset.done $0x0  }
0x44: {  	[sflag:s16] =	ssyncadd.s32 $0xFFFFFF80  }
0x45: {  	_ =	swait.ge [sflag:s16], $0x80  }
0x46: {  	[sflag:s16] =	ssyncset.done $0x0  }
0x47: {  	[sflag:s16] =	ssyncadd.s32 $0xFFFFFF80  }
0x48: {  	_ =	swait.ge [sflag:s16], $0x80  }
0x49: {  	[sflag:s16] =	ssyncset.done $0x0  }
0x4a: {  	[sflag:s16] =	ssyncadd.s32 $0xFFFFFF80  }
0x4b: {  	_ =	swait.ge [sflag:s16], $0x80  }
0x4c: {  	[sflag:s16] =	ssyncset.done $0x0  }
0x4d: {  	[sflag:s16] =	ssyncadd.s32 $0xFFFFFF80  }
0x4e: {  	_ =	swait.ge [sflag:s16], $0x500  }
0x4f: {  	[sflag:s16] =	ssyncset.done $0x0  }
0x50: {  	s0 =	rddreg [dreg:$0xd];
	[sflag:s16] =	ssyncadd.s32 $0xFFFFFB00  }
0x51: {  	[tilespmem:s0], [sflag:$0x1] =	stream.indirect.gather [hbm4b:s3+s6], $0x1, s2, s6, $0xb8;
	[tilespmem:$0x1200] =	vst v63  }
0x52: {  	s17 =	rddreg [dreg:$0xe]  }
0x53: {  	[tilespmem:s17], [sflag:$0x1] =	stream.indirect.gather [hbm4b:s3+s6], $0x1, s6, s6, $0xb8;
	[tilespmem:$0x1200] =	vst v63  }
0x54: {  	s0 =	rddreg [dreg:$0xf]  }
0x55: {  	[tilespmem:s0], [sflag:$0x1] =	stream.indirect.gather [hbm4b:s3+s6], $0x1, s7, s6, $0xb8;
	[tilespmem:$0x1200] =	vst v63  }
0x56: {  	s17 =	rddreg [dreg:$0x10]  }
0x57: {  	[tilespmem:s17], [sflag:$0x1] =	stream.indirect.gather [hbm4b:s3+s6], $0x1, s8, s6, $0xb8;
	[tilespmem:$0x1200] =	vst v63  }
0x58: {  	s17 =	simm.s32 $0xF00  }
0x59: {  	[tilespmem:s17], [sflag:$0x1] =	stream.indirect.gather [hbm4b:s3+s6], $0x1, s9, s6, $0xb8;
	[tilespmem:$0x1200] =	vst v63  }
0x5a: {  	_ = 	snop  }
0x5b: {  	[tilespmem:s18], [sflag:$0x1] =	stream.indirect.gather [hbm4b:s3+s6], $0x1, s10, s6, $0xb8;
	[tilespmem:$0x1200] =	vst v63  }
0x5c: {  	_ = 	snop  }
0x5d: {  	[tilespmem:s19], [sflag:$0x1] =	stream.indirect.gather [hbm4b:s3+s6], $0x1, s11, s6, $0xb8;
	[tilespmem:$0x1200] =	vst v63  }
0x5e: {  	_ = 	snop  }
0x5f: {  	[tilespmem:s20], [sflag:$0x1] =	stream.indirect.gather [hbm4b:s3+s6], $0x1, s12, s6, $0xb8;
	[tilespmem:$0x1200] =	vst v63  }
0x60: {  	_ = 	snop  }
0x61: {  	[tilespmem:s21], [sflag:$0x1] =	stream.indirect.gather [hbm4b:s3+s6], $0x1, s13, s6, $0xb8;
	[tilespmem:$0x1200] =	vst v63  }
0x62: {  	_ = 	snop  }
0x63: {  	[tilespmem:s22], [sflag:$0x1] =	stream.indirect.gather [hbm4b:s3+s6], $0x1, s14, s6, $0xb8;
	[tilespmem:$0x1200] =	vst v63  }
0x64: {  	_ =	swait.ge [sflag:s16], $0x80  }
0x65: {  	[sflag:s16] =	ssyncset.done $0x0  }
0x66: {  	[sflag:s16] =	ssyncadd.s32 $0xFFFFFF80  }
0x67: {  	_ =	swait.ge [sflag:s16], $0x80  }
0x68: {  	[sflag:s16] =	ssyncset.done $0x0  }
0x69: {  	[sflag:s16] =	ssyncadd.s32 $0xFFFFFF80  }
0x6a: {  	_ =	swait.ge [sflag:s16], $0x80  }
0x6b: {  	[sflag:s16] =	ssyncset.done $0x0  }
0x6c: {  	[sflag:s16] =	ssyncadd.s32 $0xFFFFFF80  }
0x6d: {  	_ =	swait.ge [sflag:s16], $0x80  }
0x6e: {  	[sflag:s16] =	ssyncset.done $0x0  }
0x6f: {  	[sflag:s16] =	ssyncadd.s32 $0xFFFFFF80  }
0x70: {  	_ =	swait.ge [sflag:s16], $0x80  }
0x71: {  	[sflag:s16] =	ssyncset.done $0x0  }
0x72: {  	[sflag:s16] =	ssyncadd.s32 $0xFFFFFF80  }
0x73: {  	_ =	swait.ge [sflag:s16], $0x80  }
0x74: {  	[sflag:s16] =	ssyncset.done $0x0  }
0x75: {  	[sflag:s16] =	ssyncadd.s32 $0xFFFFFF80  }
0x76: {  	_ =	swait.ge [sflag:s16], $0x80  }
0x77: {  	[sflag:s16] =	ssyncset.done $0x0  }
0x78: {  	[sflag:s16] =	ssyncadd.s32 $0xFFFFFF80  }
0x79: {  	_ =	swait.ge [sflag:s16], $0x80  }
0x7a: {  	[sflag:s16] =	ssyncset.done $0x0  }
0x7b: {  	[sflag:s16] =	ssyncadd.s32 $0xFFFFFF80  }
0x7c: {  	_ =	swait.ge [sflag:s16], $0x80  }
0x7d: {  	[sflag:s16] =	ssyncset.done $0x0  }
0x7e: {  	[sflag:s16] =	ssyncadd.s32 $0xFFFFFF80  }
0x7f: {  	_ =	swait.ge [sflag:s16], $0x80  }
0x80: {  	[sflag:s16] =	ssyncset.done $0x0  }
0x81: {  	[sflag:s16] =	ssyncadd.s32 $0xFFFFFF80  }
0x82: {  	v3 =	vld [tilespmem:$0x800]  }
0x83: {  	v1 =	vld [tilespmem:$0xD00]  }
0x84: {  	v6 =	vld [tilespmem:$0x810]  }
0x85: {  	v11 =	vld [tilespmem:$0xD10]  }
0x86: {  	v12 =	vld [tilespmem:$0x820]  }
0x87: {  	v15 =	vld [tilespmem:$0xD20]  }
0x88: {  	v18 =	vld [tilespmem:$0x830]  }
0x89: {  	v21 =	vld [tilespmem:$0xD30]  }
0x8a: {  	v24 =	vld [tilespmem:$0x840]  }
0x8b: {  	v27 =	vld [tilespmem:$0xD40]  }
0x8c: {  	v30 =	vld [tilespmem:$0x850]  }
0x8d: {  	v33 =	vld [tilespmem:$0xD50]  }
0x8e: {  	v36 =	vld [tilespmem:$0x860]  }
0x8f: {  	v39 =	vld [tilespmem:$0xD60]  }
0x90: {  	v42 =	vld [tilespmem:$0x870]  }
0x91: {  	v45 =	vld [tilespmem:$0xD70]  }
0x92: {  	v48 =	vld [tilespmem:$0x880]  }
0x93: {  	v51 =	vld [tilespmem:$0xD80]  }
0x94: {  	v54 =	vld [tilespmem:$0x890]  }
0x95: {  	v55 =	vld [tilespmem:$0xD90]  }
0x96: {  	v56 =	vld [tilespmem:$0x8A0]  }
0x97: {  	v57 =	vld [tilespmem:$0xDA0]  }
0x98: {  	v58 =	vld [tilespmem:$0x8B0]  }
0x99: {  	v59 =	vld [tilespmem:$0xDB0]  }
0x9a: {  	v60 =	vld [tilespmem:$0x8C0]  }
0x9b: {  	v61 =	vld [tilespmem:$0xDC0]  }
0x9c: {  	v62 =	vld [tilespmem:$0x8D0]  }
0x9d: {  	v63 =	vld [tilespmem:$0xDD0]  }
0x9e: {  	v9 =	vld [tilespmem:$0x8E0]  }
0x9f: {  	v2 =	vld [tilespmem:$0xDE0]  }
0xa0: {  	v13 =	vld [tilespmem:$0x8F0]  }
0xa1: {  	v4 =	vld [tilespmem:$0xDF0]  }
0xa2: {  	v16 =	vld [tilespmem:$0x900]  }
0xa3: {  	v5 =	vld [tilespmem:$0xE00]  }
0xa4: {  	v19 =	vld [tilespmem:$0x910]  }
0xa5: {  	v7 =	vld [tilespmem:$0xE10]  }
0xa6: {  	v22 =	vld [tilespmem:$0x920]  }
0xa7: {  	v8 =	vld [tilespmem:$0xE20]  }
0xa8: {  	v25 =	vld [tilespmem:$0x930]  }
0xa9: {  	v10 =	vld [tilespmem:$0xE30]  }
0xaa: {  	v28 =	vld [tilespmem:$0x940]  }
0xab: {  	v14 =	vld [tilespmem:$0xE40]  }
0xac: {  	v31 =	vld [tilespmem:$0x950]  }
0xad: {  	v17 =	vld [tilespmem:$0xE50]  }
0xae: {  	v52 =	vld [tilespmem:$0x960]  }
0xaf: {  	v0 =	vld [tilespmem:$0x9D0]  }
0xb0: {  	v20 =	vld [tilespmem:$0xE60]  }
0xb1: {  	v49 =	vld [tilespmem:$0x970]  }
0xb2: {  	v23 =	vld [tilespmem:$0xE70]  }
0xb3: {  	v46 =	vld [tilespmem:$0x980]  }
0xb4: {  	[tilespmem:$0x1FEA0] =	vst v0;
	v0 =	vld [tilespmem:$0xA20]  }
0xb5: {  	v26 =	vld [tilespmem:$0xE80]  }
0xb6: {  	v43 =	vld [tilespmem:$0x990]  }
0xb7: {  	v29 =	vld [tilespmem:$0xE90]  }
0xb8: {  	v40 =	vld [tilespmem:$0x9A0]  }
0xb9: {  	[tilespmem:$0x1FF10] =	vst v0;
	v0 =	vld [tilespmem:$0xF20]  }
0xba: {  	v53 =	vld [tilespmem:$0xEA0]  }
0xbb: {  	v37 =	vld [tilespmem:$0x9B0]  }
0xbc: {  	v50 =	vld [tilespmem:$0xEB0]  }
0xbd: {  	v34 =	vld [tilespmem:$0x9C0]  }
0xbe: {  	[tilespmem:$0x1FEE0] =	vst v0;
	v0 =	vld [tilespmem:$0xA30]  }
0xbf: {  	v47 =	vld [tilespmem:$0xEC0]  }
0xc0: {  	v44 =	vld [tilespmem:$0xED0]  }
0xc1: {  	v41 =	vld [tilespmem:$0x9E0]  }
0xc2: {  	v35 =	vld [tilespmem:$0xA00]  }
0xc3: {  	[tilespmem:$0x1FF30] =	vst v0;
	v0 =	vld [tilespmem:$0xF30]  }
0xc4: {  	v32 =	vld [tilespmem:$0x9F0]  }
0xc5: {  	v38 =	vld [tilespmem:$0xEF0]  }
0xc6: {  	[tilespmem:$0x1FEB0] =	vst v41;
	v41 =	vld [tilespmem:$0xEE0];
	v33 =	vmul.f32 $1.000000010e-01, v33  }
0xc7: {  	[tilespmem:$0x1FED0] =	vst v35;
	v35 =	vld [tilespmem:$0xF00];
	v39 =	vmul.f32 $1.000000010e-01, v39  }
0xc8: {  	v30 =	vadd.f32 v33, v30;
	v33 =	vmul.f32 $1.000000010e-01, v45;
	[tilespmem:$0x1FF00] =	vst v0;
	v0 =	vld [tilespmem:$0xA40]  }
0xc9: {  	[tilespmem:$0x1FEC0] =	vst v32;
	v32 =	vld [tilespmem:$0xA10];
	v36 =	vadd.f32 v39, v36;
	v39 =	vmul.f32 $1.000000010e-01, v51  }
0xca: {  	v45 =	vadd.f32 v33, v42;
	v33 =	vld [tilespmem:$0xFE0]  }
0xcb: {  	v51 =	vmul.f32 $1.000000010e-01, v55;
	v55 =	vadd.f32 v39, v48;
	v39 =	vld [tilespmem:$0xFF0]  }
0xcc: {  	[tilespmem:$0x850] =	vst v30;
	v30 =	vld [tilespmem:$0xB00]  }
0xcd: {  	[tilespmem:$0x1FF50] =	vst v0;
	v0 =	vld [tilespmem:$0xF40]  }
0xce: {  	[tilespmem:$0x860] =	vst v36;
	v42 =	vmul.f32 $1.000000010e-01, v57;
	v36 =	vld [tilespmem:$0xB10]  }
0xcf: {  	v48 =	vmul.f32 $1.000000010e-01, v59;
	[tilespmem:$0x1FEF0] =	vst v32;
	v32 =	vld [tilespmem:$0xF10]  }
0xd0: {  	[tilespmem:$0x870] =	vst v45;
	v45 =	vadd.f32 v51, v54;
	v51 =	vadd.f32 v42, v56;
	v42 =	vld [tilespmem:$0xB20]  }
0xd1: {  	v4 =	vmul.f32 $1.000000010e-01, v4;
	v8 =	vmul.f32 $1.000000010e-01, v8;
	[tilespmem:$0x880] =	vst v55;
	v55 =	vadd.f32 v48, v58;
	v48 =	vld [tilespmem:$0xB30]  }
0xd2: {  	v17 =	vmul.f32 $1.000000010e-01, v17;
	v23 =	vmul.f32 $1.000000010e-01, v23;
	[tilespmem:$0x1FF20] =	vst v0;
	v0 =	vld [tilespmem:$0xA50]  }
0xd3: {  	v54 =	vmul.f32 $1.000000010e-01, v61;
	v61 =	vadd.f32 v4, v13;
	v13 =	vadd.f32 v8, v22;
	v8 =	vld [tilespmem:$0x1040]  }
0xd4: {  	v22 =	vadd.f32 v17, v31;
	v17 =	vld [tilespmem:$0x1070]  }
0xd5: {  	v31 =	vadd.f32 v23, v49;
	v23 =	vld [tilespmem:$0x1090]  }
0xd6: {  	v49 =	vmul.f32 $1.000000010e-01, v29;
	v29 =	vmul.f32 $1.000000010e-01, v35;
	v35 =	vld [tilespmem:$0x1FED0]  }
0xd7: {  	[tilespmem:$0x1FF70] =	vst v0;
	v0 =	vld [tilespmem:$0xF50]  }
0xd8: {  	[tilespmem:$0x890] =	vst v45;
	v45 =	vld [tilespmem:$0x1000]  }
0xd9: {  	v56 =	vmul.f32 $1.000000010e-01, v63;
	[tilespmem:$0x8A0] =	vst v51;
	v51 =	vld [tilespmem:$0x1010]  }
0xda: {  	v57 =	vadd.f32 v54, v60;
	v60 =	vmul.f32 $1.000000010e-01, v5;
	v5 =	vld [tilespmem:$0x1020]  }
0xdb: {  	v58 =	vadd.f32 v56, v62;
	v62 =	vmul.f32 $1.000000010e-01, v7;
	v7 =	vld [tilespmem:$0x1030]  }
0xdc: {  	[tilespmem:$0x1FF40] =	vst v0;
	v0 =	vld [tilespmem:$0xA60]  }
0xdd: {  	v54 =	vld [tilespmem:$0xB40]  }
0xde: {  	[tilespmem:$0x920] =	vst v13;
	v13 =	vld [tilespmem:$0xB60]  }
0xdf: {  	v2 =	vmul.f32 $1.000000010e-01, v2;
	[tilespmem:$0x950] =	vst v22;
	v22 =	vld [tilespmem:$0xB90]  }
0xe0: {  	v10 =	vmul.f32 $1.000000010e-01, v10;
	[tilespmem:$0x970] =	vst v31;
	v31 =	vld [tilespmem:$0x1FEC0]  }
0xe1: {  	v14 =	vmul.f32 $1.000000010e-01, v14;
	v59 =	vadd.f32 v2, v9;
	[tilespmem:$0x1FF90] =	vst v0;
	v0 =	vld [tilespmem:$0xF60]  }
0xe2: {  	v20 =	vmul.f32 $1.000000010e-01, v20;
	v63 =	vadd.f32 v60, v16;
	v16 =	vadd.f32 v10, v25;
	v10 =	vld [tilespmem:$0x1050]  }
0xe3: {  	v9 =	vadd.f32 v62, v19;
	v19 =	vadd.f32 v14, v28;
	v14 =	vld [tilespmem:$0x1060]  }
0xe4: {  	[tilespmem:$0x8E0] =	vst v59;
	v59 =	vmul.f32 $1.000000010e-01, v47;
	v25 =	vadd.f32 v20, v52;
	v20 =	vld [tilespmem:$0x1080]  }
0xe5: {  	v28 =	vmul.f32 $1.000000010e-01, v26;
	v26 =	vmul.f32 $1.000000010e-01, v38;
	v38 =	vld [tilespmem:$0x1FEF0]  }
0xe6: {  	[tilespmem:$0x1FF60] =	vst v0;
	v0 =	vld [tilespmem:$0xA70]  }
0xe7: {  	[tilespmem:$0x8C0] =	vst v57;
	v62 =	vadd.f32 v59, v34;
	v34 =	vmul.f32 $1.000000010e-01, v32;
	v32 =	vld [tilespmem:$0x10C0]  }
0xe8: {  	[tilespmem:$0x910] =	vst v9;
	v9 =	vld [tilespmem:$0xB50]  }
0xe9: {  	[tilespmem:$0x930] =	vst v16;
	v16 =	vld [tilespmem:$0xB70]  }
0xea: {  	[tilespmem:$0x940] =	vst v19;
	v19 =	vld [tilespmem:$0xB80]  }
0xeb: {  	v57 =	vmul.f32 $1.000000010e-01, v50;
	[tilespmem:$0x1FFB0] =	vst v0;
	v0 =	vld [tilespmem:$0xF70]  }
0xec: {  	[tilespmem:$0x960] =	vst v25;
	v25 =	vld [tilespmem:$0x1FEA0]  }
0xed: {  	v60 =	vadd.f32 v57, v37;
	v37 =	vld [tilespmem:$0x1FEE0]  }
0xee: {  	[tilespmem:$0x8B0] =	vst v55;
	v52 =	vadd.f32 v28, v46;
	v28 =	vld [tilespmem:$0x1FEB0]  }
0xef: {  	[tilespmem:$0x900] =	vst v63;
	v63 =	vmul.f32 $1.000000010e-01, v41;
	v41 =	vld [tilespmem:$0x1FF10]  }
0xf0: {  	[tilespmem:$0x1FF80] =	vst v0;
	v0 =	vld [tilespmem:$0xA80]  }
0xf1: {  	[tilespmem:$0x8F0] =	vst v61;
	v55 =	vmul.f32 $1.000000010e-01, v53;
	v61 =	vmul.f32 $1.000000010e-01, v44;
	v44 =	vld [tilespmem:$0x1FF30]  }
0xf2: {  	v2 =	vmul.f32 $1.000000010e-01, v37;
	v37 =	vld [tilespmem:$0xBE0]  }
0xf3: {  	[tilespmem:$0x8D0] =	vst v58;
	v58 =	vadd.f32 v55, v40;
	v40 =	vld [tilespmem:$0x1FF00]  }
0xf4: {  	v47 =	vld [tilespmem:$0x1FF50]  }
0xf5: {  	[tilespmem:$0x1FFD0] =	vst v0;
	v0 =	vld [tilespmem:$0xF80]  }
0xf6: {  	v56 =	vadd.f32 v49, v43;
	v43 =	vld [tilespmem:$0x1FF20]  }
0xf7: {  	v50 =	vld [tilespmem:$0x1FF70]  }
0xf8: {  	v46 =	vld [tilespmem:$0x1FF40]  }
0xf9: {  	v53 =	vld [tilespmem:$0x1FF90]  }
0xfa: {  	[tilespmem:$0x1FFA0] =	vst v0;
	v0 =	vld [tilespmem:$0xA90]  }
0xfb: {  	v49 =	vld [tilespmem:$0x1FF60]  }
0xfc: {  	[tilespmem:$0x990] =	vst v56;
	v56 =	vld [tilespmem:$0x1FFB0]  }
0xfd: {  	[tilespmem:$0x980] =	vst v52;
	v52 =	vld [tilespmem:$0x1FF80]  }
0xfe: {  	[tilespmem:$0x9A0] =	vst v58;
	v58 =	vld [tilespmem:$0x1FFD0]  }
0xff: {  	v55 =	vld [tilespmem:$0x1FFA0];
	[tilespmem:$0x1FFE0] =	vst v0;
	v0 =	vmul.f32 $1.000000010e-01, v1  }
0x100: {  	v1 =	vld [tilespmem:$0xF90]  }
0x101: {  	v27 =	vmul.f32 $1.000000010e-01, v27;
	[tilespmem:$0x9B0] =	vst v60;
	v60 =	vld [tilespmem:$0x1FFE0];
	v0 =	vadd.f32 v0, v3  }
0x102: {  	v3 =	vld [tilespmem:$0xAB0]  }
0x103: {  	[tilespmem:$0x800] =	vst v0;
	v0 =	vadd.f32 v27, v24;
	v27 =	vld [tilespmem:$0xFD0]  }
0x104: {  	v24 =	vld [tilespmem:$0xAF0]  }
0x105: {  	[tilespmem:$0x1FFC0] =	vst v1;
	v1 =	vmul.f32 $1.000000010e-01, v11;
	v11 =	vld [tilespmem:$0xAA0]  }
0x106: {  	v15 =	vmul.f32 $1.000000010e-01, v15;
	[tilespmem:$0x840] =	vst v0;
	v0 =	vadd.f32 v63, v28;
	v28 =	vld [tilespmem:$0xBB0]  }
0x107: {  	[tilespmem:$0x9C0] =	vst v62;
	v57 =	vld [tilespmem:$0x1FFC0];
	v1 =	vadd.f32 v1, v6  }
0x108: {  	v6 =	vmul.f32 $1.000000010e-01, v21;
	v21 =	vadd.f32 v15, v12;
	v15 =	vld [tilespmem:$0xFB0];
	[tilespmem:$0x9E0] =	vst v0  }
0x109: {  	v12 =	vld [tilespmem:$0xAD0];
	[tilespmem:$0x810] =	vst v1  }
0x10a: {  	v0 =	vadd.f32 v29, v35;
	v29 =	vld [tilespmem:$0x10B0];
	[tilespmem:$0x820] =	vst v21  }
0x10b: {  	v35 =	vld [tilespmem:$0x10D0];
	v1 =	vadd.f32 v6, v18;
	[tilespmem:$0x1FFF0] =	vst v11  }
0x10c: {  	v18 =	vld [tilespmem:$0xAE0];
	[tilespmem:$0xA00] =	vst v0;
	v0 =	vadd.f32 v2, v41;
	v2 =	vmul.f32 $1.000000010e-01, v43  }
0x10d: {  	v6 =	vld [tilespmem:$0xAC0];
	[tilespmem:$0x830] =	vst v1;
	v1 =	vadd.f32 v61, v25  }
0x10e: {  	v21 =	vld [tilespmem:$0xFC0];
	[tilespmem:$0xA20] =	vst v0;
	v0 =	vadd.f32 v2, v47;
	v2 =	vmul.f32 $1.000000010e-01, v49  }
0x10f: {  	v11 =	vld [tilespmem:$0xFA0];
	v43 =	vmul.f32 $1.000000010e-01, v33;
	[tilespmem:$0x9D0] =	vst v1;
	v1 =	vadd.f32 v26, v31  }
0x110: {  	v51 =	vmul.f32 $1.000000010e-01, v51;
	v25 =	vld [tilespmem:$0xBA0];
	[tilespmem:$0xA40] =	vst v0;
	v0 =	vadd.f32 v2, v53  }
0x111: {  	v62 =	vld [tilespmem:$0x1FFF0];
	v47 =	vadd.f32 v43, v18;
	[tilespmem:$0x9F0] =	vst v1  }
0x112: {  	v61 =	vmul.f32 $1.000000010e-01, v15;
	v15 =	vld [tilespmem:$0xBF0];
	v2 =	vmul.f32 $1.000000010e-01, v55;
	v55 =	vadd.f32 v51, v36;
	[tilespmem:$0xA60] =	vst v0  }
0x113: {  	v49 =	vmul.f32 $1.000000010e-01, v45;
	v45 =	vld [tilespmem:$0xC70];
	v1 =	vadd.f32 v34, v38;
	[tilespmem:$0xAE0] =	vst v47  }
0x114: {  	v26 =	vld [tilespmem:$0x10A0];
	v63 =	vmul.f32 $1.000000010e-01, v21;
	v38 =	vadd.f32 v61, v3;
	[tilespmem:$0xB10] =	vst v55  }
0x115: {  	v4 =	vmul.f32 $1.000000010e-01, v40;
	v31 =	vld [tilespmem:$0xBC0];
	v0 =	vadd.f32 v2, v58;
	[tilespmem:$0xA10] =	vst v1  }
0x116: {  	v40 =	vmul.f32 $1.000000010e-01, v27;
	v21 =	vld [tilespmem:$0x10F0];
	v41 =	vadd.f32 v63, v6;
	[tilespmem:$0xAB0] =	vst v38  }
0x117: {  	v27 =	vmul.f32 $1.000000010e-01, v17;
	v18 =	vld [tilespmem:$0x1110];
	v1 =	vadd.f32 v4, v44;
	[tilespmem:$0xA80] =	vst v0  }
0x118: {  	v33 =	vmul.f32 $1.000000010e-01, v20;
	v53 =	vmul.f32 $1.000000010e-01, v5;
	v5 =	vld [tilespmem:$0x1120];
	v44 =	vadd.f32 v40, v12;
	[tilespmem:$0xAC0] =	vst v41  }
0x119: {  	v36 =	vld [tilespmem:$0x1150];
	v59 =	vmul.f32 $1.000000010e-01, v11;
	v38 =	vadd.f32 v27, v16;
	[tilespmem:$0xA30] =	vst v1  }
0x11a: {  	v51 =	vld [tilespmem:$0xC80];
	v58 =	vmul.f32 $1.000000010e-01, v8;
	v40 =	vadd.f32 v33, v19;
	[tilespmem:$0xAD0] =	vst v44  }
0x11b: {  	v34 =	vld [tilespmem:$0xBD0];
	v4 =	vmul.f32 $1.000000010e-01, v46;
	v0 =	vadd.f32 v59, v62;
	[tilespmem:$0xB70] =	vst v38  }
0x11c: {  	v11 =	vld [tilespmem:$0x10E0];
	v46 =	vmul.f32 $1.000000010e-01, v39;
	v61 =	vadd.f32 v58, v54;
	[tilespmem:$0xB80] =	vst v40  }
0x11d: {  	v6 =	vld [tilespmem:$0x1100];
	v1 =	vadd.f32 v4, v50;
	[tilespmem:$0xAA0] =	vst v0  }
0x11e: {  	v8 =	vld [tilespmem:$0x1130];
	v39 =	vmul.f32 $1.000000010e-01, v23;
	v50 =	vadd.f32 v46, v24;
	[tilespmem:$0xB40] =	vst v61  }
0x11f: {  	v12 =	vld [tilespmem:$0xC10];
	v62 =	vmul.f32 $1.000000010e-01, v14;
	v4 =	vmul.f32 $1.000000010e-01, v52;
	v52 =	vadd.f32 v49, v30;
	[tilespmem:$0xA50] =	vst v1  }
0x120: {  	v16 =	vld [tilespmem:$0xC60];
	v41 =	vmul.f32 $1.000000010e-01, v26;
	v43 =	vadd.f32 v39, v22;
	[tilespmem:$0xAF0] =	vst v50  }
0x121: {  	v14 =	vld [tilespmem:$0x1140];
	v30 =	vadd.f32 v62, v13;
	[tilespmem:$0xB00] =	vst v52  }
0x122: {  	v54 =	vld [tilespmem:$0x1180];
	v46 =	vadd.f32 v41, v25;
	[tilespmem:$0xB90] =	vst v43  }
0x123: {  	v24 =	vld [tilespmem:$0xC20];
	v44 =	vmul.f32 $1.000000010e-01, v29;
	v1 =	vadd.f32 v4, v56;
	[tilespmem:$0xB60] =	vst v30  }
0x124: {  	v47 =	vmul.f32 $1.000000010e-01, v32;
	v25 =	vld [tilespmem:$0x11A0];
	v4 =	vmul.f32 $1.000000010e-01, v57;
	v57 =	vadd.f32 v53, v42;
	[tilespmem:$0xBA0] =	vst v46  }
0x125: {  	v62 =	vmul.f32 $1.000000010e-01, v18;
	v56 =	vmul.f32 $1.000000010e-01, v7;
	v7 =	vld [tilespmem:$0xC30];
	v49 =	vadd.f32 v44, v28;
	[tilespmem:$0xA70] =	vst v1  }
0x126: {  	v42 =	vld [tilespmem:$0x1160];
	v52 =	vadd.f32 v47, v31;
	[tilespmem:$0xB20] =	vst v57  }
0x127: {  	v28 =	vld [tilespmem:$0xCB0];
	v26 =	vadd.f32 v62, v12;
	[tilespmem:$0xBB0] =	vst v49  }
0x128: {  	v50 =	vmul.f32 $1.000000010e-01, v35;
	v31 =	vld [tilespmem:$0x11B0];
	v1 =	vadd.f32 v4, v60;
	[tilespmem:$0xBC0] =	vst v52  }
0x129: {  	v53 =	vmul.f32 $1.000000010e-01, v11;
	v43 =	vld [tilespmem:$0x11D0];
	v59 =	vadd.f32 v56, v48;
	[tilespmem:$0xC10] =	vst v26  }
0x12a: {  	v23 =	vmul.f32 $1.000000010e-01, v5;
	v46 =	vld [tilespmem:$0x11E0];
	v55 =	vadd.f32 v50, v34;
	[tilespmem:$0xA90] =	vst v1  }
0x12b: {  	v4 =	vld [tilespmem:$0xC00];
	v60 =	vmul.f32 $1.000000010e-01, v10;
	v58 =	vadd.f32 v53, v37;
	[tilespmem:$0xB30] =	vst v59  }
0x12c: {  	v10 =	vld [tilespmem:$0xC40];
	v56 =	vmul.f32 $1.000000010e-01, v21;
	v29 =	vadd.f32 v23, v24;
	[tilespmem:$0xBD0] =	vst v55  }
0x12d: {  	v27 =	vmul.f32 $1.000000010e-01, v8;
	v48 =	vld [tilespmem:$0x1170];
	v63 =	vadd.f32 v60, v9;
	[tilespmem:$0xBE0] =	vst v58  }
0x12e: {  	v57 =	vld [tilespmem:$0xC90];
	v59 =	vmul.f32 $1.000000010e-01, v6;
	v61 =	vadd.f32 v56, v15;
	[tilespmem:$0xC20] =	vst v29  }
0x12f: {  	v30 =	vmul.f32 $1.000000010e-01, v14;
	v9 =	vld [tilespmem:$0xC50];
	v32 =	vadd.f32 v27, v7;
	[tilespmem:$0xB50] =	vst v63  }
0x130: {  	v33 =	vmul.f32 $1.000000010e-01, v36;
	v37 =	vld [tilespmem:$0x11C0];
	v36 =	vmul.f32 $1.000000010e-01, v42;
	[tilespmem:$0xBF0] =	vst v61;
	v18 =	vadd.f32 v59, v4  }
0x131: {  	v34 =	vld [tilespmem:$0xCC0];
	v42 =	vmul.f32 $1.000000010e-01, v54;
	v35 =	vadd.f32 v30, v10;
	[tilespmem:$0xC30] =	vst v32  }
0x132: {  	v60 =	vld [tilespmem:$0x1190];
	v41 =	vadd.f32 v36, v16;
	[tilespmem:$0xC00] =	vst v18  }
0x133: {  	v52 =	vld [tilespmem:$0xCE0];
	v39 =	vmul.f32 $1.000000010e-01, v48;
	v47 =	vadd.f32 v42, v51;
	[tilespmem:$0xC40] =	vst v35  }
0x134: {  	v49 =	vld [tilespmem:$0x11F0];
	v51 =	vmul.f32 $1.000000010e-01, v31;
	v38 =	vadd.f32 v33, v9;
	[tilespmem:$0xC60] =	vst v41  }
0x135: {  	v63 =	vld [tilespmem:$0xCA0];
	v54 =	vmul.f32 $1.000000010e-01, v37;
	v44 =	vadd.f32 v39, v45;
	[tilespmem:$0xC80] =	vst v47  }
0x136: {  	v55 =	vld [tilespmem:$0xCF0];
	v59 =	vmul.f32 $1.000000010e-01, v46;
	v56 =	vadd.f32 v51, v28;
	[tilespmem:$0xC50] =	vst v38  }
0x137: {  	v40 =	vld [tilespmem:$0xCD0];
	v45 =	vmul.f32 $1.000000010e-01, v60;
	v58 =	vadd.f32 v54, v34;
	[tilespmem:$0xC70] =	vst v44  }
0x138: {  	v48 =	vmul.f32 $1.000000010e-01, v25;
	v62 =	vadd.f32 v59, v52;
	[tilespmem:$0xCB0] =	vst v56  }
0x139: {  	v61 =	vmul.f32 $1.000000010e-01, v49;
	v50 =	vadd.f32 v45, v57;
	[tilespmem:$0xCC0] =	vst v58  }
0x13a: {  	v53 =	vadd.f32 v48, v63;
	v57 =	vmul.f32 $1.000000010e-01, v43;
	[tilespmem:$0xCE0] =	vst v62  }
0x13b: {  	v63 =	vadd.f32 v61, v55;
	[tilespmem:$0xC90] =	vst v50  }
0x13c: {  	[tilespmem:$0xCA0] =	vst v53;
	v60 =	vadd.f32 v57, v40  }
0x13d: {  	[tilespmem:$0xCF0] =	vst v63  }
0x13e: {  	[tilespmem:$0xCD0] =	vst v60  }
0x13f: {  	[hbm4b:s4+s6] =	stream.indirect.scatter [tilespmem:s15], [sflag:$0x1], $0x1, s2, s6, $0xb8;
	[tilespmem:$0x1200] =	vst v63  }
0x140: {  	_ = 	snop  }
0x141: {  	[hbm4b:s4+s6] =	stream.indirect.scatter [tilespmem:s23], [sflag:$0x1], $0x1, s6, s6, $0xb8;
	[tilespmem:$0x1200] =	vst v63  }
0x142: {  	_ = 	snop  }
0x143: {  	[hbm4b:s4+s6] =	stream.indirect.scatter [tilespmem:s24], [sflag:$0x1], $0x1, s7, s6, $0xb8;
	[tilespmem:$0x1200] =	vst v63  }
0x144: {  	_ = 	snop  }
0x145: {  	[hbm4b:s4+s6] =	stream.indirect.scatter [tilespmem:s25], [sflag:$0x1], $0x1, s8, s6, $0xb8;
	[tilespmem:$0x1200] =	vst v63  }
0x146: {  	_ = 	snop  }
0x147: {  	[hbm4b:s4+s6] =	stream.indirect.scatter [tilespmem:s26], [sflag:$0x1], $0x1, s9, s6, $0xb8;
	[tilespmem:$0x1200] =	vst v63  }
0x148: {  	_ = 	snop  }
0x149: {  	[hbm4b:s4+s6] =	stream.indirect.scatter [tilespmem:s28], [sflag:$0x1], $0x1, s10, s6, $0xb8;
	[tilespmem:$0x1200] =	vst v63  }
0x14a: {  	_ = 	snop  }
0x14b: {  	[hbm4b:s4+s6] =	stream.indirect.scatter [tilespmem:s29], [sflag:$0x1], $0x1, s11, s6, $0xb8;
	[tilespmem:$0x1200] =	vst v63  }
0x14c: {  	_ = 	snop  }
0x14d: {  	[hbm4b:s4+s6] =	stream.indirect.scatter [tilespmem:s30], [sflag:$0x1], $0x1, s12, s6, $0xb8;
	[tilespmem:$0x1200] =	vst v63  }
0x14e: {  	_ = 	snop  }
0x14f: {  	[hbm4b:s4+s6] =	stream.indirect.scatter [tilespmem:s31], [sflag:$0x1], $0x1, s13, s6, $0xb8;
	[tilespmem:$0x1200] =	vst v63  }
0x150: {  	_ = 	snop  }
0x151: {  	[hbm4b:s4+s6] =	stream.indirect.scatter [tilespmem:s1], [sflag:$0x1], $0x1, s14, s6, $0xb8;
	[tilespmem:$0x1200] =	vst v63  }
0x152: {  	_ =	swait.ge [sflag:s16], $0x80  }
0x153: {  	[sflag:s16] =	ssyncset.done $0x0  }
0x154: {  	[sflag:s16] =	ssyncadd.s32 $0xFFFFFF80  }
0x155: {  	_ =	swait.ge [sflag:s16], $0x80  }
0x156: {  	[sflag:s16] =	ssyncset.done $0x0  }
0x157: {  	[sflag:s16] =	ssyncadd.s32 $0xFFFFFF80  }
0x158: {  	_ =	swait.ge [sflag:s16], $0x80  }
0x159: {  	[sflag:s16] =	ssyncset.done $0x0  }
0x15a: {  	[sflag:s16] =	ssyncadd.s32 $0xFFFFFF80  }
0x15b: {  	_ =	swait.ge [sflag:s16], $0x80  }
0x15c: {  	[sflag:s16] =	ssyncset.done $0x0  }
0x15d: {  	[sflag:s16] =	ssyncadd.s32 $0xFFFFFF80  }
0x15e: {  	_ =	swait.ge [sflag:s16], $0x80  }
0x15f: {  	[sflag:s16] =	ssyncset.done $0x0  }
0x160: {  	[sflag:s16] =	ssyncadd.s32 $0xFFFFFF80  }
0x161: {  	_ =	swait.ge [sflag:s16], $0x80  }
0x162: {  	[sflag:s16] =	ssyncset.done $0x0  }
0x163: {  	[sflag:s16] =	ssyncadd.s32 $0xFFFFFF80  }
0x164: {  	_ =	swait.ge [sflag:s16], $0x80  }
0x165: {  	[sflag:s16] =	ssyncset.done $0x0  }
0x166: {  	[sflag:s16] =	ssyncadd.s32 $0xFFFFFF80  }
0x167: {  	_ =	swait.ge [sflag:s16], $0x80  }
0x168: {  	[sflag:s16] =	ssyncset.done $0x0  }
0x169: {  	[sflag:s16] =	ssyncadd.s32 $0xFFFFFF80  }
0x16a: {  	p0 =	sne.s32 s5, $0x1;
	_ =	swait.ge [sflag:s16], $0x80  }
.Ltmp0:
0x16b: {  	[sflag:s16] =	ssyncset.done $0x0;
	(pc) =	sbr.rel @p0 .LBB2_1-.Ltmp0, $4  }
0x16c: {  	[sflag:s16] =	ssyncadd.s32 $0xFFFFFF80  }
0x16d: {  	_ =	swait.ge [sflag:s16], $0x80  }
0x16e: {  	[sflag:s16] =	ssyncset.done $0x0  }
0x16f: {  	s5 =	sadd.s32 $0xFFFFFFFF, s5;
	[sflag:s16] =	ssyncadd.s32 $0xFFFFFF80  }
0x170: {  	_ =	sfence.sel $0x180000  }
0x171: {  	[bflag:$0x0] =	sbarrier.arrive $0xFFFF  }
0x172: {  	_ =	strace $0x90000047  }
0x173: {  	s0 =	stileid.u32;
	[bflag:$0x2] =	sbarrier.arrive $0xFFFF  }
0x174: {  	p0 =	sne.s32 s0, $0x0;
	s0 =	rddreg [dreg:$0x1]  }
0x175: {  	s0 =	sadd.s32 @!p0 $0x100000, s0  }
0x176: {  	[sflag:s0] =	ssyncadd.tile.s32 @!p0 $0x1;
	_ =	shalt  }
.Lfunc_end2:
_tile_overlayer_lowered:
.L_overlay_start_2:
0x177: {  	(tag) =	ssettag $0x2  }
0x178: {  	s0 =	rddreg [dreg:$0x0];
	s2 =	stileid.u32  }
0x179: {  	s1 =	rddreg [dreg:$0x1];
	p0 =	sne.s32 s2, $0x0  }
0x17a: {  	s3 =	rddreg [dreg:$0x2];
	[bflag:$0x3] =	sbarrier.arrive $0xFFFF;
	s2 =	simm.s32 @!p0 $0x1C02  }
0x17b: {  	[timem:s3], [sflag:s2] =	dma.local @!p0 [hbm:s0], s1  }
0x17c: {  	s0 =	simm.s32 @!p0 $0x2  }
0x17d: {  	_ =	swait.ge @!p0 [sflag:s0], s1  }
0x17e: {  	s1 =	ssub.s32 @!p0 $0x0, s1;
	[sflag:s0] =	ssyncset.done @!p0 $0x0  }
0x17f: {  	[sflag:s0] =	ssyncadd.s32 @!p0 s1  }
0x180: {  	[bflag:$0x3] =	sbarrier.arrive $0xFFFF  }
0x181: {  	_ =	shalt  }

// kernel: kernel.8.cloned.1.call-start
scs
__scs_entry_jumppad:
0x0: {  	(pc) =	sbr.rel $0x88, $3  }
0x1: {  	(tag) =	ssettag $0x0;
	lr =	simm.s32 $0x1  }
0x2: {  	[smem:$0x3F9D] =	sst lr;
	_ =	strace $0xD0000000  }
0x3: {  	_ = 	snop  }
0x4: {  	_ = 	snop  }
0x5: {  	_ = 	snop  }
0x6: {  	_ = 	snop  }
0x7: {  	_ = 	snop  }
__scs_overlays_trampoline_lowered:
0x8: {  	[smem:$0x3FAC] =	sst s0  }
0x9: {  	[smem:$0x3FAD] =	sst s1  }
0xa: {  	[smem:$0x3FAE] =	sst s2  }
0xb: {  	[smem:$0x3FAF] =	sst s3  }
0xc: {  	[smem:$0x3FB0] =	sst s4  }
0xd: {  	[smem:$0x3FB1] =	sst s5  }
0xe: {  	[smem:$0x3FB2] =	sst s6  }
0xf: {  	[smem:$0x3FB3] =	sst s7  }
0x10: {  	[smem:$0x3FB4] =	sst s8  }
0x11: {  	[smem:$0x3FB5] =	sst s9;
	s0 =	simm.s32 @!p0 $0x0  }
0x12: {  	s1 =	sld [smem:$0x3F9B];
	s0 =	simm.s32 @p0 $0x1  }
0x13: {  	[smem:$0x3FB6] =	sst s0;
	s0 =	simm.s32 @!p1 $0x0  }
0x14: {  	s2 =	sld [smem:$0x3F9A];
	s0 =	simm.s32 @p1 $0x1  }
0x15: {  	[smem:$0x3FB7] =	sst s0;
	s0 =	simm.s32 @!p2 $0x0  }
0x16: {  	s3 =	sld [smem:$0x3FDB];
	s0 =	simm.s32 @p2 $0x1  }
0x17: {  	s4 =	simm.s32 $0x1BF5;
	[smem:$0x3FB9] =	sst s0  }
0x18: {  	s0 =	sld [smem:$0x3F9C];
	_ =	swait.ge [sflag:s4], $0x0  }
0x19: {  	s7 =	sld [smem:$0x3F9D]  }
0x1a: {  	s8 =	sadd.s32 $0xFFFFE003, lr  }
0x1b: {  	s9 =	sadd.s32 $0xFFFFFEF7, lr;
	s5 =	simm.s32 $0xFFFFFFFF;
	p2 =	slt.u32 s8, $0xFFFFF086  }
0x1c: {  	p1 =	slt.u32 s9, $0xF7A;
	s5 =	simm.s32 @!p2 $0x0  }
0x1d: {  	s5 =	simm.s32 @p1 $0x1;
	p0 =	seq.s32 s7, s2  }
0x1e: {  	s7 =	smul.u32 @!p0 $0xF7A, s2;
	p2 =	seq.s32 @!p0 s5, $0x0  }
0x1f: {  	s9 =	smul.u32 $0xF7A, s1;
	s8 =	simm.s32 @!p0 $0x1BF5;
	p2 =	por !p2, p0  }
0x20: {  	[sflag:s8] =	ssyncset.s32 @!p0 $0xFFFFF086;
	s6 =	sadd.s32 @!p0 s3, s7;
	s7 =	simm.s32 @!p0 $0x108  }
0x21: {  	s3 =	sadd.s32 s3, s9;
	s6 =	sadd.s32 @!p0 $0x88, s6;
	s7 =	simm.s32 @p2 $0x1082  }
0x22: {  	[simem:s7], [sflag:s8] =	dma.local @!p0 [hbm:s6], $0xF7A  }
0x23: {  	s9 =	sor.u32 $0xD0000000, s2;
	s6 =	simm.s32 $0x108;
	_ =	swait.ge @!p0 [sflag:s8], $0x0  }
0x24: {  	s3 =	sadd.s32 $0x88, s3;
	s6 =	simm.s32 @!p1 $0x1082;
	[sflag:s4] =	ssyncset.s32 $0xFFFFF086  }
0x25: {  	[simem:s6], [sflag:s4] =	dma.local [hbm:s3], $0xF7A  }
0x26: {  	[smem:$0x3F9D] =	sst s1;
	(tag) =	ssettag s2;
	_ =	strace s9  }
0x27: {  	s1 =	sld [smem:$0x3FAD]  }
0x28: {  	s2 =	sld [smem:$0x3FAE]  }
0x29: {  	s4 =	sld [smem:$0x3FB0]  }
0x2a: {  	p0 =	seq.s32 s5, $0x0;
	s5 =	sld [smem:$0x3FB1]  }
0x2b: {  	s6 =	sld [smem:$0x3FB2]  }
0x2c: {  	s7 =	sld [smem:$0x3FB3]  }
0x2d: {  	s3 =	simm.s32 $0x108;
	s8 =	sld [smem:$0x3FB4]  }
0x2e: {  	s3 =	simm.s32 @!p0 $0x1082;
	s9 =	sld [smem:$0x3FB5]  }
0x2f: {  	lr =	sadd.s32 s0, s3;
	s0 =	sld [smem:$0x3FAC]  }
0x30: {  	s3 =	sld [smem:$0x3FAF]  }
0x31: {  	[smem:$0x3FB8] =	sst s10  }
0x32: {  	s10 =	sld [smem:$0x3FB6];
	_ =	sdelay $0x3  }
0x33: {  	p0 =	seq.s32 s10, $0x1;
	s10 =	sld [smem:$0x3FB8];
	_ =	sdelay $0x3  }
0x34: {  	[smem:$0x3FB8] =	sst s10  }
0x35: {  	s10 =	sld [smem:$0x3FB7];
	_ =	sdelay $0x3  }
0x36: {  	p1 =	seq.s32 s10, $0x1;
	s10 =	sld [smem:$0x3FB8];
	_ =	sdelay $0x3  }
0x37: {  	[smem:$0x3FB8] =	sst s10  }
0x38: {  	s10 =	sld [smem:$0x3FB9]  }
0x39: {  	_ = 	snop;
	(pc) =	sbr.ind lr, $3  }
0x3a: {  	_ = 	snop  }
0x3b: {  	_ = 	snop  }
0x3c: {  	p2 =	seq.s32 s10, $0x1;
	s10 =	sld [smem:$0x3FB8]  }
0x3d: {  	_ =	shalt  }
0x3e: {  	_ =	shalt  }
0x3f: {  	_ =	shalt  }
0x40: {  	_ =	shalt  }
0x41: {  	_ =	shalt  }
0x42: {  	_ =	shalt  }
0x43: {  	_ =	shalt  }
0x44: {  	_ =	shalt  }
0x45: {  	_ =	shalt  }
0x46: {  	_ =	shalt  }
0x47: {  	_ =	shalt  }
0x48: {  	_ =	shalt  }
0x49: {  	_ =	shalt  }
0x4a: {  	_ =	shalt  }
0x4b: {  	_ =	shalt  }
0x4c: {  	_ =	shalt  }
0x4d: {  	_ =	shalt  }
0x4e: {  	_ =	shalt  }
0x4f: {  	_ =	shalt  }
0x50: {  	_ =	shalt  }
0x51: {  	_ =	shalt  }
0x52: {  	_ =	shalt  }
0x53: {  	_ =	shalt  }
0x54: {  	_ =	shalt  }
0x55: {  	_ =	shalt  }
0x56: {  	_ =	shalt  }
0x57: {  	_ =	shalt  }
0x58: {  	_ =	shalt  }
0x59: {  	_ =	shalt  }
0x5a: {  	_ =	shalt  }
0x5b: {  	_ =	shalt  }
0x5c: {  	_ =	shalt  }
0x5d: {  	_ =	shalt  }
0x5e: {  	_ =	shalt  }
0x5f: {  	_ =	shalt  }
0x60: {  	_ =	shalt  }
0x61: {  	_ =	shalt  }
0x62: {  	_ =	shalt  }
0x63: {  	_ =	shalt  }
0x64: {  	_ =	shalt  }
0x65: {  	_ =	shalt  }
0x66: {  	_ =	shalt  }
0x67: {  	_ =	shalt  }
0x68: {  	_ =	shalt  }
0x69: {  	_ =	shalt  }
0x6a: {  	_ =	shalt  }
0x6b: {  	_ =	shalt  }
0x6c: {  	_ =	shalt  }
0x6d: {  	_ =	shalt  }
0x6e: {  	_ =	shalt  }
0x6f: {  	_ =	shalt  }
0x70: {  	_ =	shalt  }
0x71: {  	_ =	shalt  }
0x72: {  	_ =	shalt  }
0x73: {  	_ =	shalt  }
0x74: {  	_ =	shalt  }
0x75: {  	_ =	shalt  }
0x76: {  	_ =	shalt  }
0x77: {  	_ =	shalt  }
0x78: {  	_ =	shalt  }
0x79: {  	_ =	shalt  }
0x7a: {  	_ =	shalt  }
0x7b: {  	_ =	shalt  }
0x7c: {  	_ =	shalt  }
0x7d: {  	_ =	shalt  }
0x7e: {  	_ =	shalt  }
0x7f: {  	_ =	shalt  }
0x80: {  	_ =	shalt  }
0x81: {  	_ =	shalt  }
0x82: {  	_ =	shalt  }
0x83: {  	_ =	shalt  }
0x84: {  	_ =	shalt  }
0x85: {  	_ =	shalt  }
0x86: {  	_ =	shalt  }
0x87: {  	_ =	shalt  }
.Lfunc_end0:
.L_simem_size_0:
called_computation.1_lowered:
.L_overlay_start_0:
0x88: {  	s2 =	sld [smem:$0x3FD9]  }
0x89: {  	s3 =	sld [smem:$0x3FFE];
	_ =	sdelay $0x1  }
0x8a: {  	s1 =	srdreg.scid  }
0x8b: {  	s0 =	sand.u32 $0x1, s1  }
0x8c: {  	s16 =	sshll.u32 s0, $0xA;
	s2 =	sadd.s32 s3, s2  }
0x8d: {  	s2 =	sadd.s32 s2, s16  }
0x8e: {  	[smem:$0x3FC4] =	sst s2  }
0x8f: {  	_ = 	snop  }
0x90: {  	(tm) =	ssettm $0x1  }
0x91: {  	s17 =	sld [smem:$0x3FFB];
	_ =	sdelay $0x3  }
0x92: {  	_ =	strace s17  }
0x93: {  	s2 =	sld [smem:$0x3FFC];
	_ =	sdelay $0x3  }
0x94: {  	_ =	strace s2  }
0x95: {  	s2 =	sld [smem:$0x3FFD];
	_ =	sdelay $0x3  }
0x96: {  	_ =	strace s2  }
0x97: {  	_ =	strace $0x8FFFFFFF  }
0x98: {  	s18 =	sld [smem:$0x3FDB];
	_ =	sdelay $0x1  }
0x99: {  	s19 =	simm.s32 $_scs_section_size  }
0x9a: {  	s4 =	simm.s32 $_size__tile_overlayer_lowered;
	s5 =	simm.s32 $_tile_overlayer_lowered  }
0x9b: {  	s22 =	simm.s32 $0x1BFF;
	s21 =	sshll.u32 s5, $0x1;
	s2 =	sadd.s32 s19, s18  }
0x9c: {  	s6 =	simm.s32 $0x0;
	s20 =	sshll.u32 s4, $0x1;
	s4 =	sadd.s32 s21, s2  }
0x9d: {  	[timem:s6], [sflag:s22] =	dma.local [hbm:s4], s20  }
0x9e: {  	_ =	swait.ge [sflag:s22], s20  }
0x9f: {  	s3 =	ssub.s32 $0x0, s20;
	[sflag:s22] =	ssyncset.done $0x0  }
0xa0: {  	[sflag:s22] =	ssyncadd.s32 s3;
	_ =	sdelay $0x1  }
0xa1: {  	s23 =	simm.s32 $0x1B8B  }
0xa2: {  	_ =	swait.ge [sflag:s23], $0x1  }
0xa3: {  	[sflag:s23] =	ssyncset.done $0x0  }
0xa4: {  	s25 =	simm.s32 $0x1B8E;
	s24 =	sld [smem:$0x3FFE];
	[sflag:s23] =	ssyncadd.s32 $0xFFFFFFFF  }
0xa5: {  	s26 =	simm.s32 $execute0_lowered;
	[smem:$0x3FD2] =	sst s25  }
0xa6: {  	s4 =	sshll.u32 s26, $0x1;
	_ =	strace $0x80000049;
	[dreg:$0x1] =	wrdreg $0xFFFFFFFF  }
0xa7: {  	s28 =	simm.s32 $_size_execute0_lowered;
	s2 =	sadd.s32 s2, s4;
	[dreg:$0x0] =	wrdreg $0x0  }
0xa8: {  	s4 =	sshll.u32 s28, $0x1;
	[dreg:$0x2] =	wrdreg s2  }
0xa9: {  	[dreg:$0x3] =	wrdreg s4  }
0xaa: {  	[dreg:$0x4] =	wrdreg $0xC0  }
0xab: {  	_ =	task [dreg:s6], $0x5FFFF  }
0xac: {  	[dreg:$0x1] =	wrdreg $0xFFFFFFFF  }
0xad: {  	[dreg:$0x0] =	wrdreg $0x60  }
0xae: {  	[dreg:$0x2] =	wrdreg s24  }
0xaf: {  	[dreg:$0x3] =	wrdreg $0x9  }
0xb0: {  	_ =	task.clear_ibuf [dreg:s6], $0x4FFFF;
	_ =	strace $0x90000049  }
0xb1: {  	s29 =	simm.s32 $0x9;
	_ =	strace $0x8000004B  }
0xb2: {  	_ =	swait.ge [sflag:s29], $0x1  }
0xb3: {  	[sflag:s29] =	ssyncadd.s32 $0xFFFFFFFF  }
0xb4: {  	_ =	strace $0x9000004B  }
0xb5: {  	_ =	sfence  }
0xb6: {  	s30 =	sld [smem:$0x0];
	_ =	sdelay $0x2  }
0xb7: {  	s31 =	sshll.u32 s1, $0xD;
	s1 =	sshrl.u32 s1, $0x2  }
0xb8: {  	s3 =	sand.u32 $0x4000, s31;
	s1 =	sadd.s32 s1, s30  }
0xb9: {  	s0 =	sor.u32 s3, s0;
	s1 =	sshll.u32 s1, $0x11  }
0xba: {  	s0 =	sor.u32 s1, s0  }
0xbb: {  	s0 =	sadd.s32 $0x8F2B, s0  }
0xbc: {  	[sflag:s0] =	ssyncadd.remote.s32 $0x1  }
0xbd: {  	_ =	sfence.sel $0xFFFF  }
0xbe: {  	[dreg:$0x0] =	wrdreg $0xFFFFFFFF;
	(pc) =	sbr.abs _section_cstart, $3  }
0xbf: {  	[dreg:$0x1] =	wrdreg $0xFFFFFFFF  }
0xc0: {  	_ =	task.clear_ibuf [dreg:s6], $0x2FFFF;
	_ =	strace $0x9FFFFFFF  }
0xc1: {  	(tm) =	ssettm $0x7FFFFFFF  }
tec
execute0_lowered:
.L_overlay_start_1:
0x0: {  	(tag) =	ssettag $0x1  }
0x1: {  	s0 =	srdreg.scid  }
0x2: {  	s1 =	stileid.u32;
	s4 =	rddreg [dreg:$0x0];
	s2 =	simm.s32 $0x0  }
0x3: {  	s8 =	simm.s32 $0x80;
	s9 =	simm.s32 $0x100;
	s10 =	simm.s32 $0x180  }
0x4: {  	s11 =	simm.s32 $0x200;
	s12 =	simm.s32 $0x280;
	s13 =	simm.s32 $0x300  }
0x5: {  	s14 =	simm.s32 $0x380;
	s15 =	simm.s32 $0x400;
	s16 =	simm.s32 $0x480  }
0x6: {  	s31 =	simm.s32 $0x800;
	s0 =	sand.u32 $0x1, s0;
	s1 =	sshll.u32 s1, $0x1  }
0x7: {  	s7 =	simm.s32 $0x1;
	s17 =	simm.s32 $0xD00;
	s1 =	sor.u32 s0, s1  }
0x8: {  	s18 =	simm.s32 $0xD80;
	[smem:$0x7FF] =	sst s2;
	s3 =	smul.u32 $0x500, s1  }
0x9: {  	p0 =	por $0x0, $0x0;
	s6 =	sadd.s32 $0x13200, s4;
	_ =	strace $0x8000004A  }
0xa: {  	s0 =	ssub.s32 $0x2, s0;
	s1 =	sshll.u32 s1, $0x4;
	s3 =	sshrl.u32 s3, $0x3  }
0xb: {  	s24 =	sshrl.u32 s0, $0x1;
	s1 =	sadd.s32 s1, s4;
	s3 =	sadd.s32 s3, s4  }
0xc: {  	s0 =	ssub.s32 s0, s24;
	s24 =	simm.s32 $0x1080;
	s5 =	sadd.s32 $0x10A00, s3  }
0xd: {  	s0 =	smax.u32 s0, $0x1;
	s19 =	sadd.s32 $0x10A10, s3;
	[dreg:$0x2] =	wrdreg s5  }
0xe: {  	p1 =	sne.s32 s0, $0x1;
	s20 =	sadd.s32 $0x10A20, s3;
	[dreg:$0x3] =	wrdreg s19  }
0xf: {  	s4 =	simm.s32 $0x2;
	s21 =	sadd.s32 $0x10A30, s3;
	[dreg:$0x4] =	wrdreg s20  }
0x10: {  	s22 =	sadd.s32 $0x10A40, s3;
	s23 =	sadd.s32 $0x10A50, s3;
	[dreg:$0x5] =	wrdreg s21  }
0x11: {  	s25 =	sadd.s32 $0x10A60, s3;
	s26 =	sadd.s32 $0x10A70, s3;
	[dreg:$0x6] =	wrdreg s22  }
0x12: {  	s28 =	sadd.s32 $0x10A80, s3;
	s29 =	sadd.s32 $0x10A90, s3;
	[dreg:$0x7] =	wrdreg s23  }
.Ltmp0:
0x13: {  	s30 =	sadd.s32 $0xA00, s3;
	[dreg:$0x8] =	wrdreg s25;
	(pc) =	sbr.rel @!p1 .LBB2_3-.Ltmp0, $4  }
0x14: {  	s3 =	sadd.s32 $0x11E00, s1;
	s1 =	sadd.s32 $0xFFFFFFFF, s0;
	[dreg:$0x9] =	wrdreg s26  }
0x15: {  	s19 =	simm.s32 $0xE00;
	s20 =	simm.s32 $0xE80;
	s21 =	simm.s32 $0xF00  }
0x16: {  	s22 =	simm.s32 $0xF80;
	s23 =	simm.s32 $0x1000;
	s25 =	simm.s32 $0x1100  }
0x17: {  	s26 =	simm.s32 $0x1180;
	s5 =	simm.s32 $0x1200;
	s0 =	rddreg [dreg:$0x2]  }
0x18: {  	[dreg:$0xa] =	wrdreg s1  }
0x19: {  	[tilespmem:s2], [sflag:$0x1] =	stream.linear.gather [hbm4b:s0+s2], $0x80, $0x38;
	[tilespmem:$0x1280] =	vst v63  }
0x1a: {  	s1 =	rddreg [dreg:$0x3]  }
0x1b: {  	[tilespmem:s8], [sflag:$0x1] =	stream.linear.gather [hbm4b:s1+s2], $0x80, $0x38;
	[tilespmem:$0x1280] =	vst v63  }
0x1c: {  	s0 =	rddreg [dreg:$0x4]  }
0x1d: {  	[tilespmem:s9], [sflag:$0x1] =	stream.linear.gather [hbm4b:s0+s2], $0x80, $0x38;
	[tilespmem:$0x1280] =	vst v63  }
0x1e: {  	s1 =	rddreg [dreg:$0x5]  }
0x1f: {  	[tilespmem:s10], [sflag:$0x1] =	stream.linear.gather [hbm4b:s1+s2], $0x80, $0x38;
	[tilespmem:$0x1280] =	vst v63  }
0x20: {  	s0 =	rddreg [dreg:$0x6]  }
0x21: {  	[tilespmem:s11], [sflag:$0x1] =	stream.linear.gather [hbm4b:s0+s2], $0x80, $0x38;
	[tilespmem:$0x1280] =	vst v63  }
0x22: {  	s1 =	rddreg [dreg:$0x7]  }
0x23: {  	[tilespmem:s12], [sflag:$0x1] =	stream.linear.gather [hbm4b:s1+s2], $0x80, $0x38;
	[tilespmem:$0x1280] =	vst v63  }
0x24: {  	s0 =	rddreg [dreg:$0x8]  }
0x25: {  	[tilespmem:s13], [sflag:$0x1] =	stream.linear.gather [hbm4b:s0+s2], $0x80, $0x38;
	[tilespmem:$0x1280] =	vst v63  }
0x26: {  	s1 =	rddreg [dreg:$0x9]  }
0x27: {  	[tilespmem:s14], [sflag:$0x1] =	stream.linear.gather [hbm4b:s1+s2], $0x80, $0x38;
	[tilespmem:$0x1280] =	vst v63  }
0x28: {  	_ = 	snop  }
0x29: {  	[tilespmem:s15], [sflag:$0x1] =	stream.linear.gather [hbm4b:s28+s2], $0x80, $0x38;
	[tilespmem:$0x1280] =	vst v63  }
0x2a: {  	_ = 	snop  }
0x2b: {  	[tilespmem:s16], [sflag:$0x1] =	stream.linear.gather [hbm4b:s29+s2], $0x80, $0x38;
	[tilespmem:$0x1280] =	vst v63  }
0x2c: {  	_ = 	snop  }
0x2d: {  	[tilespmem:s31], [sflag:$0x1] =	stream.linear.gather [hbm4b:s30+s2], $0x500, $0x38;
	[tilespmem:$0x1280] =	vst v63  }
0x2e: {  	_ =	swait.ge [sflag:s7], $0x80  }
0x2f: {  	[sflag:s7] =	ssyncset.done $0x0  }
0x30: {  	[sflag:s7] =	ssyncadd.s32 $0xFFFFFF80  }
0x31: {  	_ =	swait.ge [sflag:s7], $0x80  }
0x32: {  	[sflag:s7] =	ssyncset.done $0x0  }
0x33: {  	[sflag:s7] =	ssyncadd.s32 $0xFFFFFF80  }
0x34: {  	_ =	swait.ge [sflag:s7], $0x80  }
0x35: {  	[sflag:s7] =	ssyncset.done $0x0  }
0x36: {  	[sflag:s7] =	ssyncadd.s32 $0xFFFFFF80  }
0x37: {  	_ =	swait.ge [sflag:s7], $0x80  }
0x38: {  	[sflag:s7] =	ssyncset.done $0x0  }
0x39: {  	[sflag:s7] =	ssyncadd.s32 $0xFFFFFF80  }
0x3a: {  	_ =	swait.ge [sflag:s7], $0x80  }
0x3b: {  	[sflag:s7] =	ssyncset.done $0x0  }
0x3c: {  	[sflag:s7] =	ssyncadd.s32 $0xFFFFFF80  }
0x3d: {  	_ =	swait.ge [sflag:s7], $0x80  }
0x3e: {  	[sflag:s7] =	ssyncset.done $0x0  }
0x3f: {  	[sflag:s7] =	ssyncadd.s32 $0xFFFFFF80  }
0x40: {  	_ =	swait.ge [sflag:s7], $0x80  }
0x41: {  	[sflag:s7] =	ssyncset.done $0x0  }
0x42: {  	[sflag:s7] =	ssyncadd.s32 $0xFFFFFF80  }
0x43: {  	_ =	swait.ge [sflag:s7], $0x80  }
0x44: {  	[sflag:s7] =	ssyncset.done $0x0  }
0x45: {  	[sflag:s7] =	ssyncadd.s32 $0xFFFFFF80  }
0x46: {  	_ =	swait.ge [sflag:s7], $0x80  }
0x47: {  	[sflag:s7] =	ssyncset.done $0x0  }
0x48: {  	[sflag:s7] =	ssyncadd.s32 $0xFFFFFF80  }
0x49: {  	_ =	swait.ge [sflag:s7], $0x80  }
0x4a: {  	[sflag:s7] =	ssyncset.done $0x0  }
0x4b: {  	[sflag:s7] =	ssyncadd.s32 $0xFFFFFF80  }
0x4c: {  	_ =	swait.ge [sflag:s7], $0x500  }
0x4d: {  	[sflag:s7] =	ssyncset.done $0x0  }
0x4e: {  	[sflag:s7] =	ssyncadd.s32 $0xFFFFFB00  }
0x4f: {  	[tilespmem:s17], [sflag:$0x1] =	stream.indirect.gather [hbm4b:s6+s8], $0x1, s2, s8, $0xb8;
	[tilespmem:$0x1280] =	vst v63  }
0x50: {  	_ = 	snop  }
0x51: {  	[tilespmem:s18], [sflag:$0x1] =	stream.indirect.gather [hbm4b:s6+s8], $0x1, s8, s8, $0xb8;
	[tilespmem:$0x1280] =	vst v63  }
0x52: {  	_ = 	snop  }
0x53: {  	[tilespmem:s19], [sflag:$0x1] =	stream.indirect.gather [hbm4b:s6+s8], $0x1, s9, s8, $0xb8;
	[tilespmem:$0x1280] =	vst v63  }
0x54: {  	_ = 	snop  }
0x55: {  	[tilespmem:s20], [sflag:$0x1] =	stream.indirect.gather [hbm4b:s6+s8], $0x1, s10, s8, $0xb8;
	[tilespmem:$0x1280] =	vst v63  }
0x56: {  	_ = 	snop  }
0x57: {  	[tilespmem:s21], [sflag:$0x1] =	stream.indirect.gather [hbm4b:s6+s8], $0x1, s11, s8, $0xb8;
	[tilespmem:$0x1280] =	vst v63  }
0x58: {  	_ = 	snop  }
0x59: {  	[tilespmem:s22], [sflag:$0x1] =	stream.indirect.gather [hbm4b:s6+s8], $0x1, s12, s8, $0xb8;
	[tilespmem:$0x1280] =	vst v63  }
0x5a: {  	_ = 	snop  }
0x5b: {  	[tilespmem:s23], [sflag:$0x1] =	stream.indirect.gather [hbm4b:s6+s8], $0x1, s13, s8, $0xb8;
	[tilespmem:$0x1280] =	vst v63  }
0x5c: {  	_ = 	snop  }
0x5d: {  	[tilespmem:s24], [sflag:$0x1] =	stream.indirect.gather [hbm4b:s6+s8], $0x1, s14, s8, $0xb8;
	[tilespmem:$0x1280] =	vst v63  }
0x5e: {  	_ = 	snop  }
0x5f: {  	[tilespmem:s25], [sflag:$0x1] =	stream.indirect.gather [hbm4b:s6+s8], $0x1, s15, s8, $0xb8;
	[tilespmem:$0x1280] =	vst v63  }
0x60: {  	_ = 	snop  }
0x61: {  	[tilespmem:s26], [sflag:$0x1] =	stream.indirect.gather [hbm4b:s6+s8], $0x1, s16, s8, $0xb8;
	[tilespmem:$0x1280] =	vst v63  }
0x62: {  	_ =	swait.ge [sflag:s7], $0x80  }
0x63: {  	[sflag:s7] =	ssyncset.done $0x0  }
0x64: {  	[sflag:s7] =	ssyncadd.s32 $0xFFFFFF80  }
0x65: {  	_ =	swait.ge [sflag:s7], $0x80  }
0x66: {  	[sflag:s7] =	ssyncset.done $0x0  }
0x67: {  	[sflag:s7] =	ssyncadd.s32 $0xFFFFFF80  }
0x68: {  	_ =	swait.ge [sflag:s7], $0x80  }
0x69: {  	[sflag:s7] =	ssyncset.done $0x0  }
0x6a: {  	[sflag:s7] =	ssyncadd.s32 $0xFFFFFF80  }
0x6b: {  	_ =	swait.ge [sflag:s7], $0x80  }
0x6c: {  	[sflag:s7] =	ssyncset.done $0x0  }
0x6d: {  	[sflag:s7] =	ssyncadd.s32 $0xFFFFFF80  }
0x6e: {  	_ =	swait.ge [sflag:s7], $0x80  }
0x6f: {  	[sflag:s7] =	ssyncset.done $0x0  }
0x70: {  	[sflag:s7] =	ssyncadd.s32 $0xFFFFFF80  }
0x71: {  	_ =	swait.ge [sflag:s7], $0x80  }
0x72: {  	[sflag:s7] =	ssyncset.done $0x0  }
0x73: {  	[sflag:s7] =	ssyncadd.s32 $0xFFFFFF80  }
0x74: {  	_ =	swait.ge [sflag:s7], $0x80  }
0x75: {  	[sflag:s7] =	ssyncset.done $0x0  }
0x76: {  	[sflag:s7] =	ssyncadd.s32 $0xFFFFFF80  }
0x77: {  	_ =	swait.ge [sflag:s7], $0x80  }
0x78: {  	[sflag:s7] =	ssyncset.done $0x0  }
0x79: {  	[sflag:s7] =	ssyncadd.s32 $0xFFFFFF80  }
0x7a: {  	_ =	swait.ge [sflag:s7], $0x80  }
0x7b: {  	[sflag:s7] =	ssyncset.done $0x0  }
0x7c: {  	[sflag:s7] =	ssyncadd.s32 $0xFFFFFF80  }
0x7d: {  	_ =	swait.ge [sflag:s7], $0x80  }
0x7e: {  	[sflag:s7] =	ssyncset.done $0x0  }
0x7f: {  	[sflag:s7] =	ssyncadd.s32 $0xFFFFFF80  }
0x80: {  	v0 =	vld [tilespmem:$0xD00];
	_ =	sdelay $0x1  }
0x81: {  	v1 =	vld [tilespmem:$0xD10];
	_ =	sdelay $0x1  }
0x82: {  	v2 =	vld [tilespmem:$0xD20]  }
0x83: {  	v0 =	vadd.f32 $1.000000010e-10, v0  }
0x84: {  	v3 =	vld [tilespmem:$0xD30]  }
0x85: {  	v1 =	vadd.f32 $1.000000010e-10, v1;
	(erf) = vrcp.f32 v0  }
0x86: {  	v60 =	vld [tilespmem:$0xD40]  }
0x87: {  	v2 =	vadd.f32 $1.000000010e-10, v2;
	(erf) = vrcp.f32 v1  }
0x88: {  	v61 =	vld [tilespmem:$0xD50]  }
0x89: {  	v4 =	vld [tilespmem:$0xD60];
	v3 =	vadd.f32 $1.000000010e-10, v3;
	(erf) = vrcp.f32 v2  }
0x8a: {  	v62 =	vld [tilespmem:$0x800]  }
0x8b: {  	v5 =	vld [tilespmem:$0xD70];
	v0 =	vadd.f32 $1.000000010e-10, v60;
	(erf) = vrcp.f32 v3  }
0x8c: {  	v63 =	vld [tilespmem:$0x810]  }
0x8d: {  	v6 =	vld [tilespmem:$0xD80];
	v1 =	vadd.f32 $1.000000010e-10, v61;
	(erf) = vrcp.f32 v0  }
0x8e: {  	v12 =	vld [tilespmem:$0x820];
	v7 =	vpop (erf)  }
0x8f: {  	v8 =	vld [tilespmem:$0xD90];
	v4 =	vadd.f32 $1.000000010e-10, v4;
	(erf) = vrcp.f32 v1;
	v13 =	vmul.f32 v7, v62  }
0x90: {  	v16 =	vld [tilespmem:$0x830];
	v14 =	vadd.f32 $1.000000010e-10, v5;
	v15 =	vpop (erf)  }
0x91: {  	v9 =	vld [tilespmem:$0xDA0];
	(erf) = vrcp.f32 v4;
	v3 =	vmul.f32 v15, v63;
	v1 =	vadd.f32 $0.0e+00, v13  }
0x92: {  	v19 =	vld [tilespmem:$0x840];
	v17 =	vadd.f32 $1.000000010e-10, v6;
	v18 =	vpop (erf)  }
0x93: {  	v10 =	vld [tilespmem:$0xDB0];
	(erf) = vrcp.f32 v14;
	v0 =	vmul.f32 v18, v12;
	v1 =	vadd.f32 v3, v1  }
0x94: {  	v22 =	vld [tilespmem:$0x850];
	v20 =	vadd.f32 $1.000000010e-10, v8;
	v21 =	vpop (erf)  }
0x95: {  	v23 =	vld [tilespmem:$0xDC0];
	(erf) = vrcp.f32 v17;
	v24 =	vmul.f32 v21, v16;
	v0 =	vadd.f32 v0, v1  }
0x96: {  	v27 =	vld [tilespmem:$0x860];
	v25 =	vadd.f32 $1.000000010e-10, v9;
	v26 =	vpop (erf)  }
0x97: {  	v28 =	vld [tilespmem:$0xDD0];
	(erf) = vrcp.f32 v20;
	v29 =	vmul.f32 v26, v19;
	v0 =	vadd.f32 v24, v0  }
0x98: {  	v32 =	vld [tilespmem:$0x870];
	v30 =	vadd.f32 $1.000000010e-10, v10;
	v31 =	vpop (erf)  }
0x99: {  	v33 =	vld [tilespmem:$0xDE0];
	(erf) = vrcp.f32 v25;
	v34 =	vmul.f32 v31, v22;
	v0 =	vadd.f32 v29, v0  }
0x9a: {  	v37 =	vld [tilespmem:$0x880];
	v35 =	vadd.f32 $1.000000010e-10, v23;
	v36 =	vpop (erf)  }
0x9b: {  	v38 =	vld [tilespmem:$0xDF0];
	(erf) = vrcp.f32 v30;
	v39 =	vmul.f32 v36, v27;
	v0 =	vadd.f32 v34, v0  }
0x9c: {  	v42 =	vld [tilespmem:$0x890];
	v40 =	vadd.f32 $1.000000010e-10, v28;
	v41 =	vpop (erf)  }
0x9d: {  	v43 =	vld [tilespmem:$0xE00];
	(erf) = vrcp.f32 v35;
	v44 =	vmul.f32 v41, v32;
	v0 =	vadd.f32 v39, v0  }
0x9e: {  	v47 =	vld [tilespmem:$0x8A0];
	v45 =	vadd.f32 $1.000000010e-10, v33;
	v46 =	vpop (erf)  }
0x9f: {  	v48 =	vld [tilespmem:$0xE10];
	(erf) = vrcp.f32 v40;
	v49 =	vmul.f32 v46, v37;
	v0 =	vadd.f32 v44, v0  }
0xa0: {  	v51 =	vld [tilespmem:$0x8B0];
	v2 =	vadd.f32 $1.000000010e-10, v38;
	v50 =	vpop (erf)  }
0xa1: {  	v52 =	vld [tilespmem:$0xE20];
	(erf) = vrcp.f32 v45;
	v53 =	vmul.f32 v50, v42;
	v0 =	vadd.f32 v49, v0  }
0xa2: {  	v55 =	vld [tilespmem:$0x8C0];
	v3 =	vadd.f32 $1.000000010e-10, v43;
	v54 =	vpop (erf)  }
0xa3: {  	v56 =	vld [tilespmem:$0xE30];
	(erf) = vrcp.f32 v2;
	v57 =	vmul.f32 v54, v47;
	v0 =	vadd.f32 v53, v0  }
0xa4: {  	v59 =	vld [tilespmem:$0x8D0];
	v4 =	vadd.f32 $1.000000010e-10, v48;
	v58 =	vpop (erf)  }
0xa5: {  	v60 =	vld [tilespmem:$0xE40];
	(erf) = vrcp.f32 v3;
	v61 =	vmul.f32 v58, v51;
	v0 =	vadd.f32 v57, v0  }
0xa6: {  	v6 =	vadd.f32 $1.000000010e-10, v52;
	v63 =	vld [tilespmem:$0x8E0];
	v62 =	vpop (erf)  }
0xa7: {  	v12 =	vld [tilespmem:$0xE50];
	(erf) = vrcp.f32 v4;
	v13 =	vmul.f32 v62, v55;
	v0 =	vadd.f32 v61, v0  }
0xa8: {  	v15 =	vld [tilespmem:$0x8F0];
	v2 =	vadd.f32 $1.000000010e-10, v56;
	v14 =	vpop (erf)  }
0xa9: {  	v16 =	vld [tilespmem:$0xE60];
	(erf) = vrcp.f32 v6;
	v17 =	vmul.f32 v14, v59;
	v0 =	vadd.f32 v13, v0  }
0xaa: {  	v19 =	vld [tilespmem:$0x900];
	v3 =	vadd.f32 $1.000000010e-10, v60;
	v18 =	vpop (erf)  }
0xab: {  	v20 =	vld [tilespmem:$0xE70];
	(erf) = vrcp.f32 v2;
	v21 =	vmul.f32 v18, v63;
	v0 =	vadd.f32 v17, v0  }
0xac: {  	v23 =	vld [tilespmem:$0x910];
	v4 =	vadd.f32 $1.000000010e-10, v12;
	v22 =	vpop (erf)  }
0xad: {  	v24 =	vld [tilespmem:$0xE80];
	(erf) = vrcp.f32 v3;
	v25 =	vmul.f32 v22, v15;
	v0 =	vadd.f32 v21, v0  }
0xae: {  	v27 =	vld [tilespmem:$0x920];
	v6 =	vadd.f32 $1.000000010e-10, v16;
	v26 =	vpop (erf)  }
0xaf: {  	v28 =	vld [tilespmem:$0xE90];
	(erf) = vrcp.f32 v4;
	v29 =	vmul.f32 v26, v19;
	v0 =	vadd.f32 v25, v0  }
0xb0: {  	v31 =	vld [tilespmem:$0x930];
	v2 =	vadd.f32 $1.000000010e-10, v20;
	v30 =	vpop (erf)  }
0xb1: {  	v32 =	vld [tilespmem:$0xEA0];
	(erf) = vrcp.f32 v6;
	v33 =	vmul.f32 v30, v23;
	v0 =	vadd.f32 v29, v0  }
0xb2: {  	v35 =	vld [tilespmem:$0x940];
	v3 =	vadd.f32 $1.000000010e-10, v24;
	v34 =	vpop (erf)  }
0xb3: {  	v36 =	vld [tilespmem:$0xEB0];
	(erf) = vrcp.f32 v2;
	v37 =	vmul.f32 v34, v27;
	v0 =	vadd.f32 v33, v0  }
0xb4: {  	v39 =	vld [tilespmem:$0x950];
	v4 =	vadd.f32 $1.000000010e-10, v28;
	v38 =	vpop (erf)  }
0xb5: {  	v40 =	vld [tilespmem:$0xEC0];
	(erf) = vrcp.f32 v3;
	v41 =	vmul.f32 v38, v31;
	v0 =	vadd.f32 v37, v0  }
0xb6: {  	v43 =	vld [tilespmem:$0x960];
	v6 =	vadd.f32 $1.000000010e-10, v32;
	v42 =	vpop (erf)  }
0xb7: {  	v44 =	vld [tilespmem:$0xED0];
	(erf) = vrcp.f32 v4;
	v45 =	vmul.f32 v42, v35;
	v0 =	vadd.f32 v41, v0  }
0xb8: {  	v47 =	vld [tilespmem:$0x970];
	v2 =	vadd.f32 $1.000000010e-10, v36;
	v46 =	vpop (erf)  }
0xb9: {  	v48 =	vld [tilespmem:$0xEE0];
	(erf) = vrcp.f32 v6;
	v49 =	vmul.f32 v46, v39;
	v0 =	vadd.f32 v45, v0  }
0xba: {  	v51 =	vld [tilespmem:$0x980];
	v3 =	vadd.f32 $1.000000010e-10, v40;
	v50 =	vpop (erf)  }
0xbb: {  	v52 =	vld [tilespmem:$0xEF0];
	(erf) = vrcp.f32 v2;
	v53 =	vmul.f32 v50, v43;
	v0 =	vadd.f32 v49, v0  }
0xbc: {  	v55 =	vld [tilespmem:$0x990];
	v4 =	vadd.f32 $1.000000010e-10, v44;
	v54 =	vpop (erf)  }
0xbd: {  	v56 =	vld [tilespmem:$0xF00];
	(erf) = vrcp.f32 v3;
	v57 =	vmul.f32 v54, v47;
	v0 =	vadd.f32 v53, v0  }
0xbe: {  	v59 =	vld [tilespmem:$0x9A0];
	v6 =	vadd.f32 $1.000000010e-10, v48;
	v58 =	vpop (erf)  }
0xbf: {  	v60 =	vld [tilespmem:$0xF10];
	(erf) = vrcp.f32 v4;
	v61 =	vmul.f32 v58, v51;
	v0 =	vadd.f32 v57, v0  }
0xc0: {  	v63 =	vld [tilespmem:$0x9B0];
	v2 =	vadd.f32 $1.000000010e-10, v52;
	v62 =	vpop (erf)  }
0xc1: {  	v12 =	vld [tilespmem:$0xF20];
	(erf) = vrcp.f32 v6;
	v13 =	vmul.f32 v62, v55;
	v0 =	vadd.f32 v61, v0  }
0xc2: {  	v15 =	vld [tilespmem:$0x9C0];
	v3 =	vadd.f32 $1.000000010e-10, v56;
	v14 =	vpop (erf)  }
0xc3: {  	v16 =	vld [tilespmem:$0xF30];
	(erf) = vrcp.f32 v2;
	v17 =	vmul.f32 v14, v59;
	v0 =	vadd.f32 v13, v0  }
0xc4: {  	v19 =	vld [tilespmem:$0x9D0];
	v4 =	vadd.f32 $1.000000010e-10, v60;
	v18 =	vpop (erf)  }
0xc5: {  	v20 =	vld [tilespmem:$0xF40];
	(erf) = vrcp.f32 v3;
	v21 =	vmul.f32 v18, v63;
	v0 =	vadd.f32 v17, v0  }
0xc6: {  	v23 =	vld [tilespmem:$0x9E0];
	v6 =	vadd.f32 $1.000000010e-10, v12;
	v22 =	vpop (erf)  }
0xc7: {  	v24 =	vld [tilespmem:$0xF50];
	(erf) = vrcp.f32 v4;
	v25 =	vmul.f32 v22, v15;
	v0 =	vadd.f32 v21, v0  }
0xc8: {  	v27 =	vld [tilespmem:$0x9F0];
	v2 =	vadd.f32 $1.000000010e-10, v16;
	v26 =	vpop (erf)  }
0xc9: {  	v28 =	vld [tilespmem:$0xF60];
	(erf) = vrcp.f32 v6;
	v29 =	vmul.f32 v26, v19;
	v0 =	vadd.f32 v25, v0  }
0xca: {  	v31 =	vld [tilespmem:$0xA00];
	v3 =	vadd.f32 $1.000000010e-10, v20;
	v30 =	vpop (erf)  }
0xcb: {  	v32 =	vld [tilespmem:$0xF70];
	(erf) = vrcp.f32 v2;
	v33 =	vmul.f32 v30, v23;
	v0 =	vadd.f32 v29, v0  }
0xcc: {  	v35 =	vld [tilespmem:$0xA10];
	v4 =	vadd.f32 $1.000000010e-10, v24;
	v34 =	vpop (erf)  }
0xcd: {  	v36 =	vld [tilespmem:$0xF80];
	(erf) = vrcp.f32 v3;
	v37 =	vmul.f32 v34, v27;
	v0 =	vadd.f32 v33, v0  }
0xce: {  	v39 =	vld [tilespmem:$0xA20];
	v6 =	vadd.f32 $1.000000010e-10, v28;
	v38 =	vpop (erf)  }
0xcf: {  	v40 =	vld [tilespmem:$0xF90];
	(erf) = vrcp.f32 v4;
	v41 =	vmul.f32 v38, v31;
	v0 =	vadd.f32 v37, v0  }
0xd0: {  	v43 =	vld [tilespmem:$0xA30];
	v2 =	vadd.f32 $1.000000010e-10, v32;
	v42 =	vpop (erf)  }
0xd1: {  	v44 =	vld [tilespmem:$0xFA0];
	(erf) = vrcp.f32 v6;
	v45 =	vmul.f32 v42, v35;
	v0 =	vadd.f32 v41, v0  }
0xd2: {  	v47 =	vld [tilespmem:$0xA40];
	v3 =	vadd.f32 $1.000000010e-10, v36;
	v46 =	vpop (erf)  }
0xd3: {  	v48 =	vld [tilespmem:$0xFB0];
	(erf) = vrcp.f32 v2;
	v49 =	vmul.f32 v46, v39;
	v0 =	vadd.f32 v45, v0  }
0xd4: {  	v51 =	vld [tilespmem:$0xA50];
	v4 =	vadd.f32 $1.000000010e-10, v40;
	v50 =	vpop (erf)  }
0xd5: {  	v52 =	vld [tilespmem:$0xFC0];
	(erf) = vrcp.f32 v3;
	v53 =	vmul.f32 v50, v43;
	v0 =	vadd.f32 v49, v0  }
0xd6: {  	v55 =	vld [tilespmem:$0xA60];
	v6 =	vadd.f32 $1.000000010e-10, v44;
	v54 =	vpop (erf)  }
0xd7: {  	v56 =	vld [tilespmem:$0xFD0];
	(erf) = vrcp.f32 v4;
	v57 =	vmul.f32 v54, v47;
	v0 =	vadd.f32 v53, v0  }
0xd8: {  	v59 =	vld [tilespmem:$0xA70];
	v2 =	vadd.f32 $1.000000010e-10, v48;
	v58 =	vpop (erf)  }
0xd9: {  	v60 =	vld [tilespmem:$0xFE0];
	(erf) = vrcp.f32 v6;
	v61 =	vmul.f32 v58, v51;
	v0 =	vadd.f32 v57, v0  }
0xda: {  	v63 =	vld [tilespmem:$0xA80];
	v3 =	vadd.f32 $1.000000010e-10, v52;
	v62 =	vpop (erf)  }
0xdb: {  	v12 =	vld [tilespmem:$0xFF0];
	(erf) = vrcp.f32 v2;
	v13 =	vmul.f32 v62, v55;
	v0 =	vadd.f32 v61, v0  }
0xdc: {  	v15 =	vld [tilespmem:$0xA90];
	v4 =	vadd.f32 $1.000000010e-10, v56;
	v14 =	vpop (erf)  }
0xdd: {  	v16 =	vld [tilespmem:$0x1000];
	(erf) = vrcp.f32 v3;
	v17 =	vmul.f32 v14, v59;
	v0 =	vadd.f32 v13, v0  }
0xde: {  	v19 =	vld [tilespmem:$0xAA0];
	v6 =	vadd.f32 $1.000000010e-10, v60;
	v18 =	vpop (erf)  }
0xdf: {  	v20 =	vld [tilespmem:$0x1010];
	(erf) = vrcp.f32 v4;
	v21 =	vmul.f32 v18, v63;
	v0 =	vadd.f32 v17, v0  }
0xe0: {  	v23 =	vld [tilespmem:$0xAB0];
	v2 =	vadd.f32 $1.000000010e-10, v12;
	v22 =	vpop (erf)  }
0xe1: {  	v24 =	vld [tilespmem:$0x1020];
	(erf) = vrcp.f32 v6;
	v25 =	vmul.f32 v22, v15;
	v0 =	vadd.f32 v21, v0  }
0xe2: {  	v27 =	vld [tilespmem:$0xAC0];
	v3 =	vadd.f32 $1.000000010e-10, v16;
	v26 =	vpop (erf)  }
0xe3: {  	v28 =	vld [tilespmem:$0x1030];
	(erf) = vrcp.f32 v2;
	v29 =	vmul.f32 v26, v19;
	v0 =	vadd.f32 v25, v0  }
0xe4: {  	v31 =	vld [tilespmem:$0xAD0];
	v4 =	vadd.f32 $1.000000010e-10, v20;
	v30 =	vpop (erf)  }
0xe5: {  	v32 =	vld [tilespmem:$0x1040];
	(erf) = vrcp.f32 v3;
	v33 =	vmul.f32 v30, v23;
	v0 =	vadd.f32 v29, v0  }
0xe6: {  	v35 =	vld [tilespmem:$0xAE0];
	v6 =	vadd.f32 $1.000000010e-10, v24;
	v34 =	vpop (erf)  }
0xe7: {  	v36 =	vld [tilespmem:$0x1050];
	(erf) = vrcp.f32 v4;
	v37 =	vmul.f32 v34, v27;
	v0 =	vadd.f32 v33, v0  }
0xe8: {  	v39 =	vld [tilespmem:$0xAF0];
	v2 =	vadd.f32 $1.000000010e-10, v28;
	v38 =	vpop (erf)  }
0xe9: {  	v40 =	vld [tilespmem:$0x1060];
	(erf) = vrcp.f32 v6;
	v41 =	vmul.f32 v38, v31;
	v0 =	vadd.f32 v37, v0  }
0xea: {  	v43 =	vld [tilespmem:$0xB00];
	v3 =	vadd.f32 $1.000000010e-10, v32;
	v42 =	vpop (erf)  }
0xeb: {  	v44 =	vld [tilespmem:$0x1070];
	(erf) = vrcp.f32 v2;
	v45 =	vmul.f32 v42, v35;
	v0 =	vadd.f32 v41, v0  }
0xec: {  	v47 =	vld [tilespmem:$0xB10];
	v4 =	vadd.f32 $1.000000010e-10, v36;
	v46 =	vpop (erf)  }
0xed: {  	v48 =	vld [tilespmem:$0x1080];
	(erf) = vrcp.f32 v3;
	v49 =	vmul.f32 v46, v39;
	v0 =	vadd.f32 v45, v0  }
0xee: {  	v51 =	vld [tilespmem:$0xB20];
	v6 =	vadd.f32 $1.000000010e-10, v40;
	v50 =	vpop (erf)  }
0xef: {  	v52 =	vld [tilespmem:$0x1090];
	(erf) = vrcp.f32 v4;
	v53 =	vmul.f32 v50, v43;
	v0 =	vadd.f32 v49, v0  }
0xf0: {  	v55 =	vld [tilespmem:$0xB30];
	v2 =	vadd.f32 $1.000000010e-10, v44;
	v54 =	vpop (erf)  }
0xf1: {  	v56 =	vld [tilespmem:$0x10A0];
	(erf) = vrcp.f32 v6;
	v57 =	vmul.f32 v54, v47;
	v0 =	vadd.f32 v53, v0  }
0xf2: {  	v59 =	vld [tilespmem:$0xB40];
	v3 =	vadd.f32 $1.000000010e-10, v48;
	v58 =	vpop (erf)  }
0xf3: {  	v60 =	vld [tilespmem:$0x10B0];
	(erf) = vrcp.f32 v2;
	v61 =	vmul.f32 v58, v51;
	v0 =	vadd.f32 v57, v0  }
0xf4: {  	v63 =	vld [tilespmem:$0xB50];
	v4 =	vadd.f32 $1.000000010e-10, v52;
	v62 =	vpop (erf)  }
0xf5: {  	v12 =	vld [tilespmem:$0x10C0];
	(erf) = vrcp.f32 v3;
	v13 =	vmul.f32 v62, v55;
	v0 =	vadd.f32 v61, v0  }
0xf6: {  	v15 =	vld [tilespmem:$0xB60];
	v6 =	vadd.f32 $1.000000010e-10, v56;
	v14 =	vpop (erf)  }
0xf7: {  	v16 =	vld [tilespmem:$0x10D0];
	(erf) = vrcp.f32 v4;
	v17 =	vmul.f32 v14, v59;
	v0 =	vadd.f32 v13, v0  }
0xf8: {  	v19 =	vld [tilespmem:$0xB70];
	v2 =	vadd.f32 $1.000000010e-10, v60;
	v18 =	vpop (erf)  }
0xf9: {  	v20 =	vld [tilespmem:$0x10E0];
	(erf) = vrcp.f32 v6;
	v21 =	vmul.f32 v18, v63;
	v0 =	vadd.f32 v17, v0  }
0xfa: {  	v23 =	vld [tilespmem:$0xB80];
	v3 =	vadd.f32 $1.000000010e-10, v12;
	v22 =	vpop (erf)  }
0xfb: {  	v24 =	vld [tilespmem:$0x10F0];
	(erf) = vrcp.f32 v2;
	v25 =	vmul.f32 v22, v15;
	v0 =	vadd.f32 v21, v0  }
0xfc: {  	v27 =	vld [tilespmem:$0xB90];
	v4 =	vadd.f32 $1.000000010e-10, v16;
	v26 =	vpop (erf)  }
0xfd: {  	v28 =	vld [tilespmem:$0x1100];
	(erf) = vrcp.f32 v3;
	v29 =	vmul.f32 v26, v19;
	v0 =	vadd.f32 v25, v0  }
0xfe: {  	v31 =	vld [tilespmem:$0xBA0];
	v6 =	vadd.f32 $1.000000010e-10, v20;
	v30 =	vpop (erf)  }
0xff: {  	v32 =	vld [tilespmem:$0x1110];
	(erf) = vrcp.f32 v4;
	v33 =	vmul.f32 v30, v23;
	v0 =	vadd.f32 v29, v0  }
0x100: {  	v35 =	vld [tilespmem:$0xBB0];
	v2 =	vadd.f32 $1.000000010e-10, v24;
	v34 =	vpop (erf)  }
0x101: {  	v36 =	vld [tilespmem:$0x1120];
	(erf) = vrcp.f32 v6;
	v37 =	vmul.f32 v34, v27;
	v0 =	vadd.f32 v33, v0  }
0x102: {  	v39 =	vld [tilespmem:$0xBC0];
	v3 =	vadd.f32 $1.000000010e-10, v28;
	v38 =	vpop (erf)  }
0x103: {  	v40 =	vld [tilespmem:$0x1130];
	(erf) = vrcp.f32 v2;
	v41 =	vmul.f32 v38, v31;
	v0 =	vadd.f32 v37, v0  }
0x104: {  	v43 =	vld [tilespmem:$0xBD0];
	v4 =	vadd.f32 $1.000000010e-10, v32;
	v42 =	vpop (erf)  }
0x105: {  	v44 =	vld [tilespmem:$0x1140];
	(erf) = vrcp.f32 v3;
	v45 =	vmul.f32 v42, v35;
	v0 =	vadd.f32 v41, v0  }
0x106: {  	v47 =	vld [tilespmem:$0xBE0];
	v6 =	vadd.f32 $1.000000010e-10, v36;
	v46 =	vpop (erf)  }
0x107: {  	v48 =	vld [tilespmem:$0x1150];
	(erf) = vrcp.f32 v4;
	v49 =	vmul.f32 v46, v39;
	v0 =	vadd.f32 v45, v0  }
0x108: {  	v51 =	vld [tilespmem:$0xBF0];
	v2 =	vadd.f32 $1.000000010e-10, v40;
	v50 =	vpop (erf)  }
0x109: {  	v52 =	vld [tilespmem:$0x1160];
	(erf) = vrcp.f32 v6;
	v53 =	vmul.f32 v50, v43;
	v0 =	vadd.f32 v49, v0  }
0x10a: {  	v55 =	vld [tilespmem:$0xC00];
	v3 =	vadd.f32 $1.000000010e-10, v44;
	v54 =	vpop (erf)  }
0x10b: {  	v56 =	vld [tilespmem:$0x1170];
	(erf) = vrcp.f32 v2;
	v57 =	vmul.f32 v54, v47;
	v0 =	vadd.f32 v53, v0  }
0x10c: {  	v59 =	vld [tilespmem:$0xC10];
	v4 =	vadd.f32 $1.000000010e-10, v48;
	v58 =	vpop (erf)  }
0x10d: {  	v60 =	vld [tilespmem:$0x1180];
	(erf) = vrcp.f32 v3;
	v61 =	vmul.f32 v58, v51;
	v0 =	vadd.f32 v57, v0  }
0x10e: {  	v63 =	vld [tilespmem:$0xC20];
	v6 =	vadd.f32 $1.000000010e-10, v52;
	v62 =	vpop (erf)  }
0x10f: {  	v12 =	vld [tilespmem:$0x1190];
	(erf) = vrcp.f32 v4;
	v13 =	vmul.f32 v62, v55;
	v0 =	vadd.f32 v61, v0  }
0x110: {  	v15 =	vld [tilespmem:$0xC30];
	v2 =	vadd.f32 $1.000000010e-10, v56;
	v14 =	vpop (erf)  }
0x111: {  	v16 =	vld [tilespmem:$0x11A0];
	(erf) = vrcp.f32 v6;
	v17 =	vmul.f32 v14, v59;
	v0 =	vadd.f32 v13, v0  }
0x112: {  	v19 =	vld [tilespmem:$0xC40];
	v3 =	vadd.f32 $1.000000010e-10, v60;
	v18 =	vpop (erf)  }
0x113: {  	v20 =	vld [tilespmem:$0x11B0];
	(erf) = vrcp.f32 v2;
	v21 =	vmul.f32 v18, v63;
	v0 =	vadd.f32 v17, v0  }
0x114: {  	v23 =	vld [tilespmem:$0xC50];
	v4 =	vadd.f32 $1.000000010e-10, v12;
	v22 =	vpop (erf)  }
0x115: {  	v24 =	vld [tilespmem:$0x11C0];
	(erf) = vrcp.f32 v3;
	v25 =	vmul.f32 v22, v15;
	v0 =	vadd.f32 v21, v0  }
0x116: {  	v27 =	vld [tilespmem:$0xC60];
	v6 =	vadd.f32 $1.000000010e-10, v16;
	v26 =	vpop (erf)  }
0x117: {  	v28 =	vld [tilespmem:$0x11D0];
	(erf) = vrcp.f32 v4;
	v29 =	vmul.f32 v26, v19;
	v0 =	vadd.f32 v25, v0  }
0x118: {  	v31 =	vld [tilespmem:$0xC70];
	v2 =	vadd.f32 $1.000000010e-10, v20;
	v30 =	vpop (erf)  }
0x119: {  	v32 =	vld [tilespmem:$0x11E0];
	(erf) = vrcp.f32 v6;
	v33 =	vmul.f32 v30, v23;
	v0 =	vadd.f32 v29, v0  }
0x11a: {  	v35 =	vld [tilespmem:$0xC80];
	v3 =	vadd.f32 $1.000000010e-10, v24;
	v34 =	vpop (erf)  }
0x11b: {  	v36 =	vld [tilespmem:$0x11F0];
	(erf) = vrcp.f32 v2;
	v37 =	vmul.f32 v34, v27;
	v0 =	vadd.f32 v33, v0  }
0x11c: {  	v39 =	vld [tilespmem:$0xC90];
	v4 =	vadd.f32 $1.000000010e-10, v28;
	v38 =	vpop (erf)  }
0x11d: {  	(erf) = vrcp.f32 v3;
	v40 =	vmul.f32 v38, v31;
	v0 =	vadd.f32 v37, v0  }
0x11e: {  	v42 =	vadd.f32 $1.000000010e-10, v32;
	v43 =	vld [tilespmem:$0xCA0];
	v41 =	vpop (erf)  }
0x11f: {  	(erf) = vrcp.f32 v4;
	v44 =	vmul.f32 v41, v35;
	v0 =	vadd.f32 v40, v0  }
0x120: {  	v46 =	vld [tilespmem:$0xCB0];
	v2 =	vadd.f32 $1.000000010e-10, v36;
	v45 =	vpop (erf)  }
0x121: {  	(erf) = vrcp.f32 v42;
	v47 =	vmul.f32 v45, v39;
	v0 =	vadd.f32 v44, v0  }
0x122: {  	v49 =	vld [tilespmem:$0xCC0];
	v48 =	vpop (erf)  }
0x123: {  	(erf) = vrcp.f32 v2;
	v50 =	vmul.f32 v48, v43;
	v0 =	vadd.f32 v47, v0  }
0x124: {  	v52 =	vld [tilespmem:$0xCD0];
	v51 =	vpop (erf)  }
0x125: {  	v53 =	vmul.f32 v51, v46;
	v0 =	vadd.f32 v50, v0  }
0x126: {  	v55 =	vld [tilespmem:$0xCE0];
	v54 =	vpop (erf)  }
0x127: {  	v56 =	vmul.f32 v54, v49;
	v0 =	vadd.f32 v53, v0  }
0x128: {  	v58 =	vld [tilespmem:$0xCF0];
	v57 =	vpop (erf)  }
0x129: {  	v59 =	vmul.f32 v57, v52;
	v0 =	vadd.f32 v56, v0  }
0x12a: {  	v60 =	vpop (erf)  }
0x12b: {  	v61 =	vmul.f32 v60, v55;
	v0 =	vadd.f32 v59, v0  }
0x12c: {  	v62 =	vpop (erf)  }
0x12d: {  	v63 =	vmul.f32 v62, v58;
	v0 =	vadd.f32 v61, v0  }
0x12e: {  	s1 =	rddreg [dreg:$0xa]  }
0x12f: {  	p1 =	sne.s32 s1, $0x1;
	v0 =	vadd.f32 v63, v0  }
.Ltmp1:
0x130: {  	_ = 	snop;
	(pc) =	sbr.rel @!p1 .LBB2_3-.Ltmp1, $4  }
0x131: {  	[tilespmem:$0x1200] =	vst v0  }
0x132: {  	[hbm4b:s3+s2] =	stream.linear.scatter [tilespmem:s5], [sflag:$0x2], $0x80, $0x38;
	[tilespmem:$0x1280] =	vst v63  }
0x133: {  	p0 =	por $0x1, $0x1;
	_ =	swait.ge [sflag:s4], $0x80  }
0x134: {  	s1 =	sadd.s32 $0xFFFFFFFF, s1;
	s0 =	rddreg [dreg:$0x2];
	[sflag:s4] =	ssyncset.done $0x0  }
.LBB2_2:
0x135: {  	[sflag:s4] =	ssyncadd.s32 $0xFFFFFF80  }
0x136: {  	[tilespmem:s2], [sflag:$0x1] =	stream.linear.gather [hbm4b:s0+s2], $0x80, $0x38;
	[tilespmem:$0x1280] =	vst v63  }
0x137: {  	s5 =	rddreg [dreg:$0x3]  }
0x138: {  	[tilespmem:s8], [sflag:$0x1] =	stream.linear.gather [hbm4b:s5+s2], $0x80, $0x38;
	[tilespmem:$0x1280] =	vst v63  }
0x139: {  	s0 =	rddreg [dreg:$0x4]  }
0x13a: {  	[tilespmem:s9], [sflag:$0x1] =	stream.linear.gather [hbm4b:s0+s2], $0x80, $0x38;
	[tilespmem:$0x1280] =	vst v63  }
0x13b: {  	s5 =	rddreg [dreg:$0x5]  }
0x13c: {  	[tilespmem:s10], [sflag:$0x1] =	stream.linear.gather [hbm4b:s5+s2], $0x80, $0x38;
	[tilespmem:$0x1280] =	vst v63  }
0x13d: {  	s0 =	rddreg [dreg:$0x6]  }
0x13e: {  	[tilespmem:s11], [sflag:$0x1] =	stream.linear.gather [hbm4b:s0+s2], $0x80, $0x38;
	[tilespmem:$0x1280] =	vst v63  }
0x13f: {  	s5 =	rddreg [dreg:$0x7]  }
0x140: {  	[tilespmem:s12], [sflag:$0x1] =	stream.linear.gather [hbm4b:s5+s2], $0x80, $0x38;
	[tilespmem:$0x1280] =	vst v63  }
0x141: {  	s0 =	rddreg [dreg:$0x8]  }
0x142: {  	[tilespmem:s13], [sflag:$0x1] =	stream.linear.gather [hbm4b:s0+s2], $0x80, $0x38;
	[tilespmem:$0x1280] =	vst v63  }
0x143: {  	s5 =	rddreg [dreg:$0x9]  }
0x144: {  	[tilespmem:s14], [sflag:$0x1] =	stream.linear.gather [hbm4b:s5+s2], $0x80, $0x38;
	[tilespmem:$0x1280] =	vst v63  }
0x145: {  	_ = 	snop  }
0x146: {  	[tilespmem:s15], [sflag:$0x1] =	stream.linear.gather [hbm4b:s28+s2], $0x80, $0x38;
	[tilespmem:$0x1280] =	vst v63  }
0x147: {  	_ = 	snop  }
0x148: {  	[tilespmem:s16], [sflag:$0x1] =	stream.linear.gather [hbm4b:s29+s2], $0x80, $0x38;
	[tilespmem:$0x1280] =	vst v63  }
0x149: {  	_ = 	snop  }
0x14a: {  	[tilespmem:s31], [sflag:$0x1] =	stream.linear.gather [hbm4b:s30+s2], $0x500, $0x38;
	[tilespmem:$0x1280] =	vst v63  }
0x14b: {  	_ =	swait.ge [sflag:s7], $0x80  }
0x14c: {  	[sflag:s7] =	ssyncset.done $0x0  }
0x14d: {  	[sflag:s7] =	ssyncadd.s32 $0xFFFFFF80  }
0x14e: {  	_ =	swait.ge [sflag:s7], $0x80  }
0x14f: {  	[sflag:s7] =	ssyncset.done $0x0  }
0x150: {  	[sflag:s7] =	ssyncadd.s32 $0xFFFFFF80  }
0x151: {  	_ =	swait.ge [sflag:s7], $0x80  }
0x152: {  	[sflag:s7] =	ssyncset.done $0x0  }
0x153: {  	[sflag:s7] =	ssyncadd.s32 $0xFFFFFF80  }
0x154: {  	_ =	swait.ge [sflag:s7], $0x80  }
0x155: {  	[sflag:s7] =	ssyncset.done $0x0  }
0x156: {  	[sflag:s7] =	ssyncadd.s32 $0xFFFFFF80  }
0x157: {  	_ =	swait.ge [sflag:s7], $0x80  }
0x158: {  	[sflag:s7] =	ssyncset.done $0x0  }
0x159: {  	[sflag:s7] =	ssyncadd.s32 $0xFFFFFF80  }
0x15a: {  	_ =	swait.ge [sflag:s7], $0x80  }
0x15b: {  	[sflag:s7] =	ssyncset.done $0x0  }
0x15c: {  	[sflag:s7] =	ssyncadd.s32 $0xFFFFFF80  }
0x15d: {  	_ =	swait.ge [sflag:s7], $0x80  }
0x15e: {  	[sflag:s7] =	ssyncset.done $0x0  }
0x15f: {  	[sflag:s7] =	ssyncadd.s32 $0xFFFFFF80  }
0x160: {  	_ =	swait.ge [sflag:s7], $0x80  }
0x161: {  	[sflag:s7] =	ssyncset.done $0x0  }
0x162: {  	[sflag:s7] =	ssyncadd.s32 $0xFFFFFF80  }
0x163: {  	_ =	swait.ge [sflag:s7], $0x80  }
0x164: {  	[sflag:s7] =	ssyncset.done $0x0  }
0x165: {  	[sflag:s7] =	ssyncadd.s32 $0xFFFFFF80  }
0x166: {  	_ =	swait.ge [sflag:s7], $0x80  }
0x167: {  	[sflag:s7] =	ssyncset.done $0x0  }
0x168: {  	[sflag:s7] =	ssyncadd.s32 $0xFFFFFF80  }
0x169: {  	_ =	swait.ge [sflag:s7], $0x500  }
0x16a: {  	[sflag:s7] =	ssyncset.done $0x0  }
0x16b: {  	[sflag:s7] =	ssyncadd.s32 $0xFFFFFB00  }
0x16c: {  	[tilespmem:s17], [sflag:$0x1] =	stream.indirect.gather [hbm4b:s6+s8], $0x1, s2, s8, $0xb8;
	[tilespmem:$0x1280] =	vst v63  }
0x16d: {  	_ = 	snop  }
0x16e: {  	[tilespmem:s18], [sflag:$0x1] =	stream.indirect.gather [hbm4b:s6+s8], $0x1, s8, s8, $0xb8;
	[tilespmem:$0x1280] =	vst v63  }
0x16f: {  	_ = 	snop  }
0x170: {  	[tilespmem:s19], [sflag:$0x1] =	stream.indirect.gather [hbm4b:s6+s8], $0x1, s9, s8, $0xb8;
	[tilespmem:$0x1280] =	vst v63  }
0x171: {  	_ = 	snop  }
0x172: {  	[tilespmem:s20], [sflag:$0x1] =	stream.indirect.gather [hbm4b:s6+s8], $0x1, s10, s8, $0xb8;
	[tilespmem:$0x1280] =	vst v63  }
0x173: {  	_ = 	snop  }
0x174: {  	[tilespmem:s21], [sflag:$0x1] =	stream.indirect.gather [hbm4b:s6+s8], $0x1, s11, s8, $0xb8;
	[tilespmem:$0x1280] =	vst v63  }
0x175: {  	_ = 	snop  }
0x176: {  	[tilespmem:s22], [sflag:$0x1] =	stream.indirect.gather [hbm4b:s6+s8], $0x1, s12, s8, $0xb8;
	[tilespmem:$0x1280] =	vst v63  }
0x177: {  	_ = 	snop  }
0x178: {  	[tilespmem:s23], [sflag:$0x1] =	stream.indirect.gather [hbm4b:s6+s8], $0x1, s13, s8, $0xb8;
	[tilespmem:$0x1280] =	vst v63  }
0x179: {  	_ = 	snop  }
0x17a: {  	[tilespmem:s24], [sflag:$0x1] =	stream.indirect.gather [hbm4b:s6+s8], $0x1, s14, s8, $0xb8;
	[tilespmem:$0x1280] =	vst v63  }
0x17b: {  	_ = 	snop  }
0x17c: {  	[tilespmem:s25], [sflag:$0x1] =	stream.indirect.gather [hbm4b:s6+s8], $0x1, s15, s8, $0xb8;
	[tilespmem:$0x1280] =	vst v63  }
0x17d: {  	_ = 	snop  }
0x17e: {  	[tilespmem:s26], [sflag:$0x1] =	stream.indirect.gather [hbm4b:s6+s8], $0x1, s16, s8, $0xb8;
	[tilespmem:$0x1280] =	vst v63  }
0x17f: {  	_ =	swait.ge [sflag:s7], $0x80  }
0x180: {  	[sflag:s7] =	ssyncset.done $0x0  }
0x181: {  	[sflag:s7] =	ssyncadd.s32 $0xFFFFFF80  }
0x182: {  	_ =	swait.ge [sflag:s7], $0x80  }
0x183: {  	[sflag:s7] =	ssyncset.done $0x0  }
0x184: {  	[sflag:s7] =	ssyncadd.s32 $0xFFFFFF80  }
0x185: {  	_ =	swait.ge [sflag:s7], $0x80  }
0x186: {  	[sflag:s7] =	ssyncset.done $0x0  }
0x187: {  	[sflag:s7] =	ssyncadd.s32 $0xFFFFFF80  }
0x188: {  	_ =	swait.ge [sflag:s7], $0x80  }
0x189: {  	[sflag:s7] =	ssyncset.done $0x0  }
0x18a: {  	[sflag:s7] =	ssyncadd.s32 $0xFFFFFF80  }
0x18b: {  	_ =	swait.ge [sflag:s7], $0x80  }
0x18c: {  	[sflag:s7] =	ssyncset.done $0x0  }
0x18d: {  	[sflag:s7] =	ssyncadd.s32 $0xFFFFFF80  }
0x18e: {  	_ =	swait.ge [sflag:s7], $0x80  }
0x18f: {  	[sflag:s7] =	ssyncset.done $0x0  }
0x190: {  	[sflag:s7] =	ssyncadd.s32 $0xFFFFFF80  }
0x191: {  	_ =	swait.ge [sflag:s7], $0x80  }
0x192: {  	[sflag:s7] =	ssyncset.done $0x0  }
0x193: {  	[sflag:s7] =	ssyncadd.s32 $0xFFFFFF80  }
0x194: {  	_ =	swait.ge [sflag:s7], $0x80  }
0x195: {  	[sflag:s7] =	ssyncset.done $0x0  }
0x196: {  	[sflag:s7] =	ssyncadd.s32 $0xFFFFFF80  }
0x197: {  	_ =	swait.ge [sflag:s7], $0x80  }
0x198: {  	[sflag:s7] =	ssyncset.done $0x0  }
0x199: {  	[sflag:s7] =	ssyncadd.s32 $0xFFFFFF80  }
0x19a: {  	_ =	swait.ge [sflag:s7], $0x80  }
0x19b: {  	[sflag:s7] =	ssyncset.done $0x0  }
0x19c: {  	[sflag:s7] =	ssyncadd.s32 $0xFFFFFF80  }
0x19d: {  	v0 =	vld [tilespmem:$0xD00];
	_ =	sdelay $0x1  }
0x19e: {  	v1 =	vld [tilespmem:$0xD10];
	_ =	sdelay $0x1  }
0x19f: {  	v2 =	vld [tilespmem:$0xD20]  }
0x1a0: {  	v0 =	vadd.f32 $1.000000010e-10, v0  }
0x1a1: {  	v3 =	vld [tilespmem:$0xD30]  }
0x1a2: {  	v1 =	vadd.f32 $1.000000010e-10, v1;
	(erf) = vrcp.f32 v0  }
0x1a3: {  	v4 =	vld [tilespmem:$0xD40]  }
0x1a4: {  	v2 =	vadd.f32 $1.000000010e-10, v2;
	(erf) = vrcp.f32 v1  }
0x1a5: {  	v5 =	vld [tilespmem:$0xD50]  }
0x1a6: {  	v6 =	vld [tilespmem:$0xD60];
	v35 =	vadd.f32 $1.000000010e-10, v3;
	(erf) = vrcp.f32 v2  }
0x1a7: {  	v43 =	vld [tilespmem:$0x800]  }
0x1a8: {  	v7 =	vld [tilespmem:$0xD70];
	v37 =	vadd.f32 $1.000000010e-10, v4;
	(erf) = vrcp.f32 v35  }
0x1a9: {  	v46 =	vld [tilespmem:$0x810]  }
0x1aa: {  	v36 =	vld [tilespmem:$0xD80];
	v39 =	vadd.f32 $1.000000010e-10, v5;
	(erf) = vrcp.f32 v37  }
0x1ab: {  	v48 =	vld [tilespmem:$0x820];
	v8 =	vpop (erf)  }
0x1ac: {  	v38 =	vld [tilespmem:$0xD90];
	v41 =	vadd.f32 $1.000000010e-10, v6;
	(erf) = vrcp.f32 v39;
	v1 =	vmul.f32 v8, v43  }
0x1ad: {  	v51 =	vld [tilespmem:$0x830];
	v7 =	vadd.f32 $1.000000010e-10, v7;
	v50 =	vpop (erf)  }
0x1ae: {  	v40 =	vld [tilespmem:$0xDA0];
	(erf) = vrcp.f32 v41;
	v0 =	vmul.f32 v50, v46;
	v1 =	vadd.f32 $0.0e+00, v1  }
0x1af: {  	v10 =	vld [tilespmem:$0x840];
	v44 =	vadd.f32 $1.000000010e-10, v36;
	v9 =	vpop (erf)  }
0x1b0: {  	v42 =	vld [tilespmem:$0xDB0];
	(erf) = vrcp.f32 v7;
	v54 =	vmul.f32 v9, v48;
	v0 =	vadd.f32 v0, v1  }
0x1b1: {  	v57 =	vld [tilespmem:$0x850];
	v4 =	vadd.f32 $1.000000010e-10, v38;
	v53 =	vpop (erf)  }
0x1b2: {  	v45 =	vld [tilespmem:$0xDC0];
	(erf) = vrcp.f32 v44;
	v59 =	vmul.f32 v53, v51;
	v0 =	vadd.f32 v54, v0  }
0x1b3: {  	v62 =	vld [tilespmem:$0x860];
	v5 =	vadd.f32 $1.000000010e-10, v40;
	v11 =	vpop (erf)  }
0x1b4: {  	v47 =	vld [tilespmem:$0xDD0];
	(erf) = vrcp.f32 v4;
	v16 =	vmul.f32 v11, v10;
	v0 =	vadd.f32 v59, v0  }
0x1b5: {  	v19 =	vld [tilespmem:$0x870];
	v6 =	vadd.f32 $1.000000010e-10, v42;
	v56 =	vpop (erf)  }
0x1b6: {  	v49 =	vld [tilespmem:$0xDE0];
	(erf) = vrcp.f32 v5;
	v20 =	vmul.f32 v56, v57;
	v0 =	vadd.f32 v16, v0  }
0x1b7: {  	v23 =	vld [tilespmem:$0x880];
	v12 =	vadd.f32 $1.000000010e-10, v45;
	v58 =	vpop (erf)  }
0x1b8: {  	v52 =	vld [tilespmem:$0xDF0];
	(erf) = vrcp.f32 v6;
	v24 =	vmul.f32 v58, v62;
	v0 =	vadd.f32 v20, v0  }
0x1b9: {  	v27 =	vld [tilespmem:$0x890];
	v13 =	vadd.f32 $1.000000010e-10, v47;
	v61 =	vpop (erf)  }
0x1ba: {  	v55 =	vld [tilespmem:$0xE00];
	(erf) = vrcp.f32 v12;
	v28 =	vmul.f32 v61, v19;
	v0 =	vadd.f32 v24, v0  }
0x1bb: {  	v31 =	vld [tilespmem:$0x8A0];
	v4 =	vadd.f32 $1.000000010e-10, v49;
	v63 =	vpop (erf)  }
0x1bc: {  	v60 =	vld [tilespmem:$0xE10];
	(erf) = vrcp.f32 v13;
	v32 =	vmul.f32 v63, v23;
	v0 =	vadd.f32 v28, v0  }
0x1bd: {  	v15 =	vadd.f32 $1.000000010e-10, v52;
	v35 =	vld [tilespmem:$0x8B0];
	v18 =	vpop (erf)  }
0x1be: {  	v17 =	vld [tilespmem:$0xE20];
	(erf) = vrcp.f32 v4;
	v36 =	vmul.f32 v18, v27;
	v0 =	vadd.f32 v32, v0  }
0x1bf: {  	v2 =	vadd.f32 $1.000000010e-10, v55;
	v39 =	vld [tilespmem:$0x8C0];
	v14 =	vpop (erf)  }
0x1c0: {  	v21 =	vld [tilespmem:$0xE30];
	(erf) = vrcp.f32 v15;
	v40 =	vmul.f32 v14, v31;
	v0 =	vadd.f32 v36, v0  }
0x1c1: {  	v5 =	vadd.f32 $1.000000010e-10, v60;
	v43 =	vld [tilespmem:$0x8D0];
	v22 =	vpop (erf)  }
0x1c2: {  	v25 =	vld [tilespmem:$0xE40];
	(erf) = vrcp.f32 v2;
	v44 =	vmul.f32 v22, v35;
	v0 =	vadd.f32 v40, v0  }
0x1c3: {  	v47 =	vld [tilespmem:$0x8E0];
	v4 =	vadd.f32 $1.000000010e-10, v17;
	v26 =	vpop (erf)  }
0x1c4: {  	v29 =	vld [tilespmem:$0xE50];
	(erf) = vrcp.f32 v5;
	v48 =	vmul.f32 v26, v39;
	v0 =	vadd.f32 v44, v0  }
0x1c5: {  	v3 =	vadd.f32 $1.000000010e-10, v21;
	v51 =	vld [tilespmem:$0x8F0];
	v30 =	vpop (erf)  }
0x1c6: {  	v33 =	vld [tilespmem:$0xE60];
	(erf) = vrcp.f32 v4;
	v52 =	vmul.f32 v30, v43;
	v0 =	vadd.f32 v48, v0  }
0x1c7: {  	v55 =	vld [tilespmem:$0x900];
	v2 =	vadd.f32 $1.000000010e-10, v25;
	v34 =	vpop (erf)  }
0x1c8: {  	v37 =	vld [tilespmem:$0xE70];
	(erf) = vrcp.f32 v3;
	v56 =	vmul.f32 v34, v47;
	v0 =	vadd.f32 v52, v0  }
0x1c9: {  	v59 =	vld [tilespmem:$0x910];
	v5 =	vadd.f32 $1.000000010e-10, v29;
	v38 =	vpop (erf)  }
0x1ca: {  	v41 =	vld [tilespmem:$0xE80];
	(erf) = vrcp.f32 v2;
	v60 =	vmul.f32 v38, v51;
	v0 =	vadd.f32 v56, v0  }
0x1cb: {  	v63 =	vld [tilespmem:$0x920];
	v4 =	vadd.f32 $1.000000010e-10, v33;
	v42 =	vpop (erf)  }
0x1cc: {  	v45 =	vld [tilespmem:$0xE90];
	(erf) = vrcp.f32 v5;
	v16 =	vmul.f32 v42, v55;
	v0 =	vadd.f32 v60, v0  }
0x1cd: {  	v19 =	vld [tilespmem:$0x930];
	v3 =	vadd.f32 $1.000000010e-10, v37;
	v46 =	vpop (erf)  }
0x1ce: {  	v49 =	vld [tilespmem:$0xEA0];
	(erf) = vrcp.f32 v4;
	v20 =	vmul.f32 v46, v59;
	v0 =	vadd.f32 v16, v0  }
0x1cf: {  	v23 =	vld [tilespmem:$0x940];
	v2 =	vadd.f32 $1.000000010e-10, v41;
	v50 =	vpop (erf)  }
0x1d0: {  	v53 =	vld [tilespmem:$0xEB0];
	(erf) = vrcp.f32 v3;
	v24 =	vmul.f32 v50, v63;
	v0 =	vadd.f32 v20, v0  }
0x1d1: {  	v27 =	vld [tilespmem:$0x950];
	v5 =	vadd.f32 $1.000000010e-10, v45;
	v54 =	vpop (erf)  }
0x1d2: {  	v57 =	vld [tilespmem:$0xEC0];
	(erf) = vrcp.f32 v2;
	v28 =	vmul.f32 v54, v19;
	v0 =	vadd.f32 v24, v0  }
0x1d3: {  	v31 =	vld [tilespmem:$0x960];
	v4 =	vadd.f32 $1.000000010e-10, v49;
	v58 =	vpop (erf)  }
0x1d4: {  	v61 =	vld [tilespmem:$0xED0];
	(erf) = vrcp.f32 v5;
	v32 =	vmul.f32 v58, v23;
	v0 =	vadd.f32 v28, v0  }
0x1d5: {  	v35 =	vld [tilespmem:$0x970];
	v3 =	vadd.f32 $1.000000010e-10, v53;
	v62 =	vpop (erf)  }
0x1d6: {  	v17 =	vld [tilespmem:$0xEE0];
	(erf) = vrcp.f32 v4;
	v36 =	vmul.f32 v62, v27;
	v0 =	vadd.f32 v32, v0  }
0x1d7: {  	v39 =	vld [tilespmem:$0x980];
	v2 =	vadd.f32 $1.000000010e-10, v57;
	v18 =	vpop (erf)  }
0x1d8: {  	v21 =	vld [tilespmem:$0xEF0];
	(erf) = vrcp.f32 v3;
	v40 =	vmul.f32 v18, v31;
	v0 =	vadd.f32 v36, v0  }
0x1d9: {  	v43 =	vld [tilespmem:$0x990];
	v5 =	vadd.f32 $1.000000010e-10, v61;
	v22 =	vpop (erf)  }
0x1da: {  	v25 =	vld [tilespmem:$0xF00];
	(erf) = vrcp.f32 v2;
	v44 =	vmul.f32 v22, v35;
	v0 =	vadd.f32 v40, v0  }
0x1db: {  	v47 =	vld [tilespmem:$0x9A0];
	v4 =	vadd.f32 $1.000000010e-10, v17;
	v26 =	vpop (erf)  }
0x1dc: {  	v29 =	vld [tilespmem:$0xF10];
	(erf) = vrcp.f32 v5;
	v48 =	vmul.f32 v26, v39;
	v0 =	vadd.f32 v44, v0  }
0x1dd: {  	v51 =	vld [tilespmem:$0x9B0];
	v3 =	vadd.f32 $1.000000010e-10, v21;
	v30 =	vpop (erf)  }
0x1de: {  	v33 =	vld [tilespmem:$0xF20];
	(erf) = vrcp.f32 v4;
	v52 =	vmul.f32 v30, v43;
	v0 =	vadd.f32 v48, v0  }
0x1df: {  	v55 =	vld [tilespmem:$0x9C0];
	v2 =	vadd.f32 $1.000000010e-10, v25;
	v34 =	vpop (erf)  }
0x1e0: {  	v37 =	vld [tilespmem:$0xF30];
	(erf) = vrcp.f32 v3;
	v56 =	vmul.f32 v34, v47;
	v0 =	vadd.f32 v52, v0  }
0x1e1: {  	v59 =	vld [tilespmem:$0x9D0];
	v5 =	vadd.f32 $1.000000010e-10, v29;
	v38 =	vpop (erf)  }
0x1e2: {  	v41 =	vld [tilespmem:$0xF40];
	(erf) = vrcp.f32 v2;
	v60 =	vmul.f32 v38, v51;
	v0 =	vadd.f32 v56, v0  }
0x1e3: {  	v63 =	vld [tilespmem:$0x9E0];
	v4 =	vadd.f32 $1.000000010e-10, v33;
	v42 =	vpop (erf)  }
0x1e4: {  	v45 =	vld [tilespmem:$0xF50];
	(erf) = vrcp.f32 v5;
	v16 =	vmul.f32 v42, v55;
	v0 =	vadd.f32 v60, v0  }
0x1e5: {  	v19 =	vld [tilespmem:$0x9F0];
	v3 =	vadd.f32 $1.000000010e-10, v37;
	v46 =	vpop (erf)  }
0x1e6: {  	v49 =	vld [tilespmem:$0xF60];
	(erf) = vrcp.f32 v4;
	v20 =	vmul.f32 v46, v59;
	v0 =	vadd.f32 v16, v0  }
0x1e7: {  	v23 =	vld [tilespmem:$0xA00];
	v2 =	vadd.f32 $1.000000010e-10, v41;
	v50 =	vpop (erf)  }
0x1e8: {  	v53 =	vld [tilespmem:$0xF70];
	(erf) = vrcp.f32 v3;
	v24 =	vmul.f32 v50, v63;
	v0 =	vadd.f32 v20, v0  }
0x1e9: {  	v27 =	vld [tilespmem:$0xA10];
	v5 =	vadd.f32 $1.000000010e-10, v45;
	v54 =	vpop (erf)  }
0x1ea: {  	v57 =	vld [tilespmem:$0xF80];
	(erf) = vrcp.f32 v2;
	v28 =	vmul.f32 v54, v19;
	v0 =	vadd.f32 v24, v0  }
0x1eb: {  	v31 =	vld [tilespmem:$0xA20];
	v4 =	vadd.f32 $1.000000010e-10, v49;
	v58 =	vpop (erf)  }
0x1ec: {  	v61 =	vld [tilespmem:$0xF90];
	(erf) = vrcp.f32 v5;
	v32 =	vmul.f32 v58, v23;
	v0 =	vadd.f32 v28, v0  }
0x1ed: {  	v35 =	vld [tilespmem:$0xA30];
	v3 =	vadd.f32 $1.000000010e-10, v53;
	v62 =	vpop (erf)  }
0x1ee: {  	v17 =	vld [tilespmem:$0xFA0];
	(erf) = vrcp.f32 v4;
	v36 =	vmul.f32 v62, v27;
	v0 =	vadd.f32 v32, v0  }
0x1ef: {  	v39 =	vld [tilespmem:$0xA40];
	v2 =	vadd.f32 $1.000000010e-10, v57;
	v18 =	vpop (erf)  }
0x1f0: {  	v21 =	vld [tilespmem:$0xFB0];
	(erf) = vrcp.f32 v3;
	v40 =	vmul.f32 v18, v31;
	v0 =	vadd.f32 v36, v0  }
0x1f1: {  	v43 =	vld [tilespmem:$0xA50];
	v5 =	vadd.f32 $1.000000010e-10, v61;
	v22 =	vpop (erf)  }
0x1f2: {  	v25 =	vld [tilespmem:$0xFC0];
	(erf) = vrcp.f32 v2;
	v44 =	vmul.f32 v22, v35;
	v0 =	vadd.f32 v40, v0  }
0x1f3: {  	v47 =	vld [tilespmem:$0xA60];
	v4 =	vadd.f32 $1.000000010e-10, v17;
	v26 =	vpop (erf)  }
0x1f4: {  	v29 =	vld [tilespmem:$0xFD0];
	(erf) = vrcp.f32 v5;
	v48 =	vmul.f32 v26, v39;
	v0 =	vadd.f32 v44, v0  }
0x1f5: {  	v51 =	vld [tilespmem:$0xA70];
	v3 =	vadd.f32 $1.000000010e-10, v21;
	v30 =	vpop (erf)  }
0x1f6: {  	v33 =	vld [tilespmem:$0xFE0];
	(erf) = vrcp.f32 v4;
	v52 =	vmul.f32 v30, v43;
	v0 =	vadd.f32 v48, v0  }
0x1f7: {  	v55 =	vld [tilespmem:$0xA80];
	v2 =	vadd.f32 $1.000000010e-10, v25;
	v34 =	vpop (erf)  }
0x1f8: {  	v37 =	vld [tilespmem:$0xFF0];
	(erf) = vrcp.f32 v3;
	v56 =	vmul.f32 v34, v47;
	v0 =	vadd.f32 v52, v0  }
0x1f9: {  	v59 =	vld [tilespmem:$0xA90];
	v5 =	vadd.f32 $1.000000010e-10, v29;
	v38 =	vpop (erf)  }
0x1fa: {  	v41 =	vld [tilespmem:$0x1000];
	(erf) = vrcp.f32 v2;
	v60 =	vmul.f32 v38, v51;
	v0 =	vadd.f32 v56, v0  }
0x1fb: {  	v63 =	vld [tilespmem:$0xAA0];
	v4 =	vadd.f32 $1.000000010e-10, v33;
	v42 =	vpop (erf)  }
0x1fc: {  	v45 =	vld [tilespmem:$0x1010];
	(erf) = vrcp.f32 v5;
	v16 =	vmul.f32 v42, v55;
	v0 =	vadd.f32 v60, v0  }
0x1fd: {  	v19 =	vld [tilespmem:$0xAB0];
	v3 =	vadd.f32 $1.000000010e-10, v37;
	v46 =	vpop (erf)  }
0x1fe: {  	v49 =	vld [tilespmem:$0x1020];
	(erf) = vrcp.f32 v4;
	v20 =	vmul.f32 v46, v59;
	v0 =	vadd.f32 v16, v0  }
0x1ff: {  	v23 =	vld [tilespmem:$0xAC0];
	v2 =	vadd.f32 $1.000000010e-10, v41;
	v50 =	vpop (erf)  }
0x200: {  	v53 =	vld [tilespmem:$0x1030];
	(erf) = vrcp.f32 v3;
	v24 =	vmul.f32 v50, v63;
	v0 =	vadd.f32 v20, v0  }
0x201: {  	v27 =	vld [tilespmem:$0xAD0];
	v5 =	vadd.f32 $1.000000010e-10, v45;
	v54 =	vpop (erf)  }
0x202: {  	v57 =	vld [tilespmem:$0x1040];
	(erf) = vrcp.f32 v2;
	v28 =	vmul.f32 v54, v19;
	v0 =	vadd.f32 v24, v0  }
0x203: {  	v31 =	vld [tilespmem:$0xAE0];
	v4 =	vadd.f32 $1.000000010e-10, v49;
	v58 =	vpop (erf)  }
0x204: {  	v61 =	vld [tilespmem:$0x1050];
	(erf) = vrcp.f32 v5;
	v32 =	vmul.f32 v58, v23;
	v0 =	vadd.f32 v28, v0  }
0x205: {  	v35 =	vld [tilespmem:$0xAF0];
	v3 =	vadd.f32 $1.000000010e-10, v53;
	v62 =	vpop (erf)  }
0x206: {  	v17 =	vld [tilespmem:$0x1060];
	(erf) = vrcp.f32 v4;
	v36 =	vmul.f32 v62, v27;
	v0 =	vadd.f32 v32, v0  }
0x207: {  	v39 =	vld [tilespmem:$0xB00];
	v2 =	vadd.f32 $1.000000010e-10, v57;
	v18 =	vpop (erf)  }
0x208: {  	v21 =	vld [tilespmem:$0x1070];
	(erf) = vrcp.f32 v3;
	v40 =	vmul.f32 v18, v31;
	v0 =	vadd.f32 v36, v0  }
0x209: {  	v43 =	vld [tilespmem:$0xB10];
	v5 =	vadd.f32 $1.000000010e-10, v61;
	v22 =	vpop (erf)  }
0x20a: {  	v25 =	vld [tilespmem:$0x1080];
	(erf) = vrcp.f32 v2;
	v44 =	vmul.f32 v22, v35;
	v0 =	vadd.f32 v40, v0  }
0x20b: {  	v47 =	vld [tilespmem:$0xB20];
	v4 =	vadd.f32 $1.000000010e-10, v17;
	v26 =	vpop (erf)  }
0x20c: {  	v29 =	vld [tilespmem:$0x1090];
	(erf) = vrcp.f32 v5;
	v48 =	vmul.f32 v26, v39;
	v0 =	vadd.f32 v44, v0  }
0x20d: {  	v51 =	vld [tilespmem:$0xB30];
	v3 =	vadd.f32 $1.000000010e-10, v21;
	v30 =	vpop (erf)  }
0x20e: {  	v33 =	vld [tilespmem:$0x10A0];
	(erf) = vrcp.f32 v4;
	v52 =	vmul.f32 v30, v43;
	v0 =	vadd.f32 v48, v0  }
0x20f: {  	v55 =	vld [tilespmem:$0xB40];
	v2 =	vadd.f32 $1.000000010e-10, v25;
	v34 =	vpop (erf)  }
0x210: {  	v37 =	vld [tilespmem:$0x10B0];
	(erf) = vrcp.f32 v3;
	v56 =	vmul.f32 v34, v47;
	v0 =	vadd.f32 v52, v0  }
0x211: {  	v59 =	vld [tilespmem:$0xB50];
	v5 =	vadd.f32 $1.000000010e-10, v29;
	v38 =	vpop (erf)  }
0x212: {  	v41 =	vld [tilespmem:$0x10C0];
	(erf) = vrcp.f32 v2;
	v60 =	vmul.f32 v38, v51;
	v0 =	vadd.f32 v56, v0  }
0x213: {  	v63 =	vld [tilespmem:$0xB60];
	v4 =	vadd.f32 $1.000000010e-10, v33;
	v42 =	vpop (erf)  }
0x214: {  	v45 =	vld [tilespmem:$0x10D0];
	(erf) = vrcp.f32 v5;
	v16 =	vmul.f32 v42, v55;
	v0 =	vadd.f32 v60, v0  }
0x215: {  	v19 =	vld [tilespmem:$0xB70];
	v3 =	vadd.f32 $1.000000010e-10, v37;
	v46 =	vpop (erf)  }
0x216: {  	v49 =	vld [tilespmem:$0x10E0];
	(erf) = vrcp.f32 v4;
	v20 =	vmul.f32 v46, v59;
	v0 =	vadd.f32 v16, v0  }
0x217: {  	v23 =	vld [tilespmem:$0xB80];
	v2 =	vadd.f32 $1.000000010e-10, v41;
	v50 =	vpop (erf)  }
0x218: {  	v53 =	vld [tilespmem:$0x10F0];
	(erf) = vrcp.f32 v3;
	v24 =	vmul.f32 v50, v63;
	v0 =	vadd.f32 v20, v0  }
0x219: {  	v27 =	vld [tilespmem:$0xB90];
	v5 =	vadd.f32 $1.000000010e-10, v45;
	v54 =	vpop (erf)  }
0x21a: {  	v57 =	vld [tilespmem:$0x1100];
	(erf) = vrcp.f32 v2;
	v28 =	vmul.f32 v54, v19;
	v0 =	vadd.f32 v24, v0  }
0x21b: {  	v31 =	vld [tilespmem:$0xBA0];
	v4 =	vadd.f32 $1.000000010e-10, v49;
	v58 =	vpop (erf)  }
0x21c: {  	v61 =	vld [tilespmem:$0x1110];
	(erf) = vrcp.f32 v5;
	v32 =	vmul.f32 v58, v23;
	v0 =	vadd.f32 v28, v0  }
0x21d: {  	v35 =	vld [tilespmem:$0xBB0];
	v3 =	vadd.f32 $1.000000010e-10, v53;
	v62 =	vpop (erf)  }
0x21e: {  	v17 =	vld [tilespmem:$0x1120];
	(erf) = vrcp.f32 v4;
	v36 =	vmul.f32 v62, v27;
	v0 =	vadd.f32 v32, v0  }
0x21f: {  	v39 =	vld [tilespmem:$0xBC0];
	v2 =	vadd.f32 $1.000000010e-10, v57;
	v18 =	vpop (erf)  }
0x220: {  	v21 =	vld [tilespmem:$0x1130];
	(erf) = vrcp.f32 v3;
	v40 =	vmul.f32 v18, v31;
	v0 =	vadd.f32 v36, v0  }
0x221: {  	v43 =	vld [tilespmem:$0xBD0];
	v5 =	vadd.f32 $1.000000010e-10, v61;
	v22 =	vpop (erf)  }
0x222: {  	v25 =	vld [tilespmem:$0x1140];
	(erf) = vrcp.f32 v2;
	v44 =	vmul.f32 v22, v35;
	v0 =	vadd.f32 v40, v0  }
0x223: {  	v47 =	vld [tilespmem:$0xBE0];
	v4 =	vadd.f32 $1.000000010e-10, v17;
	v26 =	vpop (erf)  }
0x224: {  	v29 =	vld [tilespmem:$0x1150];
	(erf) = vrcp.f32 v5;
	v48 =	vmul.f32 v26, v39;
	v0 =	vadd.f32 v44, v0  }
0x225: {  	v51 =	vld [tilespmem:$0xBF0];
	v3 =	vadd.f32 $1.000000010e-10, v21;
	v30 =	vpop (erf)  }
0x226: {  	v33 =	vld [tilespmem:$0x1160];
	(erf) = vrcp.f32 v4;
	v52 =	vmul.f32 v30, v43;
	v0 =	vadd.f32 v48, v0  }
0x227: {  	v55 =	vld [tilespmem:$0xC00];
	v2 =	vadd.f32 $1.000000010e-10, v25;
	v34 =	vpop (erf)  }
0x228: {  	v37 =	vld [tilespmem:$0x1170];
	(erf) = vrcp.f32 v3;
	v56 =	vmul.f32 v34, v47;
	v0 =	vadd.f32 v52, v0  }
0x229: {  	v59 =	vld [tilespmem:$0xC10];
	v5 =	vadd.f32 $1.000000010e-10, v29;
	v38 =	vpop (erf)  }
0x22a: {  	v41 =	vld [tilespmem:$0x1180];
	(erf) = vrcp.f32 v2;
	v60 =	vmul.f32 v38, v51;
	v0 =	vadd.f32 v56, v0  }
0x22b: {  	v63 =	vld [tilespmem:$0xC20];
	v4 =	vadd.f32 $1.000000010e-10, v33;
	v42 =	vpop (erf)  }
0x22c: {  	v45 =	vld [tilespmem:$0x1190];
	(erf) = vrcp.f32 v5;
	v20 =	vmul.f32 v42, v55;
	v0 =	vadd.f32 v60, v0  }
0x22d: {  	v23 =	vld [tilespmem:$0xC30];
	v3 =	vadd.f32 $1.000000010e-10, v37;
	v46 =	vpop (erf)  }
0x22e: {  	v49 =	vld [tilespmem:$0x11A0];
	(erf) = vrcp.f32 v4;
	v25 =	vmul.f32 v46, v59;
	v0 =	vadd.f32 v20, v0  }
0x22f: {  	v2 =	vadd.f32 $1.000000010e-10, v41;
	v50 =	vpop (erf);
	v28 =	vld [tilespmem:$0xC40]  }
0x230: {  	v53 =	vld [tilespmem:$0x11B0];
	(erf) = vrcp.f32 v3;
	v29 =	vmul.f32 v50, v63;
	v0 =	vadd.f32 v25, v0  }
0x231: {  	v31 =	vld [tilespmem:$0xC50];
	v5 =	vadd.f32 $1.000000010e-10, v45;
	v54 =	vpop (erf)  }
0x232: {  	v57 =	vld [tilespmem:$0x11C0];
	(erf) = vrcp.f32 v2;
	v33 =	vmul.f32 v54, v23;
	v0 =	vadd.f32 v29, v0  }
0x233: {  	v35 =	vld [tilespmem:$0xC60];
	v4 =	vadd.f32 $1.000000010e-10, v49;
	v58 =	vpop (erf)  }
0x234: {  	v61 =	vld [tilespmem:$0x11D0];
	(erf) = vrcp.f32 v5;
	v37 =	vmul.f32 v58, v28;
	v0 =	vadd.f32 v33, v0  }
0x235: {  	v39 =	vld [tilespmem:$0xC70];
	v3 =	vadd.f32 $1.000000010e-10, v53;
	v62 =	vpop (erf)  }
0x236: {  	v21 =	vld [tilespmem:$0x11E0];
	(erf) = vrcp.f32 v4;
	v40 =	vmul.f32 v62, v31;
	v0 =	vadd.f32 v37, v0  }
0x237: {  	v42 =	vld [tilespmem:$0xC80];
	v24 =	vadd.f32 $1.000000010e-10, v57;
	v22 =	vpop (erf)  }
0x238: {  	v26 =	vld [tilespmem:$0x11F0];
	(erf) = vrcp.f32 v3;
	v43 =	vmul.f32 v22, v35;
	v0 =	vadd.f32 v40, v0  }
0x239: {  	v16 =	vadd.f32 $1.000000010e-10, v61;
	v45 =	vld [tilespmem:$0xC90];
	v27 =	vpop (erf)  }
0x23a: {  	(erf) = vrcp.f32 v24;
	v46 =	vmul.f32 v27, v39;
	v0 =	vadd.f32 v43, v0  }
0x23b: {  	v32 =	vadd.f32 $1.000000010e-10, v21;
	v30 =	vpop (erf);
	v48 =	vld [tilespmem:$0xCA0]  }
0x23c: {  	(erf) = vrcp.f32 v16;
	v49 =	vmul.f32 v30, v42;
	v0 =	vadd.f32 v46, v0  }
0x23d: {  	v51 =	vld [tilespmem:$0xCB0];
	v36 =	vadd.f32 $1.000000010e-10, v26;
	v34 =	vpop (erf)  }
0x23e: {  	(erf) = vrcp.f32 v32;
	v52 =	vmul.f32 v34, v45;
	v0 =	vadd.f32 v49, v0  }
0x23f: {  	v54 =	vld [tilespmem:$0xCC0];
	v38 =	vpop (erf)  }
0x240: {  	(erf) = vrcp.f32 v36;
	v55 =	vmul.f32 v38, v48;
	v0 =	vadd.f32 v52, v0  }
0x241: {  	v41 =	vpop (erf);
	v56 =	vld [tilespmem:$0xCD0]  }
0x242: {  	v57 =	vmul.f32 v41, v51;
	v0 =	vadd.f32 v55, v0  }
0x243: {  	v58 =	vld [tilespmem:$0xCE0];
	v44 =	vpop (erf)  }
0x244: {  	v59 =	vmul.f32 v44, v54;
	v0 =	vadd.f32 v57, v0  }
0x245: {  	v60 =	vld [tilespmem:$0xCF0];
	v47 =	vpop (erf)  }
0x246: {  	v61 =	vmul.f32 v47, v56;
	v0 =	vadd.f32 v59, v0  }
0x247: {  	v50 =	vpop (erf)  }
0x248: {  	v62 =	vmul.f32 v50, v58;
	v0 =	vadd.f32 v61, v0  }
0x249: {  	v53 =	vpop (erf)  }
0x24a: {  	v63 =	vmul.f32 v53, v60;
	v0 =	vadd.f32 v62, v0;
	_ =	sdelay $0x1  }
0x24b: {  	p1 =	sne.s32 s1, $0x1;
	v0 =	vadd.f32 v63, v0  }
.Ltmp2:
0x24c: {  	_ = 	snop;
	(pc) =	sbr.rel @p1 .LBB2_2-.Ltmp2, $4  }
0x24d: {  	s5 =	simm.s32 $0x1200;
	[tilespmem:$0x1200] =	vst v0  }
0x24e: {  	[hbm4b:s3+s2] =	stream.linear.scatter [tilespmem:s5], [sflag:$0x2], $0x80, $0x38;
	[tilespmem:$0x1280] =	vst v63  }
0x24f: {  	_ =	swait.ge [sflag:s4], $0x80  }
0x250: {  	s1 =	sadd.s32 $0xFFFFFFFF, s1;
	s0 =	rddreg [dreg:$0x2];
	[sflag:s4] =	ssyncset.done $0x0  }
.LBB2_3:
0x251: {  	[sflag:s4] =	ssyncadd.s32 @p0 $0xFFFFFF80  }
0x252: {  	[tilespmem:s2], [sflag:$0x1] =	stream.linear.gather [hbm4b:s0+s2], $0x80, $0x38;
	[tilespmem:$0x1280] =	vst v63  }
0x253: {  	s1 =	rddreg [dreg:$0x3]  }
0x254: {  	[tilespmem:s8], [sflag:$0x1] =	stream.linear.gather [hbm4b:s1+s2], $0x80, $0x38;
	[tilespmem:$0x1280] =	vst v63  }
0x255: {  	s0 =	rddreg [dreg:$0x4]  }
0x256: {  	[tilespmem:s9], [sflag:$0x1] =	stream.linear.gather [hbm4b:s0+s2], $0x80, $0x38;
	[tilespmem:$0x1280] =	vst v63  }
0x257: {  	s1 =	rddreg [dreg:$0x5]  }
0x258: {  	[tilespmem:s10], [sflag:$0x1] =	stream.linear.gather [hbm4b:s1+s2], $0x80, $0x38;
	[tilespmem:$0x1280] =	vst v63  }
0x259: {  	s0 =	rddreg [dreg:$0x6]  }
0x25a: {  	[tilespmem:s11], [sflag:$0x1] =	stream.linear.gather [hbm4b:s0+s2], $0x80, $0x38;
	[tilespmem:$0x1280] =	vst v63  }
0x25b: {  	s1 =	rddreg [dreg:$0x7]  }
0x25c: {  	[tilespmem:s12], [sflag:$0x1] =	stream.linear.gather [hbm4b:s1+s2], $0x80, $0x38;
	[tilespmem:$0x1280] =	vst v63  }
0x25d: {  	s0 =	rddreg [dreg:$0x8]  }
0x25e: {  	[tilespmem:s13], [sflag:$0x1] =	stream.linear.gather [hbm4b:s0+s2], $0x80, $0x38;
	[tilespmem:$0x1280] =	vst v63  }
0x25f: {  	s1 =	rddreg [dreg:$0x9]  }
0x260: {  	[tilespmem:s14], [sflag:$0x1] =	stream.linear.gather [hbm4b:s1+s2], $0x80, $0x38;
	[tilespmem:$0x1280] =	vst v63  }
0x261: {  	_ = 	snop  }
0x262: {  	[tilespmem:s15], [sflag:$0x1] =	stream.linear.gather [hbm4b:s28+s2], $0x80, $0x38;
	[tilespmem:$0x1280] =	vst v63  }
0x263: {  	_ = 	snop  }
0x264: {  	[tilespmem:s16], [sflag:$0x1] =	stream.linear.gather [hbm4b:s29+s2], $0x80, $0x38;
	[tilespmem:$0x1280] =	vst v63  }
0x265: {  	_ = 	snop  }
0x266: {  	[tilespmem:s31], [sflag:$0x1] =	stream.linear.gather [hbm4b:s30+s2], $0x500, $0x38;
	[tilespmem:$0x1280] =	vst v63  }
0x267: {  	_ =	swait.ge [sflag:s7], $0x80  }
0x268: {  	[sflag:s7] =	ssyncset.done $0x0  }
0x269: {  	[sflag:s7] =	ssyncadd.s32 $0xFFFFFF80  }
0x26a: {  	_ =	swait.ge [sflag:s7], $0x80  }
0x26b: {  	[sflag:s7] =	ssyncset.done $0x0  }
0x26c: {  	[sflag:s7] =	ssyncadd.s32 $0xFFFFFF80  }
0x26d: {  	_ =	swait.ge [sflag:s7], $0x80  }
0x26e: {  	[sflag:s7] =	ssyncset.done $0x0  }
0x26f: {  	[sflag:s7] =	ssyncadd.s32 $0xFFFFFF80  }
0x270: {  	_ =	swait.ge [sflag:s7], $0x80  }
0x271: {  	[sflag:s7] =	ssyncset.done $0x0  }
0x272: {  	[sflag:s7] =	ssyncadd.s32 $0xFFFFFF80  }
0x273: {  	_ =	swait.ge [sflag:s7], $0x80  }
0x274: {  	[sflag:s7] =	ssyncset.done $0x0  }
0x275: {  	[sflag:s7] =	ssyncadd.s32 $0xFFFFFF80  }
0x276: {  	_ =	swait.ge [sflag:s7], $0x80  }
0x277: {  	[sflag:s7] =	ssyncset.done $0x0  }
0x278: {  	[sflag:s7] =	ssyncadd.s32 $0xFFFFFF80  }
0x279: {  	_ =	swait.ge [sflag:s7], $0x80  }
0x27a: {  	[sflag:s7] =	ssyncset.done $0x0  }
0x27b: {  	[sflag:s7] =	ssyncadd.s32 $0xFFFFFF80  }
0x27c: {  	_ =	swait.ge [sflag:s7], $0x80  }
0x27d: {  	[sflag:s7] =	ssyncset.done $0x0  }
0x27e: {  	[sflag:s7] =	ssyncadd.s32 $0xFFFFFF80  }
0x27f: {  	_ =	swait.ge [sflag:s7], $0x80  }
0x280: {  	[sflag:s7] =	ssyncset.done $0x0  }
0x281: {  	[sflag:s7] =	ssyncadd.s32 $0xFFFFFF80  }
0x282: {  	_ =	swait.ge [sflag:s7], $0x80  }
0x283: {  	[sflag:s7] =	ssyncset.done $0x0  }
0x284: {  	[sflag:s7] =	ssyncadd.s32 $0xFFFFFF80  }
0x285: {  	_ =	swait.ge [sflag:s7], $0x500  }
0x286: {  	[sflag:s7] =	ssyncset.done $0x0  }
0x287: {  	[sflag:s7] =	ssyncadd.s32 $0xFFFFFB00  }
0x288: {  	[tilespmem:s17], [sflag:$0x1] =	stream.indirect.gather [hbm4b:s6+s8], $0x1, s2, s8, $0xb8;
	[tilespmem:$0x1280] =	vst v63  }
0x289: {  	_ = 	snop  }
0x28a: {  	[tilespmem:s18], [sflag:$0x1] =	stream.indirect.gather [hbm4b:s6+s8], $0x1, s8, s8, $0xb8;
	[tilespmem:$0x1280] =	vst v63  }
0x28b: {  	_ = 	snop  }
0x28c: {  	[tilespmem:s19], [sflag:$0x1] =	stream.indirect.gather [hbm4b:s6+s8], $0x1, s9, s8, $0xb8;
	[tilespmem:$0x1280] =	vst v63  }
0x28d: {  	_ = 	snop  }
0x28e: {  	[tilespmem:s20], [sflag:$0x1] =	stream.indirect.gather [hbm4b:s6+s8], $0x1, s10, s8, $0xb8;
	[tilespmem:$0x1280] =	vst v63  }
0x28f: {  	_ = 	snop  }
0x290: {  	[tilespmem:s21], [sflag:$0x1] =	stream.indirect.gather [hbm4b:s6+s8], $0x1, s11, s8, $0xb8;
	[tilespmem:$0x1280] =	vst v63  }
0x291: {  	_ = 	snop  }
0x292: {  	[tilespmem:s22], [sflag:$0x1] =	stream.indirect.gather [hbm4b:s6+s8], $0x1, s12, s8, $0xb8;
	[tilespmem:$0x1280] =	vst v63  }
0x293: {  	_ = 	snop  }
0x294: {  	[tilespmem:s23], [sflag:$0x1] =	stream.indirect.gather [hbm4b:s6+s8], $0x1, s13, s8, $0xb8;
	[tilespmem:$0x1280] =	vst v63  }
0x295: {  	_ = 	snop  }
0x296: {  	[tilespmem:s24], [sflag:$0x1] =	stream.indirect.gather [hbm4b:s6+s8], $0x1, s14, s8, $0xb8;
	[tilespmem:$0x1280] =	vst v63  }
0x297: {  	_ = 	snop  }
0x298: {  	[tilespmem:s25], [sflag:$0x1] =	stream.indirect.gather [hbm4b:s6+s8], $0x1, s15, s8, $0xb8;
	[tilespmem:$0x1280] =	vst v63  }
0x299: {  	_ = 	snop  }
0x29a: {  	[tilespmem:s26], [sflag:$0x1] =	stream.indirect.gather [hbm4b:s6+s8], $0x1, s16, s8, $0xb8;
	[tilespmem:$0x1280] =	vst v63  }
0x29b: {  	_ =	swait.ge [sflag:s7], $0x80  }
0x29c: {  	[sflag:s7] =	ssyncset.done $0x0  }
0x29d: {  	[sflag:s7] =	ssyncadd.s32 $0xFFFFFF80  }
0x29e: {  	_ =	swait.ge [sflag:s7], $0x80  }
0x29f: {  	[sflag:s7] =	ssyncset.done $0x0  }
0x2a0: {  	[sflag:s7] =	ssyncadd.s32 $0xFFFFFF80  }
0x2a1: {  	_ =	swait.ge [sflag:s7], $0x80  }
0x2a2: {  	[sflag:s7] =	ssyncset.done $0x0  }
0x2a3: {  	[sflag:s7] =	ssyncadd.s32 $0xFFFFFF80  }
0x2a4: {  	_ =	swait.ge [sflag:s7], $0x80  }
0x2a5: {  	[sflag:s7] =	ssyncset.done $0x0  }
0x2a6: {  	[sflag:s7] =	ssyncadd.s32 $0xFFFFFF80  }
0x2a7: {  	_ =	swait.ge [sflag:s7], $0x80  }
0x2a8: {  	[sflag:s7] =	ssyncset.done $0x0  }
0x2a9: {  	[sflag:s7] =	ssyncadd.s32 $0xFFFFFF80  }
0x2aa: {  	_ =	swait.ge [sflag:s7], $0x80  }
0x2ab: {  	[sflag:s7] =	ssyncset.done $0x0  }
0x2ac: {  	[sflag:s7] =	ssyncadd.s32 $0xFFFFFF80  }
0x2ad: {  	_ =	swait.ge [sflag:s7], $0x80  }
0x2ae: {  	[sflag:s7] =	ssyncset.done $0x0  }
0x2af: {  	[sflag:s7] =	ssyncadd.s32 $0xFFFFFF80  }
0x2b0: {  	_ =	swait.ge [sflag:s7], $0x80  }
0x2b1: {  	[sflag:s7] =	ssyncset.done $0x0  }
0x2b2: {  	[sflag:s7] =	ssyncadd.s32 $0xFFFFFF80  }
0x2b3: {  	_ =	swait.ge [sflag:s7], $0x80  }
0x2b4: {  	[sflag:s7] =	ssyncset.done $0x0  }
0x2b5: {  	[sflag:s7] =	ssyncadd.s32 $0xFFFFFF80  }
0x2b6: {  	_ =	swait.ge [sflag:s7], $0x80  }
0x2b7: {  	[sflag:s7] =	ssyncset.done $0x0  }
0x2b8: {  	[sflag:s7] =	ssyncadd.s32 $0xFFFFFF80  }
0x2b9: {  	v0 =	vld [tilespmem:$0xD00];
	_ =	sdelay $0x1  }
0x2ba: {  	v1 =	vld [tilespmem:$0xD10];
	_ =	sdelay $0x1  }
0x2bb: {  	v2 =	vld [tilespmem:$0xD20]  }
0x2bc: {  	v0 =	vadd.f32 $1.000000010e-10, v0  }
0x2bd: {  	v3 =	vld [tilespmem:$0xD30]  }
0x2be: {  	v1 =	vadd.f32 $1.000000010e-10, v1;
	(erf) = vrcp.f32 v0  }
0x2bf: {  	v60 =	vld [tilespmem:$0xD40]  }
0x2c0: {  	v2 =	vadd.f32 $1.000000010e-10, v2;
	(erf) = vrcp.f32 v1  }
0x2c1: {  	v61 =	vld [tilespmem:$0xD50]  }
0x2c2: {  	v4 =	vld [tilespmem:$0xD60];
	v3 =	vadd.f32 $1.000000010e-10, v3;
	(erf) = vrcp.f32 v2  }
0x2c3: {  	v62 =	vld [tilespmem:$0x800]  }
0x2c4: {  	v5 =	vld [tilespmem:$0xD70];
	v0 =	vadd.f32 $1.000000010e-10, v60;
	(erf) = vrcp.f32 v3  }
0x2c5: {  	v63 =	vld [tilespmem:$0x810]  }
0x2c6: {  	v6 =	vld [tilespmem:$0xD80];
	v1 =	vadd.f32 $1.000000010e-10, v61;
	(erf) = vrcp.f32 v0  }
0x2c7: {  	v12 =	vld [tilespmem:$0x820];
	v7 =	vpop (erf)  }
0x2c8: {  	v8 =	vld [tilespmem:$0xD90];
	v4 =	vadd.f32 $1.000000010e-10, v4;
	(erf) = vrcp.f32 v1;
	v13 =	vmul.f32 v7, v62  }
0x2c9: {  	v16 =	vld [tilespmem:$0x830];
	v14 =	vadd.f32 $1.000000010e-10, v5;
	v15 =	vpop (erf)  }
0x2ca: {  	v9 =	vld [tilespmem:$0xDA0];
	(erf) = vrcp.f32 v4;
	v3 =	vmul.f32 v15, v63;
	v1 =	vadd.f32 $0.0e+00, v13  }
0x2cb: {  	v19 =	vld [tilespmem:$0x840];
	v17 =	vadd.f32 $1.000000010e-10, v6;
	v18 =	vpop (erf)  }
0x2cc: {  	v10 =	vld [tilespmem:$0xDB0];
	(erf) = vrcp.f32 v14;
	v0 =	vmul.f32 v18, v12;
	v1 =	vadd.f32 v3, v1  }
0x2cd: {  	v22 =	vld [tilespmem:$0x850];
	v20 =	vadd.f32 $1.000000010e-10, v8;
	v21 =	vpop (erf)  }
0x2ce: {  	v23 =	vld [tilespmem:$0xDC0];
	(erf) = vrcp.f32 v17;
	v24 =	vmul.f32 v21, v16;
	v0 =	vadd.f32 v0, v1  }
0x2cf: {  	v27 =	vld [tilespmem:$0x860];
	v25 =	vadd.f32 $1.000000010e-10, v9;
	v26 =	vpop (erf)  }
0x2d0: {  	v28 =	vld [tilespmem:$0xDD0];
	(erf) = vrcp.f32 v20;
	v29 =	vmul.f32 v26, v19;
	v0 =	vadd.f32 v24, v0  }
0x2d1: {  	v32 =	vld [tilespmem:$0x870];
	v30 =	vadd.f32 $1.000000010e-10, v10;
	v31 =	vpop (erf)  }
0x2d2: {  	v33 =	vld [tilespmem:$0xDE0];
	(erf) = vrcp.f32 v25;
	v34 =	vmul.f32 v31, v22;
	v0 =	vadd.f32 v29, v0  }
0x2d3: {  	v37 =	vld [tilespmem:$0x880];
	v35 =	vadd.f32 $1.000000010e-10, v23;
	v36 =	vpop (erf)  }
0x2d4: {  	v38 =	vld [tilespmem:$0xDF0];
	(erf) = vrcp.f32 v30;
	v39 =	vmul.f32 v36, v27;
	v0 =	vadd.f32 v34, v0  }
0x2d5: {  	v42 =	vld [tilespmem:$0x890];
	v40 =	vadd.f32 $1.000000010e-10, v28;
	v41 =	vpop (erf)  }
0x2d6: {  	v43 =	vld [tilespmem:$0xE00];
	(erf) = vrcp.f32 v35;
	v44 =	vmul.f32 v41, v32;
	v0 =	vadd.f32 v39, v0  }
0x2d7: {  	v47 =	vld [tilespmem:$0x8A0];
	v45 =	vadd.f32 $1.000000010e-10, v33;
	v46 =	vpop (erf)  }
0x2d8: {  	v48 =	vld [tilespmem:$0xE10];
	(erf) = vrcp.f32 v40;
	v49 =	vmul.f32 v46, v37;
	v0 =	vadd.f32 v44, v0  }
0x2d9: {  	v51 =	vld [tilespmem:$0x8B0];
	v2 =	vadd.f32 $1.000000010e-10, v38;
	v50 =	vpop (erf)  }
0x2da: {  	v52 =	vld [tilespmem:$0xE20];
	(erf) = vrcp.f32 v45;
	v53 =	vmul.f32 v50, v42;
	v0 =	vadd.f32 v49, v0  }
0x2db: {  	v55 =	vld [tilespmem:$0x8C0];
	v3 =	vadd.f32 $1.000000010e-10, v43;
	v54 =	vpop (erf)  }
0x2dc: {  	v56 =	vld [tilespmem:$0xE30];
	(erf) = vrcp.f32 v2;
	v57 =	vmul.f32 v54, v47;
	v0 =	vadd.f32 v53, v0  }
0x2dd: {  	v59 =	vld [tilespmem:$0x8D0];
	v4 =	vadd.f32 $1.000000010e-10, v48;
	v58 =	vpop (erf)  }
0x2de: {  	v60 =	vld [tilespmem:$0xE40];
	(erf) = vrcp.f32 v3;
	v61 =	vmul.f32 v58, v51;
	v0 =	vadd.f32 v57, v0  }
0x2df: {  	v6 =	vadd.f32 $1.000000010e-10, v52;
	v63 =	vld [tilespmem:$0x8E0];
	v62 =	vpop (erf)  }
0x2e0: {  	v12 =	vld [tilespmem:$0xE50];
	(erf) = vrcp.f32 v4;
	v13 =	vmul.f32 v62, v55;
	v0 =	vadd.f32 v61, v0  }
0x2e1: {  	v15 =	vld [tilespmem:$0x8F0];
	v2 =	vadd.f32 $1.000000010e-10, v56;
	v14 =	vpop (erf)  }
0x2e2: {  	v16 =	vld [tilespmem:$0xE60];
	(erf) = vrcp.f32 v6;
	v17 =	vmul.f32 v14, v59;
	v0 =	vadd.f32 v13, v0  }
0x2e3: {  	v19 =	vld [tilespmem:$0x900];
	v3 =	vadd.f32 $1.000000010e-10, v60;
	v18 =	vpop (erf)  }
0x2e4: {  	v20 =	vld [tilespmem:$0xE70];
	(erf) = vrcp.f32 v2;
	v21 =	vmul.f32 v18, v63;
	v0 =	vadd.f32 v17, v0  }
0x2e5: {  	v23 =	vld [tilespmem:$0x910];
	v4 =	vadd.f32 $1.000000010e-10, v12;
	v22 =	vpop (erf)  }
0x2e6: {  	v24 =	vld [tilespmem:$0xE80];
	(erf) = vrcp.f32 v3;
	v25 =	vmul.f32 v22, v15;
	v0 =	vadd.f32 v21, v0  }
0x2e7: {  	v27 =	vld [tilespmem:$0x920];
	v6 =	vadd.f32 $1.000000010e-10, v16;
	v26 =	vpop (erf)  }
0x2e8: {  	v28 =	vld [tilespmem:$0xE90];
	(erf) = vrcp.f32 v4;
	v29 =	vmul.f32 v26, v19;
	v0 =	vadd.f32 v25, v0  }
0x2e9: {  	v31 =	vld [tilespmem:$0x930];
	v2 =	vadd.f32 $1.000000010e-10, v20;
	v30 =	vpop (erf)  }
0x2ea: {  	v32 =	vld [tilespmem:$0xEA0];
	(erf) = vrcp.f32 v6;
	v33 =	vmul.f32 v30, v23;
	v0 =	vadd.f32 v29, v0  }
0x2eb: {  	v35 =	vld [tilespmem:$0x940];
	v3 =	vadd.f32 $1.000000010e-10, v24;
	v34 =	vpop (erf)  }
0x2ec: {  	v36 =	vld [tilespmem:$0xEB0];
	(erf) = vrcp.f32 v2;
	v37 =	vmul.f32 v34, v27;
	v0 =	vadd.f32 v33, v0  }
0x2ed: {  	v39 =	vld [tilespmem:$0x950];
	v4 =	vadd.f32 $1.000000010e-10, v28;
	v38 =	vpop (erf)  }
0x2ee: {  	v40 =	vld [tilespmem:$0xEC0];
	(erf) = vrcp.f32 v3;
	v41 =	vmul.f32 v38, v31;
	v0 =	vadd.f32 v37, v0  }
0x2ef: {  	v43 =	vld [tilespmem:$0x960];
	v6 =	vadd.f32 $1.000000010e-10, v32;
	v42 =	vpop (erf)  }
0x2f0: {  	v44 =	vld [tilespmem:$0xED0];
	(erf) = vrcp.f32 v4;
	v45 =	vmul.f32 v42, v35;
	v0 =	vadd.f32 v41, v0  }
0x2f1: {  	v47 =	vld [tilespmem:$0x970];
	v2 =	vadd.f32 $1.000000010e-10, v36;
	v46 =	vpop (erf)  }
0x2f2: {  	v48 =	vld [tilespmem:$0xEE0];
	(erf) = vrcp.f32 v6;
	v49 =	vmul.f32 v46, v39;
	v0 =	vadd.f32 v45, v0  }
0x2f3: {  	v51 =	vld [tilespmem:$0x980];
	v3 =	vadd.f32 $1.000000010e-10, v40;
	v50 =	vpop (erf)  }
0x2f4: {  	v52 =	vld [tilespmem:$0xEF0];
	(erf) = vrcp.f32 v2;
	v53 =	vmul.f32 v50, v43;
	v0 =	vadd.f32 v49, v0  }
0x2f5: {  	v55 =	vld [tilespmem:$0x990];
	v4 =	vadd.f32 $1.000000010e-10, v44;
	v54 =	vpop (erf)  }
0x2f6: {  	v56 =	vld [tilespmem:$0xF00];
	(erf) = vrcp.f32 v3;
	v57 =	vmul.f32 v54, v47;
	v0 =	vadd.f32 v53, v0  }
0x2f7: {  	v59 =	vld [tilespmem:$0x9A0];
	v6 =	vadd.f32 $1.000000010e-10, v48;
	v58 =	vpop (erf)  }
0x2f8: {  	v60 =	vld [tilespmem:$0xF10];
	(erf) = vrcp.f32 v4;
	v61 =	vmul.f32 v58, v51;
	v0 =	vadd.f32 v57, v0  }
0x2f9: {  	v63 =	vld [tilespmem:$0x9B0];
	v2 =	vadd.f32 $1.000000010e-10, v52;
	v62 =	vpop (erf)  }
0x2fa: {  	v12 =	vld [tilespmem:$0xF20];
	(erf) = vrcp.f32 v6;
	v13 =	vmul.f32 v62, v55;
	v0 =	vadd.f32 v61, v0  }
0x2fb: {  	v15 =	vld [tilespmem:$0x9C0];
	v3 =	vadd.f32 $1.000000010e-10, v56;
	v14 =	vpop (erf)  }
0x2fc: {  	v16 =	vld [tilespmem:$0xF30];
	(erf) = vrcp.f32 v2;
	v17 =	vmul.f32 v14, v59;
	v0 =	vadd.f32 v13, v0  }
0x2fd: {  	v19 =	vld [tilespmem:$0x9D0];
	v4 =	vadd.f32 $1.000000010e-10, v60;
	v18 =	vpop (erf)  }
0x2fe: {  	v20 =	vld [tilespmem:$0xF40];
	(erf) = vrcp.f32 v3;
	v21 =	vmul.f32 v18, v63;
	v0 =	vadd.f32 v17, v0  }
0x2ff: {  	v23 =	vld [tilespmem:$0x9E0];
	v6 =	vadd.f32 $1.000000010e-10, v12;
	v22 =	vpop (erf)  }
0x300: {  	v24 =	vld [tilespmem:$0xF50];
	(erf) = vrcp.f32 v4;
	v25 =	vmul.f32 v22, v15;
	v0 =	vadd.f32 v21, v0  }
0x301: {  	v27 =	vld [tilespmem:$0x9F0];
	v2 =	vadd.f32 $1.000000010e-10, v16;
	v26 =	vpop (erf)  }
0x302: {  	v28 =	vld [tilespmem:$0xF60];
	(erf) = vrcp.f32 v6;
	v29 =	vmul.f32 v26, v19;
	v0 =	vadd.f32 v25, v0  }
0x303: {  	v31 =	vld [tilespmem:$0xA00];
	v3 =	vadd.f32 $1.000000010e-10, v20;
	v30 =	vpop (erf)  }
0x304: {  	v32 =	vld [tilespmem:$0xF70];
	(erf) = vrcp.f32 v2;
	v33 =	vmul.f32 v30, v23;
	v0 =	vadd.f32 v29, v0  }
0x305: {  	v35 =	vld [tilespmem:$0xA10];
	v4 =	vadd.f32 $1.000000010e-10, v24;
	v34 =	vpop (erf)  }
0x306: {  	v36 =	vld [tilespmem:$0xF80];
	(erf) = vrcp.f32 v3;
	v37 =	vmul.f32 v34, v27;
	v0 =	vadd.f32 v33, v0  }
0x307: {  	v39 =	vld [tilespmem:$0xA20];
	v6 =	vadd.f32 $1.000000010e-10, v28;
	v38 =	vpop (erf)  }
0x308: {  	v40 =	vld [tilespmem:$0xF90];
	(erf) = vrcp.f32 v4;
	v41 =	vmul.f32 v38, v31;
	v0 =	vadd.f32 v37, v0  }
0x309: {  	v43 =	vld [tilespmem:$0xA30];
	v2 =	vadd.f32 $1.000000010e-10, v32;
	v42 =	vpop (erf)  }
0x30a: {  	v44 =	vld [tilespmem:$0xFA0];
	(erf) = vrcp.f32 v6;
	v45 =	vmul.f32 v42, v35;
	v0 =	vadd.f32 v41, v0  }
0x30b: {  	v47 =	vld [tilespmem:$0xA40];
	v3 =	vadd.f32 $1.000000010e-10, v36;
	v46 =	vpop (erf)  }
0x30c: {  	v48 =	vld [tilespmem:$0xFB0];
	(erf) = vrcp.f32 v2;
	v49 =	vmul.f32 v46, v39;
	v0 =	vadd.f32 v45, v0  }
0x30d: {  	v51 =	vld [tilespmem:$0xA50];
	v4 =	vadd.f32 $1.000000010e-10, v40;
	v50 =	vpop (erf)  }
0x30e: {  	v52 =	vld [tilespmem:$0xFC0];
	(erf) = vrcp.f32 v3;
	v53 =	vmul.f32 v50, v43;
	v0 =	vadd.f32 v49, v0  }
0x30f: {  	v55 =	vld [tilespmem:$0xA60];
	v6 =	vadd.f32 $1.000000010e-10, v44;
	v54 =	vpop (erf)  }
0x310: {  	v56 =	vld [tilespmem:$0xFD0];
	(erf) = vrcp.f32 v4;
	v57 =	vmul.f32 v54, v47;
	v0 =	vadd.f32 v53, v0  }
0x311: {  	v59 =	vld [tilespmem:$0xA70];
	v2 =	vadd.f32 $1.000000010e-10, v48;
	v58 =	vpop (erf)  }
0x312: {  	v60 =	vld [tilespmem:$0xFE0];
	(erf) = vrcp.f32 v6;
	v61 =	vmul.f32 v58, v51;
	v0 =	vadd.f32 v57, v0  }
0x313: {  	v63 =	vld [tilespmem:$0xA80];
	v3 =	vadd.f32 $1.000000010e-10, v52;
	v62 =	vpop (erf)  }
0x314: {  	v12 =	vld [tilespmem:$0xFF0];
	(erf) = vrcp.f32 v2;
	v13 =	vmul.f32 v62, v55;
	v0 =	vadd.f32 v61, v0  }
0x315: {  	v15 =	vld [tilespmem:$0xA90];
	v4 =	vadd.f32 $1.000000010e-10, v56;
	v14 =	vpop (erf)  }
0x316: {  	v16 =	vld [tilespmem:$0x1000];
	(erf) = vrcp.f32 v3;
	v17 =	vmul.f32 v14, v59;
	v0 =	vadd.f32 v13, v0  }
0x317: {  	v19 =	vld [tilespmem:$0xAA0];
	v6 =	vadd.f32 $1.000000010e-10, v60;
	v18 =	vpop (erf)  }
0x318: {  	v20 =	vld [tilespmem:$0x1010];
	(erf) = vrcp.f32 v4;
	v21 =	vmul.f32 v18, v63;
	v0 =	vadd.f32 v17, v0  }
0x319: {  	v23 =	vld [tilespmem:$0xAB0];
	v2 =	vadd.f32 $1.000000010e-10, v12;
	v22 =	vpop (erf)  }
0x31a: {  	v24 =	vld [tilespmem:$0x1020];
	(erf) = vrcp.f32 v6;
	v25 =	vmul.f32 v22, v15;
	v0 =	vadd.f32 v21, v0  }
0x31b: {  	v27 =	vld [tilespmem:$0xAC0];
	v3 =	vadd.f32 $1.000000010e-10, v16;
	v26 =	vpop (erf)  }
0x31c: {  	v28 =	vld [tilespmem:$0x1030];
	(erf) = vrcp.f32 v2;
	v29 =	vmul.f32 v26, v19;
	v0 =	vadd.f32 v25, v0  }
0x31d: {  	v31 =	vld [tilespmem:$0xAD0];
	v4 =	vadd.f32 $1.000000010e-10, v20;
	v30 =	vpop (erf)  }
0x31e: {  	v32 =	vld [tilespmem:$0x1040];
	(erf) = vrcp.f32 v3;
	v33 =	vmul.f32 v30, v23;
	v0 =	vadd.f32 v29, v0  }
0x31f: {  	v35 =	vld [tilespmem:$0xAE0];
	v6 =	vadd.f32 $1.000000010e-10, v24;
	v34 =	vpop (erf)  }
0x320: {  	v36 =	vld [tilespmem:$0x1050];
	(erf) = vrcp.f32 v4;
	v37 =	vmul.f32 v34, v27;
	v0 =	vadd.f32 v33, v0  }
0x321: {  	v39 =	vld [tilespmem:$0xAF0];
	v2 =	vadd.f32 $1.000000010e-10, v28;
	v38 =	vpop (erf)  }
0x322: {  	v40 =	vld [tilespmem:$0x1060];
	(erf) = vrcp.f32 v6;
	v41 =	vmul.f32 v38, v31;
	v0 =	vadd.f32 v37, v0  }
0x323: {  	v43 =	vld [tilespmem:$0xB00];
	v3 =	vadd.f32 $1.000000010e-10, v32;
	v42 =	vpop (erf)  }
0x324: {  	v44 =	vld [tilespmem:$0x1070];
	(erf) = vrcp.f32 v2;
	v45 =	vmul.f32 v42, v35;
	v0 =	vadd.f32 v41, v0  }
0x325: {  	v47 =	vld [tilespmem:$0xB10];
	v4 =	vadd.f32 $1.000000010e-10, v36;
	v46 =	vpop (erf)  }
0x326: {  	v48 =	vld [tilespmem:$0x1080];
	(erf) = vrcp.f32 v3;
	v49 =	vmul.f32 v46, v39;
	v0 =	vadd.f32 v45, v0  }
0x327: {  	v51 =	vld [tilespmem:$0xB20];
	v6 =	vadd.f32 $1.000000010e-10, v40;
	v50 =	vpop (erf)  }
0x328: {  	v52 =	vld [tilespmem:$0x1090];
	(erf) = vrcp.f32 v4;
	v53 =	vmul.f32 v50, v43;
	v0 =	vadd.f32 v49, v0  }
0x329: {  	v55 =	vld [tilespmem:$0xB30];
	v2 =	vadd.f32 $1.000000010e-10, v44;
	v54 =	vpop (erf)  }
0x32a: {  	v56 =	vld [tilespmem:$0x10A0];
	(erf) = vrcp.f32 v6;
	v57 =	vmul.f32 v54, v47;
	v0 =	vadd.f32 v53, v0  }
0x32b: {  	v59 =	vld [tilespmem:$0xB40];
	v3 =	vadd.f32 $1.000000010e-10, v48;
	v58 =	vpop (erf)  }
0x32c: {  	v60 =	vld [tilespmem:$0x10B0];
	(erf) = vrcp.f32 v2;
	v61 =	vmul.f32 v58, v51;
	v0 =	vadd.f32 v57, v0  }
0x32d: {  	v63 =	vld [tilespmem:$0xB50];
	v4 =	vadd.f32 $1.000000010e-10, v52;
	v62 =	vpop (erf)  }
0x32e: {  	v12 =	vld [tilespmem:$0x10C0];
	(erf) = vrcp.f32 v3;
	v13 =	vmul.f32 v62, v55;
	v0 =	vadd.f32 v61, v0  }
0x32f: {  	v15 =	vld [tilespmem:$0xB60];
	v6 =	vadd.f32 $1.000000010e-10, v56;
	v14 =	vpop (erf)  }
0x330: {  	v16 =	vld [tilespmem:$0x10D0];
	(erf) = vrcp.f32 v4;
	v17 =	vmul.f32 v14, v59;
	v0 =	vadd.f32 v13, v0  }
0x331: {  	v19 =	vld [tilespmem:$0xB70];
	v2 =	vadd.f32 $1.000000010e-10, v60;
	v18 =	vpop (erf)  }
0x332: {  	v20 =	vld [tilespmem:$0x10E0];
	(erf) = vrcp.f32 v6;
	v21 =	vmul.f32 v18, v63;
	v0 =	vadd.f32 v17, v0  }
0x333: {  	v23 =	vld [tilespmem:$0xB80];
	v3 =	vadd.f32 $1.000000010e-10, v12;
	v22 =	vpop (erf)  }
0x334: {  	v24 =	vld [tilespmem:$0x10F0];
	(erf) = vrcp.f32 v2;
	v25 =	vmul.f32 v22, v15;
	v0 =	vadd.f32 v21, v0  }
0x335: {  	v27 =	vld [tilespmem:$0xB90];
	v4 =	vadd.f32 $1.000000010e-10, v16;
	v26 =	vpop (erf)  }
0x336: {  	v28 =	vld [tilespmem:$0x1100];
	(erf) = vrcp.f32 v3;
	v29 =	vmul.f32 v26, v19;
	v0 =	vadd.f32 v25, v0  }
0x337: {  	v31 =	vld [tilespmem:$0xBA0];
	v6 =	vadd.f32 $1.000000010e-10, v20;
	v30 =	vpop (erf)  }
0x338: {  	v32 =	vld [tilespmem:$0x1110];
	(erf) = vrcp.f32 v4;
	v33 =	vmul.f32 v30, v23;
	v0 =	vadd.f32 v29, v0  }
0x339: {  	v35 =	vld [tilespmem:$0xBB0];
	v2 =	vadd.f32 $1.000000010e-10, v24;
	v34 =	vpop (erf)  }
0x33a: {  	v36 =	vld [tilespmem:$0x1120];
	(erf) = vrcp.f32 v6;
	v37 =	vmul.f32 v34, v27;
	v0 =	vadd.f32 v33, v0  }
0x33b: {  	v39 =	vld [tilespmem:$0xBC0];
	v3 =	vadd.f32 $1.000000010e-10, v28;
	v38 =	vpop (erf)  }
0x33c: {  	v40 =	vld [tilespmem:$0x1130];
	(erf) = vrcp.f32 v2;
	v41 =	vmul.f32 v38, v31;
	v0 =	vadd.f32 v37, v0  }
0x33d: {  	v43 =	vld [tilespmem:$0xBD0];
	v4 =	vadd.f32 $1.000000010e-10, v32;
	v42 =	vpop (erf)  }
0x33e: {  	v44 =	vld [tilespmem:$0x1140];
	(erf) = vrcp.f32 v3;
	v45 =	vmul.f32 v42, v35;
	v0 =	vadd.f32 v41, v0  }
0x33f: {  	v47 =	vld [tilespmem:$0xBE0];
	v6 =	vadd.f32 $1.000000010e-10, v36;
	v46 =	vpop (erf)  }
0x340: {  	v48 =	vld [tilespmem:$0x1150];
	(erf) = vrcp.f32 v4;
	v49 =	vmul.f32 v46, v39;
	v0 =	vadd.f32 v45, v0  }
0x341: {  	v51 =	vld [tilespmem:$0xBF0];
	v2 =	vadd.f32 $1.000000010e-10, v40;
	v50 =	vpop (erf)  }
0x342: {  	v52 =	vld [tilespmem:$0x1160];
	(erf) = vrcp.f32 v6;
	v53 =	vmul.f32 v50, v43;
	v0 =	vadd.f32 v49, v0  }
0x343: {  	v55 =	vld [tilespmem:$0xC00];
	v3 =	vadd.f32 $1.000000010e-10, v44;
	v54 =	vpop (erf)  }
0x344: {  	v56 =	vld [tilespmem:$0x1170];
	(erf) = vrcp.f32 v2;
	v57 =	vmul.f32 v54, v47;
	v0 =	vadd.f32 v53, v0  }
0x345: {  	v59 =	vld [tilespmem:$0xC10];
	v4 =	vadd.f32 $1.000000010e-10, v48;
	v58 =	vpop (erf)  }
0x346: {  	v60 =	vld [tilespmem:$0x1180];
	(erf) = vrcp.f32 v3;
	v61 =	vmul.f32 v58, v51;
	v0 =	vadd.f32 v57, v0  }
0x347: {  	v63 =	vld [tilespmem:$0xC20];
	v6 =	vadd.f32 $1.000000010e-10, v52;
	v62 =	vpop (erf)  }
0x348: {  	v12 =	vld [tilespmem:$0x1190];
	(erf) = vrcp.f32 v4;
	v13 =	vmul.f32 v62, v55;
	v0 =	vadd.f32 v61, v0  }
0x349: {  	v15 =	vld [tilespmem:$0xC30];
	v2 =	vadd.f32 $1.000000010e-10, v56;
	v14 =	vpop (erf)  }
0x34a: {  	v16 =	vld [tilespmem:$0x11A0];
	(erf) = vrcp.f32 v6;
	v17 =	vmul.f32 v14, v59;
	v0 =	vadd.f32 v13, v0  }
0x34b: {  	v19 =	vld [tilespmem:$0xC40];
	v3 =	vadd.f32 $1.000000010e-10, v60;
	v18 =	vpop (erf)  }
0x34c: {  	v20 =	vld [tilespmem:$0x11B0];
	(erf) = vrcp.f32 v2;
	v21 =	vmul.f32 v18, v63;
	v0 =	vadd.f32 v17, v0  }
0x34d: {  	v23 =	vld [tilespmem:$0xC50];
	v4 =	vadd.f32 $1.000000010e-10, v12;
	v22 =	vpop (erf)  }
0x34e: {  	v24 =	vld [tilespmem:$0x11C0];
	(erf) = vrcp.f32 v3;
	v25 =	vmul.f32 v22, v15;
	v0 =	vadd.f32 v21, v0  }
0x34f: {  	v27 =	vld [tilespmem:$0xC60];
	v6 =	vadd.f32 $1.000000010e-10, v16;
	v26 =	vpop (erf)  }
0x350: {  	v28 =	vld [tilespmem:$0x11D0];
	(erf) = vrcp.f32 v4;
	v29 =	vmul.f32 v26, v19;
	v0 =	vadd.f32 v25, v0  }
0x351: {  	v31 =	vld [tilespmem:$0xC70];
	v2 =	vadd.f32 $1.000000010e-10, v20;
	v30 =	vpop (erf)  }
0x352: {  	v32 =	vld [tilespmem:$0x11E0];
	(erf) = vrcp.f32 v6;
	v33 =	vmul.f32 v30, v23;
	v0 =	vadd.f32 v29, v0  }
0x353: {  	v35 =	vld [tilespmem:$0xC80];
	v3 =	vadd.f32 $1.000000010e-10, v24;
	v34 =	vpop (erf)  }
0x354: {  	v36 =	vld [tilespmem:$0x11F0];
	(erf) = vrcp.f32 v2;
	v37 =	vmul.f32 v34, v27;
	v0 =	vadd.f32 v33, v0  }
0x355: {  	v39 =	vld [tilespmem:$0xC90];
	v4 =	vadd.f32 $1.000000010e-10, v28;
	v38 =	vpop (erf)  }
0x356: {  	(erf) = vrcp.f32 v3;
	v40 =	vmul.f32 v38, v31;
	v0 =	vadd.f32 v37, v0  }
0x357: {  	v42 =	vadd.f32 $1.000000010e-10, v32;
	v43 =	vld [tilespmem:$0xCA0];
	v41 =	vpop (erf)  }
0x358: {  	(erf) = vrcp.f32 v4;
	v44 =	vmul.f32 v41, v35;
	v0 =	vadd.f32 v40, v0  }
0x359: {  	v46 =	vld [tilespmem:$0xCB0];
	v2 =	vadd.f32 $1.000000010e-10, v36;
	v45 =	vpop (erf)  }
0x35a: {  	(erf) = vrcp.f32 v42;
	v47 =	vmul.f32 v45, v39;
	v0 =	vadd.f32 v44, v0  }
0x35b: {  	v49 =	vld [tilespmem:$0xCC0];
	v48 =	vpop (erf)  }
0x35c: {  	(erf) = vrcp.f32 v2;
	v50 =	vmul.f32 v48, v43;
	v0 =	vadd.f32 v47, v0  }
0x35d: {  	v52 =	vld [tilespmem:$0xCD0];
	v51 =	vpop (erf)  }
0x35e: {  	v53 =	vmul.f32 v51, v46;
	v0 =	vadd.f32 v50, v0  }
0x35f: {  	v55 =	vld [tilespmem:$0xCE0];
	v54 =	vpop (erf)  }
0x360: {  	v56 =	vmul.f32 v54, v49;
	v0 =	vadd.f32 v53, v0  }
0x361: {  	v58 =	vld [tilespmem:$0xCF0];
	v57 =	vpop (erf)  }
0x362: {  	v59 =	vmul.f32 v57, v52;
	v0 =	vadd.f32 v56, v0  }
0x363: {  	v60 =	vpop (erf)  }
0x364: {  	v61 =	vmul.f32 v60, v55;
	v0 =	vadd.f32 v59, v0  }
0x365: {  	v62 =	vpop (erf)  }
0x366: {  	v63 =	vmul.f32 v62, v58;
	v0 =	vadd.f32 v61, v0;
	_ =	sdelay $0x1  }
0x367: {  	v0 =	vadd.f32 v63, v0;
	_ =	sdelay $0x1  }
0x368: {  	[tilespmem:$0x1200] =	vst v0  }
0x369: {  	[hbm4b:s3+s2] =	stream.linear.scatter [tilespmem:s5], [sflag:$0x2], $0x80, $0x38;
	[tilespmem:$0x1280] =	vst v63  }
0x36a: {  	_ =	swait.ge [sflag:s4], $0x80  }
0x36b: {  	[sflag:s4] =	ssyncset.done $0x0  }
0x36c: {  	[sflag:s4] =	ssyncadd.s32 $0xFFFFFF80  }
0x36d: {  	_ =	sfence.sel $0x180000  }
0x36e: {  	[bflag:$0x0] =	sbarrier.arrive $0xFFFF  }
0x36f: {  	_ =	strace $0x9000004A  }
0x370: {  	s31 =	stileid.u32;
	[bflag:$0x2] =	sbarrier.arrive $0xFFFF  }
0x371: {  	p0 =	sne.s32 s31, $0x0;
	s0 =	rddreg [dreg:$0x1]  }
0x372: {  	s0 =	sadd.s32 @!p0 $0x100000, s0  }
0x373: {  	[sflag:s0] =	ssyncadd.tile.s32 @!p0 $0x1;
	_ =	shalt  }
.Lfunc_end2:
_tile_overlayer_lowered:
.L_overlay_start_2:
0x374: {  	(tag) =	ssettag $0x2  }
0x375: {  	s0 =	rddreg [dreg:$0x0];
	s2 =	stileid.u32  }
0x376: {  	s1 =	rddreg [dreg:$0x1];
	p0 =	sne.s32 s2, $0x0  }
0x377: {  	s3 =	rddreg [dreg:$0x2];
	[bflag:$0x3] =	sbarrier.arrive $0xFFFF;
	s2 =	simm.s32 @!p0 $0x1C02  }
0x378: {  	[timem:s3], [sflag:s2] =	dma.local @!p0 [hbm:s0], s1  }
0x379: {  	s0 =	simm.s32 @!p0 $0x2  }
0x37a: {  	_ =	swait.ge @!p0 [sflag:s0], s1  }
0x37b: {  	s1 =	ssub.s32 @!p0 $0x0, s1;
	[sflag:s0] =	ssyncset.done @!p0 $0x0  }
0x37c: {  	[sflag:s0] =	ssyncadd.s32 @!p0 s1  }
0x37d: {  	[bflag:$0x3] =	sbarrier.arrive $0xFFFF  }
0x37e: {  	_ =	shalt  }

</sc_bundles>
